<compile_context>
chip_gen: v7x
topology: tpu7x:2x2x1
jax: 0.10.2.dev20260603
libtpu: 0.0.44.dev20260713+nightly
codegen_flags: <defaults>
</compile_context>

<pallas_src>
import functools

import jax
import jax.numpy as jnp
from jax import lax
from jax.experimental import pallas as pl
from jax.experimental.pallas import tpu as pltpu
from jax.experimental.pallas import tpu_sc as plsc

N = 10000
NP = 10240
E = 160000
F = 256
HF = 128
NS = 16
EPT = E // NS
EPP = 10240
CH = 128
NCH = EPP // CH
HLF = EPP // 2
HCH = NCH // 2
RPT = N // NS
SPT = NP // NS
RB = 1024
GRID = NP // RB

_mesh = plsc.VectorSubcoreMesh(core_axis_name="c", subcore_axis_name="s")
_sc_params = pltpu.CompilerParams(needs_layout_passes=False)


@functools.partial(
    pl.kernel,
    out_type=jax.ShapeDtypeStruct((2, NP), jnp.float32),
    mesh=_mesh,
    scratch_types=[
        pltpu.VMEM((EPT,), jnp.int32),
        pltpu.VMEM((NP,), jnp.float32),
        pltpu.VMEM((16,), jnp.int32),
        pltpu.VMEM((SPT,), jnp.float32),
        pltpu.VMEM((SPT,), jnp.float32),
        pltpu.VMEM_SHARED((NS * NP,), jnp.float32),
    ],
    compiler_params=_sc_params,
)
def _deg_kernel(graph_hbm, out_hbm, idx_v, hist_v, sbuf, tmp_v, res_v, shbuf):
    c = lax.axis_index("c")
    s = lax.axis_index("s")
    pltpu.sync_copy(graph_hbm.at[c, s], idx_v)

    def _zero(r, carry):
        hist_v[pl.ds(r * 16, 16)] = jnp.zeros((16,), jnp.float32)
        return carry

    lax.fori_loop(0, NP // 16, _zero, 0)

    lanes = lax.iota(jnp.int32, 16)

    def _hist(i, carry):
        key = lax.sort(idx_v[pl.ds(i * 16, 16)])
        sbuf[...] = key
        prv = plsc.load_gather(sbuf, [jnp.maximum(lanes - 1, 0)])
        nxt = plsc.load_gather(sbuf, [jnp.minimum(lanes + 1, 15)])
        is_start = (lanes == 0) | (key != prv)
        is_end = (lanes == 15) | (key != nxt)
        start = plsc.cummax(jnp.where(is_start, lanes, -1))
        cnt = (lanes - start + 1).astype(jnp.float32)
        plsc.addupdate_scatter(hist_v, [key], cnt, mask=is_end)
        return carry

    lax.fori_loop(0, EPT // 16, _hist, 0)

    pltpu.sync_copy(hist_v, shbuf.at[pl.ds(s * NP, NP)])
    plsc.subcore_barrier()

    def _rzero(r, carry):
        res_v[pl.ds(r * 16, 16)] = jnp.zeros((16,), jnp.float32)
        return carry

    lax.fori_loop(0, SPT // 16, _rzero, 0)
    for t in range(NS):
        pltpu.sync_copy(shbuf.at[pl.ds(t * NP + s * SPT, SPT)], tmp_v)

        def _radd(r, carry):
            sl = pl.ds(r * 16, 16)
            res_v[sl] = res_v[sl] + tmp_v[sl]
            return carry

        lax.fori_loop(0, SPT // 16, _radd, 0)
    pltpu.sync_copy(res_v, out_hbm.at[c, pl.ds(s * SPT, SPT)])


@functools.partial(
    pl.kernel,
    out_type=jax.ShapeDtypeStruct((2, NP, HF), jnp.float32),
    mesh=_mesh,
    scratch_types=[
        pltpu.VMEM((HLF,), jnp.int32),
        pltpu.VMEM((NCH, CH), jnp.int32),
        pltpu.VMEM((CH, HF), jnp.float32),
        pltpu.VMEM((CH, HF), jnp.float32),
        pltpu.VMEM_SHARED((NP, HF), jnp.float32),
        pltpu.SemaphoreType.DMA,
        pltpu.SemaphoreType.DMA,
    ],
    compiler_params=_sc_params,
)
def _spmm_kernel(hs_hbm, src_hbm, dst_hbm, out_hbm,
                 src_v, dst_v, rows0, rows1, acc, sem0, sem1):
    c = lax.axis_index("c")
    s = lax.axis_index("s")
    pltpu.sync_copy(dst_hbm.at[s], dst_v)

    def _zero(r, carry):
        for j in range(HF // 16):
            rows0[r, pl.ds(j * 16, 16)] = jnp.zeros((16,), jnp.float32)
        return carry

    lax.fori_loop(0, CH, _zero, 0)
    for k in range(SPT // CH):
        pltpu.sync_copy(rows0, acc.at[pl.ds(s * SPT + k * CH, CH)])
    plsc.subcore_barrier()

    hs_half = hs_hbm.at[c]
    rows = (rows0, rows1)
    sems = (sem0, sem1)

    def _gather(jl, b):
        return pltpu.make_async_copy(hs_half.at[src_v.at[pl.ds(jl * CH, CH)]],
                                     rows[b], sems[b])

    for h in range(2):
        pltpu.sync_copy(src_hbm.at[s, pl.ds(h * HLF, HLF)], src_v)
        _gather(0, 0).start()
        _gather(1, 1).start()

        def _body(i, carry):
            for b in range(2):
                jl = 2 * i + b
                _gather(jl, b).wait()
                pltpu.sync_copy(rows[b], acc.at[dst_v.at[h * HCH + jl]],
                                add=True)

                @pl.when(jl + 2 < HCH)
                def _():
                    _gather(jl + 2, b).start()
            return carry

        lax.fori_loop(0, HCH // 2, _body, 0)
    plsc.subcore_barrier()
    sl = pl.ds(s * SPT, SPT)
    pltpu.sync_copy(acc.at[sl], out_hbm.at[c].at[sl])


def _prologue_body(x_ref, do_ref, di_ref, xs_ref, s_ref, d_ref):
    dgo = do_ref[...]
    dgi = di_ref[...]
    sv = jnp.where(dgo > 0, lax.rsqrt(jnp.maximum(dgo, 1.0)), 0.0)
    dv = jnp.where(dgi > 0, lax.rsqrt(jnp.maximum(dgi, 1.0)), 0.0)
    row = lax.broadcasted_iota(jnp.int32, (RB, 1), 0) + pl.program_id(0) * RB
    xs = jnp.where(row < N, x_ref[...] * sv, 0.0)
    xs_ref[0] = xs[:, :HF]
    xs_ref[1] = xs[:, HF:]
    s_ref[...] = sv
    d_ref[...] = dv


def _prologue(x, deg_out, deg_in):
    return pl.pallas_call(
        _prologue_body,
        grid=(GRID,),
        in_specs=[
            pl.BlockSpec((RB, F), lambda i: (i, 0)),
            pl.BlockSpec((RB, 1), lambda i: (i, 0)),
            pl.BlockSpec((RB, 1), lambda i: (i, 0)),
        ],
        out_specs=[
            pl.BlockSpec((2, RB, HF), lambda i: (0, i, 0)),
            pl.BlockSpec((RB, 1), lambda i: (i, 0)),
            pl.BlockSpec((RB, 1), lambda i: (i, 0)),
        ],
        out_shape=[
            jax.ShapeDtypeStruct((2, NP, HF), jnp.float32),
            jax.ShapeDtypeStruct((NP, 1), jnp.float32),
            jax.ShapeDtypeStruct((NP, 1), jnp.float32),
        ],
    )(x, deg_out, deg_in)


def _matmul(m_ref, w_ref):
    acc = jnp.dot(m_ref[0], w_ref[0:HF, :],
                  preferred_element_type=jnp.float32,
                  precision=lax.Precision.HIGHEST)
    acc += jnp.dot(m_ref[1], w_ref[HF:F, :],
                   preferred_element_type=jnp.float32,
                   precision=lax.Precision.HIGHEST)
    return acc


def _layer_body(m_ref, d_ref, s_ref, w_ref, b_ref, o_ref):
    y = _matmul(m_ref, w_ref) * d_ref[...] + b_ref[...]
    y = jnp.tanh(y) * s_ref[...]
    o_ref[0] = y[:, :HF]
    o_ref[1] = y[:, HF:]


def _layer(m, dvec, svec, w, b):
    return pl.pallas_call(
        _layer_body,
        grid=(GRID,),
        in_specs=[
            pl.BlockSpec((2, RB, HF), lambda i: (0, i, 0)),
            pl.BlockSpec((RB, 1), lambda i: (i, 0)),
            pl.BlockSpec((RB, 1), lambda i: (i, 0)),
            pl.BlockSpec((F, F), lambda i: (0, 0)),
            pl.BlockSpec((1, F), lambda i: (0, 0)),
        ],
        out_specs=pl.BlockSpec((2, RB, HF), lambda i: (0, i, 0)),
        out_shape=jax.ShapeDtypeStruct((2, NP, HF), jnp.float32),
    )(m, dvec, svec, w, b)


def _final_body(m_ref, d_ref, w_ref, b_ref, o_ref):
    y = _matmul(m_ref, w_ref) * d_ref[...] + b_ref[...]
    y = y - jnp.max(y, axis=1, keepdims=True)
    ey = jnp.exp(y)
    o_ref[...] = ey / jnp.sum(ey, axis=1, keepdims=True)


def _final(m, dvec, w, b):
    return pl.pallas_call(
        _final_body,
        grid=(GRID,),
        in_specs=[
            pl.BlockSpec((2, RB, HF), lambda i: (0, i, 0)),
            pl.BlockSpec((RB, 1), lambda i: (i, 0)),
            pl.BlockSpec((F, F), lambda i: (0, 0)),
            pl.BlockSpec((1, F), lambda i: (0, 0)),
        ],
        out_specs=pl.BlockSpec((RB, F), lambda i: (i, 0)),
        out_shape=jax.ShapeDtypeStruct((N, F), jnp.float32),
    )(m, dvec, w, b)


def kernel(graph, x, W1, b1, W2, b2, W3, b3):
    graph_r = graph.reshape(2, NS, EPT)
    pad = ((0, 0), (0, EPP - EPT))
    src_r = jnp.pad(graph[0].reshape(NS, EPT), pad)
    dst_r = jnp.pad(graph[1].reshape(NS, EPT), pad,
                    constant_values=NP - 1).reshape(NS, NCH, CH)
    deg = _deg_kernel(graph_r)
    deg_out = deg[0].reshape(NP, 1)
    deg_in = deg[1].reshape(NP, 1)

    xs, svec, dvec = _prologue(x, deg_out, deg_in)

    m1 = _spmm_kernel(xs, src_r, dst_r)
    h1 = _layer(m1, dvec, svec, W1, b1.reshape(1, F))
    m2 = _spmm_kernel(h1, src_r, dst_r)
    h2 = _layer(m2, dvec, svec, W2, b2.reshape(1, F))
    m3 = _spmm_kernel(h2, src_r, dst_r)
    return _final(m3, dvec, W3, b3.reshape(1, F))

# --- scband reference (transcript-rebuilt; emitter-appended) ---
"""Pipeline reference for scband-gcn-77249281786150 (READ-ONLY COPY).

The authoritative reference and input builder live on the scoring server;
editing this copy changes nothing except your own understanding.
"""

import jax, jax.numpy as jnp
import numpy as np

N = 10000
E = 160000
IN = 256
HID = 256
OUT = 256

def setup_inputs(seed: int = 0) -> dict:
    key = jax.random.key(seed)
    ks = jax.random.split(key, 9)
    x = jax.random.normal(ks[0], (N, IN), dtype=jnp.float32)
    graph = jax.random.randint(ks[1], (2, E), 0, N, dtype=jnp.int32)
    W1 = jax.random.normal(ks[2], (IN, HID), dtype=jnp.float32) * 0.05
    b1 = jnp.zeros((HID,), dtype=jnp.float32)
    W2 = jax.random.normal(ks[3], (HID, HID), dtype=jnp.float32) * 0.05
    b2 = jnp.zeros((HID,), dtype=jnp.float32)
    W3 = jax.random.normal(ks[4], (HID, OUT), dtype=jnp.float32) * 0.05
    b3 = jnp.zeros((OUT,), dtype=jnp.float32)
    return {"graph": graph, "x": x, "W1": W1, "b1": b1, "W2": W2, "b2": b2, "W3": W3, "b3": b3}

def reference(graph, x, W1, b1, W2, b2, W3, b3):
    src = graph[0]
    dst = graph[1]
    # DGL GraphConv norm='both': symmetric normalization by out-degree(src) and in-degree(dst)
    deg_out = jnp.zeros((N,), dtype=jnp.float32).at[src].add(1.0)
    deg_in = jnp.zeros((N,), dtype=jnp.float32).at[dst].add(1.0)
    norm_src = jnp.where(deg_out > 0, jax.lax.rsqrt(jnp.maximum(deg_out, 1.0)), 0.0)
    norm_dst = jnp.where(deg_in > 0, jax.lax.rsqrt(jnp.maximum(deg_in, 1.0)), 0.0)

    def conv(h, W, b):
        h = h * norm_src[:, None]
        m = jax.ops.segment_sum(jnp.take(h, src, axis=0), dst, num_segments=N)
        m = m * norm_dst[:, None]
        return m @ W + b

    h = jnp.tanh(conv(x, W1, b1))   # dropout p=0.0 -> identity
    h = jnp.tanh(conv(h, W2, b2))
    h = conv(h, W3, b3)
    return jax.nn.softmax(h, axis=1)

if __name__ == "__main__":
    import jax
    _d = setup_inputs()
    print(jax.jit(kernel)(*tuple(_d.values())))

</pallas_src>

<mosaic_0001>
#map = affine_map<(d0, d1) -> (0, 0, 0)>
#map1 = affine_map<(d0, d1) -> (0, 0)>
module attributes {stable_mosaic.version = 14 : i64} {
  func.func @_deg_kernel(%arg0: i32, %arg1: i32, %arg2: memref<2x16x10000xi32, #tpu.memory_space<hbm>>, %arg3: memref<2x10240xf32, #tpu.memory_space<hbm>>, %arg4: memref<10000xi32, #tpu.memory_space<vmem>>, %arg5: memref<10240xf32, #tpu.memory_space<vmem>>, %arg6: memref<16xi32, #tpu.memory_space<vmem>>, %arg7: memref<640xf32, #tpu.memory_space<vmem>>, %arg8: memref<640xf32, #tpu.memory_space<vmem>>, %arg9: memref<163840xf32, #tpu.memory_space<vmem_shared>>) attributes {dimension_semantics = [#tpu.dimension_semantics<core_parallel>, #tpu.dimension_semantics<subcore_parallel>], iteration_bounds = array<i64: 2, 16>, scalar_prefetch = 0 : i64, scratch_operands = 6 : i64, tpu.core_type = #tpu.core_type<sc_vector_subcore>, window_params = [{transform_indices = #map}, {transform_indices = #map1}]} {
    "tpu.region"() ({
      %run_scoped3A = tpu.sem_alloc : memref<!tpu.dma_semaphore, #tpu.memory_space<semaphore_mem>>
      %dma_start3A = arith.constant 0 : i32
      %dma_start3A_179 = tpu.memref_slice %arg2[%arg0, %arg1, %dma_start3A] : memref<2x16x10000xi32, #tpu.memory_space<hbm>> -> memref<1x1x10000xi32, #tpu.memory_space<hbm>>
      %dma_start3A_180 = tpu.memref_squeeze %dma_start3A_179 : memref<1x1x10000xi32, #tpu.memory_space<hbm>> -> memref<10000xi32, #tpu.memory_space<hbm>>
      %dma_start3A_181 = arith.constant 0 : i32
      %dma_start3A_182 = tpu.memref_slice %arg2[%arg0, %arg1, %dma_start3A_181] : memref<2x16x10000xi32, #tpu.memory_space<hbm>> -> memref<1x1x10000xi32, #tpu.memory_space<hbm>>
      %dma_start3A_183 = tpu.memref_squeeze %dma_start3A_182 : memref<1x1x10000xi32, #tpu.memory_space<hbm>> -> memref<10000xi32, #tpu.memory_space<hbm>>
      tpu.enqueue_dma source(%dma_start3A_183 : memref<10000xi32, #tpu.memory_space<hbm>>) target(%arg4 : memref<10000xi32, #tpu.memory_space<vmem>>) target_semaphore(%run_scoped3A : memref<!tpu.dma_semaphore, #tpu.memory_space<semaphore_mem>>)
      %dma_wait3A = arith.constant 0 : i32
      %dma_wait3A_184 = tpu.memref_slice %arg2[%arg0, %arg1, %dma_wait3A] : memref<2x16x10000xi32, #tpu.memory_space<hbm>> -> memref<1x1x10000xi32, #tpu.memory_space<hbm>>
      %dma_wait3A_185 = tpu.memref_squeeze %dma_wait3A_184 : memref<1x1x10000xi32, #tpu.memory_space<hbm>> -> memref<10000xi32, #tpu.memory_space<hbm>>
      %dma_wait3A_186 = arith.constant 0 : i32
      %dma_wait3A_187 = tpu.memref_slice %arg2[%arg0, %arg1, %dma_wait3A_186] : memref<2x16x10000xi32, #tpu.memory_space<hbm>> -> memref<1x1x10000xi32, #tpu.memory_space<hbm>>
      %dma_wait3A_188 = tpu.memref_squeeze %dma_wait3A_187 : memref<1x1x10000xi32, #tpu.memory_space<hbm>> -> memref<10000xi32, #tpu.memory_space<hbm>>
      tpu.wait_dma2 semaphore(%run_scoped3A : memref<!tpu.dma_semaphore, #tpu.memory_space<semaphore_mem>>) src(%dma_wait3A_188 : memref<10000xi32, #tpu.memory_space<hbm>>) dst(%arg4 : memref<10000xi32, #tpu.memory_space<vmem>>)
      tpu.yield
    }) : () -> ()
    %scan3A = arith.constant 0 : i32
    %scan3A_0 = arith.constant 0 : i32
    %scan3A_1 = arith.constant 640 : i32
    %scan3A_2 = arith.addi %scan3A_0, %scan3A_1 : i32
    %scan3A_3 = arith.constant 1 : i32
    scf.for %scan3A_179 = %scan3A_0 to %scan3A_2 step %scan3A_3  : i32 {
      %broadcast_in_dim3A = arith.constant 0.000000e+00 : f32
      %broadcast_in_dim3A_180 = vector.broadcast %broadcast_in_dim3A : f32 to vector<16xf32>
      %mul3A_181 = arith.constant 16 : i32
      %mul3A_182 = arith.muli %scan3A_179, %mul3A_181 : i32
      %swap3A = arith.index_cast %mul3A_182 : i32 to index
      %swap3A_183 = tpu.vector_load %arg5[%swap3A] {strides = array<i32>} : memref<10240xf32, #tpu.memory_space<vmem>>, vector<16xf32>,
      tpu.vector_store %arg5[%swap3A], %broadcast_in_dim3A_180 {strides = array<i32>} : memref<10240xf32, #tpu.memory_space<vmem>>, vector<16xf32>,
    }
    %scan3A_4 = arith.constant 640 : i32
    %iota3A = tpu.iota {dimensions = array<i32: 0>} : vector<16xi32>
    %scan3A_5 = arith.constant 0 : i32
    %scan3A_6 = arith.constant 0 : i32
    %scan3A_7 = arith.constant 625 : i32
    %scan3A_8 = arith.addi %scan3A_6, %scan3A_7 : i32
    %scan3A_9 = arith.constant 1 : i32
    scf.for %scan3A_179 = %scan3A_6 to %scan3A_8 step %scan3A_9  : i32 {
      %mul3A_180 = arith.constant 16 : i32
      %mul3A_181 = arith.muli %scan3A_179, %mul3A_180 : i32
      %get3A = arith.index_cast %mul3A_181 : i32 to index
      %get3A_182 = tpu.vector_load %arg4[%get3A] {strides = array<i32>} : memref<10000xi32, #tpu.memory_space<vmem>>, vector<16xi32>,
      %sort3A = arith.constant dense<true> : vector<16xi1>
      %sort3A_183, %sort3A_184, %sort3A_185 = tpu.sort %get3A_182, %get3A_182 masked %sort3A : (vector<16xi32>, vector<16xi32>, vector<16xi1>) -> (vector<16xi1>, vector<16xi32>, vector<16xi32>)
      %swap3A = arith.constant 0 : index
      %swap3A_186 = tpu.vector_load %arg6[%swap3A] {strides = array<i32>} : memref<16xi32, #tpu.memory_space<vmem>>, vector<16xi32>,
      tpu.vector_store %arg6[%swap3A], %sort3A_184 {strides = array<i32>} : memref<16xi32, #tpu.memory_space<vmem>>, vector<16xi32>,
      %sub3A = arith.constant 1 : i32
      %sub3A_187 = vector.broadcast %sub3A : i32 to vector<16xi32>
      %sub3A_188 = arith.subi %iota3A, %sub3A_187 : vector<16xi32>
      %max3A = arith.constant 0 : i32
      %max3A_189 = vector.broadcast %max3A : i32 to vector<16xi32>
      %max3A_190 = arith.maxsi %sub3A_188, %max3A_189 : vector<16xi32>
      %gather3A = tpu.vector_load_idx %arg6[%max3A_190] : memref<16xi32, #tpu.memory_space<vmem>>[vector<16xi32>], vector<16xi32>,
      %add3A_191 = arith.constant 1 : i32
      %add3A_192 = vector.broadcast %add3A_191 : i32 to vector<16xi32>
      %add3A_193 = arith.addi %iota3A, %add3A_192 : vector<16xi32>
      %min3A = arith.constant 15 : i32
      %min3A_194 = vector.broadcast %min3A : i32 to vector<16xi32>
      %min3A_195 = arith.minsi %add3A_193, %min3A_194 : vector<16xi32>
      %gather3A_196 = tpu.vector_load_idx %arg6[%min3A_195] : memref<16xi32, #tpu.memory_space<vmem>>[vector<16xi32>], vector<16xi32>,
      %eq3A = arith.constant 0 : i32
      %eq3A_197 = vector.broadcast %eq3A : i32 to vector<16xi32>
      %eq3A_198 = arith.cmpi eq, %iota3A, %eq3A_197 : vector<16xi32>
      %ne3A = arith.cmpi ne, %sort3A_184, %gather3A : vector<16xi32>
      %or3A = arith.ori %eq3A_198, %ne3A : vector<16xi1>
      %eq3A_199 = arith.constant 15 : i32
      %eq3A_200 = vector.broadcast %eq3A_199 : i32 to vector<16xi32>
      %eq3A_201 = arith.cmpi eq, %iota3A, %eq3A_200 : vector<16xi32>
      %ne3A_202 = arith.cmpi ne, %sort3A_184, %gather3A_196 : vector<16xi32>
      %or3A_203 = arith.ori %eq3A_201, %ne3A_202 : vector<16xi1>
      %jit3A = arith.constant -1 : i32
      %broadcast_in_dim3A = vector.broadcast %jit3A : i32 to vector<16xi32>
      %select_n3A = arith.select %or3A, %iota3A, %broadcast_in_dim3A : vector<16xi1>, vector<16xi32>
      %broadcast_in_dim3A_204 = arith.constant true
      %broadcast_in_dim3A_205 = vector.broadcast %broadcast_in_dim3A_204 : i1 to vector<16xi1>
      %masked_cummax3A = arith.constant -2147483648 : i32
      %masked_cummax3A_206 = vector.broadcast %masked_cummax3A : i32 to vector<16xi32>
      %masked_cummax3A_207 = arith.xori %select_n3A, %masked_cummax3A_206 : vector<16xi32>
      %masked_cummax3A_208 = tpu.scan <max>, %masked_cummax3A_207 masked %broadcast_in_dim3A_205 : vector<16xi32>, vector<16xi1> -> vector<16xi32>
      %masked_cummax3A_209 = arith.xori %masked_cummax3A_208, %masked_cummax3A_206 : vector<16xi32>
      %sub3A_210 = arith.subi %iota3A, %masked_cummax3A_209 : vector<16xi32>
      %add3A_211 = arith.constant 1 : i32
      %add3A_212 = vector.broadcast %add3A_211 : i32 to vector<16xi32>
      %add3A_213 = arith.addi %sub3A_210, %add3A_212 : vector<16xi32>
      %convert_element_type3A = arith.sitofp %add3A_213 : vector<16xi32> to vector<16xf32>
      tpu.vector_store_idx %arg5[%sort3A_184], %convert_element_type3A masked %or3A_203 {add = true} : memref<10240xf32, #tpu.memory_space<vmem>>[vector<16xi32>], vector<16xf32>, vector<16xi1>
    }
    %scan3A_10 = arith.constant 625 : i32
    %mul3A = arith.constant 10240 : i32
    %mul3A_11 = arith.muli %arg1, %mul3A : i32
    "tpu.region"() ({
      %run_scoped3A = tpu.sem_alloc : memref<!tpu.dma_semaphore, #tpu.memory_space<semaphore_mem>>
      %dma_start3A = tpu.memref_slice %arg9[%mul3A_11] : memref<163840xf32, #tpu.memory_space<vmem_shared>> -> memref<10240xf32, #tpu.memory_space<vmem_shared>>
      %dma_start3A_179 = tpu.memref_slice %arg9[%mul3A_11] : memref<163840xf32, #tpu.memory_space<vmem_shared>> -> memref<10240xf32, #tpu.memory_space<vmem_shared>>
      tpu.enqueue_dma source(%arg5 : memref<10240xf32, #tpu.memory_space<vmem>>) target(%dma_start3A_179 : memref<10240xf32, #tpu.memory_space<vmem_shared>>) target_semaphore(%run_scoped3A : memref<!tpu.dma_semaphore, #tpu.memory_space<semaphore_mem>>)
      %dma_wait3A = tpu.memref_slice %arg9[%mul3A_11] : memref<163840xf32, #tpu.memory_space<vmem_shared>> -> memref<10240xf32, #tpu.memory_space<vmem_shared>>
      %dma_wait3A_180 = tpu.memref_slice %arg9[%mul3A_11] : memref<163840xf32, #tpu.memory_space<vmem_shared>> -> memref<10240xf32, #tpu.memory_space<vmem_shared>>
      tpu.wait_dma2 semaphore(%run_scoped3A : memref<!tpu.dma_semaphore, #tpu.memory_space<semaphore_mem>>) src(%arg5 : memref<10240xf32, #tpu.memory_space<vmem>>) dst(%dma_wait3A_180 : memref<10240xf32, #tpu.memory_space<vmem_shared>>)
      tpu.yield
    }) : () -> ()
    %barrier3A = arith.constant 0 : index
    tpu.barrier barrier_id(%barrier3A)
    %scan3A_12 = arith.constant 0 : i32
    %scan3A_13 = arith.constant 0 : i32
    %scan3A_14 = arith.constant 40 : i32
    %scan3A_15 = arith.addi %scan3A_13, %scan3A_14 : i32
    %scan3A_16 = arith.constant 1 : i32
    scf.for %scan3A_179 = %scan3A_13 to %scan3A_15 step %scan3A_16  : i32 {
      %broadcast_in_dim3A = arith.constant 0.000000e+00 : f32
      %broadcast_in_dim3A_180 = vector.broadcast %broadcast_in_dim3A : f32 to vector<16xf32>
      %mul3A_181 = arith.constant 16 : i32
      %mul3A_182 = arith.muli %scan3A_179, %mul3A_181 : i32
      %swap3A = arith.index_cast %mul3A_182 : i32 to index
      %swap3A_183 = tpu.vector_load %arg8[%swap3A] {strides = array<i32>} : memref<640xf32, #tpu.memory_space<vmem>>, vector<16xf32>,
      tpu.vector_store %arg8[%swap3A], %broadcast_in_dim3A_180 {strides = array<i32>} : memref<640xf32, #tpu.memory_space<vmem>>, vector<16xf32>,
    }
    %scan3A_17 = arith.constant 40 : i32
    %mul3A_18 = arith.constant 640 : i32
    %mul3A_19 = arith.muli %arg1, %mul3A_18 : i32
    %add3A = arith.constant 0 : i32
    %add3A_20 = arith.addi %add3A, %mul3A_19 : i32
    "tpu.region"() ({
      %run_scoped3A = tpu.sem_alloc : memref<!tpu.dma_semaphore, #tpu.memory_space<semaphore_mem>>
      %dma_start3A = tpu.memref_slice %arg9[%add3A_20] : memref<163840xf32, #tpu.memory_space<vmem_shared>> -> memref<640xf32, #tpu.memory_space<vmem_shared>>
      %dma_start3A_179 = tpu.memref_slice %arg9[%add3A_20] : memref<163840xf32, #tpu.memory_space<vmem_shared>> -> memref<640xf32, #tpu.memory_space<vmem_shared>>
      tpu.enqueue_dma source(%dma_start3A_179 : memref<640xf32, #tpu.memory_space<vmem_shared>>) target(%arg7 : memref<640xf32, #tpu.memory_space<vmem>>) target_semaphore(%run_scoped3A : memref<!tpu.dma_semaphore, #tpu.memory_space<semaphore_mem>>)
      %dma_wait3A = tpu.memref_slice %arg9[%add3A_20] : memref<163840xf32, #tpu.memory_space<vmem_shared>> -> memref<640xf32, #tpu.memory_space<vmem_shared>>
      %dma_wait3A_180 = tpu.memref_slice %arg9[%add3A_20] : memref<163840xf32, #tpu.memory_space<vmem_shared>> -> memref<640xf32, #tpu.memory_space<vmem_shared>>
      tpu.wait_dma2 semaphore(%run_scoped3A : memref<!tpu.dma_semaphore, #tpu.memory_space<semaphore_mem>>) src(%dma_wait3A_180 : memref<640xf32, #tpu.memory_space<vmem_shared>>) dst(%arg7 : memref<640xf32, #tpu.memory_space<vmem>>)
      tpu.yield
    }) : () -> ()
    %scan3A_21 = arith.constant 0 : i32
    %scan3A_22 = arith.constant 0 : i32
    %scan3A_23 = arith.constant 40 : i32
    %scan3A_24 = arith.addi %scan3A_22, %scan3A_23 : i32
    %scan3A_25 = arith.constant 1 : i32
    scf.for %scan3A_179 = %scan3A_22 to %scan3A_24 step %scan3A_25  : i32 {
      %mul3A_180 = arith.constant 16 : i32
      %mul3A_181 = arith.muli %scan3A_179, %mul3A_180 : i32
      %get3A = arith.index_cast %mul3A_181 : i32 to index
      %get3A_182 = tpu.vector_load %arg8[%get3A] {strides = array<i32>} : memref<640xf32, #tpu.memory_space<vmem>>, vector<16xf32>,
      %get3A_183 = arith.index_cast %mul3A_181 : i32 to index
      %get3A_184 = tpu.vector_load %arg7[%get3A_183] {strides = array<i32>} : memref<640xf32, #tpu.memory_space<vmem>>, vector<16xf32>,
      %add3A_185 = arith.addf %get3A_182, %get3A_184 : vector<16xf32>
      %swap3A = arith.index_cast %mul3A_181 : i32 to index
      %swap3A_186 = tpu.vector_load %arg8[%swap3A] {strides = array<i32>} : memref<640xf32, #tpu.memory_space<vmem>>, vector<16xf32>,
      tpu.vector_store %arg8[%swap3A], %add3A_185 {strides = array<i32>} : memref<640xf32, #tpu.memory_space<vmem>>, vector<16xf32>,
    }
    %scan3A_26 = arith.constant 40 : i32
    %mul3A_27 = arith.constant 640 : i32
    %mul3A_28 = arith.muli %arg1, %mul3A_27 : i32
    %add3A_29 = arith.constant 10240 : i32
    %add3A_30 = arith.addi %add3A_29, %mul3A_28 : i32
    "tpu.region"() ({
      %run_scoped3A = tpu.sem_alloc : memref<!tpu.dma_semaphore, #tpu.memory_space<semaphore_mem>>
      %dma_start3A = tpu.memref_slice %arg9[%add3A_30] : memref<163840xf32, #tpu.memory_space<vmem_shared>> -> memref<640xf32, #tpu.memory_space<vmem_shared>>
      %dma_start3A_179 = tpu.memref_slice %arg9[%add3A_30] : memref<163840xf32, #tpu.memory_space<vmem_shared>> -> memref<640xf32, #tpu.memory_space<vmem_shared>>
      tpu.enqueue_dma source(%dma_start3A_179 : memref<640xf32, #tpu.memory_space<vmem_shared>>) target(%arg7 : memref<640xf32, #tpu.memory_space<vmem>>) target_semaphore(%run_scoped3A : memref<!tpu.dma_semaphore, #tpu.memory_space<semaphore_mem>>)
      %dma_wait3A = tpu.memref_slice %arg9[%add3A_30] : memref<163840xf32, #tpu.memory_space<vmem_shared>> -> memref<640xf32, #tpu.memory_space<vmem_shared>>
      %dma_wait3A_180 = tpu.memref_slice %arg9[%add3A_30] : memref<163840xf32, #tpu.memory_space<vmem_shared>> -> memref<640xf32, #tpu.memory_space<vmem_shared>>
      tpu.wait_dma2 semaphore(%run_scoped3A : memref<!tpu.dma_semaphore, #tpu.memory_space<semaphore_mem>>) src(%dma_wait3A_180 : memref<640xf32, #tpu.memory_space<vmem_shared>>) dst(%arg7 : memref<640xf32, #tpu.memory_space<vmem>>)
      tpu.yield
    }) : () -> ()
    %scan3A_31 = arith.constant 0 : i32
    %scan3A_32 = arith.constant 0 : i32
    %scan3A_33 = arith.constant 40 : i32
    %scan3A_34 = arith.addi %scan3A_32, %scan3A_33 : i32
    %scan3A_35 = arith.constant 1 : i32
    scf.for %scan3A_179 = %scan3A_32 to %scan3A_34 step %scan3A_35  : i32 {
      %mul3A_180 = arith.constant 16 : i32
      %mul3A_181 = arith.muli %scan3A_179, %mul3A_180 : i32
      %get3A = arith.index_cast %mul3A_181 : i32 to index
      %get3A_182 = tpu.vector_load %arg8[%get3A] {strides = array<i32>} : memref<640xf32, #tpu.memory_space<vmem>>, vector<16xf32>,
      %get3A_183 = arith.index_cast %mul3A_181 : i32 to index
      %get3A_184 = tpu.vector_load %arg7[%get3A_183] {strides = array<i32>} : memref<640xf32, #tpu.memory_space<vmem>>, vector<16xf32>,
      %add3A_185 = arith.addf %get3A_182, %get3A_184 : vector<16xf32>
      %swap3A = arith.index_cast %mul3A_181 : i32 to index
      %swap3A_186 = tpu.vector_load %arg8[%swap3A] {strides = array<i32>} : memref<640xf32, #tpu.memory_space<vmem>>, vector<16xf32>,
      tpu.vector_store %arg8[%swap3A], %add3A_185 {strides = array<i32>} : memref<640xf32, #tpu.memory_space<vmem>>, vector<16xf32>,
    }
    %scan3A_36 = arith.constant 40 : i32
    %mul3A_37 = arith.constant 640 : i32
    %mul3A_38 = arith.muli %arg1, %mul3A_37 : i32
    %add3A_39 = arith.constant 20480 : i32
    %add3A_40 = arith.addi %add3A_39, %mul3A_38 : i32
    "tpu.region"() ({
      %run_scoped3A = tpu.sem_alloc : memref<!tpu.dma_semaphore, #tpu.memory_space<semaphore_mem>>
      %dma_start3A = tpu.memref_slice %arg9[%add3A_40] : memref<163840xf32, #tpu.memory_space<vmem_shared>> -> memref<640xf32, #tpu.memory_space<vmem_shared>>
      %dma_start3A_179 = tpu.memref_slice %arg9[%add3A_40] : memref<163840xf32, #tpu.memory_space<vmem_shared>> -> memref<640xf32, #tpu.memory_space<vmem_shared>>
      tpu.enqueue_dma source(%dma_start3A_179 : memref<640xf32, #tpu.memory_space<vmem_shared>>) target(%arg7 : memref<640xf32, #tpu.memory_space<vmem>>) target_semaphore(%run_scoped3A : memref<!tpu.dma_semaphore, #tpu.memory_space<semaphore_mem>>)
      %dma_wait3A = tpu.memref_slice %arg9[%add3A_40] : memref<163840xf32, #tpu.memory_space<vmem_shared>> -> memref<640xf32, #tpu.memory_space<vmem_shared>>
      %dma_wait3A_180 = tpu.memref_slice %arg9[%add3A_40] : memref<163840xf32, #tpu.memory_space<vmem_shared>> -> memref<640xf32, #tpu.memory_space<vmem_shared>>
      tpu.wait_dma2 semaphore(%run_scoped3A : memref<!tpu.dma_semaphore, #tpu.memory_space<semaphore_mem>>) src(%dma_wait3A_180 : memref<640xf32, #tpu.memory_space<vmem_shared>>) dst(%arg7 : memref<640xf32, #tpu.memory_space<vmem>>)
      tpu.yield
    }) : () -> ()
    %scan3A_41 = arith.constant 0 : i32
    %scan3A_42 = arith.constant 0 : i32
    %scan3A_43 = arith.constant 40 : i32
    %scan3A_44 = arith.addi %scan3A_42, %scan3A_43 : i32
    %scan3A_45 = arith.constant 1 : i32
    scf.for %scan3A_179 = %scan3A_42 to %scan3A_44 step %scan3A_45  : i32 {
      %mul3A_180 = arith.constant 16 : i32
      %mul3A_181 = arith.muli %scan3A_179, %mul3A_180 : i32
      %get3A = arith.index_cast %mul3A_181 : i32 to index
      %get3A_182 = tpu.vector_load %arg8[%get3A] {strides = array<i32>} : memref<640xf32, #tpu.memory_space<vmem>>, vector<16xf32>,
      %get3A_183 = arith.index_cast %mul3A_181 : i32 to index
      %get3A_184 = tpu.vector_load %arg7[%get3A_183] {strides = array<i32>} : memref<640xf32, #tpu.memory_space<vmem>>, vector<16xf32>,
      %add3A_185 = arith.addf %get3A_182, %get3A_184 : vector<16xf32>
      %swap3A = arith.index_cast %mul3A_181 : i32 to index
      %swap3A_186 = tpu.vector_load %arg8[%swap3A] {strides = array<i32>} : memref<640xf32, #tpu.memory_space<vmem>>, vector<16xf32>,
      tpu.vector_store %arg8[%swap3A], %add3A_185 {strides = array<i32>} : memref<640xf32, #tpu.memory_space<vmem>>, vector<16xf32>,
    }
    %scan3A_46 = arith.constant 40 : i32
    %mul3A_47 = arith.constant 640 : i32
    %mul3A_48 = arith.muli %arg1, %mul3A_47 : i32
    %add3A_49 = arith.constant 30720 : i32
    %add3A_50 = arith.addi %add3A_49, %mul3A_48 : i32
    "tpu.region"() ({
      %run_scoped3A = tpu.sem_alloc : memref<!tpu.dma_semaphore, #tpu.memory_space<semaphore_mem>>
      %dma_start3A = tpu.memref_slice %arg9[%add3A_50] : memref<163840xf32, #tpu.memory_space<vmem_shared>> -> memref<640xf32, #tpu.memory_space<vmem_shared>>
      %dma_start3A_179 = tpu.memref_slice %arg9[%add3A_50] : memref<163840xf32, #tpu.memory_space<vmem_shared>> -> memref<640xf32, #tpu.memory_space<vmem_shared>>
      tpu.enqueue_dma source(%dma_start3A_179 : memref<640xf32, #tpu.memory_space<vmem_shared>>) target(%arg7 : memref<640xf32, #tpu.memory_space<vmem>>) target_semaphore(%run_scoped3A : memref<!tpu.dma_semaphore, #tpu.memory_space<semaphore_mem>>)
      %dma_wait3A = tpu.memref_slice %arg9[%add3A_50] : memref<163840xf32, #tpu.memory_space<vmem_shared>> -> memref<640xf32, #tpu.memory_space<vmem_shared>>
      %dma_wait3A_180 = tpu.memref_slice %arg9[%add3A_50] : memref<163840xf32, #tpu.memory_space<vmem_shared>> -> memref<640xf32, #tpu.memory_space<vmem_shared>>
      tpu.wait_dma2 semaphore(%run_scoped3A : memref<!tpu.dma_semaphore, #tpu.memory_space<semaphore_mem>>) src(%dma_wait3A_180 : memref<640xf32, #tpu.memory_space<vmem_shared>>) dst(%arg7 : memref<640xf32, #tpu.memory_space<vmem>>)
      tpu.yield
    }) : () -> ()
    %scan3A_51 = arith.constant 0 : i32
    %scan3A_52 = arith.constant 0 : i32
    %scan3A_53 = arith.constant 40 : i32
    %scan3A_54 = arith.addi %scan3A_52, %scan3A_53 : i32
    %scan3A_55 = arith.constant 1 : i32
    scf.for %scan3A_179 = %scan3A_52 to %scan3A_54 step %scan3A_55  : i32 {
      %mul3A_180 = arith.constant 16 : i32
      %mul3A_181 = arith.muli %scan3A_179, %mul3A_180 : i32
      %get3A = arith.index_cast %mul3A_181 : i32 to index
      %get3A_182 = tpu.vector_load %arg8[%get3A] {strides = array<i32>} : memref<640xf32, #tpu.memory_space<vmem>>, vector<16xf32>,
      %get3A_183 = arith.index_cast %mul3A_181 : i32 to index
      %get3A_184 = tpu.vector_load %arg7[%get3A_183] {strides = array<i32>} : memref<640xf32, #tpu.memory_space<vmem>>, vector<16xf32>,
      %add3A_185 = arith.addf %get3A_182, %get3A_184 : vector<16xf32>
      %swap3A = arith.index_cast %mul3A_181 : i32 to index
      %swap3A_186 = tpu.vector_load %arg8[%swap3A] {strides = array<i32>} : memref<640xf32, #tpu.memory_space<vmem>>, vector<16xf32>,
      tpu.vector_store %arg8[%swap3A], %add3A_185 {strides = array<i32>} : memref<640xf32, #tpu.memory_space<vmem>>, vector<16xf32>,
    }
    %scan3A_56 = arith.constant 40 : i32
    %mul3A_57 = arith.constant 640 : i32
    %mul3A_58 = arith.muli %arg1, %mul3A_57 : i32
    %add3A_59 = arith.constant 40960 : i32
    %add3A_60 = arith.addi %add3A_59, %mul3A_58 : i32
    "tpu.region"() ({
      %run_scoped3A = tpu.sem_alloc : memref<!tpu.dma_semaphore, #tpu.memory_space<semaphore_mem>>
      %dma_start3A = tpu.memref_slice %arg9[%add3A_60] : memref<163840xf32, #tpu.memory_space<vmem_shared>> -> memref<640xf32, #tpu.memory_space<vmem_shared>>
      %dma_start3A_179 = tpu.memref_slice %arg9[%add3A_60] : memref<163840xf32, #tpu.memory_space<vmem_shared>> -> memref<640xf32, #tpu.memory_space<vmem_shared>>
      tpu.enqueue_dma source(%dma_start3A_179 : memref<640xf32, #tpu.memory_space<vmem_shared>>) target(%arg7 : memref<640xf32, #tpu.memory_space<vmem>>) target_semaphore(%run_scoped3A : memref<!tpu.dma_semaphore, #tpu.memory_space<semaphore_mem>>)
      %dma_wait3A = tpu.memref_slice %arg9[%add3A_60] : memref<163840xf32, #tpu.memory_space<vmem_shared>> -> memref<640xf32, #tpu.memory_space<vmem_shared>>
      %dma_wait3A_180 = tpu.memref_slice %arg9[%add3A_60] : memref<163840xf32, #tpu.memory_space<vmem_shared>> -> memref<640xf32, #tpu.memory_space<vmem_shared>>
      tpu.wait_dma2 semaphore(%run_scoped3A : memref<!tpu.dma_semaphore, #tpu.memory_space<semaphore_mem>>) src(%dma_wait3A_180 : memref<640xf32, #tpu.memory_space<vmem_shared>>) dst(%arg7 : memref<640xf32, #tpu.memory_space<vmem>>)
      tpu.yield
    }) : () -> ()
    %scan3A_61 = arith.constant 0 : i32
    %scan3A_62 = arith.constant 0 : i32
    %scan3A_63 = arith.constant 40 : i32
    %scan3A_64 = arith.addi %scan3A_62, %scan3A_63 : i32
    %scan3A_65 = arith.constant 1 : i32
    scf.for %scan3A_179 = %scan3A_62 to %scan3A_64 step %scan3A_65  : i32 {
      %mul3A_180 = arith.constant 16 : i32
      %mul3A_181 = arith.muli %scan3A_179, %mul3A_180 : i32
      %get3A = arith.index_cast %mul3A_181 : i32 to index
      %get3A_182 = tpu.vector_load %arg8[%get3A] {strides = array<i32>} : memref<640xf32, #tpu.memory_space<vmem>>, vector<16xf32>,
      %get3A_183 = arith.index_cast %mul3A_181 : i32 to index
      %get3A_184 = tpu.vector_load %arg7[%get3A_183] {strides = array<i32>} : memref<640xf32, #tpu.memory_space<vmem>>, vector<16xf32>,
      %add3A_185 = arith.addf %get3A_182, %get3A_184 : vector<16xf32>
      %swap3A = arith.index_cast %mul3A_181 : i32 to index
      %swap3A_186 = tpu.vector_load %arg8[%swap3A] {strides = array<i32>} : memref<640xf32, #tpu.memory_space<vmem>>, vector<16xf32>,
      tpu.vector_store %arg8[%swap3A], %add3A_185 {strides = array<i32>} : memref<640xf32, #tpu.memory_space<vmem>>, vector<16xf32>,
    }
    %scan3A_66 = arith.constant 40 : i32
    %mul3A_67 = arith.constant 640 : i32
    %mul3A_68 = arith.muli %arg1, %mul3A_67 : i32
    %add3A_69 = arith.constant 51200 : i32
    %add3A_70 = arith.addi %add3A_69, %mul3A_68 : i32
    "tpu.region"() ({
      %run_scoped3A = tpu.sem_alloc : memref<!tpu.dma_semaphore, #tpu.memory_space<semaphore_mem>>
      %dma_start3A = tpu.memref_slice %arg9[%add3A_70] : memref<163840xf32, #tpu.memory_space<vmem_shared>> -> memref<640xf32, #tpu.memory_space<vmem_shared>>
      %dma_start3A_179 = tpu.memref_slice %arg9[%add3A_70] : memref<163840xf32, #tpu.memory_space<vmem_shared>> -> memref<640xf32, #tpu.memory_space<vmem_shared>>
      tpu.enqueue_dma source(%dma_start3A_179 : memref<640xf32, #tpu.memory_space<vmem_shared>>) target(%arg7 : memref<640xf32, #tpu.memory_space<vmem>>) target_semaphore(%run_scoped3A : memref<!tpu.dma_semaphore, #tpu.memory_space<semaphore_mem>>)
      %dma_wait3A = tpu.memref_slice %arg9[%add3A_70] : memref<163840xf32, #tpu.memory_space<vmem_shared>> -> memref<640xf32, #tpu.memory_space<vmem_shared>>
      %dma_wait3A_180 = tpu.memref_slice %arg9[%add3A_70] : memref<163840xf32, #tpu.memory_space<vmem_shared>> -> memref<640xf32, #tpu.memory_space<vmem_shared>>
      tpu.wait_dma2 semaphore(%run_scoped3A : memref<!tpu.dma_semaphore, #tpu.memory_space<semaphore_mem>>) src(%dma_wait3A_180 : memref<640xf32, #tpu.memory_space<vmem_shared>>) dst(%arg7 : memref<640xf32, #tpu.memory_space<vmem>>)
      tpu.yield
    }) : () -> ()
    %scan3A_71 = arith.constant 0 : i32
    %scan3A_72 = arith.constant 0 : i32
    %scan3A_73 = arith.constant 40 : i32
    %scan3A_74 = arith.addi %scan3A_72, %scan3A_73 : i32
    %scan3A_75 = arith.constant 1 : i32
    scf.for %scan3A_179 = %scan3A_72 to %scan3A_74 step %scan3A_75  : i32 {
      %mul3A_180 = arith.constant 16 : i32
      %mul3A_181 = arith.muli %scan3A_179, %mul3A_180 : i32
      %get3A = arith.index_cast %mul3A_181 : i32 to index
      %get3A_182 = tpu.vector_load %arg8[%get3A] {strides = array<i32>} : memref<640xf32, #tpu.memory_space<vmem>>, vector<16xf32>,
      %get3A_183 = arith.index_cast %mul3A_181 : i32 to index
      %get3A_184 = tpu.vector_load %arg7[%get3A_183] {strides = array<i32>} : memref<640xf32, #tpu.memory_space<vmem>>, vector<16xf32>,
      %add3A_185 = arith.addf %get3A_182, %get3A_184 : vector<16xf32>
      %swap3A = arith.index_cast %mul3A_181 : i32 to index
      %swap3A_186 = tpu.vector_load %arg8[%swap3A] {strides = array<i32>} : memref<640xf32, #tpu.memory_space<vmem>>, vector<16xf32>,
      tpu.vector_store %arg8[%swap3A], %add3A_185 {strides = array<i32>} : memref<640xf32, #tpu.memory_space<vmem>>, vector<16xf32>,
    }
    %scan3A_76 = arith.constant 40 : i32
    %mul3A_77 = arith.constant 640 : i32
    %mul3A_78 = arith.muli %arg1, %mul3A_77 : i32
    %add3A_79 = arith.constant 61440 : i32
    %add3A_80 = arith.addi %add3A_79, %mul3A_78 : i32
    "tpu.region"() ({
      %run_scoped3A = tpu.sem_alloc : memref<!tpu.dma_semaphore, #tpu.memory_space<semaphore_mem>>
      %dma_start3A = tpu.memref_slice %arg9[%add3A_80] : memref<163840xf32, #tpu.memory_space<vmem_shared>> -> memref<640xf32, #tpu.memory_space<vmem_shared>>
      %dma_start3A_179 = tpu.memref_slice %arg9[%add3A_80] : memref<163840xf32, #tpu.memory_space<vmem_shared>> -> memref<640xf32, #tpu.memory_space<vmem_shared>>
      tpu.enqueue_dma source(%dma_start3A_179 : memref<640xf32, #tpu.memory_space<vmem_shared>>) target(%arg7 : memref<640xf32, #tpu.memory_space<vmem>>) target_semaphore(%run_scoped3A : memref<!tpu.dma_semaphore, #tpu.memory_space<semaphore_mem>>)
      %dma_wait3A = tpu.memref_slice %arg9[%add3A_80] : memref<163840xf32, #tpu.memory_space<vmem_shared>> -> memref<640xf32, #tpu.memory_space<vmem_shared>>
      %dma_wait3A_180 = tpu.memref_slice %arg9[%add3A_80] : memref<163840xf32, #tpu.memory_space<vmem_shared>> -> memref<640xf32, #tpu.memory_space<vmem_shared>>
      tpu.wait_dma2 semaphore(%run_scoped3A : memref<!tpu.dma_semaphore, #tpu.memory_space<semaphore_mem>>) src(%dma_wait3A_180 : memref<640xf32, #tpu.memory_space<vmem_shared>>) dst(%arg7 : memref<640xf32, #tpu.memory_space<vmem>>)
      tpu.yield
    }) : () -> ()
    %scan3A_81 = arith.constant 0 : i32
    %scan3A_82 = arith.constant 0 : i32
    %scan3A_83 = arith.constant 40 : i32
    %scan3A_84 = arith.addi %scan3A_82, %scan3A_83 : i32
    %scan3A_85 = arith.constant 1 : i32
    scf.for %scan3A_179 = %scan3A_82 to %scan3A_84 step %scan3A_85  : i32 {
      %mul3A_180 = arith.constant 16 : i32
      %mul3A_181 = arith.muli %scan3A_179, %mul3A_180 : i32
      %get3A = arith.index_cast %mul3A_181 : i32 to index
      %get3A_182 = tpu.vector_load %arg8[%get3A] {strides = array<i32>} : memref<640xf32, #tpu.memory_space<vmem>>, vector<16xf32>,
      %get3A_183 = arith.index_cast %mul3A_181 : i32 to index
      %get3A_184 = tpu.vector_load %arg7[%get3A_183] {strides = array<i32>} : memref<640xf32, #tpu.memory_space<vmem>>, vector<16xf32>,
      %add3A_185 = arith.addf %get3A_182, %get3A_184 : vector<16xf32>
      %swap3A = arith.index_cast %mul3A_181 : i32 to index
      %swap3A_186 = tpu.vector_load %arg8[%swap3A] {strides = array<i32>} : memref<640xf32, #tpu.memory_space<vmem>>, vector<16xf32>,
      tpu.vector_store %arg8[%swap3A], %add3A_185 {strides = array<i32>} : memref<640xf32, #tpu.memory_space<vmem>>, vector<16xf32>,
    }
    %scan3A_86 = arith.constant 40 : i32
    %mul3A_87 = arith.constant 640 : i32
    %mul3A_88 = arith.muli %arg1, %mul3A_87 : i32
    %add3A_89 = arith.constant 71680 : i32
    %add3A_90 = arith.addi %add3A_89, %mul3A_88 : i32
    "tpu.region"() ({
      %run_scoped3A = tpu.sem_alloc : memref<!tpu.dma_semaphore, #tpu.memory_space<semaphore_mem>>
      %dma_start3A = tpu.memref_slice %arg9[%add3A_90] : memref<163840xf32, #tpu.memory_space<vmem_shared>> -> memref<640xf32, #tpu.memory_space<vmem_shared>>
      %dma_start3A_179 = tpu.memref_slice %arg9[%add3A_90] : memref<163840xf32, #tpu.memory_space<vmem_shared>> -> memref<640xf32, #tpu.memory_space<vmem_shared>>
      tpu.enqueue_dma source(%dma_start3A_179 : memref<640xf32, #tpu.memory_space<vmem_shared>>) target(%arg7 : memref<640xf32, #tpu.memory_space<vmem>>) target_semaphore(%run_scoped3A : memref<!tpu.dma_semaphore, #tpu.memory_space<semaphore_mem>>)
      %dma_wait3A = tpu.memref_slice %arg9[%add3A_90] : memref<163840xf32, #tpu.memory_space<vmem_shared>> -> memref<640xf32, #tpu.memory_space<vmem_shared>>
      %dma_wait3A_180 = tpu.memref_slice %arg9[%add3A_90] : memref<163840xf32, #tpu.memory_space<vmem_shared>> -> memref<640xf32, #tpu.memory_space<vmem_shared>>
      tpu.wait_dma2 semaphore(%run_scoped3A : memref<!tpu.dma_semaphore, #tpu.memory_space<semaphore_mem>>) src(%dma_wait3A_180 : memref<640xf32, #tpu.memory_space<vmem_shared>>) dst(%arg7 : memref<640xf32, #tpu.memory_space<vmem>>)
      tpu.yield
    }) : () -> ()
    %scan3A_91 = arith.constant 0 : i32
    %scan3A_92 = arith.constant 0 : i32
    %scan3A_93 = arith.constant 40 : i32
    %scan3A_94 = arith.addi %scan3A_92, %scan3A_93 : i32
    %scan3A_95 = arith.constant 1 : i32
    scf.for %scan3A_179 = %scan3A_92 to %scan3A_94 step %scan3A_95  : i32 {
      %mul3A_180 = arith.constant 16 : i32
      %mul3A_181 = arith.muli %scan3A_179, %mul3A_180 : i32
      %get3A = arith.index_cast %mul3A_181 : i32 to index
      %get3A_182 = tpu.vector_load %arg8[%get3A] {strides = array<i32>} : memref<640xf32, #tpu.memory_space<vmem>>, vector<16xf32>,
      %get3A_183 = arith.index_cast %mul3A_181 : i32 to index
      %get3A_184 = tpu.vector_load %arg7[%get3A_183] {strides = array<i32>} : memref<640xf32, #tpu.memory_space<vmem>>, vector<16xf32>,
      %add3A_185 = arith.addf %get3A_182, %get3A_184 : vector<16xf32>
      %swap3A = arith.index_cast %mul3A_181 : i32 to index
      %swap3A_186 = tpu.vector_load %arg8[%swap3A] {strides = array<i32>} : memref<640xf32, #tpu.memory_space<vmem>>, vector<16xf32>,
      tpu.vector_store %arg8[%swap3A], %add3A_185 {strides = array<i32>} : memref<640xf32, #tpu.memory_space<vmem>>, vector<16xf32>,
    }
    %scan3A_96 = arith.constant 40 : i32
    %mul3A_97 = arith.constant 640 : i32
    %mul3A_98 = arith.muli %arg1, %mul3A_97 : i32
    %add3A_99 = arith.constant 81920 : i32
    %add3A_100 = arith.addi %add3A_99, %mul3A_98 : i32
    "tpu.region"() ({
      %run_scoped3A = tpu.sem_alloc : memref<!tpu.dma_semaphore, #tpu.memory_space<semaphore_mem>>
      %dma_start3A = tpu.memref_slice %arg9[%add3A_100] : memref<163840xf32, #tpu.memory_space<vmem_shared>> -> memref<640xf32, #tpu.memory_space<vmem_shared>>
      %dma_start3A_179 = tpu.memref_slice %arg9[%add3A_100] : memref<163840xf32, #tpu.memory_space<vmem_shared>> -> memref<640xf32, #tpu.memory_space<vmem_shared>>
      tpu.enqueue_dma source(%dma_start3A_179 : memref<640xf32, #tpu.memory_space<vmem_shared>>) target(%arg7 : memref<640xf32, #tpu.memory_space<vmem>>) target_semaphore(%run_scoped3A : memref<!tpu.dma_semaphore, #tpu.memory_space<semaphore_mem>>)
      %dma_wait3A = tpu.memref_slice %arg9[%add3A_100] : memref<163840xf32, #tpu.memory_space<vmem_shared>> -> memref<640xf32, #tpu.memory_space<vmem_shared>>
      %dma_wait3A_180 = tpu.memref_slice %arg9[%add3A_100] : memref<163840xf32, #tpu.memory_space<vmem_shared>> -> memref<640xf32, #tpu.memory_space<vmem_shared>>
      tpu.wait_dma2 semaphore(%run_scoped3A : memref<!tpu.dma_semaphore, #tpu.memory_space<semaphore_mem>>) src(%dma_wait3A_180 : memref<640xf32, #tpu.memory_space<vmem_shared>>) dst(%arg7 : memref<640xf32, #tpu.memory_space<vmem>>)
      tpu.yield
    }) : () -> ()
    %scan3A_101 = arith.constant 0 : i32
    %scan3A_102 = arith.constant 0 : i32
    %scan3A_103 = arith.constant 40 : i32
    %scan3A_104 = arith.addi %scan3A_102, %scan3A_103 : i32
    %scan3A_105 = arith.constant 1 : i32
    scf.for %scan3A_179 = %scan3A_102 to %scan3A_104 step %scan3A_105  : i32 {
      %mul3A_180 = arith.constant 16 : i32
      %mul3A_181 = arith.muli %scan3A_179, %mul3A_180 : i32
      %get3A = arith.index_cast %mul3A_181 : i32 to index
      %get3A_182 = tpu.vector_load %arg8[%get3A] {strides = array<i32>} : memref<640xf32, #tpu.memory_space<vmem>>, vector<16xf32>,
      %get3A_183 = arith.index_cast %mul3A_181 : i32 to index
      %get3A_184 = tpu.vector_load %arg7[%get3A_183] {strides = array<i32>} : memref<640xf32, #tpu.memory_space<vmem>>, vector<16xf32>,
      %add3A_185 = arith.addf %get3A_182, %get3A_184 : vector<16xf32>
      %swap3A = arith.index_cast %mul3A_181 : i32 to index
      %swap3A_186 = tpu.vector_load %arg8[%swap3A] {strides = array<i32>} : memref<640xf32, #tpu.memory_space<vmem>>, vector<16xf32>,
      tpu.vector_store %arg8[%swap3A], %add3A_185 {strides = array<i32>} : memref<640xf32, #tpu.memory_space<vmem>>, vector<16xf32>,
    }
    %scan3A_106 = arith.constant 40 : i32
    %mul3A_107 = arith.constant 640 : i32
    %mul3A_108 = arith.muli %arg1, %mul3A_107 : i32
    %add3A_109 = arith.constant 92160 : i32
    %add3A_110 = arith.addi %add3A_109, %mul3A_108 : i32
    "tpu.region"() ({
      %run_scoped3A = tpu.sem_alloc : memref<!tpu.dma_semaphore, #tpu.memory_space<semaphore_mem>>
      %dma_start3A = tpu.memref_slice %arg9[%add3A_110] : memref<163840xf32, #tpu.memory_space<vmem_shared>> -> memref<640xf32, #tpu.memory_space<vmem_shared>>
      %dma_start3A_179 = tpu.memref_slice %arg9[%add3A_110] : memref<163840xf32, #tpu.memory_space<vmem_shared>> -> memref<640xf32, #tpu.memory_space<vmem_shared>>
      tpu.enqueue_dma source(%dma_start3A_179 : memref<640xf32, #tpu.memory_space<vmem_shared>>) target(%arg7 : memref<640xf32, #tpu.memory_space<vmem>>) target_semaphore(%run_scoped3A : memref<!tpu.dma_semaphore, #tpu.memory_space<semaphore_mem>>)
      %dma_wait3A = tpu.memref_slice %arg9[%add3A_110] : memref<163840xf32, #tpu.memory_space<vmem_shared>> -> memref<640xf32, #tpu.memory_space<vmem_shared>>
      %dma_wait3A_180 = tpu.memref_slice %arg9[%add3A_110] : memref<163840xf32, #tpu.memory_space<vmem_shared>> -> memref<640xf32, #tpu.memory_space<vmem_shared>>
      tpu.wait_dma2 semaphore(%run_scoped3A : memref<!tpu.dma_semaphore, #tpu.memory_space<semaphore_mem>>) src(%dma_wait3A_180 : memref<640xf32, #tpu.memory_space<vmem_shared>>) dst(%arg7 : memref<640xf32, #tpu.memory_space<vmem>>)
      tpu.yield
    }) : () -> ()
    %scan3A_111 = arith.constant 0 : i32
    %scan3A_112 = arith.constant 0 : i32
    %scan3A_113 = arith.constant 40 : i32
    %scan3A_114 = arith.addi %scan3A_112, %scan3A_113 : i32
    %scan3A_115 = arith.constant 1 : i32
    scf.for %scan3A_179 = %scan3A_112 to %scan3A_114 step %scan3A_115  : i32 {
      %mul3A_180 = arith.constant 16 : i32
      %mul3A_181 = arith.muli %scan3A_179, %mul3A_180 : i32
      %get3A = arith.index_cast %mul3A_181 : i32 to index
      %get3A_182 = tpu.vector_load %arg8[%get3A] {strides = array<i32>} : memref<640xf32, #tpu.memory_space<vmem>>, vector<16xf32>,
      %get3A_183 = arith.index_cast %mul3A_181 : i32 to index
      %get3A_184 = tpu.vector_load %arg7[%get3A_183] {strides = array<i32>} : memref<640xf32, #tpu.memory_space<vmem>>, vector<16xf32>,
      %add3A_185 = arith.addf %get3A_182, %get3A_184 : vector<16xf32>
      %swap3A = arith.index_cast %mul3A_181 : i32 to index
      %swap3A_186 = tpu.vector_load %arg8[%swap3A] {strides = array<i32>} : memref<640xf32, #tpu.memory_space<vmem>>, vector<16xf32>,
      tpu.vector_store %arg8[%swap3A], %add3A_185 {strides = array<i32>} : memref<640xf32, #tpu.memory_space<vmem>>, vector<16xf32>,
    }
    %scan3A_116 = arith.constant 40 : i32
    %mul3A_117 = arith.constant 640 : i32
    %mul3A_118 = arith.muli %arg1, %mul3A_117 : i32
    %add3A_119 = arith.constant 102400 : i32
    %add3A_120 = arith.addi %add3A_119, %mul3A_118 : i32
    "tpu.region"() ({
      %run_scoped3A = tpu.sem_alloc : memref<!tpu.dma_semaphore, #tpu.memory_space<semaphore_mem>>
      %dma_start3A = tpu.memref_slice %arg9[%add3A_120] : memref<163840xf32, #tpu.memory_space<vmem_shared>> -> memref<640xf32, #tpu.memory_space<vmem_shared>>
      %dma_start3A_179 = tpu.memref_slice %arg9[%add3A_120] : memref<163840xf32, #tpu.memory_space<vmem_shared>> -> memref<640xf32, #tpu.memory_space<vmem_shared>>
      tpu.enqueue_dma source(%dma_start3A_179 : memref<640xf32, #tpu.memory_space<vmem_shared>>) target(%arg7 : memref<640xf32, #tpu.memory_space<vmem>>) target_semaphore(%run_scoped3A : memref<!tpu.dma_semaphore, #tpu.memory_space<semaphore_mem>>)
      %dma_wait3A = tpu.memref_slice %arg9[%add3A_120] : memref<163840xf32, #tpu.memory_space<vmem_shared>> -> memref<640xf32, #tpu.memory_space<vmem_shared>>
      %dma_wait3A_180 = tpu.memref_slice %arg9[%add3A_120] : memref<163840xf32, #tpu.memory_space<vmem_shared>> -> memref<640xf32, #tpu.memory_space<vmem_shared>>
      tpu.wait_dma2 semaphore(%run_scoped3A : memref<!tpu.dma_semaphore, #tpu.memory_space<semaphore_mem>>) src(%dma_wait3A_180 : memref<640xf32, #tpu.memory_space<vmem_shared>>) dst(%arg7 : memref<640xf32, #tpu.memory_space<vmem>>)
      tpu.yield
    }) : () -> ()
    %scan3A_121 = arith.constant 0 : i32
    %scan3A_122 = arith.constant 0 : i32
    %scan3A_123 = arith.constant 40 : i32
    %scan3A_124 = arith.addi %scan3A_122, %scan3A_123 : i32
    %scan3A_125 = arith.constant 1 : i32
    scf.for %scan3A_179 = %scan3A_122 to %scan3A_124 step %scan3A_125  : i32 {
      %mul3A_180 = arith.constant 16 : i32
      %mul3A_181 = arith.muli %scan3A_179, %mul3A_180 : i32
      %get3A = arith.index_cast %mul3A_181 : i32 to index
      %get3A_182 = tpu.vector_load %arg8[%get3A] {strides = array<i32>} : memref<640xf32, #tpu.memory_space<vmem>>, vector<16xf32>,
      %get3A_183 = arith.index_cast %mul3A_181 : i32 to index
      %get3A_184 = tpu.vector_load %arg7[%get3A_183] {strides = array<i32>} : memref<640xf32, #tpu.memory_space<vmem>>, vector<16xf32>,
      %add3A_185 = arith.addf %get3A_182, %get3A_184 : vector<16xf32>
      %swap3A = arith.index_cast %mul3A_181 : i32 to index
      %swap3A_186 = tpu.vector_load %arg8[%swap3A] {strides = array<i32>} : memref<640xf32, #tpu.memory_space<vmem>>, vector<16xf32>,
      tpu.vector_store %arg8[%swap3A], %add3A_185 {strides = array<i32>} : memref<640xf32, #tpu.memory_space<vmem>>, vector<16xf32>,
    }
    %scan3A_126 = arith.constant 40 : i32
    %mul3A_127 = arith.constant 640 : i32
    %mul3A_128 = arith.muli %arg1, %mul3A_127 : i32
    %add3A_129 = arith.constant 112640 : i32
    %add3A_130 = arith.addi %add3A_129, %mul3A_128 : i32
    "tpu.region"() ({
      %run_scoped3A = tpu.sem_alloc : memref<!tpu.dma_semaphore, #tpu.memory_space<semaphore_mem>>
      %dma_start3A = tpu.memref_slice %arg9[%add3A_130] : memref<163840xf32, #tpu.memory_space<vmem_shared>> -> memref<640xf32, #tpu.memory_space<vmem_shared>>
      %dma_start3A_179 = tpu.memref_slice %arg9[%add3A_130] : memref<163840xf32, #tpu.memory_space<vmem_shared>> -> memref<640xf32, #tpu.memory_space<vmem_shared>>
      tpu.enqueue_dma source(%dma_start3A_179 : memref<640xf32, #tpu.memory_space<vmem_shared>>) target(%arg7 : memref<640xf32, #tpu.memory_space<vmem>>) target_semaphore(%run_scoped3A : memref<!tpu.dma_semaphore, #tpu.memory_space<semaphore_mem>>)
      %dma_wait3A = tpu.memref_slice %arg9[%add3A_130] : memref<163840xf32, #tpu.memory_space<vmem_shared>> -> memref<640xf32, #tpu.memory_space<vmem_shared>>
      %dma_wait3A_180 = tpu.memref_slice %arg9[%add3A_130] : memref<163840xf32, #tpu.memory_space<vmem_shared>> -> memref<640xf32, #tpu.memory_space<vmem_shared>>
      tpu.wait_dma2 semaphore(%run_scoped3A : memref<!tpu.dma_semaphore, #tpu.memory_space<semaphore_mem>>) src(%dma_wait3A_180 : memref<640xf32, #tpu.memory_space<vmem_shared>>) dst(%arg7 : memref<640xf32, #tpu.memory_space<vmem>>)
      tpu.yield
    }) : () -> ()
    %scan3A_131 = arith.constant 0 : i32
    %scan3A_132 = arith.constant 0 : i32
    %scan3A_133 = arith.constant 40 : i32
    %scan3A_134 = arith.addi %scan3A_132, %scan3A_133 : i32
    %scan3A_135 = arith.constant 1 : i32
    scf.for %scan3A_179 = %scan3A_132 to %scan3A_134 step %scan3A_135  : i32 {
      %mul3A_180 = arith.constant 16 : i32
      %mul3A_181 = arith.muli %scan3A_179, %mul3A_180 : i32
      %get3A = arith.index_cast %mul3A_181 : i32 to index
      %get3A_182 = tpu.vector_load %arg8[%get3A] {strides = array<i32>} : memref<640xf32, #tpu.memory_space<vmem>>, vector<16xf32>,
      %get3A_183 = arith.index_cast %mul3A_181 : i32 to index
      %get3A_184 = tpu.vector_load %arg7[%get3A_183] {strides = array<i32>} : memref<640xf32, #tpu.memory_space<vmem>>, vector<16xf32>,
      %add3A_185 = arith.addf %get3A_182, %get3A_184 : vector<16xf32>
      %swap3A = arith.index_cast %mul3A_181 : i32 to index
      %swap3A_186 = tpu.vector_load %arg8[%swap3A] {strides = array<i32>} : memref<640xf32, #tpu.memory_space<vmem>>, vector<16xf32>,
      tpu.vector_store %arg8[%swap3A], %add3A_185 {strides = array<i32>} : memref<640xf32, #tpu.memory_space<vmem>>, vector<16xf32>,
    }
    %scan3A_136 = arith.constant 40 : i32
    %mul3A_137 = arith.constant 640 : i32
    %mul3A_138 = arith.muli %arg1, %mul3A_137 : i32
    %add3A_139 = arith.constant 122880 : i32
    %add3A_140 = arith.addi %add3A_139, %mul3A_138 : i32
    "tpu.region"() ({
      %run_scoped3A = tpu.sem_alloc : memref<!tpu.dma_semaphore, #tpu.memory_space<semaphore_mem>>
      %dma_start3A = tpu.memref_slice %arg9[%add3A_140] : memref<163840xf32, #tpu.memory_space<vmem_shared>> -> memref<640xf32, #tpu.memory_space<vmem_shared>>
      %dma_start3A_179 = tpu.memref_slice %arg9[%add3A_140] : memref<163840xf32, #tpu.memory_space<vmem_shared>> -> memref<640xf32, #tpu.memory_space<vmem_shared>>
      tpu.enqueue_dma source(%dma_start3A_179 : memref<640xf32, #tpu.memory_space<vmem_shared>>) target(%arg7 : memref<640xf32, #tpu.memory_space<vmem>>) target_semaphore(%run_scoped3A : memref<!tpu.dma_semaphore, #tpu.memory_space<semaphore_mem>>)
      %dma_wait3A = tpu.memref_slice %arg9[%add3A_140] : memref<163840xf32, #tpu.memory_space<vmem_shared>> -> memref<640xf32, #tpu.memory_space<vmem_shared>>
      %dma_wait3A_180 = tpu.memref_slice %arg9[%add3A_140] : memref<163840xf32, #tpu.memory_space<vmem_shared>> -> memref<640xf32, #tpu.memory_space<vmem_shared>>
      tpu.wait_dma2 semaphore(%run_scoped3A : memref<!tpu.dma_semaphore, #tpu.memory_space<semaphore_mem>>) src(%dma_wait3A_180 : memref<640xf32, #tpu.memory_space<vmem_shared>>) dst(%arg7 : memref<640xf32, #tpu.memory_space<vmem>>)
      tpu.yield
    }) : () -> ()
    %scan3A_141 = arith.constant 0 : i32
    %scan3A_142 = arith.constant 0 : i32
    %scan3A_143 = arith.constant 40 : i32
    %scan3A_144 = arith.addi %scan3A_142, %scan3A_143 : i32
    %scan3A_145 = arith.constant 1 : i32
    scf.for %scan3A_179 = %scan3A_142 to %scan3A_144 step %scan3A_145  : i32 {
      %mul3A_180 = arith.constant 16 : i32
      %mul3A_181 = arith.muli %scan3A_179, %mul3A_180 : i32
      %get3A = arith.index_cast %mul3A_181 : i32 to index
      %get3A_182 = tpu.vector_load %arg8[%get3A] {strides = array<i32>} : memref<640xf32, #tpu.memory_space<vmem>>, vector<16xf32>,
      %get3A_183 = arith.index_cast %mul3A_181 : i32 to index
      %get3A_184 = tpu.vector_load %arg7[%get3A_183] {strides = array<i32>} : memref<640xf32, #tpu.memory_space<vmem>>, vector<16xf32>,
      %add3A_185 = arith.addf %get3A_182, %get3A_184 : vector<16xf32>
      %swap3A = arith.index_cast %mul3A_181 : i32 to index
      %swap3A_186 = tpu.vector_load %arg8[%swap3A] {strides = array<i32>} : memref<640xf32, #tpu.memory_space<vmem>>, vector<16xf32>,
      tpu.vector_store %arg8[%swap3A], %add3A_185 {strides = array<i32>} : memref<640xf32, #tpu.memory_space<vmem>>, vector<16xf32>,
    }
    %scan3A_146 = arith.constant 40 : i32
    %mul3A_147 = arith.constant 640 : i32
    %mul3A_148 = arith.muli %arg1, %mul3A_147 : i32
    %add3A_149 = arith.constant 133120 : i32
    %add3A_150 = arith.addi %add3A_149, %mul3A_148 : i32
    "tpu.region"() ({
      %run_scoped3A = tpu.sem_alloc : memref<!tpu.dma_semaphore, #tpu.memory_space<semaphore_mem>>
      %dma_start3A = tpu.memref_slice %arg9[%add3A_150] : memref<163840xf32, #tpu.memory_space<vmem_shared>> -> memref<640xf32, #tpu.memory_space<vmem_shared>>
      %dma_start3A_179 = tpu.memref_slice %arg9[%add3A_150] : memref<163840xf32, #tpu.memory_space<vmem_shared>> -> memref<640xf32, #tpu.memory_space<vmem_shared>>
      tpu.enqueue_dma source(%dma_start3A_179 : memref<640xf32, #tpu.memory_space<vmem_shared>>) target(%arg7 : memref<640xf32, #tpu.memory_space<vmem>>) target_semaphore(%run_scoped3A : memref<!tpu.dma_semaphore, #tpu.memory_space<semaphore_mem>>)
      %dma_wait3A = tpu.memref_slice %arg9[%add3A_150] : memref<163840xf32, #tpu.memory_space<vmem_shared>> -> memref<640xf32, #tpu.memory_space<vmem_shared>>
      %dma_wait3A_180 = tpu.memref_slice %arg9[%add3A_150] : memref<163840xf32, #tpu.memory_space<vmem_shared>> -> memref<640xf32, #tpu.memory_space<vmem_shared>>
      tpu.wait_dma2 semaphore(%run_scoped3A : memref<!tpu.dma_semaphore, #tpu.memory_space<semaphore_mem>>) src(%dma_wait3A_180 : memref<640xf32, #tpu.memory_space<vmem_shared>>) dst(%arg7 : memref<640xf32, #tpu.memory_space<vmem>>)
      tpu.yield
    }) : () -> ()
    %scan3A_151 = arith.constant 0 : i32
    %scan3A_152 = arith.constant 0 : i32
    %scan3A_153 = arith.constant 40 : i32
    %scan3A_154 = arith.addi %scan3A_152, %scan3A_153 : i32
    %scan3A_155 = arith.constant 1 : i32
    scf.for %scan3A_179 = %scan3A_152 to %scan3A_154 step %scan3A_155  : i32 {
      %mul3A_180 = arith.constant 16 : i32
      %mul3A_181 = arith.muli %scan3A_179, %mul3A_180 : i32
      %get3A = arith.index_cast %mul3A_181 : i32 to index
      %get3A_182 = tpu.vector_load %arg8[%get3A] {strides = array<i32>} : memref<640xf32, #tpu.memory_space<vmem>>, vector<16xf32>,
      %get3A_183 = arith.index_cast %mul3A_181 : i32 to index
      %get3A_184 = tpu.vector_load %arg7[%get3A_183] {strides = array<i32>} : memref<640xf32, #tpu.memory_space<vmem>>, vector<16xf32>,
      %add3A_185 = arith.addf %get3A_182, %get3A_184 : vector<16xf32>
      %swap3A = arith.index_cast %mul3A_181 : i32 to index
      %swap3A_186 = tpu.vector_load %arg8[%swap3A] {strides = array<i32>} : memref<640xf32, #tpu.memory_space<vmem>>, vector<16xf32>,
      tpu.vector_store %arg8[%swap3A], %add3A_185 {strides = array<i32>} : memref<640xf32, #tpu.memory_space<vmem>>, vector<16xf32>,
    }
    %scan3A_156 = arith.constant 40 : i32
    %mul3A_157 = arith.constant 640 : i32
    %mul3A_158 = arith.muli %arg1, %mul3A_157 : i32
    %add3A_159 = arith.constant 143360 : i32
    %add3A_160 = arith.addi %add3A_159, %mul3A_158 : i32
    "tpu.region"() ({
      %run_scoped3A = tpu.sem_alloc : memref<!tpu.dma_semaphore, #tpu.memory_space<semaphore_mem>>
      %dma_start3A = tpu.memref_slice %arg9[%add3A_160] : memref<163840xf32, #tpu.memory_space<vmem_shared>> -> memref<640xf32, #tpu.memory_space<vmem_shared>>
      %dma_start3A_179 = tpu.memref_slice %arg9[%add3A_160] : memref<163840xf32, #tpu.memory_space<vmem_shared>> -> memref<640xf32, #tpu.memory_space<vmem_shared>>
      tpu.enqueue_dma source(%dma_start3A_179 : memref<640xf32, #tpu.memory_space<vmem_shared>>) target(%arg7 : memref<640xf32, #tpu.memory_space<vmem>>) target_semaphore(%run_scoped3A : memref<!tpu.dma_semaphore, #tpu.memory_space<semaphore_mem>>)
      %dma_wait3A = tpu.memref_slice %arg9[%add3A_160] : memref<163840xf32, #tpu.memory_space<vmem_shared>> -> memref<640xf32, #tpu.memory_space<vmem_shared>>
      %dma_wait3A_180 = tpu.memref_slice %arg9[%add3A_160] : memref<163840xf32, #tpu.memory_space<vmem_shared>> -> memref<640xf32, #tpu.memory_space<vmem_shared>>
      tpu.wait_dma2 semaphore(%run_scoped3A : memref<!tpu.dma_semaphore, #tpu.memory_space<semaphore_mem>>) src(%dma_wait3A_180 : memref<640xf32, #tpu.memory_space<vmem_shared>>) dst(%arg7 : memref<640xf32, #tpu.memory_space<vmem>>)
      tpu.yield
    }) : () -> ()
    %scan3A_161 = arith.constant 0 : i32
    %scan3A_162 = arith.constant 0 : i32
    %scan3A_163 = arith.constant 40 : i32
    %scan3A_164 = arith.addi %scan3A_162, %scan3A_163 : i32
    %scan3A_165 = arith.constant 1 : i32
    scf.for %scan3A_179 = %scan3A_162 to %scan3A_164 step %scan3A_165  : i32 {
      %mul3A_180 = arith.constant 16 : i32
      %mul3A_181 = arith.muli %scan3A_179, %mul3A_180 : i32
      %get3A = arith.index_cast %mul3A_181 : i32 to index
      %get3A_182 = tpu.vector_load %arg8[%get3A] {strides = array<i32>} : memref<640xf32, #tpu.memory_space<vmem>>, vector<16xf32>,
      %get3A_183 = arith.index_cast %mul3A_181 : i32 to index
      %get3A_184 = tpu.vector_load %arg7[%get3A_183] {strides = array<i32>} : memref<640xf32, #tpu.memory_space<vmem>>, vector<16xf32>,
      %add3A_185 = arith.addf %get3A_182, %get3A_184 : vector<16xf32>
      %swap3A = arith.index_cast %mul3A_181 : i32 to index
      %swap3A_186 = tpu.vector_load %arg8[%swap3A] {strides = array<i32>} : memref<640xf32, #tpu.memory_space<vmem>>, vector<16xf32>,
      tpu.vector_store %arg8[%swap3A], %add3A_185 {strides = array<i32>} : memref<640xf32, #tpu.memory_space<vmem>>, vector<16xf32>,
    }
    %scan3A_166 = arith.constant 40 : i32
    %mul3A_167 = arith.constant 640 : i32
    %mul3A_168 = arith.muli %arg1, %mul3A_167 : i32
    %add3A_169 = arith.constant 153600 : i32
    %add3A_170 = arith.addi %add3A_169, %mul3A_168 : i32
    "tpu.region"() ({
      %run_scoped3A = tpu.sem_alloc : memref<!tpu.dma_semaphore, #tpu.memory_space<semaphore_mem>>
      %dma_start3A = tpu.memref_slice %arg9[%add3A_170] : memref<163840xf32, #tpu.memory_space<vmem_shared>> -> memref<640xf32, #tpu.memory_space<vmem_shared>>
      %dma_start3A_179 = tpu.memref_slice %arg9[%add3A_170] : memref<163840xf32, #tpu.memory_space<vmem_shared>> -> memref<640xf32, #tpu.memory_space<vmem_shared>>
      tpu.enqueue_dma source(%dma_start3A_179 : memref<640xf32, #tpu.memory_space<vmem_shared>>) target(%arg7 : memref<640xf32, #tpu.memory_space<vmem>>) target_semaphore(%run_scoped3A : memref<!tpu.dma_semaphore, #tpu.memory_space<semaphore_mem>>)
      %dma_wait3A = tpu.memref_slice %arg9[%add3A_170] : memref<163840xf32, #tpu.memory_space<vmem_shared>> -> memref<640xf32, #tpu.memory_space<vmem_shared>>
      %dma_wait3A_180 = tpu.memref_slice %arg9[%add3A_170] : memref<163840xf32, #tpu.memory_space<vmem_shared>> -> memref<640xf32, #tpu.memory_space<vmem_shared>>
      tpu.wait_dma2 semaphore(%run_scoped3A : memref<!tpu.dma_semaphore, #tpu.memory_space<semaphore_mem>>) src(%dma_wait3A_180 : memref<640xf32, #tpu.memory_space<vmem_shared>>) dst(%arg7 : memref<640xf32, #tpu.memory_space<vmem>>)
      tpu.yield
    }) : () -> ()
    %scan3A_171 = arith.constant 0 : i32
    %scan3A_172 = arith.constant 0 : i32
    %scan3A_173 = arith.constant 40 : i32
    %scan3A_174 = arith.addi %scan3A_172, %scan3A_173 : i32
    %scan3A_175 = arith.constant 1 : i32
    scf.for %scan3A_179 = %scan3A_172 to %scan3A_174 step %scan3A_175  : i32 {
      %mul3A_180 = arith.constant 16 : i32
      %mul3A_181 = arith.muli %scan3A_179, %mul3A_180 : i32
      %get3A = arith.index_cast %mul3A_181 : i32 to index
      %get3A_182 = tpu.vector_load %arg8[%get3A] {strides = array<i32>} : memref<640xf32, #tpu.memory_space<vmem>>, vector<16xf32>,
      %get3A_183 = arith.index_cast %mul3A_181 : i32 to index
      %get3A_184 = tpu.vector_load %arg7[%get3A_183] {strides = array<i32>} : memref<640xf32, #tpu.memory_space<vmem>>, vector<16xf32>,
      %add3A_185 = arith.addf %get3A_182, %get3A_184 : vector<16xf32>
      %swap3A = arith.index_cast %mul3A_181 : i32 to index
      %swap3A_186 = tpu.vector_load %arg8[%swap3A] {strides = array<i32>} : memref<640xf32, #tpu.memory_space<vmem>>, vector<16xf32>,
      tpu.vector_store %arg8[%swap3A], %add3A_185 {strides = array<i32>} : memref<640xf32, #tpu.memory_space<vmem>>, vector<16xf32>,
    }
    %scan3A_176 = arith.constant 40 : i32
    %mul3A_177 = arith.constant 640 : i32
    %mul3A_178 = arith.muli %arg1, %mul3A_177 : i32
    "tpu.region"() ({
      %run_scoped3A = tpu.sem_alloc : memref<!tpu.dma_semaphore, #tpu.memory_space<semaphore_mem>>
      %dma_start3A = tpu.memref_slice %arg3[%arg0, %mul3A_178] : memref<2x10240xf32, #tpu.memory_space<hbm>> -> memref<1x640xf32, #tpu.memory_space<hbm>>
      %dma_start3A_179 = tpu.memref_squeeze %dma_start3A : memref<1x640xf32, #tpu.memory_space<hbm>> -> memref<640xf32, #tpu.memory_space<hbm>>
      %dma_start3A_180 = tpu.memref_slice %arg3[%arg0, %mul3A_178] : memref<2x10240xf32, #tpu.memory_space<hbm>> -> memref<1x640xf32, #tpu.memory_space<hbm>>
      %dma_start3A_181 = tpu.memref_squeeze %dma_start3A_180 : memref<1x640xf32, #tpu.memory_space<hbm>> -> memref<640xf32, #tpu.memory_space<hbm>>
      tpu.enqueue_dma source(%arg8 : memref<640xf32, #tpu.memory_space<vmem>>) target(%dma_start3A_181 : memref<640xf32, #tpu.memory_space<hbm>>) target_semaphore(%run_scoped3A : memref<!tpu.dma_semaphore, #tpu.memory_space<semaphore_mem>>)
      %dma_wait3A = tpu.memref_slice %arg3[%arg0, %mul3A_178] : memref<2x10240xf32, #tpu.memory_space<hbm>> -> memref<1x640xf32, #tpu.memory_space<hbm>>
      %dma_wait3A_182 = tpu.memref_squeeze %dma_wait3A : memref<1x640xf32, #tpu.memory_space<hbm>> -> memref<640xf32, #tpu.memory_space<hbm>>
      %dma_wait3A_183 = tpu.memref_slice %arg3[%arg0, %mul3A_178] : memref<2x10240xf32, #tpu.memory_space<hbm>> -> memref<1x640xf32, #tpu.memory_space<hbm>>
      %dma_wait3A_184 = tpu.memref_squeeze %dma_wait3A_183 : memref<1x640xf32, #tpu.memory_space<hbm>> -> memref<640xf32, #tpu.memory_space<hbm>>
      tpu.wait_dma2 semaphore(%run_scoped3A : memref<!tpu.dma_semaphore, #tpu.memory_space<semaphore_mem>>) src(%arg8 : memref<640xf32, #tpu.memory_space<vmem>>) dst(%dma_wait3A_184 : memref<640xf32, #tpu.memory_space<hbm>>)
      tpu.yield
    }) : () -> ()
    return
  }
}

#map = affine_map<(d0, d1) -> (0, 0, 0)>
#map1 = affine_map<(d0, d1) -> (0, 0)>
module attributes {stable_mosaic.version = 14 : i64} {
  func.func @_spmm_kernel(%arg0: i32, %arg1: i32, %arg2: memref<2x10240x128xf32, #tpu.memory_space<hbm>>, %arg3: memref<16x10240xi32, #tpu.memory_space<hbm>>, %arg4: memref<16x80x128xi32, #tpu.memory_space<hbm>>, %arg5: memref<2x10240x128xf32, #tpu.memory_space<hbm>>, %arg6: memref<5120xi32, #tpu.memory_space<vmem>>, %arg7: memref<80x128xi32, #tpu.memory_space<vmem>>, %arg8: memref<128x128xf32, #tpu.memory_space<vmem>>, %arg9: memref<128x128xf32, #tpu.memory_space<vmem>>, %arg10: memref<10240x128xf32, #tpu.memory_space<vmem_shared>>, %arg11: memref<!tpu.dma_semaphore, #tpu.memory_space<semaphore_mem>>, %arg12: memref<!tpu.dma_semaphore, #tpu.memory_space<semaphore_mem>>) attributes {dimension_semantics = [#tpu.dimension_semantics<core_parallel>, #tpu.dimension_semantics<subcore_parallel>], iteration_bounds = array<i64: 2, 16>, scalar_prefetch = 0 : i64, scratch_operands = 7 : i64, tpu.core_type = #tpu.core_type<sc_vector_subcore>, window_params = [{transform_indices = #map}, {transform_indices = #map1}, {transform_indices = #map}, {transform_indices = #map}]} {
    "tpu.region"() ({
      %run_scoped3A = tpu.sem_alloc : memref<!tpu.dma_semaphore, #tpu.memory_space<semaphore_mem>>
      %dma_start3A_73 = arith.constant 0 : i32
      %dma_start3A_74 = arith.constant 0 : i32
      %dma_start3A_75 = tpu.memref_slice %arg4[%arg1, %dma_start3A_73, %dma_start3A_74] : memref<16x80x128xi32, #tpu.memory_space<hbm>> -> memref<1x80x128xi32, #tpu.memory_space<hbm>>
      %dma_start3A_76 = tpu.memref_squeeze %dma_start3A_75 : memref<1x80x128xi32, #tpu.memory_space<hbm>> -> memref<80x128xi32, #tpu.memory_space<hbm>>
      %dma_start3A_77 = arith.constant 0 : i32
      %dma_start3A_78 = arith.constant 0 : i32
      %dma_start3A_79 = tpu.memref_slice %arg4[%arg1, %dma_start3A_77, %dma_start3A_78] : memref<16x80x128xi32, #tpu.memory_space<hbm>> -> memref<1x80x128xi32, #tpu.memory_space<hbm>>
      %dma_start3A_80 = tpu.memref_squeeze %dma_start3A_79 : memref<1x80x128xi32, #tpu.memory_space<hbm>> -> memref<80x128xi32, #tpu.memory_space<hbm>>
      tpu.enqueue_dma source(%dma_start3A_80 : memref<80x128xi32, #tpu.memory_space<hbm>>) target(%arg7 : memref<80x128xi32, #tpu.memory_space<vmem>>) target_semaphore(%run_scoped3A : memref<!tpu.dma_semaphore, #tpu.memory_space<semaphore_mem>>)
      %dma_wait3A = arith.constant 0 : i32
      %dma_wait3A_81 = arith.constant 0 : i32
      %dma_wait3A_82 = tpu.memref_slice %arg4[%arg1, %dma_wait3A, %dma_wait3A_81] : memref<16x80x128xi32, #tpu.memory_space<hbm>> -> memref<1x80x128xi32, #tpu.memory_space<hbm>>
      %dma_wait3A_83 = tpu.memref_squeeze %dma_wait3A_82 : memref<1x80x128xi32, #tpu.memory_space<hbm>> -> memref<80x128xi32, #tpu.memory_space<hbm>>
      %dma_wait3A_84 = arith.constant 0 : i32
      %dma_wait3A_85 = arith.constant 0 : i32
      %dma_wait3A_86 = tpu.memref_slice %arg4[%arg1, %dma_wait3A_84, %dma_wait3A_85] : memref<16x80x128xi32, #tpu.memory_space<hbm>> -> memref<1x80x128xi32, #tpu.memory_space<hbm>>
      %dma_wait3A_87 = tpu.memref_squeeze %dma_wait3A_86 : memref<1x80x128xi32, #tpu.memory_space<hbm>> -> memref<80x128xi32, #tpu.memory_space<hbm>>
      tpu.wait_dma2 semaphore(%run_scoped3A : memref<!tpu.dma_semaphore, #tpu.memory_space<semaphore_mem>>) src(%dma_wait3A_87 : memref<80x128xi32, #tpu.memory_space<hbm>>) dst(%arg7 : memref<80x128xi32, #tpu.memory_space<vmem>>)
      tpu.yield
    }) : () -> ()
    %scan3A = arith.constant 0 : i32
    %scan3A_0 = arith.constant 0 : i32
    %scan3A_1 = arith.constant 128 : i32
    %scan3A_2 = arith.addi %scan3A_0, %scan3A_1 : i32
    %scan3A_3 = arith.constant 1 : i32
    scf.for %scan3A_73 = %scan3A_0 to %scan3A_2 step %scan3A_3  : i32 {
      %broadcast_in_dim3A = arith.constant 0.000000e+00 : f32
      %broadcast_in_dim3A_74 = vector.broadcast %broadcast_in_dim3A : f32 to vector<16xf32>
      %swap3A = arith.index_cast %scan3A_73 : i32 to index
      %swap3A_75 = arith.constant 0 : index
      %swap3A_76 = tpu.vector_load %arg8[%swap3A, %swap3A_75] {strides = array<i32>} : memref<128x128xf32, #tpu.memory_space<vmem>>, vector<16xf32>,
      tpu.vector_store %arg8[%swap3A, %swap3A_75], %broadcast_in_dim3A_74 {strides = array<i32>} : memref<128x128xf32, #tpu.memory_space<vmem>>, vector<16xf32>,
      %broadcast_in_dim3A_77 = arith.constant 0.000000e+00 : f32
      %broadcast_in_dim3A_78 = vector.broadcast %broadcast_in_dim3A_77 : f32 to vector<16xf32>
      %swap3A_79 = arith.index_cast %scan3A_73 : i32 to index
      %swap3A_80 = arith.constant 16 : index
      %swap3A_81 = tpu.vector_load %arg8[%swap3A_79, %swap3A_80] {strides = array<i32>} : memref<128x128xf32, #tpu.memory_space<vmem>>, vector<16xf32>,
      tpu.vector_store %arg8[%swap3A_79, %swap3A_80], %broadcast_in_dim3A_78 {strides = array<i32>} : memref<128x128xf32, #tpu.memory_space<vmem>>, vector<16xf32>,
      %broadcast_in_dim3A_82 = arith.constant 0.000000e+00 : f32
      %broadcast_in_dim3A_83 = vector.broadcast %broadcast_in_dim3A_82 : f32 to vector<16xf32>
      %swap3A_84 = arith.index_cast %scan3A_73 : i32 to index
      %swap3A_85 = arith.constant 32 : index
      %swap3A_86 = tpu.vector_load %arg8[%swap3A_84, %swap3A_85] {strides = array<i32>} : memref<128x128xf32, #tpu.memory_space<vmem>>, vector<16xf32>,
      tpu.vector_store %arg8[%swap3A_84, %swap3A_85], %broadcast_in_dim3A_83 {strides = array<i32>} : memref<128x128xf32, #tpu.memory_space<vmem>>, vector<16xf32>,
      %broadcast_in_dim3A_87 = arith.constant 0.000000e+00 : f32
      %broadcast_in_dim3A_88 = vector.broadcast %broadcast_in_dim3A_87 : f32 to vector<16xf32>
      %swap3A_89 = arith.index_cast %scan3A_73 : i32 to index
      %swap3A_90 = arith.constant 48 : index
      %swap3A_91 = tpu.vector_load %arg8[%swap3A_89, %swap3A_90] {strides = array<i32>} : memref<128x128xf32, #tpu.memory_space<vmem>>, vector<16xf32>,
      tpu.vector_store %arg8[%swap3A_89, %swap3A_90], %broadcast_in_dim3A_88 {strides = array<i32>} : memref<128x128xf32, #tpu.memory_space<vmem>>, vector<16xf32>,
      %broadcast_in_dim3A_92 = arith.constant 0.000000e+00 : f32
      %broadcast_in_dim3A_93 = vector.broadcast %broadcast_in_dim3A_92 : f32 to vector<16xf32>
      %swap3A_94 = arith.index_cast %scan3A_73 : i32 to index
      %swap3A_95 = arith.constant 64 : index
      %swap3A_96 = tpu.vector_load %arg8[%swap3A_94, %swap3A_95] {strides = array<i32>} : memref<128x128xf32, #tpu.memory_space<vmem>>, vector<16xf32>,
      tpu.vector_store %arg8[%swap3A_94, %swap3A_95], %broadcast_in_dim3A_93 {strides = array<i32>} : memref<128x128xf32, #tpu.memory_space<vmem>>, vector<16xf32>,
      %broadcast_in_dim3A_97 = arith.constant 0.000000e+00 : f32
      %broadcast_in_dim3A_98 = vector.broadcast %broadcast_in_dim3A_97 : f32 to vector<16xf32>
      %swap3A_99 = arith.index_cast %scan3A_73 : i32 to index
      %swap3A_100 = arith.constant 80 : index
      %swap3A_101 = tpu.vector_load %arg8[%swap3A_99, %swap3A_100] {strides = array<i32>} : memref<128x128xf32, #tpu.memory_space<vmem>>, vector<16xf32>,
      tpu.vector_store %arg8[%swap3A_99, %swap3A_100], %broadcast_in_dim3A_98 {strides = array<i32>} : memref<128x128xf32, #tpu.memory_space<vmem>>, vector<16xf32>,
      %broadcast_in_dim3A_102 = arith.constant 0.000000e+00 : f32
      %broadcast_in_dim3A_103 = vector.broadcast %broadcast_in_dim3A_102 : f32 to vector<16xf32>
      %swap3A_104 = arith.index_cast %scan3A_73 : i32 to index
      %swap3A_105 = arith.constant 96 : index
      %swap3A_106 = tpu.vector_load %arg8[%swap3A_104, %swap3A_105] {strides = array<i32>} : memref<128x128xf32, #tpu.memory_space<vmem>>, vector<16xf32>,
      tpu.vector_store %arg8[%swap3A_104, %swap3A_105], %broadcast_in_dim3A_103 {strides = array<i32>} : memref<128x128xf32, #tpu.memory_space<vmem>>, vector<16xf32>,
      %broadcast_in_dim3A_107 = arith.constant 0.000000e+00 : f32
      %broadcast_in_dim3A_108 = vector.broadcast %broadcast_in_dim3A_107 : f32 to vector<16xf32>
      %swap3A_109 = arith.index_cast %scan3A_73 : i32 to index
      %swap3A_110 = arith.constant 112 : index
      %swap3A_111 = tpu.vector_load %arg8[%swap3A_109, %swap3A_110] {strides = array<i32>} : memref<128x128xf32, #tpu.memory_space<vmem>>, vector<16xf32>,
      tpu.vector_store %arg8[%swap3A_109, %swap3A_110], %broadcast_in_dim3A_108 {strides = array<i32>} : memref<128x128xf32, #tpu.memory_space<vmem>>, vector<16xf32>,
    }
    %scan3A_4 = arith.constant 128 : i32
    %mul3A = arith.constant 640 : i32
    %mul3A_5 = arith.muli %arg1, %mul3A : i32
    %add3A = arith.constant 0 : i32
    %add3A_6 = arith.addi %mul3A_5, %add3A : i32
    "tpu.region"() ({
      %run_scoped3A = tpu.sem_alloc : memref<!tpu.dma_semaphore, #tpu.memory_space<semaphore_mem>>
      %dma_start3A_73 = arith.constant 0 : i32
      %dma_start3A_74 = tpu.memref_slice %arg10[%add3A_6, %dma_start3A_73] : memref<10240x128xf32, #tpu.memory_space<vmem_shared>> -> memref<128x128xf32, #tpu.memory_space<vmem_shared>>
      %dma_start3A_75 = arith.constant 0 : i32
      %dma_start3A_76 = tpu.memref_slice %arg10[%add3A_6, %dma_start3A_75] : memref<10240x128xf32, #tpu.memory_space<vmem_shared>> -> memref<128x128xf32, #tpu.memory_space<vmem_shared>>
      tpu.enqueue_dma source(%arg8 : memref<128x128xf32, #tpu.memory_space<vmem>>) target(%dma_start3A_76 : memref<128x128xf32, #tpu.memory_space<vmem_shared>>) target_semaphore(%run_scoped3A : memref<!tpu.dma_semaphore, #tpu.memory_space<semaphore_mem>>)
      %dma_wait3A = arith.constant 0 : i32
      %dma_wait3A_77 = tpu.memref_slice %arg10[%add3A_6, %dma_wait3A] : memref<10240x128xf32, #tpu.memory_space<vmem_shared>> -> memref<128x128xf32, #tpu.memory_space<vmem_shared>>
      %dma_wait3A_78 = arith.constant 0 : i32
      %dma_wait3A_79 = tpu.memref_slice %arg10[%add3A_6, %dma_wait3A_78] : memref<10240x128xf32, #tpu.memory_space<vmem_shared>> -> memref<128x128xf32, #tpu.memory_space<vmem_shared>>
      tpu.wait_dma2 semaphore(%run_scoped3A : memref<!tpu.dma_semaphore, #tpu.memory_space<semaphore_mem>>) src(%arg8 : memref<128x128xf32, #tpu.memory_space<vmem>>) dst(%dma_wait3A_79 : memref<128x128xf32, #tpu.memory_space<vmem_shared>>)
      tpu.yield
    }) : () -> ()
    %mul3A_7 = arith.constant 640 : i32
    %mul3A_8 = arith.muli %arg1, %mul3A_7 : i32
    %add3A_9 = arith.constant 128 : i32
    %add3A_10 = arith.addi %mul3A_8, %add3A_9 : i32
    "tpu.region"() ({
      %run_scoped3A = tpu.sem_alloc : memref<!tpu.dma_semaphore, #tpu.memory_space<semaphore_mem>>
      %dma_start3A_73 = arith.constant 0 : i32
      %dma_start3A_74 = tpu.memref_slice %arg10[%add3A_10, %dma_start3A_73] : memref<10240x128xf32, #tpu.memory_space<vmem_shared>> -> memref<128x128xf32, #tpu.memory_space<vmem_shared>>
      %dma_start3A_75 = arith.constant 0 : i32
      %dma_start3A_76 = tpu.memref_slice %arg10[%add3A_10, %dma_start3A_75] : memref<10240x128xf32, #tpu.memory_space<vmem_shared>> -> memref<128x128xf32, #tpu.memory_space<vmem_shared>>
      tpu.enqueue_dma source(%arg8 : memref<128x128xf32, #tpu.memory_space<vmem>>) target(%dma_start3A_76 : memref<128x128xf32, #tpu.memory_space<vmem_shared>>) target_semaphore(%run_scoped3A : memref<!tpu.dma_semaphore, #tpu.memory_space<semaphore_mem>>)
      %dma_wait3A = arith.constant 0 : i32
      %dma_wait3A_77 = tpu.memref_slice %arg10[%add3A_10, %dma_wait3A] : memref<10240x128xf32, #tpu.memory_space<vmem_shared>> -> memref<128x128xf32, #tpu.memory_space<vmem_shared>>
      %dma_wait3A_78 = arith.constant 0 : i32
      %dma_wait3A_79 = tpu.memref_slice %arg10[%add3A_10, %dma_wait3A_78] : memref<10240x128xf32, #tpu.memory_space<vmem_shared>> -> memref<128x128xf32, #tpu.memory_space<vmem_shared>>
      tpu.wait_dma2 semaphore(%run_scoped3A : memref<!tpu.dma_semaphore, #tpu.memory_space<semaphore_mem>>) src(%arg8 : memref<128x128xf32, #tpu.memory_space<vmem>>) dst(%dma_wait3A_79 : memref<128x128xf32, #tpu.memory_space<vmem_shared>>)
      tpu.yield
    }) : () -> ()
    %mul3A_11 = arith.constant 640 : i32
    %mul3A_12 = arith.muli %arg1, %mul3A_11 : i32
    %add3A_13 = arith.constant 256 : i32
    %add3A_14 = arith.addi %mul3A_12, %add3A_13 : i32
    "tpu.region"() ({
      %run_scoped3A = tpu.sem_alloc : memref<!tpu.dma_semaphore, #tpu.memory_space<semaphore_mem>>
      %dma_start3A_73 = arith.constant 0 : i32
      %dma_start3A_74 = tpu.memref_slice %arg10[%add3A_14, %dma_start3A_73] : memref<10240x128xf32, #tpu.memory_space<vmem_shared>> -> memref<128x128xf32, #tpu.memory_space<vmem_shared>>
      %dma_start3A_75 = arith.constant 0 : i32
      %dma_start3A_76 = tpu.memref_slice %arg10[%add3A_14, %dma_start3A_75] : memref<10240x128xf32, #tpu.memory_space<vmem_shared>> -> memref<128x128xf32, #tpu.memory_space<vmem_shared>>
      tpu.enqueue_dma source(%arg8 : memref<128x128xf32, #tpu.memory_space<vmem>>) target(%dma_start3A_76 : memref<128x128xf32, #tpu.memory_space<vmem_shared>>) target_semaphore(%run_scoped3A : memref<!tpu.dma_semaphore, #tpu.memory_space<semaphore_mem>>)
      %dma_wait3A = arith.constant 0 : i32
      %dma_wait3A_77 = tpu.memref_slice %arg10[%add3A_14, %dma_wait3A] : memref<10240x128xf32, #tpu.memory_space<vmem_shared>> -> memref<128x128xf32, #tpu.memory_space<vmem_shared>>
      %dma_wait3A_78 = arith.constant 0 : i32
      %dma_wait3A_79 = tpu.memref_slice %arg10[%add3A_14, %dma_wait3A_78] : memref<10240x128xf32, #tpu.memory_space<vmem_shared>> -> memref<128x128xf32, #tpu.memory_space<vmem_shared>>
      tpu.wait_dma2 semaphore(%run_scoped3A : memref<!tpu.dma_semaphore, #tpu.memory_space<semaphore_mem>>) src(%arg8 : memref<128x128xf32, #tpu.memory_space<vmem>>) dst(%dma_wait3A_79 : memref<128x128xf32, #tpu.memory_space<vmem_shared>>)
      tpu.yield
    }) : () -> ()
    %mul3A_15 = arith.constant 640 : i32
    %mul3A_16 = arith.muli %arg1, %mul3A_15 : i32
    %add3A_17 = arith.constant 384 : i32
    %add3A_18 = arith.addi %mul3A_16, %add3A_17 : i32
    "tpu.region"() ({
      %run_scoped3A = tpu.sem_alloc : memref<!tpu.dma_semaphore, #tpu.memory_space<semaphore_mem>>
      %dma_start3A_73 = arith.constant 0 : i32
      %dma_start3A_74 = tpu.memref_slice %arg10[%add3A_18, %dma_start3A_73] : memref<10240x128xf32, #tpu.memory_space<vmem_shared>> -> memref<128x128xf32, #tpu.memory_space<vmem_shared>>
      %dma_start3A_75 = arith.constant 0 : i32
      %dma_start3A_76 = tpu.memref_slice %arg10[%add3A_18, %dma_start3A_75] : memref<10240x128xf32, #tpu.memory_space<vmem_shared>> -> memref<128x128xf32, #tpu.memory_space<vmem_shared>>
      tpu.enqueue_dma source(%arg8 : memref<128x128xf32, #tpu.memory_space<vmem>>) target(%dma_start3A_76 : memref<128x128xf32, #tpu.memory_space<vmem_shared>>) target_semaphore(%run_scoped3A : memref<!tpu.dma_semaphore, #tpu.memory_space<semaphore_mem>>)
      %dma_wait3A = arith.constant 0 : i32
      %dma_wait3A_77 = tpu.memref_slice %arg10[%add3A_18, %dma_wait3A] : memref<10240x128xf32, #tpu.memory_space<vmem_shared>> -> memref<128x128xf32, #tpu.memory_space<vmem_shared>>
      %dma_wait3A_78 = arith.constant 0 : i32
      %dma_wait3A_79 = tpu.memref_slice %arg10[%add3A_18, %dma_wait3A_78] : memref<10240x128xf32, #tpu.memory_space<vmem_shared>> -> memref<128x128xf32, #tpu.memory_space<vmem_shared>>
      tpu.wait_dma2 semaphore(%run_scoped3A : memref<!tpu.dma_semaphore, #tpu.memory_space<semaphore_mem>>) src(%arg8 : memref<128x128xf32, #tpu.memory_space<vmem>>) dst(%dma_wait3A_79 : memref<128x128xf32, #tpu.memory_space<vmem_shared>>)
      tpu.yield
    }) : () -> ()
    %mul3A_19 = arith.constant 640 : i32
    %mul3A_20 = arith.muli %arg1, %mul3A_19 : i32
    %add3A_21 = arith.constant 512 : i32
    %add3A_22 = arith.addi %mul3A_20, %add3A_21 : i32
    "tpu.region"() ({
      %run_scoped3A = tpu.sem_alloc : memref<!tpu.dma_semaphore, #tpu.memory_space<semaphore_mem>>
      %dma_start3A_73 = arith.constant 0 : i32
      %dma_start3A_74 = tpu.memref_slice %arg10[%add3A_22, %dma_start3A_73] : memref<10240x128xf32, #tpu.memory_space<vmem_shared>> -> memref<128x128xf32, #tpu.memory_space<vmem_shared>>
      %dma_start3A_75 = arith.constant 0 : i32
      %dma_start3A_76 = tpu.memref_slice %arg10[%add3A_22, %dma_start3A_75] : memref<10240x128xf32, #tpu.memory_space<vmem_shared>> -> memref<128x128xf32, #tpu.memory_space<vmem_shared>>
      tpu.enqueue_dma source(%arg8 : memref<128x128xf32, #tpu.memory_space<vmem>>) target(%dma_start3A_76 : memref<128x128xf32, #tpu.memory_space<vmem_shared>>) target_semaphore(%run_scoped3A : memref<!tpu.dma_semaphore, #tpu.memory_space<semaphore_mem>>)
      %dma_wait3A = arith.constant 0 : i32
      %dma_wait3A_77 = tpu.memref_slice %arg10[%add3A_22, %dma_wait3A] : memref<10240x128xf32, #tpu.memory_space<vmem_shared>> -> memref<128x128xf32, #tpu.memory_space<vmem_shared>>
      %dma_wait3A_78 = arith.constant 0 : i32
      %dma_wait3A_79 = tpu.memref_slice %arg10[%add3A_22, %dma_wait3A_78] : memref<10240x128xf32, #tpu.memory_space<vmem_shared>> -> memref<128x128xf32, #tpu.memory_space<vmem_shared>>
      tpu.wait_dma2 semaphore(%run_scoped3A : memref<!tpu.dma_semaphore, #tpu.memory_space<semaphore_mem>>) src(%arg8 : memref<128x128xf32, #tpu.memory_space<vmem>>) dst(%dma_wait3A_79 : memref<128x128xf32, #tpu.memory_space<vmem_shared>>)
      tpu.yield
    }) : () -> ()
    %barrier3A = arith.constant 0 : index
    tpu.barrier barrier_id(%barrier3A)
    "tpu.region"() ({
      %run_scoped3A = tpu.sem_alloc : memref<!tpu.dma_semaphore, #tpu.memory_space<semaphore_mem>>
      %dma_start3A_73 = arith.constant 0 : i32
      %dma_start3A_74 = tpu.memref_slice %arg3[%arg1, %dma_start3A_73] : memref<16x10240xi32, #tpu.memory_space<hbm>> -> memref<1x5120xi32, #tpu.memory_space<hbm>>
      %dma_start3A_75 = tpu.memref_squeeze %dma_start3A_74 : memref<1x5120xi32, #tpu.memory_space<hbm>> -> memref<5120xi32, #tpu.memory_space<hbm>>
      %dma_start3A_76 = arith.constant 0 : i32
      %dma_start3A_77 = tpu.memref_slice %arg3[%arg1, %dma_start3A_76] : memref<16x10240xi32, #tpu.memory_space<hbm>> -> memref<1x5120xi32, #tpu.memory_space<hbm>>
      %dma_start3A_78 = tpu.memref_squeeze %dma_start3A_77 : memref<1x5120xi32, #tpu.memory_space<hbm>> -> memref<5120xi32, #tpu.memory_space<hbm>>
      tpu.enqueue_dma source(%dma_start3A_78 : memref<5120xi32, #tpu.memory_space<hbm>>) target(%arg6 : memref<5120xi32, #tpu.memory_space<vmem>>) target_semaphore(%run_scoped3A : memref<!tpu.dma_semaphore, #tpu.memory_space<semaphore_mem>>)
      %dma_wait3A = arith.constant 0 : i32
      %dma_wait3A_79 = tpu.memref_slice %arg3[%arg1, %dma_wait3A] : memref<16x10240xi32, #tpu.memory_space<hbm>> -> memref<1x5120xi32, #tpu.memory_space<hbm>>
      %dma_wait3A_80 = tpu.memref_squeeze %dma_wait3A_79 : memref<1x5120xi32, #tpu.memory_space<hbm>> -> memref<5120xi32, #tpu.memory_space<hbm>>
      %dma_wait3A_81 = arith.constant 0 : i32
      %dma_wait3A_82 = tpu.memref_slice %arg3[%arg1, %dma_wait3A_81] : memref<16x10240xi32, #tpu.memory_space<hbm>> -> memref<1x5120xi32, #tpu.memory_space<hbm>>
      %dma_wait3A_83 = tpu.memref_squeeze %dma_wait3A_82 : memref<1x5120xi32, #tpu.memory_space<hbm>> -> memref<5120xi32, #tpu.memory_space<hbm>>
      tpu.wait_dma2 semaphore(%run_scoped3A : memref<!tpu.dma_semaphore, #tpu.memory_space<semaphore_mem>>) src(%dma_wait3A_83 : memref<5120xi32, #tpu.memory_space<hbm>>) dst(%arg6 : memref<5120xi32, #tpu.memory_space<vmem>>)
      tpu.yield
    }) : () -> ()
    %dma_start3A = arith.constant 0 : i32
    %dma_start3A_23 = tpu.memref_slice %arg6[%dma_start3A] : memref<5120xi32, #tpu.memory_space<vmem>> -> memref<128xi32, #tpu.memory_space<vmem>>
    %dma_start3A_24 = arith.constant 0 : i32
    %dma_start3A_25 = arith.constant 0 : i32
    %dma_start3A_26 = tpu.memref_slice %arg2[%arg0, %dma_start3A_24, %dma_start3A_25] : memref<2x10240x128xf32, #tpu.memory_space<hbm>> -> memref<1x10240x128xf32, #tpu.memory_space<hbm>>
    %dma_start3A_27 = tpu.memref_squeeze %dma_start3A_26 : memref<1x10240x128xf32, #tpu.memory_space<hbm>> -> memref<10240x128xf32, #tpu.memory_space<hbm>>
    %dma_start3A_28 = arith.constant 0 : i32
    %dma_start3A_29 = arith.constant 0 : i32
    %dma_start3A_30 = tpu.memref_slice %dma_start3A_27[%dma_start3A_28, %dma_start3A_29] : memref<10240x128xf32, #tpu.memory_space<hbm>> -> memref<10240x128xf32, #tpu.memory_space<hbm>>
    tpu.enqueue_indirect_dma source(%dma_start3A_30 : memref<10240x128xf32, #tpu.memory_space<hbm>>) target(%arg8 : memref<128x128xf32, #tpu.memory_space<vmem>>) offsets(%dma_start3A_23 : memref<128xi32, #tpu.memory_space<vmem>>) semaphore(%arg11 : memref<!tpu.dma_semaphore, #tpu.memory_space<semaphore_mem>>)
    %dma_start3A_31 = arith.constant 128 : i32
    %dma_start3A_32 = tpu.memref_slice %arg6[%dma_start3A_31] : memref<5120xi32, #tpu.memory_space<vmem>> -> memref<128xi32, #tpu.memory_space<vmem>>
    %dma_start3A_33 = arith.constant 0 : i32
    %dma_start3A_34 = arith.constant 0 : i32
    %dma_start3A_35 = tpu.memref_slice %arg2[%arg0, %dma_start3A_33, %dma_start3A_34] : memref<2x10240x128xf32, #tpu.memory_space<hbm>> -> memref<1x10240x128xf32, #tpu.memory_space<hbm>>
    %dma_start3A_36 = tpu.memref_squeeze %dma_start3A_35 : memref<1x10240x128xf32, #tpu.memory_space<hbm>> -> memref<10240x128xf32, #tpu.memory_space<hbm>>
    %dma_start3A_37 = arith.constant 0 : i32
    %dma_start3A_38 = arith.constant 0 : i32
    %dma_start3A_39 = tpu.memref_slice %dma_start3A_36[%dma_start3A_37, %dma_start3A_38] : memref<10240x128xf32, #tpu.memory_space<hbm>> -> memref<10240x128xf32, #tpu.memory_space<hbm>>
    tpu.enqueue_indirect_dma source(%dma_start3A_39 : memref<10240x128xf32, #tpu.memory_space<hbm>>) target(%arg9 : memref<128x128xf32, #tpu.memory_space<vmem>>) offsets(%dma_start3A_32 : memref<128xi32, #tpu.memory_space<vmem>>) semaphore(%arg12 : memref<!tpu.dma_semaphore, #tpu.memory_space<semaphore_mem>>)
    %scan3A_40 = arith.constant 0 : i32
    %scan3A_41 = arith.constant 0 : i32
    %scan3A_42 = arith.constant 20 : i32
    %scan3A_43 = arith.addi %scan3A_41, %scan3A_42 : i32
    %scan3A_44 = arith.constant 1 : i32
    scf.for %scan3A_73 = %scan3A_41 to %scan3A_43 step %scan3A_44  : i32 {
      %mul3A_74 = arith.constant 2 : i32
      %mul3A_75 = arith.muli %mul3A_74, %scan3A_73 : i32
      %add3A_76 = arith.constant 0 : i32
      %add3A_77 = arith.addi %mul3A_75, %add3A_76 : i32
      %mul3A_78 = arith.constant 128 : i32
      %mul3A_79 = arith.muli %add3A_77, %mul3A_78 : i32
      %dma_wait3A = tpu.memref_slice %arg6[%mul3A_79] : memref<5120xi32, #tpu.memory_space<vmem>> -> memref<128xi32, #tpu.memory_space<vmem>>
      %dma_wait3A_80 = arith.constant 0 : i32
      %dma_wait3A_81 = arith.constant 0 : i32
      %dma_wait3A_82 = tpu.memref_slice %arg2[%arg0, %dma_wait3A_80, %dma_wait3A_81] : memref<2x10240x128xf32, #tpu.memory_space<hbm>> -> memref<1x10240x128xf32, #tpu.memory_space<hbm>>
      %dma_wait3A_83 = tpu.memref_squeeze %dma_wait3A_82 : memref<1x10240x128xf32, #tpu.memory_space<hbm>> -> memref<10240x128xf32, #tpu.memory_space<hbm>>
      %dma_wait3A_84 = arith.constant 0 : i32
      %dma_wait3A_85 = arith.constant 0 : i32
      %dma_wait3A_86 = tpu.memref_slice %dma_wait3A_83[%dma_wait3A_84, %dma_wait3A_85] : memref<10240x128xf32, #tpu.memory_space<hbm>> -> memref<10240x128xf32, #tpu.memory_space<hbm>>
      tpu.wait_indirect_dma semaphore(%arg11 : memref<!tpu.dma_semaphore, #tpu.memory_space<semaphore_mem>>) src(%dma_wait3A_86 : memref<10240x128xf32, #tpu.memory_space<hbm>>) dst(%arg8 : memref<128x128xf32, #tpu.memory_space<vmem>>)
      %add3A_87 = arith.constant 0 : i32
      %add3A_88 = arith.addi %add3A_87, %add3A_77 : i32
      "tpu.region"() ({
        %run_scoped3A = tpu.sem_alloc : memref<!tpu.dma_semaphore, #tpu.memory_space<semaphore_mem>>
        %dma_start3A_116 = arith.constant 0 : i32
        %dma_start3A_117 = tpu.memref_slice %arg7[%add3A_88, %dma_start3A_116] : memref<80x128xi32, #tpu.memory_space<vmem>> -> memref<1x128xi32, #tpu.memory_space<vmem>>
        %dma_start3A_118 = tpu.memref_squeeze %dma_start3A_117 : memref<1x128xi32, #tpu.memory_space<vmem>> -> memref<128xi32, #tpu.memory_space<vmem>>
        %dma_start3A_119 = arith.constant 0 : i32
        %dma_start3A_120 = arith.constant 0 : i32
        %dma_start3A_121 = tpu.memref_slice %arg10[%dma_start3A_119, %dma_start3A_120] : memref<10240x128xf32, #tpu.memory_space<vmem_shared>> -> memref<10240x128xf32, #tpu.memory_space<vmem_shared>>
        tpu.enqueue_indirect_dma source(%arg8 : memref<128x128xf32, #tpu.memory_space<vmem>>) target(%dma_start3A_121 : memref<10240x128xf32, #tpu.memory_space<vmem_shared>>) offsets(%dma_start3A_118 : memref<128xi32, #tpu.memory_space<vmem>>) semaphore(%run_scoped3A : memref<!tpu.dma_semaphore, #tpu.memory_space<semaphore_mem>>) {add = true}
        %dma_wait3A_122 = arith.constant 0 : i32
        %dma_wait3A_123 = tpu.memref_slice %arg7[%add3A_88, %dma_wait3A_122] : memref<80x128xi32, #tpu.memory_space<vmem>> -> memref<1x128xi32, #tpu.memory_space<vmem>>
        %dma_wait3A_124 = tpu.memref_squeeze %dma_wait3A_123 : memref<1x128xi32, #tpu.memory_space<vmem>> -> memref<128xi32, #tpu.memory_space<vmem>>
        %dma_wait3A_125 = arith.constant 0 : i32
        %dma_wait3A_126 = arith.constant 0 : i32
        %dma_wait3A_127 = tpu.memref_slice %arg10[%dma_wait3A_125, %dma_wait3A_126] : memref<10240x128xf32, #tpu.memory_space<vmem_shared>> -> memref<10240x128xf32, #tpu.memory_space<vmem_shared>>
        tpu.wait_indirect_dma semaphore(%run_scoped3A : memref<!tpu.dma_semaphore, #tpu.memory_space<semaphore_mem>>) src(%arg8 : memref<128x128xf32, #tpu.memory_space<vmem>>) dst(%dma_wait3A_127 : memref<10240x128xf32, #tpu.memory_space<vmem_shared>>)
        tpu.yield
      }) : () -> ()
      %add3A_89 = arith.constant 2 : i32
      %add3A_90 = arith.addi %add3A_77, %add3A_89 : i32
      %lt3A = arith.constant 40 : i32
      %lt3A_91 = arith.cmpi slt, %add3A_90, %lt3A : i32
      %convert_element_type3A = arith.extui %lt3A_91 : i1 to i32
      %cond3A = arith.constant 0 : i32
      %cond3A_92 = arith.cmpi ne, %convert_element_type3A, %cond3A : i32
      scf.if %cond3A_92 {
        %add3A_116 = arith.constant 2 : i32
        %add3A_117 = arith.addi %add3A_77, %add3A_116 : i32
        %mul3A_118 = arith.constant 128 : i32
        %mul3A_119 = arith.muli %add3A_117, %mul3A_118 : i32
        %dma_start3A_120 = tpu.memref_slice %arg6[%mul3A_119] : memref<5120xi32, #tpu.memory_space<vmem>> -> memref<128xi32, #tpu.memory_space<vmem>>
        %dma_start3A_121 = arith.constant 0 : i32
        %dma_start3A_122 = arith.constant 0 : i32
        %dma_start3A_123 = tpu.memref_slice %arg2[%arg0, %dma_start3A_121, %dma_start3A_122] : memref<2x10240x128xf32, #tpu.memory_space<hbm>> -> memref<1x10240x128xf32, #tpu.memory_space<hbm>>
        %dma_start3A_124 = tpu.memref_squeeze %dma_start3A_123 : memref<1x10240x128xf32, #tpu.memory_space<hbm>> -> memref<10240x128xf32, #tpu.memory_space<hbm>>
        %dma_start3A_125 = arith.constant 0 : i32
        %dma_start3A_126 = arith.constant 0 : i32
        %dma_start3A_127 = tpu.memref_slice %dma_start3A_124[%dma_start3A_125, %dma_start3A_126] : memref<10240x128xf32, #tpu.memory_space<hbm>> -> memref<10240x128xf32, #tpu.memory_space<hbm>>
        tpu.enqueue_indirect_dma source(%dma_start3A_127 : memref<10240x128xf32, #tpu.memory_space<hbm>>) target(%arg8 : memref<128x128xf32, #tpu.memory_space<vmem>>) offsets(%dma_start3A_120 : memref<128xi32, #tpu.memory_space<vmem>>) semaphore(%arg11 : memref<!tpu.dma_semaphore, #tpu.memory_space<semaphore_mem>>)
      } else {
      }
      %mul3A_93 = arith.constant 2 : i32
      %mul3A_94 = arith.muli %mul3A_93, %scan3A_73 : i32
      %add3A_95 = arith.constant 1 : i32
      %add3A_96 = arith.addi %mul3A_94, %add3A_95 : i32
      %mul3A_97 = arith.constant 128 : i32
      %mul3A_98 = arith.muli %add3A_96, %mul3A_97 : i32
      %dma_wait3A_99 = tpu.memref_slice %arg6[%mul3A_98] : memref<5120xi32, #tpu.memory_space<vmem>> -> memref<128xi32, #tpu.memory_space<vmem>>
      %dma_wait3A_100 = arith.constant 0 : i32
      %dma_wait3A_101 = arith.constant 0 : i32
      %dma_wait3A_102 = tpu.memref_slice %arg2[%arg0, %dma_wait3A_100, %dma_wait3A_101] : memref<2x10240x128xf32, #tpu.memory_space<hbm>> -> memref<1x10240x128xf32, #tpu.memory_space<hbm>>
      %dma_wait3A_103 = tpu.memref_squeeze %dma_wait3A_102 : memref<1x10240x128xf32, #tpu.memory_space<hbm>> -> memref<10240x128xf32, #tpu.memory_space<hbm>>
      %dma_wait3A_104 = arith.constant 0 : i32
      %dma_wait3A_105 = arith.constant 0 : i32
      %dma_wait3A_106 = tpu.memref_slice %dma_wait3A_103[%dma_wait3A_104, %dma_wait3A_105] : memref<10240x128xf32, #tpu.memory_space<hbm>> -> memref<10240x128xf32, #tpu.memory_space<hbm>>
      tpu.wait_indirect_dma semaphore(%arg12 : memref<!tpu.dma_semaphore, #tpu.memory_space<semaphore_mem>>) src(%dma_wait3A_106 : memref<10240x128xf32, #tpu.memory_space<hbm>>) dst(%arg9 : memref<128x128xf32, #tpu.memory_space<vmem>>)
      %add3A_107 = arith.constant 0 : i32
      %add3A_108 = arith.addi %add3A_107, %add3A_96 : i32
      "tpu.region"() ({
        %run_scoped3A = tpu.sem_alloc : memref<!tpu.dma_semaphore, #tpu.memory_space<semaphore_mem>>
        %dma_start3A_116 = arith.constant 0 : i32
        %dma_start3A_117 = tpu.memref_slice %arg7[%add3A_108, %dma_start3A_116] : memref<80x128xi32, #tpu.memory_space<vmem>> -> memref<1x128xi32, #tpu.memory_space<vmem>>
        %dma_start3A_118 = tpu.memref_squeeze %dma_start3A_117 : memref<1x128xi32, #tpu.memory_space<vmem>> -> memref<128xi32, #tpu.memory_space<vmem>>
        %dma_start3A_119 = arith.constant 0 : i32
        %dma_start3A_120 = arith.constant 0 : i32
        %dma_start3A_121 = tpu.memref_slice %arg10[%dma_start3A_119, %dma_start3A_120] : memref<10240x128xf32, #tpu.memory_space<vmem_shared>> -> memref<10240x128xf32, #tpu.memory_space<vmem_shared>>
        tpu.enqueue_indirect_dma source(%arg9 : memref<128x128xf32, #tpu.memory_space<vmem>>) target(%dma_start3A_121 : memref<10240x128xf32, #tpu.memory_space<vmem_shared>>) offsets(%dma_start3A_118 : memref<128xi32, #tpu.memory_space<vmem>>) semaphore(%run_scoped3A : memref<!tpu.dma_semaphore, #tpu.memory_space<semaphore_mem>>) {add = true}
        %dma_wait3A_122 = arith.constant 0 : i32
        %dma_wait3A_123 = tpu.memref_slice %arg7[%add3A_108, %dma_wait3A_122] : memref<80x128xi32, #tpu.memory_space<vmem>> -> memref<1x128xi32, #tpu.memory_space<vmem>>
        %dma_wait3A_124 = tpu.memref_squeeze %dma_wait3A_123 : memref<1x128xi32, #tpu.memory_space<vmem>> -> memref<128xi32, #tpu.memory_space<vmem>>
        %dma_wait3A_125 = arith.constant 0 : i32
        %dma_wait3A_126 = arith.constant 0 : i32
        %dma_wait3A_127 = tpu.memref_slice %arg10[%dma_wait3A_125, %dma_wait3A_126] : memref<10240x128xf32, #tpu.memory_space<vmem_shared>> -> memref<10240x128xf32, #tpu.memory_space<vmem_shared>>
        tpu.wait_indirect_dma semaphore(%run_scoped3A : memref<!tpu.dma_semaphore, #tpu.memory_space<semaphore_mem>>) src(%arg9 : memref<128x128xf32, #tpu.memory_space<vmem>>) dst(%dma_wait3A_127 : memref<10240x128xf32, #tpu.memory_space<vmem_shared>>)
        tpu.yield
      }) : () -> ()
      %add3A_109 = arith.constant 2 : i32
      %add3A_110 = arith.addi %add3A_96, %add3A_109 : i32
      %lt3A_111 = arith.constant 40 : i32
      %lt3A_112 = arith.cmpi slt, %add3A_110, %lt3A_111 : i32
      %convert_element_type3A_113 = arith.extui %lt3A_112 : i1 to i32
      %cond3A_114 = arith.constant 0 : i32
      %cond3A_115 = arith.cmpi ne, %convert_element_type3A_113, %cond3A_114 : i32
      scf.if %cond3A_115 {
        %add3A_116 = arith.constant 2 : i32
        %add3A_117 = arith.addi %add3A_96, %add3A_116 : i32
        %mul3A_118 = arith.constant 128 : i32
        %mul3A_119 = arith.muli %add3A_117, %mul3A_118 : i32
        %dma_start3A_120 = tpu.memref_slice %arg6[%mul3A_119] : memref<5120xi32, #tpu.memory_space<vmem>> -> memref<128xi32, #tpu.memory_space<vmem>>
        %dma_start3A_121 = arith.constant 0 : i32
        %dma_start3A_122 = arith.constant 0 : i32
        %dma_start3A_123 = tpu.memref_slice %arg2[%arg0, %dma_start3A_121, %dma_start3A_122] : memref<2x10240x128xf32, #tpu.memory_space<hbm>> -> memref<1x10240x128xf32, #tpu.memory_space<hbm>>
        %dma_start3A_124 = tpu.memref_squeeze %dma_start3A_123 : memref<1x10240x128xf32, #tpu.memory_space<hbm>> -> memref<10240x128xf32, #tpu.memory_space<hbm>>
        %dma_start3A_125 = arith.constant 0 : i32
        %dma_start3A_126 = arith.constant 0 : i32
        %dma_start3A_127 = tpu.memref_slice %dma_start3A_124[%dma_start3A_125, %dma_start3A_126] : memref<10240x128xf32, #tpu.memory_space<hbm>> -> memref<10240x128xf32, #tpu.memory_space<hbm>>
        tpu.enqueue_indirect_dma source(%dma_start3A_127 : memref<10240x128xf32, #tpu.memory_space<hbm>>) target(%arg9 : memref<128x128xf32, #tpu.memory_space<vmem>>) offsets(%dma_start3A_120 : memref<128xi32, #tpu.memory_space<vmem>>) semaphore(%arg12 : memref<!tpu.dma_semaphore, #tpu.memory_space<semaphore_mem>>)
      } else {
      }
    }
    %scan3A_45 = arith.constant 20 : i32
    "tpu.region"() ({
      %run_scoped3A = tpu.sem_alloc : memref<!tpu.dma_semaphore, #tpu.memory_space<semaphore_mem>>
      %dma_start3A_73 = arith.constant 5120 : i32
      %dma_start3A_74 = tpu.memref_slice %arg3[%arg1, %dma_start3A_73] : memref<16x10240xi32, #tpu.memory_space<hbm>> -> memref<1x5120xi32, #tpu.memory_space<hbm>>
      %dma_start3A_75 = tpu.memref_squeeze %dma_start3A_74 : memref<1x5120xi32, #tpu.memory_space<hbm>> -> memref<5120xi32, #tpu.memory_space<hbm>>
      %dma_start3A_76 = arith.constant 5120 : i32
      %dma_start3A_77 = tpu.memref_slice %arg3[%arg1, %dma_start3A_76] : memref<16x10240xi32, #tpu.memory_space<hbm>> -> memref<1x5120xi32, #tpu.memory_space<hbm>>
      %dma_start3A_78 = tpu.memref_squeeze %dma_start3A_77 : memref<1x5120xi32, #tpu.memory_space<hbm>> -> memref<5120xi32, #tpu.memory_space<hbm>>
      tpu.enqueue_dma source(%dma_start3A_78 : memref<5120xi32, #tpu.memory_space<hbm>>) target(%arg6 : memref<5120xi32, #tpu.memory_space<vmem>>) target_semaphore(%run_scoped3A : memref<!tpu.dma_semaphore, #tpu.memory_space<semaphore_mem>>)
      %dma_wait3A = arith.constant 5120 : i32
      %dma_wait3A_79 = tpu.memref_slice %arg3[%arg1, %dma_wait3A] : memref<16x10240xi32, #tpu.memory_space<hbm>> -> memref<1x5120xi32, #tpu.memory_space<hbm>>
      %dma_wait3A_80 = tpu.memref_squeeze %dma_wait3A_79 : memref<1x5120xi32, #tpu.memory_space<hbm>> -> memref<5120xi32, #tpu.memory_space<hbm>>
      %dma_wait3A_81 = arith.constant 5120 : i32
      %dma_wait3A_82 = tpu.memref_slice %arg3[%arg1, %dma_wait3A_81] : memref<16x10240xi32, #tpu.memory_space<hbm>> -> memref<1x5120xi32, #tpu.memory_space<hbm>>
      %dma_wait3A_83 = tpu.memref_squeeze %dma_wait3A_82 : memref<1x5120xi32, #tpu.memory_space<hbm>> -> memref<5120xi32, #tpu.memory_space<hbm>>
      tpu.wait_dma2 semaphore(%run_scoped3A : memref<!tpu.dma_semaphore, #tpu.memory_space<semaphore_mem>>) src(%dma_wait3A_83 : memref<5120xi32, #tpu.memory_space<hbm>>) dst(%arg6 : memref<5120xi32, #tpu.memory_space<vmem>>)
      tpu.yield
    }) : () -> ()
    %dma_start3A_46 = arith.constant 0 : i32
    %dma_start3A_47 = tpu.memref_slice %arg6[%dma_start3A_46] : memref<5120xi32, #tpu.memory_space<vmem>> -> memref<128xi32, #tpu.memory_space<vmem>>
    %dma_start3A_48 = arith.constant 0 : i32
    %dma_start3A_49 = arith.constant 0 : i32
    %dma_start3A_50 = tpu.memref_slice %arg2[%arg0, %dma_start3A_48, %dma_start3A_49] : memref<2x10240x128xf32, #tpu.memory_space<hbm>> -> memref<1x10240x128xf32, #tpu.memory_space<hbm>>
    %dma_start3A_51 = tpu.memref_squeeze %dma_start3A_50 : memref<1x10240x128xf32, #tpu.memory_space<hbm>> -> memref<10240x128xf32, #tpu.memory_space<hbm>>
    %dma_start3A_52 = arith.constant 0 : i32
    %dma_start3A_53 = arith.constant 0 : i32
    %dma_start3A_54 = tpu.memref_slice %dma_start3A_51[%dma_start3A_52, %dma_start3A_53] : memref<10240x128xf32, #tpu.memory_space<hbm>> -> memref<10240x128xf32, #tpu.memory_space<hbm>>
    tpu.enqueue_indirect_dma source(%dma_start3A_54 : memref<10240x128xf32, #tpu.memory_space<hbm>>) target(%arg8 : memref<128x128xf32, #tpu.memory_space<vmem>>) offsets(%dma_start3A_47 : memref<128xi32, #tpu.memory_space<vmem>>) semaphore(%arg11 : memref<!tpu.dma_semaphore, #tpu.memory_space<semaphore_mem>>)
    %dma_start3A_55 = arith.constant 128 : i32
    %dma_start3A_56 = tpu.memref_slice %arg6[%dma_start3A_55] : memref<5120xi32, #tpu.memory_space<vmem>> -> memref<128xi32, #tpu.memory_space<vmem>>
    %dma_start3A_57 = arith.constant 0 : i32
    %dma_start3A_58 = arith.constant 0 : i32
    %dma_start3A_59 = tpu.memref_slice %arg2[%arg0, %dma_start3A_57, %dma_start3A_58] : memref<2x10240x128xf32, #tpu.memory_space<hbm>> -> memref<1x10240x128xf32, #tpu.memory_space<hbm>>
    %dma_start3A_60 = tpu.memref_squeeze %dma_start3A_59 : memref<1x10240x128xf32, #tpu.memory_space<hbm>> -> memref<10240x128xf32, #tpu.memory_space<hbm>>
    %dma_start3A_61 = arith.constant 0 : i32
    %dma_start3A_62 = arith.constant 0 : i32
    %dma_start3A_63 = tpu.memref_slice %dma_start3A_60[%dma_start3A_61, %dma_start3A_62] : memref<10240x128xf32, #tpu.memory_space<hbm>> -> memref<10240x128xf32, #tpu.memory_space<hbm>>
    tpu.enqueue_indirect_dma source(%dma_start3A_63 : memref<10240x128xf32, #tpu.memory_space<hbm>>) target(%arg9 : memref<128x128xf32, #tpu.memory_space<vmem>>) offsets(%dma_start3A_56 : memref<128xi32, #tpu.memory_space<vmem>>) semaphore(%arg12 : memref<!tpu.dma_semaphore, #tpu.memory_space<semaphore_mem>>)
    %scan3A_64 = arith.constant 0 : i32
    %scan3A_65 = arith.constant 0 : i32
    %scan3A_66 = arith.constant 20 : i32
    %scan3A_67 = arith.addi %scan3A_65, %scan3A_66 : i32
    %scan3A_68 = arith.constant 1 : i32
    scf.for %scan3A_73 = %scan3A_65 to %scan3A_67 step %scan3A_68  : i32 {
      %mul3A_74 = arith.constant 2 : i32
      %mul3A_75 = arith.muli %mul3A_74, %scan3A_73 : i32
      %add3A_76 = arith.constant 0 : i32
      %add3A_77 = arith.addi %mul3A_75, %add3A_76 : i32
      %mul3A_78 = arith.constant 128 : i32
      %mul3A_79 = arith.muli %add3A_77, %mul3A_78 : i32
      %dma_wait3A = tpu.memref_slice %arg6[%mul3A_79] : memref<5120xi32, #tpu.memory_space<vmem>> -> memref<128xi32, #tpu.memory_space<vmem>>
      %dma_wait3A_80 = arith.constant 0 : i32
      %dma_wait3A_81 = arith.constant 0 : i32
      %dma_wait3A_82 = tpu.memref_slice %arg2[%arg0, %dma_wait3A_80, %dma_wait3A_81] : memref<2x10240x128xf32, #tpu.memory_space<hbm>> -> memref<1x10240x128xf32, #tpu.memory_space<hbm>>
      %dma_wait3A_83 = tpu.memref_squeeze %dma_wait3A_82 : memref<1x10240x128xf32, #tpu.memory_space<hbm>> -> memref<10240x128xf32, #tpu.memory_space<hbm>>
      %dma_wait3A_84 = arith.constant 0 : i32
      %dma_wait3A_85 = arith.constant 0 : i32
      %dma_wait3A_86 = tpu.memref_slice %dma_wait3A_83[%dma_wait3A_84, %dma_wait3A_85] : memref<10240x128xf32, #tpu.memory_space<hbm>> -> memref<10240x128xf32, #tpu.memory_space<hbm>>
      tpu.wait_indirect_dma semaphore(%arg11 : memref<!tpu.dma_semaphore, #tpu.memory_space<semaphore_mem>>) src(%dma_wait3A_86 : memref<10240x128xf32, #tpu.memory_space<hbm>>) dst(%arg8 : memref<128x128xf32, #tpu.memory_space<vmem>>)
      %add3A_87 = arith.constant 40 : i32
      %add3A_88 = arith.addi %add3A_87, %add3A_77 : i32
      "tpu.region"() ({
        %run_scoped3A = tpu.sem_alloc : memref<!tpu.dma_semaphore, #tpu.memory_space<semaphore_mem>>
        %dma_start3A_116 = arith.constant 0 : i32
        %dma_start3A_117 = tpu.memref_slice %arg7[%add3A_88, %dma_start3A_116] : memref<80x128xi32, #tpu.memory_space<vmem>> -> memref<1x128xi32, #tpu.memory_space<vmem>>
        %dma_start3A_118 = tpu.memref_squeeze %dma_start3A_117 : memref<1x128xi32, #tpu.memory_space<vmem>> -> memref<128xi32, #tpu.memory_space<vmem>>
        %dma_start3A_119 = arith.constant 0 : i32
        %dma_start3A_120 = arith.constant 0 : i32
        %dma_start3A_121 = tpu.memref_slice %arg10[%dma_start3A_119, %dma_start3A_120] : memref<10240x128xf32, #tpu.memory_space<vmem_shared>> -> memref<10240x128xf32, #tpu.memory_space<vmem_shared>>
        tpu.enqueue_indirect_dma source(%arg8 : memref<128x128xf32, #tpu.memory_space<vmem>>) target(%dma_start3A_121 : memref<10240x128xf32, #tpu.memory_space<vmem_shared>>) offsets(%dma_start3A_118 : memref<128xi32, #tpu.memory_space<vmem>>) semaphore(%run_scoped3A : memref<!tpu.dma_semaphore, #tpu.memory_space<semaphore_mem>>) {add = true}
        %dma_wait3A_122 = arith.constant 0 : i32
        %dma_wait3A_123 = tpu.memref_slice %arg7[%add3A_88, %dma_wait3A_122] : memref<80x128xi32, #tpu.memory_space<vmem>> -> memref<1x128xi32, #tpu.memory_space<vmem>>
        %dma_wait3A_124 = tpu.memref_squeeze %dma_wait3A_123 : memref<1x128xi32, #tpu.memory_space<vmem>> -> memref<128xi32, #tpu.memory_space<vmem>>
        %dma_wait3A_125 = arith.constant 0 : i32
        %dma_wait3A_126 = arith.constant 0 : i32
        %dma_wait3A_127 = tpu.memref_slice %arg10[%dma_wait3A_125, %dma_wait3A_126] : memref<10240x128xf32, #tpu.memory_space<vmem_shared>> -> memref<10240x128xf32, #tpu.memory_space<vmem_shared>>
        tpu.wait_indirect_dma semaphore(%run_scoped3A : memref<!tpu.dma_semaphore, #tpu.memory_space<semaphore_mem>>) src(%arg8 : memref<128x128xf32, #tpu.memory_space<vmem>>) dst(%dma_wait3A_127 : memref<10240x128xf32, #tpu.memory_space<vmem_shared>>)
        tpu.yield
      }) : () -> ()
      %add3A_89 = arith.constant 2 : i32
      %add3A_90 = arith.addi %add3A_77, %add3A_89 : i32
      %lt3A = arith.constant 40 : i32
      %lt3A_91 = arith.cmpi slt, %add3A_90, %lt3A : i32
      %convert_element_type3A = arith.extui %lt3A_91 : i1 to i32
      %cond3A = arith.constant 0 : i32
      %cond3A_92 = arith.cmpi ne, %convert_element_type3A, %cond3A : i32
      scf.if %cond3A_92 {
        %add3A_116 = arith.constant 2 : i32
        %add3A_117 = arith.addi %add3A_77, %add3A_116 : i32
        %mul3A_118 = arith.constant 128 : i32
        %mul3A_119 = arith.muli %add3A_117, %mul3A_118 : i32
        %dma_start3A_120 = tpu.memref_slice %arg6[%mul3A_119] : memref<5120xi32, #tpu.memory_space<vmem>> -> memref<128xi32, #tpu.memory_space<vmem>>
        %dma_start3A_121 = arith.constant 0 : i32
        %dma_start3A_122 = arith.constant 0 : i32
        %dma_start3A_123 = tpu.memref_slice %arg2[%arg0, %dma_start3A_121, %dma_start3A_122] : memref<2x10240x128xf32, #tpu.memory_space<hbm>> -> memref<1x10240x128xf32, #tpu.memory_space<hbm>>
        %dma_start3A_124 = tpu.memref_squeeze %dma_start3A_123 : memref<1x10240x128xf32, #tpu.memory_space<hbm>> -> memref<10240x128xf32, #tpu.memory_space<hbm>>
        %dma_start3A_125 = arith.constant 0 : i32
        %dma_start3A_126 = arith.constant 0 : i32
        %dma_start3A_127 = tpu.memref_slice %dma_start3A_124[%dma_start3A_125, %dma_start3A_126] : memref<10240x128xf32, #tpu.memory_space<hbm>> -> memref<10240x128xf32, #tpu.memory_space<hbm>>
        tpu.enqueue_indirect_dma source(%dma_start3A_127 : memref<10240x128xf32, #tpu.memory_space<hbm>>) target(%arg8 : memref<128x128xf32, #tpu.memory_space<vmem>>) offsets(%dma_start3A_120 : memref<128xi32, #tpu.memory_space<vmem>>) semaphore(%arg11 : memref<!tpu.dma_semaphore, #tpu.memory_space<semaphore_mem>>)
      } else {
      }
      %mul3A_93 = arith.constant 2 : i32
      %mul3A_94 = arith.muli %mul3A_93, %scan3A_73 : i32
      %add3A_95 = arith.constant 1 : i32
      %add3A_96 = arith.addi %mul3A_94, %add3A_95 : i32
      %mul3A_97 = arith.constant 128 : i32
      %mul3A_98 = arith.muli %add3A_96, %mul3A_97 : i32
      %dma_wait3A_99 = tpu.memref_slice %arg6[%mul3A_98] : memref<5120xi32, #tpu.memory_space<vmem>> -> memref<128xi32, #tpu.memory_space<vmem>>
      %dma_wait3A_100 = arith.constant 0 : i32
      %dma_wait3A_101 = arith.constant 0 : i32
      %dma_wait3A_102 = tpu.memref_slice %arg2[%arg0, %dma_wait3A_100, %dma_wait3A_101] : memref<2x10240x128xf32, #tpu.memory_space<hbm>> -> memref<1x10240x128xf32, #tpu.memory_space<hbm>>
      %dma_wait3A_103 = tpu.memref_squeeze %dma_wait3A_102 : memref<1x10240x128xf32, #tpu.memory_space<hbm>> -> memref<10240x128xf32, #tpu.memory_space<hbm>>
      %dma_wait3A_104 = arith.constant 0 : i32
      %dma_wait3A_105 = arith.constant 0 : i32
      %dma_wait3A_106 = tpu.memref_slice %dma_wait3A_103[%dma_wait3A_104, %dma_wait3A_105] : memref<10240x128xf32, #tpu.memory_space<hbm>> -> memref<10240x128xf32, #tpu.memory_space<hbm>>
      tpu.wait_indirect_dma semaphore(%arg12 : memref<!tpu.dma_semaphore, #tpu.memory_space<semaphore_mem>>) src(%dma_wait3A_106 : memref<10240x128xf32, #tpu.memory_space<hbm>>) dst(%arg9 : memref<128x128xf32, #tpu.memory_space<vmem>>)
      %add3A_107 = arith.constant 40 : i32
      %add3A_108 = arith.addi %add3A_107, %add3A_96 : i32
      "tpu.region"() ({
        %run_scoped3A = tpu.sem_alloc : memref<!tpu.dma_semaphore, #tpu.memory_space<semaphore_mem>>
        %dma_start3A_116 = arith.constant 0 : i32
        %dma_start3A_117 = tpu.memref_slice %arg7[%add3A_108, %dma_start3A_116] : memref<80x128xi32, #tpu.memory_space<vmem>> -> memref<1x128xi32, #tpu.memory_space<vmem>>
        %dma_start3A_118 = tpu.memref_squeeze %dma_start3A_117 : memref<1x128xi32, #tpu.memory_space<vmem>> -> memref<128xi32, #tpu.memory_space<vmem>>
        %dma_start3A_119 = arith.constant 0 : i32
        %dma_start3A_120 = arith.constant 0 : i32
        %dma_start3A_121 = tpu.memref_slice %arg10[%dma_start3A_119, %dma_start3A_120] : memref<10240x128xf32, #tpu.memory_space<vmem_shared>> -> memref<10240x128xf32, #tpu.memory_space<vmem_shared>>
        tpu.enqueue_indirect_dma source(%arg9 : memref<128x128xf32, #tpu.memory_space<vmem>>) target(%dma_start3A_121 : memref<10240x128xf32, #tpu.memory_space<vmem_shared>>) offsets(%dma_start3A_118 : memref<128xi32, #tpu.memory_space<vmem>>) semaphore(%run_scoped3A : memref<!tpu.dma_semaphore, #tpu.memory_space<semaphore_mem>>) {add = true}
        %dma_wait3A_122 = arith.constant 0 : i32
        %dma_wait3A_123 = tpu.memref_slice %arg7[%add3A_108, %dma_wait3A_122] : memref<80x128xi32, #tpu.memory_space<vmem>> -> memref<1x128xi32, #tpu.memory_space<vmem>>
        %dma_wait3A_124 = tpu.memref_squeeze %dma_wait3A_123 : memref<1x128xi32, #tpu.memory_space<vmem>> -> memref<128xi32, #tpu.memory_space<vmem>>
        %dma_wait3A_125 = arith.constant 0 : i32
        %dma_wait3A_126 = arith.constant 0 : i32
        %dma_wait3A_127 = tpu.memref_slice %arg10[%dma_wait3A_125, %dma_wait3A_126] : memref<10240x128xf32, #tpu.memory_space<vmem_shared>> -> memref<10240x128xf32, #tpu.memory_space<vmem_shared>>
        tpu.wait_indirect_dma semaphore(%run_scoped3A : memref<!tpu.dma_semaphore, #tpu.memory_space<semaphore_mem>>) src(%arg9 : memref<128x128xf32, #tpu.memory_space<vmem>>) dst(%dma_wait3A_127 : memref<10240x128xf32, #tpu.memory_space<vmem_shared>>)
        tpu.yield
      }) : () -> ()
      %add3A_109 = arith.constant 2 : i32
      %add3A_110 = arith.addi %add3A_96, %add3A_109 : i32
      %lt3A_111 = arith.constant 40 : i32
      %lt3A_112 = arith.cmpi slt, %add3A_110, %lt3A_111 : i32
      %convert_element_type3A_113 = arith.extui %lt3A_112 : i1 to i32
      %cond3A_114 = arith.constant 0 : i32
      %cond3A_115 = arith.cmpi ne, %convert_element_type3A_113, %cond3A_114 : i32
      scf.if %cond3A_115 {
        %add3A_116 = arith.constant 2 : i32
        %add3A_117 = arith.addi %add3A_96, %add3A_116 : i32
        %mul3A_118 = arith.constant 128 : i32
        %mul3A_119 = arith.muli %add3A_117, %mul3A_118 : i32
        %dma_start3A_120 = tpu.memref_slice %arg6[%mul3A_119] : memref<5120xi32, #tpu.memory_space<vmem>> -> memref<128xi32, #tpu.memory_space<vmem>>
        %dma_start3A_121 = arith.constant 0 : i32
        %dma_start3A_122 = arith.constant 0 : i32
        %dma_start3A_123 = tpu.memref_slice %arg2[%arg0, %dma_start3A_121, %dma_start3A_122] : memref<2x10240x128xf32, #tpu.memory_space<hbm>> -> memref<1x10240x128xf32, #tpu.memory_space<hbm>>
        %dma_start3A_124 = tpu.memref_squeeze %dma_start3A_123 : memref<1x10240x128xf32, #tpu.memory_space<hbm>> -> memref<10240x128xf32, #tpu.memory_space<hbm>>
        %dma_start3A_125 = arith.constant 0 : i32
        %dma_start3A_126 = arith.constant 0 : i32
        %dma_start3A_127 = tpu.memref_slice %dma_start3A_124[%dma_start3A_125, %dma_start3A_126] : memref<10240x128xf32, #tpu.memory_space<hbm>> -> memref<10240x128xf32, #tpu.memory_space<hbm>>
        tpu.enqueue_indirect_dma source(%dma_start3A_127 : memref<10240x128xf32, #tpu.memory_space<hbm>>) target(%arg9 : memref<128x128xf32, #tpu.memory_space<vmem>>) offsets(%dma_start3A_120 : memref<128xi32, #tpu.memory_space<vmem>>) semaphore(%arg12 : memref<!tpu.dma_semaphore, #tpu.memory_space<semaphore_mem>>)
      } else {
      }
    }
    %scan3A_69 = arith.constant 20 : i32
    %barrier3A_70 = arith.constant 0 : index
    tpu.barrier barrier_id(%barrier3A_70)
    %mul3A_71 = arith.constant 640 : i32
    %mul3A_72 = arith.muli %arg1, %mul3A_71 : i32
    "tpu.region"() ({
      %run_scoped3A = tpu.sem_alloc : memref<!tpu.dma_semaphore, #tpu.memory_space<semaphore_mem>>
      %dma_start3A_73 = arith.constant 0 : i32
      %dma_start3A_74 = arith.constant 0 : i32
      %dma_start3A_75 = tpu.memref_slice %arg5[%arg0, %dma_start3A_73, %dma_start3A_74] : memref<2x10240x128xf32, #tpu.memory_space<hbm>> -> memref<1x10240x128xf32, #tpu.memory_space<hbm>>
      %dma_start3A_76 = tpu.memref_squeeze %dma_start3A_75 : memref<1x10240x128xf32, #tpu.memory_space<hbm>> -> memref<10240x128xf32, #tpu.memory_space<hbm>>
      %dma_start3A_77 = arith.constant 0 : i32
      %dma_start3A_78 = tpu.memref_slice %dma_start3A_76[%mul3A_72, %dma_start3A_77] : memref<10240x128xf32, #tpu.memory_space<hbm>> -> memref<640x128xf32, #tpu.memory_space<hbm>>
      %dma_start3A_79 = arith.constant 0 : i32
      %dma_start3A_80 = tpu.memref_slice %arg10[%mul3A_72, %dma_start3A_79] : memref<10240x128xf32, #tpu.memory_space<vmem_shared>> -> memref<640x128xf32, #tpu.memory_space<vmem_shared>>
      tpu.enqueue_dma source(%dma_start3A_80 : memref<640x128xf32, #tpu.memory_space<vmem_shared>>) target(%dma_start3A_78 : memref<640x128xf32, #tpu.memory_space<hbm>>) target_semaphore(%run_scoped3A : memref<!tpu.dma_semaphore, #tpu.memory_space<semaphore_mem>>)
      %dma_wait3A = arith.constant 0 : i32
      %dma_wait3A_81 = arith.constant 0 : i32
      %dma_wait3A_82 = tpu.memref_slice %arg5[%arg0, %dma_wait3A, %dma_wait3A_81] : memref<2x10240x128xf32, #tpu.memory_space<hbm>> -> memref<1x10240x128xf32, #tpu.memory_space<hbm>>
      %dma_wait3A_83 = tpu.memref_squeeze %dma_wait3A_82 : memref<1x10240x128xf32, #tpu.memory_space<hbm>> -> memref<10240x128xf32, #tpu.memory_space<hbm>>
      %dma_wait3A_84 = arith.constant 0 : i32
      %dma_wait3A_85 = tpu.memref_slice %dma_wait3A_83[%mul3A_72, %dma_wait3A_84] : memref<10240x128xf32, #tpu.memory_space<hbm>> -> memref<640x128xf32, #tpu.memory_space<hbm>>
      %dma_wait3A_86 = arith.constant 0 : i32
      %dma_wait3A_87 = tpu.memref_slice %arg10[%mul3A_72, %dma_wait3A_86] : memref<10240x128xf32, #tpu.memory_space<vmem_shared>> -> memref<640x128xf32, #tpu.memory_space<vmem_shared>>
      tpu.wait_dma2 semaphore(%run_scoped3A : memref<!tpu.dma_semaphore, #tpu.memory_space<semaphore_mem>>) src(%dma_wait3A_87 : memref<640x128xf32, #tpu.memory_space<vmem_shared>>) dst(%dma_wait3A_85 : memref<640x128xf32, #tpu.memory_space<hbm>>)
      tpu.yield
    }) : () -> ()
    return
  }
}

#map = affine_map<(d0, d1) -> (0, 0, 0)>
#map1 = affine_map<(d0, d1) -> (0, 0)>
module attributes {stable_mosaic.version = 14 : i64} {
  func.func @_spmm_kernel(%arg0: i32, %arg1: i32, %arg2: memref<2x10240x128xf32, #tpu.memory_space<hbm>>, %arg3: memref<16x10240xi32, #tpu.memory_space<hbm>>, %arg4: memref<16x80x128xi32, #tpu.memory_space<hbm>>, %arg5: memref<2x10240x128xf32, #tpu.memory_space<hbm>>, %arg6: memref<5120xi32, #tpu.memory_space<vmem>>, %arg7: memref<80x128xi32, #tpu.memory_space<vmem>>, %arg8: memref<128x128xf32, #tpu.memory_space<vmem>>, %arg9: memref<128x128xf32, #tpu.memory_space<vmem>>, %arg10: memref<10240x128xf32, #tpu.memory_space<vmem_shared>>, %arg11: memref<!tpu.dma_semaphore, #tpu.memory_space<semaphore_mem>>, %arg12: memref<!tpu.dma_semaphore, #tpu.memory_space<semaphore_mem>>) attributes {dimension_semantics = [#tpu.dimension_semantics<core_parallel>, #tpu.dimension_semantics<subcore_parallel>], iteration_bounds = array<i64: 2, 16>, scalar_prefetch = 0 : i64, scratch_operands = 7 : i64, tpu.core_type = #tpu.core_type<sc_vector_subcore>, window_params = [{transform_indices = #map}, {transform_indices = #map1}, {transform_indices = #map}, {transform_indices = #map}]} {
    "tpu.region"() ({
      %run_scoped3A = tpu.sem_alloc : memref<!tpu.dma_semaphore, #tpu.memory_space<semaphore_mem>>
      %dma_start3A_73 = arith.constant 0 : i32
      %dma_start3A_74 = arith.constant 0 : i32
      %dma_start3A_75 = tpu.memref_slice %arg4[%arg1, %dma_start3A_73, %dma_start3A_74] : memref<16x80x128xi32, #tpu.memory_space<hbm>> -> memref<1x80x128xi32, #tpu.memory_space<hbm>>
      %dma_start3A_76 = tpu.memref_squeeze %dma_start3A_75 : memref<1x80x128xi32, #tpu.memory_space<hbm>> -> memref<80x128xi32, #tpu.memory_space<hbm>>
      %dma_start3A_77 = arith.constant 0 : i32
      %dma_start3A_78 = arith.constant 0 : i32
      %dma_start3A_79 = tpu.memref_slice %arg4[%arg1, %dma_start3A_77, %dma_start3A_78] : memref<16x80x128xi32, #tpu.memory_space<hbm>> -> memref<1x80x128xi32, #tpu.memory_space<hbm>>
      %dma_start3A_80 = tpu.memref_squeeze %dma_start3A_79 : memref<1x80x128xi32, #tpu.memory_space<hbm>> -> memref<80x128xi32, #tpu.memory_space<hbm>>
      tpu.enqueue_dma source(%dma_start3A_80 : memref<80x128xi32, #tpu.memory_space<hbm>>) target(%arg7 : memref<80x128xi32, #tpu.memory_space<vmem>>) target_semaphore(%run_scoped3A : memref<!tpu.dma_semaphore, #tpu.memory_space<semaphore_mem>>)
      %dma_wait3A = arith.constant 0 : i32
      %dma_wait3A_81 = arith.constant 0 : i32
      %dma_wait3A_82 = tpu.memref_slice %arg4[%arg1, %dma_wait3A, %dma_wait3A_81] : memref<16x80x128xi32, #tpu.memory_space<hbm>> -> memref<1x80x128xi32, #tpu.memory_space<hbm>>
      %dma_wait3A_83 = tpu.memref_squeeze %dma_wait3A_82 : memref<1x80x128xi32, #tpu.memory_space<hbm>> -> memref<80x128xi32, #tpu.memory_space<hbm>>
      %dma_wait3A_84 = arith.constant 0 : i32
      %dma_wait3A_85 = arith.constant 0 : i32
      %dma_wait3A_86 = tpu.memref_slice %arg4[%arg1, %dma_wait3A_84, %dma_wait3A_85] : memref<16x80x128xi32, #tpu.memory_space<hbm>> -> memref<1x80x128xi32, #tpu.memory_space<hbm>>
      %dma_wait3A_87 = tpu.memref_squeeze %dma_wait3A_86 : memref<1x80x128xi32, #tpu.memory_space<hbm>> -> memref<80x128xi32, #tpu.memory_space<hbm>>
      tpu.wait_dma2 semaphore(%run_scoped3A : memref<!tpu.dma_semaphore, #tpu.memory_space<semaphore_mem>>) src(%dma_wait3A_87 : memref<80x128xi32, #tpu.memory_space<hbm>>) dst(%arg7 : memref<80x128xi32, #tpu.memory_space<vmem>>)
      tpu.yield
    }) : () -> ()
    %scan3A = arith.constant 0 : i32
    %scan3A_0 = arith.constant 0 : i32
    %scan3A_1 = arith.constant 128 : i32
    %scan3A_2 = arith.addi %scan3A_0, %scan3A_1 : i32
    %scan3A_3 = arith.constant 1 : i32
    scf.for %scan3A_73 = %scan3A_0 to %scan3A_2 step %scan3A_3  : i32 {
      %broadcast_in_dim3A = arith.constant 0.000000e+00 : f32
      %broadcast_in_dim3A_74 = vector.broadcast %broadcast_in_dim3A : f32 to vector<16xf32>
      %swap3A = arith.index_cast %scan3A_73 : i32 to index
      %swap3A_75 = arith.constant 0 : index
      %swap3A_76 = tpu.vector_load %arg8[%swap3A, %swap3A_75] {strides = array<i32>} : memref<128x128xf32, #tpu.memory_space<vmem>>, vector<16xf32>,
      tpu.vector_store %arg8[%swap3A, %swap3A_75], %broadcast_in_dim3A_74 {strides = array<i32>} : memref<128x128xf32, #tpu.memory_space<vmem>>, vector<16xf32>,
      %broadcast_in_dim3A_77 = arith.constant 0.000000e+00 : f32
      %broadcast_in_dim3A_78 = vector.broadcast %broadcast_in_dim3A_77 : f32 to vector<16xf32>
      %swap3A_79 = arith.index_cast %scan3A_73 : i32 to index
      %swap3A_80 = arith.constant 16 : index
      %swap3A_81 = tpu.vector_load %arg8[%swap3A_79, %swap3A_80] {strides = array<i32>} : memref<128x128xf32, #tpu.memory_space<vmem>>, vector<16xf32>,
      tpu.vector_store %arg8[%swap3A_79, %swap3A_80], %broadcast_in_dim3A_78 {strides = array<i32>} : memref<128x128xf32, #tpu.memory_space<vmem>>, vector<16xf32>,
      %broadcast_in_dim3A_82 = arith.constant 0.000000e+00 : f32
      %broadcast_in_dim3A_83 = vector.broadcast %broadcast_in_dim3A_82 : f32 to vector<16xf32>
      %swap3A_84 = arith.index_cast %scan3A_73 : i32 to index
      %swap3A_85 = arith.constant 32 : index
      %swap3A_86 = tpu.vector_load %arg8[%swap3A_84, %swap3A_85] {strides = array<i32>} : memref<128x128xf32, #tpu.memory_space<vmem>>, vector<16xf32>,
      tpu.vector_store %arg8[%swap3A_84, %swap3A_85], %broadcast_in_dim3A_83 {strides = array<i32>} : memref<128x128xf32, #tpu.memory_space<vmem>>, vector<16xf32>,
      %broadcast_in_dim3A_87 = arith.constant 0.000000e+00 : f32
      %broadcast_in_dim3A_88 = vector.broadcast %broadcast_in_dim3A_87 : f32 to vector<16xf32>
      %swap3A_89 = arith.index_cast %scan3A_73 : i32 to index
      %swap3A_90 = arith.constant 48 : index
      %swap3A_91 = tpu.vector_load %arg8[%swap3A_89, %swap3A_90] {strides = array<i32>} : memref<128x128xf32, #tpu.memory_space<vmem>>, vector<16xf32>,
      tpu.vector_store %arg8[%swap3A_89, %swap3A_90], %broadcast_in_dim3A_88 {strides = array<i32>} : memref<128x128xf32, #tpu.memory_space<vmem>>, vector<16xf32>,
      %broadcast_in_dim3A_92 = arith.constant 0.000000e+00 : f32
      %broadcast_in_dim3A_93 = vector.broadcast %broadcast_in_dim3A_92 : f32 to vector<16xf32>
      %swap3A_94 = arith.index_cast %scan3A_73 : i32 to index
      %swap3A_95 = arith.constant 64 : index
      %swap3A_96 = tpu.vector_load %arg8[%swap3A_94, %swap3A_95] {strides = array<i32>} : memref<128x128xf32, #tpu.memory_space<vmem>>, vector<16xf32>,
      tpu.vector_store %arg8[%swap3A_94, %swap3A_95], %broadcast_in_dim3A_93 {strides = array<i32>} : memref<128x128xf32, #tpu.memory_space<vmem>>, vector<16xf32>,
      %broadcast_in_dim3A_97 = arith.constant 0.000000e+00 : f32
      %broadcast_in_dim3A_98 = vector.broadcast %broadcast_in_dim3A_97 : f32 to vector<16xf32>
      %swap3A_99 = arith.index_cast %scan3A_73 : i32 to index
      %swap3A_100 = arith.constant 80 : index
      %swap3A_101 = tpu.vector_load %arg8[%swap3A_99, %swap3A_100] {strides = array<i32>} : memref<128x128xf32, #tpu.memory_space<vmem>>, vector<16xf32>,
      tpu.vector_store %arg8[%swap3A_99, %swap3A_100], %broadcast_in_dim3A_98 {strides = array<i32>} : memref<128x128xf32, #tpu.memory_space<vmem>>, vector<16xf32>,
      %broadcast_in_dim3A_102 = arith.constant 0.000000e+00 : f32
      %broadcast_in_dim3A_103 = vector.broadcast %broadcast_in_dim3A_102 : f32 to vector<16xf32>
      %swap3A_104 = arith.index_cast %scan3A_73 : i32 to index
      %swap3A_105 = arith.constant 96 : index
      %swap3A_106 = tpu.vector_load %arg8[%swap3A_104, %swap3A_105] {strides = array<i32>} : memref<128x128xf32, #tpu.memory_space<vmem>>, vector<16xf32>,
      tpu.vector_store %arg8[%swap3A_104, %swap3A_105], %broadcast_in_dim3A_103 {strides = array<i32>} : memref<128x128xf32, #tpu.memory_space<vmem>>, vector<16xf32>,
      %broadcast_in_dim3A_107 = arith.constant 0.000000e+00 : f32
      %broadcast_in_dim3A_108 = vector.broadcast %broadcast_in_dim3A_107 : f32 to vector<16xf32>
      %swap3A_109 = arith.index_cast %scan3A_73 : i32 to index
      %swap3A_110 = arith.constant 112 : index
      %swap3A_111 = tpu.vector_load %arg8[%swap3A_109, %swap3A_110] {strides = array<i32>} : memref<128x128xf32, #tpu.memory_space<vmem>>, vector<16xf32>,
      tpu.vector_store %arg8[%swap3A_109, %swap3A_110], %broadcast_in_dim3A_108 {strides = array<i32>} : memref<128x128xf32, #tpu.memory_space<vmem>>, vector<16xf32>,
    }
    %scan3A_4 = arith.constant 128 : i32
    %mul3A = arith.constant 640 : i32
    %mul3A_5 = arith.muli %arg1, %mul3A : i32
    %add3A = arith.constant 0 : i32
    %add3A_6 = arith.addi %mul3A_5, %add3A : i32
    "tpu.region"() ({
      %run_scoped3A = tpu.sem_alloc : memref<!tpu.dma_semaphore, #tpu.memory_space<semaphore_mem>>
      %dma_start3A_73 = arith.constant 0 : i32
      %dma_start3A_74 = tpu.memref_slice %arg10[%add3A_6, %dma_start3A_73] : memref<10240x128xf32, #tpu.memory_space<vmem_shared>> -> memref<128x128xf32, #tpu.memory_space<vmem_shared>>
      %dma_start3A_75 = arith.constant 0 : i32
      %dma_start3A_76 = tpu.memref_slice %arg10[%add3A_6, %dma_start3A_75] : memref<10240x128xf32, #tpu.memory_space<vmem_shared>> -> memref<128x128xf32, #tpu.memory_space<vmem_shared>>
      tpu.enqueue_dma source(%arg8 : memref<128x128xf32, #tpu.memory_space<vmem>>) target(%dma_start3A_76 : memref<128x128xf32, #tpu.memory_space<vmem_shared>>) target_semaphore(%run_scoped3A : memref<!tpu.dma_semaphore, #tpu.memory_space<semaphore_mem>>)
      %dma_wait3A = arith.constant 0 : i32
      %dma_wait3A_77 = tpu.memref_slice %arg10[%add3A_6, %dma_wait3A] : memref<10240x128xf32, #tpu.memory_space<vmem_shared>> -> memref<128x128xf32, #tpu.memory_space<vmem_shared>>
      %dma_wait3A_78 = arith.constant 0 : i32
      %dma_wait3A_79 = tpu.memref_slice %arg10[%add3A_6, %dma_wait3A_78] : memref<10240x128xf32, #tpu.memory_space<vmem_shared>> -> memref<128x128xf32, #tpu.memory_space<vmem_shared>>
      tpu.wait_dma2 semaphore(%run_scoped3A : memref<!tpu.dma_semaphore, #tpu.memory_space<semaphore_mem>>) src(%arg8 : memref<128x128xf32, #tpu.memory_space<vmem>>) dst(%dma_wait3A_79 : memref<128x128xf32, #tpu.memory_space<vmem_shared>>)
      tpu.yield
    }) : () -> ()
    %mul3A_7 = arith.constant 640 : i32
    %mul3A_8 = arith.muli %arg1, %mul3A_7 : i32
    %add3A_9 = arith.constant 128 : i32
    %add3A_10 = arith.addi %mul3A_8, %add3A_9 : i32
    "tpu.region"() ({
      %run_scoped3A = tpu.sem_alloc : memref<!tpu.dma_semaphore, #tpu.memory_space<semaphore_mem>>
      %dma_start3A_73 = arith.constant 0 : i32
      %dma_start3A_74 = tpu.memref_slice %arg10[%add3A_10, %dma_start3A_73] : memref<10240x128xf32, #tpu.memory_space<vmem_shared>> -> memref<128x128xf32, #tpu.memory_space<vmem_shared>>
      %dma_start3A_75 = arith.constant 0 : i32
      %dma_start3A_76 = tpu.memref_slice %arg10[%add3A_10, %dma_start3A_75] : memref<10240x128xf32, #tpu.memory_space<vmem_shared>> -> memref<128x128xf32, #tpu.memory_space<vmem_shared>>
      tpu.enqueue_dma source(%arg8 : memref<128x128xf32, #tpu.memory_space<vmem>>) target(%dma_start3A_76 : memref<128x128xf32, #tpu.memory_space<vmem_shared>>) target_semaphore(%run_scoped3A : memref<!tpu.dma_semaphore, #tpu.memory_space<semaphore_mem>>)
      %dma_wait3A = arith.constant 0 : i32
      %dma_wait3A_77 = tpu.memref_slice %arg10[%add3A_10, %dma_wait3A] : memref<10240x128xf32, #tpu.memory_space<vmem_shared>> -> memref<128x128xf32, #tpu.memory_space<vmem_shared>>
      %dma_wait3A_78 = arith.constant 0 : i32
      %dma_wait3A_79 = tpu.memref_slice %arg10[%add3A_10, %dma_wait3A_78] : memref<10240x128xf32, #tpu.memory_space<vmem_shared>> -> memref<128x128xf32, #tpu.memory_space<vmem_shared>>
      tpu.wait_dma2 semaphore(%run_scoped3A : memref<!tpu.dma_semaphore, #tpu.memory_space<semaphore_mem>>) src(%arg8 : memref<128x128xf32, #tpu.memory_space<vmem>>) dst(%dma_wait3A_79 : memref<128x128xf32, #tpu.memory_space<vmem_shared>>)
      tpu.yield
    }) : () -> ()
    %mul3A_11 = arith.constant 640 : i32
    %mul3A_12 = arith.muli %arg1, %mul3A_11 : i32
    %add3A_13 = arith.constant 256 : i32
    %add3A_14 = arith.addi %mul3A_12, %add3A_13 : i32
    "tpu.region"() ({
      %run_scoped3A = tpu.sem_alloc : memref<!tpu.dma_semaphore, #tpu.memory_space<semaphore_mem>>
      %dma_start3A_73 = arith.constant 0 : i32
      %dma_start3A_74 = tpu.memref_slice %arg10[%add3A_14, %dma_start3A_73] : memref<10240x128xf32, #tpu.memory_space<vmem_shared>> -> memref<128x128xf32, #tpu.memory_space<vmem_shared>>
      %dma_start3A_75 = arith.constant 0 : i32
      %dma_start3A_76 = tpu.memref_slice %arg10[%add3A_14, %dma_start3A_75] : memref<10240x128xf32, #tpu.memory_space<vmem_shared>> -> memref<128x128xf32, #tpu.memory_space<vmem_shared>>
      tpu.enqueue_dma source(%arg8 : memref<128x128xf32, #tpu.memory_space<vmem>>) target(%dma_start3A_76 : memref<128x128xf32, #tpu.memory_space<vmem_shared>>) target_semaphore(%run_scoped3A : memref<!tpu.dma_semaphore, #tpu.memory_space<semaphore_mem>>)
      %dma_wait3A = arith.constant 0 : i32
      %dma_wait3A_77 = tpu.memref_slice %arg10[%add3A_14, %dma_wait3A] : memref<10240x128xf32, #tpu.memory_space<vmem_shared>> -> memref<128x128xf32, #tpu.memory_space<vmem_shared>>
      %dma_wait3A_78 = arith.constant 0 : i32
      %dma_wait3A_79 = tpu.memref_slice %arg10[%add3A_14, %dma_wait3A_78] : memref<10240x128xf32, #tpu.memory_space<vmem_shared>> -> memref<128x128xf32, #tpu.memory_space<vmem_shared>>
      tpu.wait_dma2 semaphore(%run_scoped3A : memref<!tpu.dma_semaphore, #tpu.memory_space<semaphore_mem>>) src(%arg8 : memref<128x128xf32, #tpu.memory_space<vmem>>) dst(%dma_wait3A_79 : memref<128x128xf32, #tpu.memory_space<vmem_shared>>)
      tpu.yield
    }) : () -> ()
    %mul3A_15 = arith.constant 640 : i32
    %mul3A_16 = arith.muli %arg1, %mul3A_15 : i32
    %add3A_17 = arith.constant 384 : i32
    %add3A_18 = arith.addi %mul3A_16, %add3A_17 : i32
    "tpu.region"() ({
      %run_scoped3A = tpu.sem_alloc : memref<!tpu.dma_semaphore, #tpu.memory_space<semaphore_mem>>
      %dma_start3A_73 = arith.constant 0 : i32
      %dma_start3A_74 = tpu.memref_slice %arg10[%add3A_18, %dma_start3A_73] : memref<10240x128xf32, #tpu.memory_space<vmem_shared>> -> memref<128x128xf32, #tpu.memory_space<vmem_shared>>
      %dma_start3A_75 = arith.constant 0 : i32
      %dma_start3A_76 = tpu.memref_slice %arg10[%add3A_18, %dma_start3A_75] : memref<10240x128xf32, #tpu.memory_space<vmem_shared>> -> memref<128x128xf32, #tpu.memory_space<vmem_shared>>
      tpu.enqueue_dma source(%arg8 : memref<128x128xf32, #tpu.memory_space<vmem>>) target(%dma_start3A_76 : memref<128x128xf32, #tpu.memory_space<vmem_shared>>) target_semaphore(%run_scoped3A : memref<!tpu.dma_semaphore, #tpu.memory_space<semaphore_mem>>)
      %dma_wait3A = arith.constant 0 : i32
      %dma_wait3A_77 = tpu.memref_slice %arg10[%add3A_18, %dma_wait3A] : memref<10240x128xf32, #tpu.memory_space<vmem_shared>> -> memref<128x128xf32, #tpu.memory_space<vmem_shared>>
      %dma_wait3A_78 = arith.constant 0 : i32
      %dma_wait3A_79 = tpu.memref_slice %arg10[%add3A_18, %dma_wait3A_78] : memref<10240x128xf32, #tpu.memory_space<vmem_shared>> -> memref<128x128xf32, #tpu.memory_space<vmem_shared>>
      tpu.wait_dma2 semaphore(%run_scoped3A : memref<!tpu.dma_semaphore, #tpu.memory_space<semaphore_mem>>) src(%arg8 : memref<128x128xf32, #tpu.memory_space<vmem>>) dst(%dma_wait3A_79 : memref<128x128xf32, #tpu.memory_space<vmem_shared>>)
      tpu.yield
    }) : () -> ()
    %mul3A_19 = arith.constant 640 : i32
    %mul3A_20 = arith.muli %arg1, %mul3A_19 : i32
    %add3A_21 = arith.constant 512 : i32
    %add3A_22 = arith.addi %mul3A_20, %add3A_21 : i32
    "tpu.region"() ({
      %run_scoped3A = tpu.sem_alloc : memref<!tpu.dma_semaphore, #tpu.memory_space<semaphore_mem>>
      %dma_start3A_73 = arith.constant 0 : i32
      %dma_start3A_74 = tpu.memref_slice %arg10[%add3A_22, %dma_start3A_73] : memref<10240x128xf32, #tpu.memory_space<vmem_shared>> -> memref<128x128xf32, #tpu.memory_space<vmem_shared>>
      %dma_start3A_75 = arith.constant 0 : i32
      %dma_start3A_76 = tpu.memref_slice %arg10[%add3A_22, %dma_start3A_75] : memref<10240x128xf32, #tpu.memory_space<vmem_shared>> -> memref<128x128xf32, #tpu.memory_space<vmem_shared>>
      tpu.enqueue_dma source(%arg8 : memref<128x128xf32, #tpu.memory_space<vmem>>) target(%dma_start3A_76 : memref<128x128xf32, #tpu.memory_space<vmem_shared>>) target_semaphore(%run_scoped3A : memref<!tpu.dma_semaphore, #tpu.memory_space<semaphore_mem>>)
      %dma_wait3A = arith.constant 0 : i32
      %dma_wait3A_77 = tpu.memref_slice %arg10[%add3A_22, %dma_wait3A] : memref<10240x128xf32, #tpu.memory_space<vmem_shared>> -> memref<128x128xf32, #tpu.memory_space<vmem_shared>>
      %dma_wait3A_78 = arith.constant 0 : i32
      %dma_wait3A_79 = tpu.memref_slice %arg10[%add3A_22, %dma_wait3A_78] : memref<10240x128xf32, #tpu.memory_space<vmem_shared>> -> memref<128x128xf32, #tpu.memory_space<vmem_shared>>
      tpu.wait_dma2 semaphore(%run_scoped3A : memref<!tpu.dma_semaphore, #tpu.memory_space<semaphore_mem>>) src(%arg8 : memref<128x128xf32, #tpu.memory_space<vmem>>) dst(%dma_wait3A_79 : memref<128x128xf32, #tpu.memory_space<vmem_shared>>)
      tpu.yield
    }) : () -> ()
    %barrier3A = arith.constant 0 : index
    tpu.barrier barrier_id(%barrier3A)
    "tpu.region"() ({
      %run_scoped3A = tpu.sem_alloc : memref<!tpu.dma_semaphore, #tpu.memory_space<semaphore_mem>>
      %dma_start3A_73 = arith.constant 0 : i32
      %dma_start3A_74 = tpu.memref_slice %arg3[%arg1, %dma_start3A_73] : memref<16x10240xi32, #tpu.memory_space<hbm>> -> memref<1x5120xi32, #tpu.memory_space<hbm>>
      %dma_start3A_75 = tpu.memref_squeeze %dma_start3A_74 : memref<1x5120xi32, #tpu.memory_space<hbm>> -> memref<5120xi32, #tpu.memory_space<hbm>>
      %dma_start3A_76 = arith.constant 0 : i32
      %dma_start3A_77 = tpu.memref_slice %arg3[%arg1, %dma_start3A_76] : memref<16x10240xi32, #tpu.memory_space<hbm>> -> memref<1x5120xi32, #tpu.memory_space<hbm>>
      %dma_start3A_78 = tpu.memref_squeeze %dma_start3A_77 : memref<1x5120xi32, #tpu.memory_space<hbm>> -> memref<5120xi32, #tpu.memory_space<hbm>>
      tpu.enqueue_dma source(%dma_start3A_78 : memref<5120xi32, #tpu.memory_space<hbm>>) target(%arg6 : memref<5120xi32, #tpu.memory_space<vmem>>) target_semaphore(%run_scoped3A : memref<!tpu.dma_semaphore, #tpu.memory_space<semaphore_mem>>)
      %dma_wait3A = arith.constant 0 : i32
      %dma_wait3A_79 = tpu.memref_slice %arg3[%arg1, %dma_wait3A] : memref<16x10240xi32, #tpu.memory_space<hbm>> -> memref<1x5120xi32, #tpu.memory_space<hbm>>
      %dma_wait3A_80 = tpu.memref_squeeze %dma_wait3A_79 : memref<1x5120xi32, #tpu.memory_space<hbm>> -> memref<5120xi32, #tpu.memory_space<hbm>>
      %dma_wait3A_81 = arith.constant 0 : i32
      %dma_wait3A_82 = tpu.memref_slice %arg3[%arg1, %dma_wait3A_81] : memref<16x10240xi32, #tpu.memory_space<hbm>> -> memref<1x5120xi32, #tpu.memory_space<hbm>>
      %dma_wait3A_83 = tpu.memref_squeeze %dma_wait3A_82 : memref<1x5120xi32, #tpu.memory_space<hbm>> -> memref<5120xi32, #tpu.memory_space<hbm>>
      tpu.wait_dma2 semaphore(%run_scoped3A : memref<!tpu.dma_semaphore, #tpu.memory_space<semaphore_mem>>) src(%dma_wait3A_83 : memref<5120xi32, #tpu.memory_space<hbm>>) dst(%arg6 : memref<5120xi32, #tpu.memory_space<vmem>>)
      tpu.yield
    }) : () -> ()
    %dma_start3A = arith.constant 0 : i32
    %dma_start3A_23 = tpu.memref_slice %arg6[%dma_start3A] : memref<5120xi32, #tpu.memory_space<vmem>> -> memref<128xi32, #tpu.memory_space<vmem>>
    %dma_start3A_24 = arith.constant 0 : i32
    %dma_start3A_25 = arith.constant 0 : i32
    %dma_start3A_26 = tpu.memref_slice %arg2[%arg0, %dma_start3A_24, %dma_start3A_25] : memref<2x10240x128xf32, #tpu.memory_space<hbm>> -> memref<1x10240x128xf32, #tpu.memory_space<hbm>>
    %dma_start3A_27 = tpu.memref_squeeze %dma_start3A_26 : memref<1x10240x128xf32, #tpu.memory_space<hbm>> -> memref<10240x128xf32, #tpu.memory_space<hbm>>
    %dma_start3A_28 = arith.constant 0 : i32
    %dma_start3A_29 = arith.constant 0 : i32
    %dma_start3A_30 = tpu.memref_slice %dma_start3A_27[%dma_start3A_28, %dma_start3A_29] : memref<10240x128xf32, #tpu.memory_space<hbm>> -> memref<10240x128xf32, #tpu.memory_space<hbm>>
    tpu.enqueue_indirect_dma source(%dma_start3A_30 : memref<10240x128xf32, #tpu.memory_space<hbm>>) target(%arg8 : memref<128x128xf32, #tpu.memory_space<vmem>>) offsets(%dma_start3A_23 : memref<128xi32, #tpu.memory_space<vmem>>) semaphore(%arg11 : memref<!tpu.dma_semaphore, #tpu.memory_space<semaphore_mem>>)
    %dma_start3A_31 = arith.constant 128 : i32
    %dma_start3A_32 = tpu.memref_slice %arg6[%dma_start3A_31] : memref<5120xi32, #tpu.memory_space<vmem>> -> memref<128xi32, #tpu.memory_space<vmem>>
    %dma_start3A_33 = arith.constant 0 : i32
    %dma_start3A_34 = arith.constant 0 : i32
    %dma_start3A_35 = tpu.memref_slice %arg2[%arg0, %dma_start3A_33, %dma_start3A_34] : memref<2x10240x128xf32, #tpu.memory_space<hbm>> -> memref<1x10240x128xf32, #tpu.memory_space<hbm>>
    %dma_start3A_36 = tpu.memref_squeeze %dma_start3A_35 : memref<1x10240x128xf32, #tpu.memory_space<hbm>> -> memref<10240x128xf32, #tpu.memory_space<hbm>>
    %dma_start3A_37 = arith.constant 0 : i32
    %dma_start3A_38 = arith.constant 0 : i32
    %dma_start3A_39 = tpu.memref_slice %dma_start3A_36[%dma_start3A_37, %dma_start3A_38] : memref<10240x128xf32, #tpu.memory_space<hbm>> -> memref<10240x128xf32, #tpu.memory_space<hbm>>
    tpu.enqueue_indirect_dma source(%dma_start3A_39 : memref<10240x128xf32, #tpu.memory_space<hbm>>) target(%arg9 : memref<128x128xf32, #tpu.memory_space<vmem>>) offsets(%dma_start3A_32 : memref<128xi32, #tpu.memory_space<vmem>>) semaphore(%arg12 : memref<!tpu.dma_semaphore, #tpu.memory_space<semaphore_mem>>)
    %scan3A_40 = arith.constant 0 : i32
    %scan3A_41 = arith.constant 0 : i32
    %scan3A_42 = arith.constant 20 : i32
    %scan3A_43 = arith.addi %scan3A_41, %scan3A_42 : i32
    %scan3A_44 = arith.constant 1 : i32
    scf.for %scan3A_73 = %scan3A_41 to %scan3A_43 step %scan3A_44  : i32 {
      %mul3A_74 = arith.constant 2 : i32
      %mul3A_75 = arith.muli %mul3A_74, %scan3A_73 : i32
      %add3A_76 = arith.constant 0 : i32
      %add3A_77 = arith.addi %mul3A_75, %add3A_76 : i32
      %mul3A_78 = arith.constant 128 : i32
      %mul3A_79 = arith.muli %add3A_77, %mul3A_78 : i32
      %dma_wait3A = tpu.memref_slice %arg6[%mul3A_79] : memref<5120xi32, #tpu.memory_space<vmem>> -> memref<128xi32, #tpu.memory_space<vmem>>
      %dma_wait3A_80 = arith.constant 0 : i32
      %dma_wait3A_81 = arith.constant 0 : i32
      %dma_wait3A_82 = tpu.memref_slice %arg2[%arg0, %dma_wait3A_80, %dma_wait3A_81] : memref<2x10240x128xf32, #tpu.memory_space<hbm>> -> memref<1x10240x128xf32, #tpu.memory_space<hbm>>
      %dma_wait3A_83 = tpu.memref_squeeze %dma_wait3A_82 : memref<1x10240x128xf32, #tpu.memory_space<hbm>> -> memref<10240x128xf32, #tpu.memory_space<hbm>>
      %dma_wait3A_84 = arith.constant 0 : i32
      %dma_wait3A_85 = arith.constant 0 : i32
      %dma_wait3A_86 = tpu.memref_slice %dma_wait3A_83[%dma_wait3A_84, %dma_wait3A_85] : memref<10240x128xf32, #tpu.memory_space<hbm>> -> memref<10240x128xf32, #tpu.memory_space<hbm>>
      tpu.wait_indirect_dma semaphore(%arg11 : memref<!tpu.dma_semaphore, #tpu.memory_space<semaphore_mem>>) src(%dma_wait3A_86 : memref<10240x128xf32, #tpu.memory_space<hbm>>) dst(%arg8 : memref<128x128xf32, #tpu.memory_space<vmem>>)
      %add3A_87 = arith.constant 0 : i32
      %add3A_88 = arith.addi %add3A_87, %add3A_77 : i32
      "tpu.region"() ({
        %run_scoped3A = tpu.sem_alloc : memref<!tpu.dma_semaphore, #tpu.memory_space<semaphore_mem>>
        %dma_start3A_116 = arith.constant 0 : i32
        %dma_start3A_117 = tpu.memref_slice %arg7[%add3A_88, %dma_start3A_116] : memref<80x128xi32, #tpu.memory_space<vmem>> -> memref<1x128xi32, #tpu.memory_space<vmem>>
        %dma_start3A_118 = tpu.memref_squeeze %dma_start3A_117 : memref<1x128xi32, #tpu.memory_space<vmem>> -> memref<128xi32, #tpu.memory_space<vmem>>
        %dma_start3A_119 = arith.constant 0 : i32
        %dma_start3A_120 = arith.constant 0 : i32
        %dma_start3A_121 = tpu.memref_slice %arg10[%dma_start3A_119, %dma_start3A_120] : memref<10240x128xf32, #tpu.memory_space<vmem_shared>> -> memref<10240x128xf32, #tpu.memory_space<vmem_shared>>
        tpu.enqueue_indirect_dma source(%arg8 : memref<128x128xf32, #tpu.memory_space<vmem>>) target(%dma_start3A_121 : memref<10240x128xf32, #tpu.memory_space<vmem_shared>>) offsets(%dma_start3A_118 : memref<128xi32, #tpu.memory_space<vmem>>) semaphore(%run_scoped3A : memref<!tpu.dma_semaphore, #tpu.memory_space<semaphore_mem>>) {add = true}
        %dma_wait3A_122 = arith.constant 0 : i32
        %dma_wait3A_123 = tpu.memref_slice %arg7[%add3A_88, %dma_wait3A_122] : memref<80x128xi32, #tpu.memory_space<vmem>> -> memref<1x128xi32, #tpu.memory_space<vmem>>
        %dma_wait3A_124 = tpu.memref_squeeze %dma_wait3A_123 : memref<1x128xi32, #tpu.memory_space<vmem>> -> memref<128xi32, #tpu.memory_space<vmem>>
        %dma_wait3A_125 = arith.constant 0 : i32
        %dma_wait3A_126 = arith.constant 0 : i32
        %dma_wait3A_127 = tpu.memref_slice %arg10[%dma_wait3A_125, %dma_wait3A_126] : memref<10240x128xf32, #tpu.memory_space<vmem_shared>> -> memref<10240x128xf32, #tpu.memory_space<vmem_shared>>
        tpu.wait_indirect_dma semaphore(%run_scoped3A : memref<!tpu.dma_semaphore, #tpu.memory_space<semaphore_mem>>) src(%arg8 : memref<128x128xf32, #tpu.memory_space<vmem>>) dst(%dma_wait3A_127 : memref<10240x128xf32, #tpu.memory_space<vmem_shared>>)
        tpu.yield
      }) : () -> ()
      %add3A_89 = arith.constant 2 : i32
      %add3A_90 = arith.addi %add3A_77, %add3A_89 : i32
      %lt3A = arith.constant 40 : i32
      %lt3A_91 = arith.cmpi slt, %add3A_90, %lt3A : i32
      %convert_element_type3A = arith.extui %lt3A_91 : i1 to i32
      %cond3A = arith.constant 0 : i32
      %cond3A_92 = arith.cmpi ne, %convert_element_type3A, %cond3A : i32
      scf.if %cond3A_92 {
        %add3A_116 = arith.constant 2 : i32
        %add3A_117 = arith.addi %add3A_77, %add3A_116 : i32
        %mul3A_118 = arith.constant 128 : i32
        %mul3A_119 = arith.muli %add3A_117, %mul3A_118 : i32
        %dma_start3A_120 = tpu.memref_slice %arg6[%mul3A_119] : memref<5120xi32, #tpu.memory_space<vmem>> -> memref<128xi32, #tpu.memory_space<vmem>>
        %dma_start3A_121 = arith.constant 0 : i32
        %dma_start3A_122 = arith.constant 0 : i32
        %dma_start3A_123 = tpu.memref_slice %arg2[%arg0, %dma_start3A_121, %dma_start3A_122] : memref<2x10240x128xf32, #tpu.memory_space<hbm>> -> memref<1x10240x128xf32, #tpu.memory_space<hbm>>
        %dma_start3A_124 = tpu.memref_squeeze %dma_start3A_123 : memref<1x10240x128xf32, #tpu.memory_space<hbm>> -> memref<10240x128xf32, #tpu.memory_space<hbm>>
        %dma_start3A_125 = arith.constant 0 : i32
        %dma_start3A_126 = arith.constant 0 : i32
        %dma_start3A_127 = tpu.memref_slice %dma_start3A_124[%dma_start3A_125, %dma_start3A_126] : memref<10240x128xf32, #tpu.memory_space<hbm>> -> memref<10240x128xf32, #tpu.memory_space<hbm>>
        tpu.enqueue_indirect_dma source(%dma_start3A_127 : memref<10240x128xf32, #tpu.memory_space<hbm>>) target(%arg8 : memref<128x128xf32, #tpu.memory_space<vmem>>) offsets(%dma_start3A_120 : memref<128xi32, #tpu.memory_space<vmem>>) semaphore(%arg11 : memref<!tpu.dma_semaphore, #tpu.memory_space<semaphore_mem>>)
      } else {
      }
      %mul3A_93 = arith.constant 2 : i32
      %mul3A_94 = arith.muli %mul3A_93, %scan3A_73 : i32
      %add3A_95 = arith.constant 1 : i32
      %add3A_96 = arith.addi %mul3A_94, %add3A_95 : i32
      %mul3A_97 = arith.constant 128 : i32
      %mul3A_98 = arith.muli %add3A_96, %mul3A_97 : i32
      %dma_wait3A_99 = tpu.memref_slice %arg6[%mul3A_98] : memref<5120xi32, #tpu.memory_space<vmem>> -> memref<128xi32, #tpu.memory_space<vmem>>
      %dma_wait3A_100 = arith.constant 0 : i32
      %dma_wait3A_101 = arith.constant 0 : i32
      %dma_wait3A_102 = tpu.memref_slice %arg2[%arg0, %dma_wait3A_100, %dma_wait3A_101] : memref<2x10240x128xf32, #tpu.memory_space<hbm>> -> memref<1x10240x128xf32, #tpu.memory_space<hbm>>
      %dma_wait3A_103 = tpu.memref_squeeze %dma_wait3A_102 : memref<1x10240x128xf32, #tpu.memory_space<hbm>> -> memref<10240x128xf32, #tpu.memory_space<hbm>>
      %dma_wait3A_104 = arith.constant 0 : i32
      %dma_wait3A_105 = arith.constant 0 : i32
      %dma_wait3A_106 = tpu.memref_slice %dma_wait3A_103[%dma_wait3A_104, %dma_wait3A_105] : memref<10240x128xf32, #tpu.memory_space<hbm>> -> memref<10240x128xf32, #tpu.memory_space<hbm>>
      tpu.wait_indirect_dma semaphore(%arg12 : memref<!tpu.dma_semaphore, #tpu.memory_space<semaphore_mem>>) src(%dma_wait3A_106 : memref<10240x128xf32, #tpu.memory_space<hbm>>) dst(%arg9 : memref<128x128xf32, #tpu.memory_space<vmem>>)
      %add3A_107 = arith.constant 0 : i32
      %add3A_108 = arith.addi %add3A_107, %add3A_96 : i32
      "tpu.region"() ({
        %run_scoped3A = tpu.sem_alloc : memref<!tpu.dma_semaphore, #tpu.memory_space<semaphore_mem>>
        %dma_start3A_116 = arith.constant 0 : i32
        %dma_start3A_117 = tpu.memref_slice %arg7[%add3A_108, %dma_start3A_116] : memref<80x128xi32, #tpu.memory_space<vmem>> -> memref<1x128xi32, #tpu.memory_space<vmem>>
        %dma_start3A_118 = tpu.memref_squeeze %dma_start3A_117 : memref<1x128xi32, #tpu.memory_space<vmem>> -> memref<128xi32, #tpu.memory_space<vmem>>
        %dma_start3A_119 = arith.constant 0 : i32
        %dma_start3A_120 = arith.constant 0 : i32
        %dma_start3A_121 = tpu.memref_slice %arg10[%dma_start3A_119, %dma_start3A_120] : memref<10240x128xf32, #tpu.memory_space<vmem_shared>> -> memref<10240x128xf32, #tpu.memory_space<vmem_shared>>
        tpu.enqueue_indirect_dma source(%arg9 : memref<128x128xf32, #tpu.memory_space<vmem>>) target(%dma_start3A_121 : memref<10240x128xf32, #tpu.memory_space<vmem_shared>>) offsets(%dma_start3A_118 : memref<128xi32, #tpu.memory_space<vmem>>) semaphore(%run_scoped3A : memref<!tpu.dma_semaphore, #tpu.memory_space<semaphore_mem>>) {add = true}
        %dma_wait3A_122 = arith.constant 0 : i32
        %dma_wait3A_123 = tpu.memref_slice %arg7[%add3A_108, %dma_wait3A_122] : memref<80x128xi32, #tpu.memory_space<vmem>> -> memref<1x128xi32, #tpu.memory_space<vmem>>
        %dma_wait3A_124 = tpu.memref_squeeze %dma_wait3A_123 : memref<1x128xi32, #tpu.memory_space<vmem>> -> memref<128xi32, #tpu.memory_space<vmem>>
        %dma_wait3A_125 = arith.constant 0 : i32
        %dma_wait3A_126 = arith.constant 0 : i32
        %dma_wait3A_127 = tpu.memref_slice %arg10[%dma_wait3A_125, %dma_wait3A_126] : memref<10240x128xf32, #tpu.memory_space<vmem_shared>> -> memref<10240x128xf32, #tpu.memory_space<vmem_shared>>
        tpu.wait_indirect_dma semaphore(%run_scoped3A : memref<!tpu.dma_semaphore, #tpu.memory_space<semaphore_mem>>) src(%arg9 : memref<128x128xf32, #tpu.memory_space<vmem>>) dst(%dma_wait3A_127 : memref<10240x128xf32, #tpu.memory_space<vmem_shared>>)
        tpu.yield
      }) : () -> ()
      %add3A_109 = arith.constant 2 : i32
      %add3A_110 = arith.addi %add3A_96, %add3A_109 : i32
      %lt3A_111 = arith.constant 40 : i32
      %lt3A_112 = arith.cmpi slt, %add3A_110, %lt3A_111 : i32
      %convert_element_type3A_113 = arith.extui %lt3A_112 : i1 to i32
      %cond3A_114 = arith.constant 0 : i32
      %cond3A_115 = arith.cmpi ne, %convert_element_type3A_113, %cond3A_114 : i32
      scf.if %cond3A_115 {
        %add3A_116 = arith.constant 2 : i32
        %add3A_117 = arith.addi %add3A_96, %add3A_116 : i32
        %mul3A_118 = arith.constant 128 : i32
        %mul3A_119 = arith.muli %add3A_117, %mul3A_118 : i32
        %dma_start3A_120 = tpu.memref_slice %arg6[%mul3A_119] : memref<5120xi32, #tpu.memory_space<vmem>> -> memref<128xi32, #tpu.memory_space<vmem>>
        %dma_start3A_121 = arith.constant 0 : i32
        %dma_start3A_122 = arith.constant 0 : i32
        %dma_start3A_123 = tpu.memref_slice %arg2[%arg0, %dma_start3A_121, %dma_start3A_122] : memref<2x10240x128xf32, #tpu.memory_space<hbm>> -> memref<1x10240x128xf32, #tpu.memory_space<hbm>>
        %dma_start3A_124 = tpu.memref_squeeze %dma_start3A_123 : memref<1x10240x128xf32, #tpu.memory_space<hbm>> -> memref<10240x128xf32, #tpu.memory_space<hbm>>
        %dma_start3A_125 = arith.constant 0 : i32
        %dma_start3A_126 = arith.constant 0 : i32
        %dma_start3A_127 = tpu.memref_slice %dma_start3A_124[%dma_start3A_125, %dma_start3A_126] : memref<10240x128xf32, #tpu.memory_space<hbm>> -> memref<10240x128xf32, #tpu.memory_space<hbm>>
        tpu.enqueue_indirect_dma source(%dma_start3A_127 : memref<10240x128xf32, #tpu.memory_space<hbm>>) target(%arg9 : memref<128x128xf32, #tpu.memory_space<vmem>>) offsets(%dma_start3A_120 : memref<128xi32, #tpu.memory_space<vmem>>) semaphore(%arg12 : memref<!tpu.dma_semaphore, #tpu.memory_space<semaphore_mem>>)
      } else {
      }
    }
    %scan3A_45 = arith.constant 20 : i32
    "tpu.region"() ({
      %run_scoped3A = tpu.sem_alloc : memref<!tpu.dma_semaphore, #tpu.memory_space<semaphore_mem>>
      %dma_start3A_73 = arith.constant 5120 : i32
      %dma_start3A_74 = tpu.memref_slice %arg3[%arg1, %dma_start3A_73] : memref<16x10240xi32, #tpu.memory_space<hbm>> -> memref<1x5120xi32, #tpu.memory_space<hbm>>
      %dma_start3A_75 = tpu.memref_squeeze %dma_start3A_74 : memref<1x5120xi32, #tpu.memory_space<hbm>> -> memref<5120xi32, #tpu.memory_space<hbm>>
      %dma_start3A_76 = arith.constant 5120 : i32
      %dma_start3A_77 = tpu.memref_slice %arg3[%arg1, %dma_start3A_76] : memref<16x10240xi32, #tpu.memory_space<hbm>> -> memref<1x5120xi32, #tpu.memory_space<hbm>>
      %dma_start3A_78 = tpu.memref_squeeze %dma_start3A_77 : memref<1x5120xi32, #tpu.memory_space<hbm>> -> memref<5120xi32, #tpu.memory_space<hbm>>
      tpu.enqueue_dma source(%dma_start3A_78 : memref<5120xi32, #tpu.memory_space<hbm>>) target(%arg6 : memref<5120xi32, #tpu.memory_space<vmem>>) target_semaphore(%run_scoped3A : memref<!tpu.dma_semaphore, #tpu.memory_space<semaphore_mem>>)
      %dma_wait3A = arith.constant 5120 : i32
      %dma_wait3A_79 = tpu.memref_slice %arg3[%arg1, %dma_wait3A] : memref<16x10240xi32, #tpu.memory_space<hbm>> -> memref<1x5120xi32, #tpu.memory_space<hbm>>
      %dma_wait3A_80 = tpu.memref_squeeze %dma_wait3A_79 : memref<1x5120xi32, #tpu.memory_space<hbm>> -> memref<5120xi32, #tpu.memory_space<hbm>>
      %dma_wait3A_81 = arith.constant 5120 : i32
      %dma_wait3A_82 = tpu.memref_slice %arg3[%arg1, %dma_wait3A_81] : memref<16x10240xi32, #tpu.memory_space<hbm>> -> memref<1x5120xi32, #tpu.memory_space<hbm>>
      %dma_wait3A_83 = tpu.memref_squeeze %dma_wait3A_82 : memref<1x5120xi32, #tpu.memory_space<hbm>> -> memref<5120xi32, #tpu.memory_space<hbm>>
      tpu.wait_dma2 semaphore(%run_scoped3A : memref<!tpu.dma_semaphore, #tpu.memory_space<semaphore_mem>>) src(%dma_wait3A_83 : memref<5120xi32, #tpu.memory_space<hbm>>) dst(%arg6 : memref<5120xi32, #tpu.memory_space<vmem>>)
      tpu.yield
    }) : () -> ()
    %dma_start3A_46 = arith.constant 0 : i32
    %dma_start3A_47 = tpu.memref_slice %arg6[%dma_start3A_46] : memref<5120xi32, #tpu.memory_space<vmem>> -> memref<128xi32, #tpu.memory_space<vmem>>
    %dma_start3A_48 = arith.constant 0 : i32
    %dma_start3A_49 = arith.constant 0 : i32
    %dma_start3A_50 = tpu.memref_slice %arg2[%arg0, %dma_start3A_48, %dma_start3A_49] : memref<2x10240x128xf32, #tpu.memory_space<hbm>> -> memref<1x10240x128xf32, #tpu.memory_space<hbm>>
    %dma_start3A_51 = tpu.memref_squeeze %dma_start3A_50 : memref<1x10240x128xf32, #tpu.memory_space<hbm>> -> memref<10240x128xf32, #tpu.memory_space<hbm>>
    %dma_start3A_52 = arith.constant 0 : i32
    %dma_start3A_53 = arith.constant 0 : i32
    %dma_start3A_54 = tpu.memref_slice %dma_start3A_51[%dma_start3A_52, %dma_start3A_53] : memref<10240x128xf32, #tpu.memory_space<hbm>> -> memref<10240x128xf32, #tpu.memory_space<hbm>>
    tpu.enqueue_indirect_dma source(%dma_start3A_54 : memref<10240x128xf32, #tpu.memory_space<hbm>>) target(%arg8 : memref<128x128xf32, #tpu.memory_space<vmem>>) offsets(%dma_start3A_47 : memref<128xi32, #tpu.memory_space<vmem>>) semaphore(%arg11 : memref<!tpu.dma_semaphore, #tpu.memory_space<semaphore_mem>>)
    %dma_start3A_55 = arith.constant 128 : i32
    %dma_start3A_56 = tpu.memref_slice %arg6[%dma_start3A_55] : memref<5120xi32, #tpu.memory_space<vmem>> -> memref<128xi32, #tpu.memory_space<vmem>>
    %dma_start3A_57 = arith.constant 0 : i32
    %dma_start3A_58 = arith.constant 0 : i32
    %dma_start3A_59 = tpu.memref_slice %arg2[%arg0, %dma_start3A_57, %dma_start3A_58] : memref<2x10240x128xf32, #tpu.memory_space<hbm>> -> memref<1x10240x128xf32, #tpu.memory_space<hbm>>
    %dma_start3A_60 = tpu.memref_squeeze %dma_start3A_59 : memref<1x10240x128xf32, #tpu.memory_space<hbm>> -> memref<10240x128xf32, #tpu.memory_space<hbm>>
    %dma_start3A_61 = arith.constant 0 : i32
    %dma_start3A_62 = arith.constant 0 : i32
    %dma_start3A_63 = tpu.memref_slice %dma_start3A_60[%dma_start3A_61, %dma_start3A_62] : memref<10240x128xf32, #tpu.memory_space<hbm>> -> memref<10240x128xf32, #tpu.memory_space<hbm>>
    tpu.enqueue_indirect_dma source(%dma_start3A_63 : memref<10240x128xf32, #tpu.memory_space<hbm>>) target(%arg9 : memref<128x128xf32, #tpu.memory_space<vmem>>) offsets(%dma_start3A_56 : memref<128xi32, #tpu.memory_space<vmem>>) semaphore(%arg12 : memref<!tpu.dma_semaphore, #tpu.memory_space<semaphore_mem>>)
    %scan3A_64 = arith.constant 0 : i32
    %scan3A_65 = arith.constant 0 : i32
    %scan3A_66 = arith.constant 20 : i32
    %scan3A_67 = arith.addi %scan3A_65, %scan3A_66 : i32
    %scan3A_68 = arith.constant 1 : i32
    scf.for %scan3A_73 = %scan3A_65 to %scan3A_67 step %scan3A_68  : i32 {
      %mul3A_74 = arith.constant 2 : i32
      %mul3A_75 = arith.muli %mul3A_74, %scan3A_73 : i32
      %add3A_76 = arith.constant 0 : i32
      %add3A_77 = arith.addi %mul3A_75, %add3A_76 : i32
      %mul3A_78 = arith.constant 128 : i32
      %mul3A_79 = arith.muli %add3A_77, %mul3A_78 : i32
      %dma_wait3A = tpu.memref_slice %arg6[%mul3A_79] : memref<5120xi32, #tpu.memory_space<vmem>> -> memref<128xi32, #tpu.memory_space<vmem>>
      %dma_wait3A_80 = arith.constant 0 : i32
      %dma_wait3A_81 = arith.constant 0 : i32
      %dma_wait3A_82 = tpu.memref_slice %arg2[%arg0, %dma_wait3A_80, %dma_wait3A_81] : memref<2x10240x128xf32, #tpu.memory_space<hbm>> -> memref<1x10240x128xf32, #tpu.memory_space<hbm>>
      %dma_wait3A_83 = tpu.memref_squeeze %dma_wait3A_82 : memref<1x10240x128xf32, #tpu.memory_space<hbm>> -> memref<10240x128xf32, #tpu.memory_space<hbm>>
      %dma_wait3A_84 = arith.constant 0 : i32
      %dma_wait3A_85 = arith.constant 0 : i32
      %dma_wait3A_86 = tpu.memref_slice %dma_wait3A_83[%dma_wait3A_84, %dma_wait3A_85] : memref<10240x128xf32, #tpu.memory_space<hbm>> -> memref<10240x128xf32, #tpu.memory_space<hbm>>
      tpu.wait_indirect_dma semaphore(%arg11 : memref<!tpu.dma_semaphore, #tpu.memory_space<semaphore_mem>>) src(%dma_wait3A_86 : memref<10240x128xf32, #tpu.memory_space<hbm>>) dst(%arg8 : memref<128x128xf32, #tpu.memory_space<vmem>>)
      %add3A_87 = arith.constant 40 : i32
      %add3A_88 = arith.addi %add3A_87, %add3A_77 : i32
      "tpu.region"() ({
        %run_scoped3A = tpu.sem_alloc : memref<!tpu.dma_semaphore, #tpu.memory_space<semaphore_mem>>
        %dma_start3A_116 = arith.constant 0 : i32
        %dma_start3A_117 = tpu.memref_slice %arg7[%add3A_88, %dma_start3A_116] : memref<80x128xi32, #tpu.memory_space<vmem>> -> memref<1x128xi32, #tpu.memory_space<vmem>>
        %dma_start3A_118 = tpu.memref_squeeze %dma_start3A_117 : memref<1x128xi32, #tpu.memory_space<vmem>> -> memref<128xi32, #tpu.memory_space<vmem>>
        %dma_start3A_119 = arith.constant 0 : i32
        %dma_start3A_120 = arith.constant 0 : i32
        %dma_start3A_121 = tpu.memref_slice %arg10[%dma_start3A_119, %dma_start3A_120] : memref<10240x128xf32, #tpu.memory_space<vmem_shared>> -> memref<10240x128xf32, #tpu.memory_space<vmem_shared>>
        tpu.enqueue_indirect_dma source(%arg8 : memref<128x128xf32, #tpu.memory_space<vmem>>) target(%dma_start3A_121 : memref<10240x128xf32, #tpu.memory_space<vmem_shared>>) offsets(%dma_start3A_118 : memref<128xi32, #tpu.memory_space<vmem>>) semaphore(%run_scoped3A : memref<!tpu.dma_semaphore, #tpu.memory_space<semaphore_mem>>) {add = true}
        %dma_wait3A_122 = arith.constant 0 : i32
        %dma_wait3A_123 = tpu.memref_slice %arg7[%add3A_88, %dma_wait3A_122] : memref<80x128xi32, #tpu.memory_space<vmem>> -> memref<1x128xi32, #tpu.memory_space<vmem>>
        %dma_wait3A_124 = tpu.memref_squeeze %dma_wait3A_123 : memref<1x128xi32, #tpu.memory_space<vmem>> -> memref<128xi32, #tpu.memory_space<vmem>>
        %dma_wait3A_125 = arith.constant 0 : i32
        %dma_wait3A_126 = arith.constant 0 : i32
        %dma_wait3A_127 = tpu.memref_slice %arg10[%dma_wait3A_125, %dma_wait3A_126] : memref<10240x128xf32, #tpu.memory_space<vmem_shared>> -> memref<10240x128xf32, #tpu.memory_space<vmem_shared>>
        tpu.wait_indirect_dma semaphore(%run_scoped3A : memref<!tpu.dma_semaphore, #tpu.memory_space<semaphore_mem>>) src(%arg8 : memref<128x128xf32, #tpu.memory_space<vmem>>) dst(%dma_wait3A_127 : memref<10240x128xf32, #tpu.memory_space<vmem_shared>>)
        tpu.yield
      }) : () -> ()
      %add3A_89 = arith.constant 2 : i32
      %add3A_90 = arith.addi %add3A_77, %add3A_89 : i32
      %lt3A = arith.constant 40 : i32
      %lt3A_91 = arith.cmpi slt, %add3A_90, %lt3A : i32
      %convert_element_type3A = arith.extui %lt3A_91 : i1 to i32
      %cond3A = arith.constant 0 : i32
      %cond3A_92 = arith.cmpi ne, %convert_element_type3A, %cond3A : i32
      scf.if %cond3A_92 {
        %add3A_116 = arith.constant 2 : i32
        %add3A_117 = arith.addi %add3A_77, %add3A_116 : i32
        %mul3A_118 = arith.constant 128 : i32
        %mul3A_119 = arith.muli %add3A_117, %mul3A_118 : i32
        %dma_start3A_120 = tpu.memref_slice %arg6[%mul3A_119] : memref<5120xi32, #tpu.memory_space<vmem>> -> memref<128xi32, #tpu.memory_space<vmem>>
        %dma_start3A_121 = arith.constant 0 : i32
        %dma_start3A_122 = arith.constant 0 : i32
        %dma_start3A_123 = tpu.memref_slice %arg2[%arg0, %dma_start3A_121, %dma_start3A_122] : memref<2x10240x128xf32, #tpu.memory_space<hbm>> -> memref<1x10240x128xf32, #tpu.memory_space<hbm>>
        %dma_start3A_124 = tpu.memref_squeeze %dma_start3A_123 : memref<1x10240x128xf32, #tpu.memory_space<hbm>> -> memref<10240x128xf32, #tpu.memory_space<hbm>>
        %dma_start3A_125 = arith.constant 0 : i32
        %dma_start3A_126 = arith.constant 0 : i32
        %dma_start3A_127 = tpu.memref_slice %dma_start3A_124[%dma_start3A_125, %dma_start3A_126] : memref<10240x128xf32, #tpu.memory_space<hbm>> -> memref<10240x128xf32, #tpu.memory_space<hbm>>
        tpu.enqueue_indirect_dma source(%dma_start3A_127 : memref<10240x128xf32, #tpu.memory_space<hbm>>) target(%arg8 : memref<128x128xf32, #tpu.memory_space<vmem>>) offsets(%dma_start3A_120 : memref<128xi32, #tpu.memory_space<vmem>>) semaphore(%arg11 : memref<!tpu.dma_semaphore, #tpu.memory_space<semaphore_mem>>)
      } else {
      }
      %mul3A_93 = arith.constant 2 : i32
      %mul3A_94 = arith.muli %mul3A_93, %scan3A_73 : i32
      %add3A_95 = arith.constant 1 : i32
      %add3A_96 = arith.addi %mul3A_94, %add3A_95 : i32
      %mul3A_97 = arith.constant 128 : i32
      %mul3A_98 = arith.muli %add3A_96, %mul3A_97 : i32
      %dma_wait3A_99 = tpu.memref_slice %arg6[%mul3A_98] : memref<5120xi32, #tpu.memory_space<vmem>> -> memref<128xi32, #tpu.memory_space<vmem>>
      %dma_wait3A_100 = arith.constant 0 : i32
      %dma_wait3A_101 = arith.constant 0 : i32
      %dma_wait3A_102 = tpu.memref_slice %arg2[%arg0, %dma_wait3A_100, %dma_wait3A_101] : memref<2x10240x128xf32, #tpu.memory_space<hbm>> -> memref<1x10240x128xf32, #tpu.memory_space<hbm>>
      %dma_wait3A_103 = tpu.memref_squeeze %dma_wait3A_102 : memref<1x10240x128xf32, #tpu.memory_space<hbm>> -> memref<10240x128xf32, #tpu.memory_space<hbm>>
      %dma_wait3A_104 = arith.constant 0 : i32
      %dma_wait3A_105 = arith.constant 0 : i32
      %dma_wait3A_106 = tpu.memref_slice %dma_wait3A_103[%dma_wait3A_104, %dma_wait3A_105] : memref<10240x128xf32, #tpu.memory_space<hbm>> -> memref<10240x128xf32, #tpu.memory_space<hbm>>
      tpu.wait_indirect_dma semaphore(%arg12 : memref<!tpu.dma_semaphore, #tpu.memory_space<semaphore_mem>>) src(%dma_wait3A_106 : memref<10240x128xf32, #tpu.memory_space<hbm>>) dst(%arg9 : memref<128x128xf32, #tpu.memory_space<vmem>>)
      %add3A_107 = arith.constant 40 : i32
      %add3A_108 = arith.addi %add3A_107, %add3A_96 : i32
      "tpu.region"() ({
        %run_scoped3A = tpu.sem_alloc : memref<!tpu.dma_semaphore, #tpu.memory_space<semaphore_mem>>
        %dma_start3A_116 = arith.constant 0 : i32
        %dma_start3A_117 = tpu.memref_slice %arg7[%add3A_108, %dma_start3A_116] : memref<80x128xi32, #tpu.memory_space<vmem>> -> memref<1x128xi32, #tpu.memory_space<vmem>>
        %dma_start3A_118 = tpu.memref_squeeze %dma_start3A_117 : memref<1x128xi32, #tpu.memory_space<vmem>> -> memref<128xi32, #tpu.memory_space<vmem>>
        %dma_start3A_119 = arith.constant 0 : i32
        %dma_start3A_120 = arith.constant 0 : i32
        %dma_start3A_121 = tpu.memref_slice %arg10[%dma_start3A_119, %dma_start3A_120] : memref<10240x128xf32, #tpu.memory_space<vmem_shared>> -> memref<10240x128xf32, #tpu.memory_space<vmem_shared>>
        tpu.enqueue_indirect_dma source(%arg9 : memref<128x128xf32, #tpu.memory_space<vmem>>) target(%dma_start3A_121 : memref<10240x128xf32, #tpu.memory_space<vmem_shared>>) offsets(%dma_start3A_118 : memref<128xi32, #tpu.memory_space<vmem>>) semaphore(%run_scoped3A : memref<!tpu.dma_semaphore, #tpu.memory_space<semaphore_mem>>) {add = true}
        %dma_wait3A_122 = arith.constant 0 : i32
        %dma_wait3A_123 = tpu.memref_slice %arg7[%add3A_108, %dma_wait3A_122] : memref<80x128xi32, #tpu.memory_space<vmem>> -> memref<1x128xi32, #tpu.memory_space<vmem>>
        %dma_wait3A_124 = tpu.memref_squeeze %dma_wait3A_123 : memref<1x128xi32, #tpu.memory_space<vmem>> -> memref<128xi32, #tpu.memory_space<vmem>>
        %dma_wait3A_125 = arith.constant 0 : i32
        %dma_wait3A_126 = arith.constant 0 : i32
        %dma_wait3A_127 = tpu.memref_slice %arg10[%dma_wait3A_125, %dma_wait3A_126] : memref<10240x128xf32, #tpu.memory_space<vmem_shared>> -> memref<10240x128xf32, #tpu.memory_space<vmem_shared>>
        tpu.wait_indirect_dma semaphore(%run_scoped3A : memref<!tpu.dma_semaphore, #tpu.memory_space<semaphore_mem>>) src(%arg9 : memref<128x128xf32, #tpu.memory_space<vmem>>) dst(%dma_wait3A_127 : memref<10240x128xf32, #tpu.memory_space<vmem_shared>>)
        tpu.yield
      }) : () -> ()
      %add3A_109 = arith.constant 2 : i32
      %add3A_110 = arith.addi %add3A_96, %add3A_109 : i32
      %lt3A_111 = arith.constant 40 : i32
      %lt3A_112 = arith.cmpi slt, %add3A_110, %lt3A_111 : i32
      %convert_element_type3A_113 = arith.extui %lt3A_112 : i1 to i32
      %cond3A_114 = arith.constant 0 : i32
      %cond3A_115 = arith.cmpi ne, %convert_element_type3A_113, %cond3A_114 : i32
      scf.if %cond3A_115 {
        %add3A_116 = arith.constant 2 : i32
        %add3A_117 = arith.addi %add3A_96, %add3A_116 : i32
        %mul3A_118 = arith.constant 128 : i32
        %mul3A_119 = arith.muli %add3A_117, %mul3A_118 : i32
        %dma_start3A_120 = tpu.memref_slice %arg6[%mul3A_119] : memref<5120xi32, #tpu.memory_space<vmem>> -> memref<128xi32, #tpu.memory_space<vmem>>
        %dma_start3A_121 = arith.constant 0 : i32
        %dma_start3A_122 = arith.constant 0 : i32
        %dma_start3A_123 = tpu.memref_slice %arg2[%arg0, %dma_start3A_121, %dma_start3A_122] : memref<2x10240x128xf32, #tpu.memory_space<hbm>> -> memref<1x10240x128xf32, #tpu.memory_space<hbm>>
        %dma_start3A_124 = tpu.memref_squeeze %dma_start3A_123 : memref<1x10240x128xf32, #tpu.memory_space<hbm>> -> memref<10240x128xf32, #tpu.memory_space<hbm>>
        %dma_start3A_125 = arith.constant 0 : i32
        %dma_start3A_126 = arith.constant 0 : i32
        %dma_start3A_127 = tpu.memref_slice %dma_start3A_124[%dma_start3A_125, %dma_start3A_126] : memref<10240x128xf32, #tpu.memory_space<hbm>> -> memref<10240x128xf32, #tpu.memory_space<hbm>>
        tpu.enqueue_indirect_dma source(%dma_start3A_127 : memref<10240x128xf32, #tpu.memory_space<hbm>>) target(%arg9 : memref<128x128xf32, #tpu.memory_space<vmem>>) offsets(%dma_start3A_120 : memref<128xi32, #tpu.memory_space<vmem>>) semaphore(%arg12 : memref<!tpu.dma_semaphore, #tpu.memory_space<semaphore_mem>>)
      } else {
      }
    }
    %scan3A_69 = arith.constant 20 : i32
    %barrier3A_70 = arith.constant 0 : index
    tpu.barrier barrier_id(%barrier3A_70)
    %mul3A_71 = arith.constant 640 : i32
    %mul3A_72 = arith.muli %arg1, %mul3A_71 : i32
    "tpu.region"() ({
      %run_scoped3A = tpu.sem_alloc : memref<!tpu.dma_semaphore, #tpu.memory_space<semaphore_mem>>
      %dma_start3A_73 = arith.constant 0 : i32
      %dma_start3A_74 = arith.constant 0 : i32
      %dma_start3A_75 = tpu.memref_slice %arg5[%arg0, %dma_start3A_73, %dma_start3A_74] : memref<2x10240x128xf32, #tpu.memory_space<hbm>> -> memref<1x10240x128xf32, #tpu.memory_space<hbm>>
      %dma_start3A_76 = tpu.memref_squeeze %dma_start3A_75 : memref<1x10240x128xf32, #tpu.memory_space<hbm>> -> memref<10240x128xf32, #tpu.memory_space<hbm>>
      %dma_start3A_77 = arith.constant 0 : i32
      %dma_start3A_78 = tpu.memref_slice %dma_start3A_76[%mul3A_72, %dma_start3A_77] : memref<10240x128xf32, #tpu.memory_space<hbm>> -> memref<640x128xf32, #tpu.memory_space<hbm>>
      %dma_start3A_79 = arith.constant 0 : i32
      %dma_start3A_80 = tpu.memref_slice %arg10[%mul3A_72, %dma_start3A_79] : memref<10240x128xf32, #tpu.memory_space<vmem_shared>> -> memref<640x128xf32, #tpu.memory_space<vmem_shared>>
      tpu.enqueue_dma source(%dma_start3A_80 : memref<640x128xf32, #tpu.memory_space<vmem_shared>>) target(%dma_start3A_78 : memref<640x128xf32, #tpu.memory_space<hbm>>) target_semaphore(%run_scoped3A : memref<!tpu.dma_semaphore, #tpu.memory_space<semaphore_mem>>)
      %dma_wait3A = arith.constant 0 : i32
      %dma_wait3A_81 = arith.constant 0 : i32
      %dma_wait3A_82 = tpu.memref_slice %arg5[%arg0, %dma_wait3A, %dma_wait3A_81] : memref<2x10240x128xf32, #tpu.memory_space<hbm>> -> memref<1x10240x128xf32, #tpu.memory_space<hbm>>
      %dma_wait3A_83 = tpu.memref_squeeze %dma_wait3A_82 : memref<1x10240x128xf32, #tpu.memory_space<hbm>> -> memref<10240x128xf32, #tpu.memory_space<hbm>>
      %dma_wait3A_84 = arith.constant 0 : i32
      %dma_wait3A_85 = tpu.memref_slice %dma_wait3A_83[%mul3A_72, %dma_wait3A_84] : memref<10240x128xf32, #tpu.memory_space<hbm>> -> memref<640x128xf32, #tpu.memory_space<hbm>>
      %dma_wait3A_86 = arith.constant 0 : i32
      %dma_wait3A_87 = tpu.memref_slice %arg10[%mul3A_72, %dma_wait3A_86] : memref<10240x128xf32, #tpu.memory_space<vmem_shared>> -> memref<640x128xf32, #tpu.memory_space<vmem_shared>>
      tpu.wait_dma2 semaphore(%run_scoped3A : memref<!tpu.dma_semaphore, #tpu.memory_space<semaphore_mem>>) src(%dma_wait3A_87 : memref<640x128xf32, #tpu.memory_space<vmem_shared>>) dst(%dma_wait3A_85 : memref<640x128xf32, #tpu.memory_space<hbm>>)
      tpu.yield
    }) : () -> ()
    return
  }
}

#map = affine_map<(d0, d1) -> (0, 0, 0)>
#map1 = affine_map<(d0, d1) -> (0, 0)>
module attributes {stable_mosaic.version = 14 : i64} {
  func.func @_spmm_kernel(%arg0: i32, %arg1: i32, %arg2: memref<2x10240x128xf32, #tpu.memory_space<hbm>>, %arg3: memref<16x10240xi32, #tpu.memory_space<hbm>>, %arg4: memref<16x80x128xi32, #tpu.memory_space<hbm>>, %arg5: memref<2x10240x128xf32, #tpu.memory_space<hbm>>, %arg6: memref<5120xi32, #tpu.memory_space<vmem>>, %arg7: memref<80x128xi32, #tpu.memory_space<vmem>>, %arg8: memref<128x128xf32, #tpu.memory_space<vmem>>, %arg9: memref<128x128xf32, #tpu.memory_space<vmem>>, %arg10: memref<10240x128xf32, #tpu.memory_space<vmem_shared>>, %arg11: memref<!tpu.dma_semaphore, #tpu.memory_space<semaphore_mem>>, %arg12: memref<!tpu.dma_semaphore, #tpu.memory_space<semaphore_mem>>) attributes {dimension_semantics = [#tpu.dimension_semantics<core_parallel>, #tpu.dimension_semantics<subcore_parallel>], iteration_bounds = array<i64: 2, 16>, scalar_prefetch = 0 : i64, scratch_operands = 7 : i64, tpu.core_type = #tpu.core_type<sc_vector_subcore>, window_params = [{transform_indices = #map}, {transform_indices = #map1}, {transform_indices = #map}, {transform_indices = #map}]} {
    "tpu.region"() ({
      %run_scoped3A = tpu.sem_alloc : memref<!tpu.dma_semaphore, #tpu.memory_space<semaphore_mem>>
      %dma_start3A_73 = arith.constant 0 : i32
      %dma_start3A_74 = arith.constant 0 : i32
      %dma_start3A_75 = tpu.memref_slice %arg4[%arg1, %dma_start3A_73, %dma_start3A_74] : memref<16x80x128xi32, #tpu.memory_space<hbm>> -> memref<1x80x128xi32, #tpu.memory_space<hbm>>
      %dma_start3A_76 = tpu.memref_squeeze %dma_start3A_75 : memref<1x80x128xi32, #tpu.memory_space<hbm>> -> memref<80x128xi32, #tpu.memory_space<hbm>>
      %dma_start3A_77 = arith.constant 0 : i32
      %dma_start3A_78 = arith.constant 0 : i32
      %dma_start3A_79 = tpu.memref_slice %arg4[%arg1, %dma_start3A_77, %dma_start3A_78] : memref<16x80x128xi32, #tpu.memory_space<hbm>> -> memref<1x80x128xi32, #tpu.memory_space<hbm>>
      %dma_start3A_80 = tpu.memref_squeeze %dma_start3A_79 : memref<1x80x128xi32, #tpu.memory_space<hbm>> -> memref<80x128xi32, #tpu.memory_space<hbm>>
      tpu.enqueue_dma source(%dma_start3A_80 : memref<80x128xi32, #tpu.memory_space<hbm>>) target(%arg7 : memref<80x128xi32, #tpu.memory_space<vmem>>) target_semaphore(%run_scoped3A : memref<!tpu.dma_semaphore, #tpu.memory_space<semaphore_mem>>)
      %dma_wait3A = arith.constant 0 : i32
      %dma_wait3A_81 = arith.constant 0 : i32
      %dma_wait3A_82 = tpu.memref_slice %arg4[%arg1, %dma_wait3A, %dma_wait3A_81] : memref<16x80x128xi32, #tpu.memory_space<hbm>> -> memref<1x80x128xi32, #tpu.memory_space<hbm>>
      %dma_wait3A_83 = tpu.memref_squeeze %dma_wait3A_82 : memref<1x80x128xi32, #tpu.memory_space<hbm>> -> memref<80x128xi32, #tpu.memory_space<hbm>>
      %dma_wait3A_84 = arith.constant 0 : i32
      %dma_wait3A_85 = arith.constant 0 : i32
      %dma_wait3A_86 = tpu.memref_slice %arg4[%arg1, %dma_wait3A_84, %dma_wait3A_85] : memref<16x80x128xi32, #tpu.memory_space<hbm>> -> memref<1x80x128xi32, #tpu.memory_space<hbm>>
      %dma_wait3A_87 = tpu.memref_squeeze %dma_wait3A_86 : memref<1x80x128xi32, #tpu.memory_space<hbm>> -> memref<80x128xi32, #tpu.memory_space<hbm>>
      tpu.wait_dma2 semaphore(%run_scoped3A : memref<!tpu.dma_semaphore, #tpu.memory_space<semaphore_mem>>) src(%dma_wait3A_87 : memref<80x128xi32, #tpu.memory_space<hbm>>) dst(%arg7 : memref<80x128xi32, #tpu.memory_space<vmem>>)
      tpu.yield
    }) : () -> ()
    %scan3A = arith.constant 0 : i32
    %scan3A_0 = arith.constant 0 : i32
    %scan3A_1 = arith.constant 128 : i32
    %scan3A_2 = arith.addi %scan3A_0, %scan3A_1 : i32
    %scan3A_3 = arith.constant 1 : i32
    scf.for %scan3A_73 = %scan3A_0 to %scan3A_2 step %scan3A_3  : i32 {
      %broadcast_in_dim3A = arith.constant 0.000000e+00 : f32
      %broadcast_in_dim3A_74 = vector.broadcast %broadcast_in_dim3A : f32 to vector<16xf32>
      %swap3A = arith.index_cast %scan3A_73 : i32 to index
      %swap3A_75 = arith.constant 0 : index
      %swap3A_76 = tpu.vector_load %arg8[%swap3A, %swap3A_75] {strides = array<i32>} : memref<128x128xf32, #tpu.memory_space<vmem>>, vector<16xf32>,
      tpu.vector_store %arg8[%swap3A, %swap3A_75], %broadcast_in_dim3A_74 {strides = array<i32>} : memref<128x128xf32, #tpu.memory_space<vmem>>, vector<16xf32>,
      %broadcast_in_dim3A_77 = arith.constant 0.000000e+00 : f32
      %broadcast_in_dim3A_78 = vector.broadcast %broadcast_in_dim3A_77 : f32 to vector<16xf32>
      %swap3A_79 = arith.index_cast %scan3A_73 : i32 to index
      %swap3A_80 = arith.constant 16 : index
      %swap3A_81 = tpu.vector_load %arg8[%swap3A_79, %swap3A_80] {strides = array<i32>} : memref<128x128xf32, #tpu.memory_space<vmem>>, vector<16xf32>,
      tpu.vector_store %arg8[%swap3A_79, %swap3A_80], %broadcast_in_dim3A_78 {strides = array<i32>} : memref<128x128xf32, #tpu.memory_space<vmem>>, vector<16xf32>,
      %broadcast_in_dim3A_82 = arith.constant 0.000000e+00 : f32
      %broadcast_in_dim3A_83 = vector.broadcast %broadcast_in_dim3A_82 : f32 to vector<16xf32>
      %swap3A_84 = arith.index_cast %scan3A_73 : i32 to index
      %swap3A_85 = arith.constant 32 : index
      %swap3A_86 = tpu.vector_load %arg8[%swap3A_84, %swap3A_85] {strides = array<i32>} : memref<128x128xf32, #tpu.memory_space<vmem>>, vector<16xf32>,
      tpu.vector_store %arg8[%swap3A_84, %swap3A_85], %broadcast_in_dim3A_83 {strides = array<i32>} : memref<128x128xf32, #tpu.memory_space<vmem>>, vector<16xf32>,
      %broadcast_in_dim3A_87 = arith.constant 0.000000e+00 : f32
      %broadcast_in_dim3A_88 = vector.broadcast %broadcast_in_dim3A_87 : f32 to vector<16xf32>
      %swap3A_89 = arith.index_cast %scan3A_73 : i32 to index
      %swap3A_90 = arith.constant 48 : index
      %swap3A_91 = tpu.vector_load %arg8[%swap3A_89, %swap3A_90] {strides = array<i32>} : memref<128x128xf32, #tpu.memory_space<vmem>>, vector<16xf32>,
      tpu.vector_store %arg8[%swap3A_89, %swap3A_90], %broadcast_in_dim3A_88 {strides = array<i32>} : memref<128x128xf32, #tpu.memory_space<vmem>>, vector<16xf32>,
      %broadcast_in_dim3A_92 = arith.constant 0.000000e+00 : f32
      %broadcast_in_dim3A_93 = vector.broadcast %broadcast_in_dim3A_92 : f32 to vector<16xf32>
      %swap3A_94 = arith.index_cast %scan3A_73 : i32 to index
      %swap3A_95 = arith.constant 64 : index
      %swap3A_96 = tpu.vector_load %arg8[%swap3A_94, %swap3A_95] {strides = array<i32>} : memref<128x128xf32, #tpu.memory_space<vmem>>, vector<16xf32>,
      tpu.vector_store %arg8[%swap3A_94, %swap3A_95], %broadcast_in_dim3A_93 {strides = array<i32>} : memref<128x128xf32, #tpu.memory_space<vmem>>, vector<16xf32>,
      %broadcast_in_dim3A_97 = arith.constant 0.000000e+00 : f32
      %broadcast_in_dim3A_98 = vector.broadcast %broadcast_in_dim3A_97 : f32 to vector<16xf32>
      %swap3A_99 = arith.index_cast %scan3A_73 : i32 to index
      %swap3A_100 = arith.constant 80 : index
      %swap3A_101 = tpu.vector_load %arg8[%swap3A_99, %swap3A_100] {strides = array<i32>} : memref<128x128xf32, #tpu.memory_space<vmem>>, vector<16xf32>,
      tpu.vector_store %arg8[%swap3A_99, %swap3A_100], %broadcast_in_dim3A_98 {strides = array<i32>} : memref<128x128xf32, #tpu.memory_space<vmem>>, vector<16xf32>,
      %broadcast_in_dim3A_102 = arith.constant 0.000000e+00 : f32
      %broadcast_in_dim3A_103 = vector.broadcast %broadcast_in_dim3A_102 : f32 to vector<16xf32>
      %swap3A_104 = arith.index_cast %scan3A_73 : i32 to index
      %swap3A_105 = arith.constant 96 : index
      %swap3A_106 = tpu.vector_load %arg8[%swap3A_104, %swap3A_105] {strides = array<i32>} : memref<128x128xf32, #tpu.memory_space<vmem>>, vector<16xf32>,
      tpu.vector_store %arg8[%swap3A_104, %swap3A_105], %broadcast_in_dim3A_103 {strides = array<i32>} : memref<128x128xf32, #tpu.memory_space<vmem>>, vector<16xf32>,
      %broadcast_in_dim3A_107 = arith.constant 0.000000e+00 : f32
      %broadcast_in_dim3A_108 = vector.broadcast %broadcast_in_dim3A_107 : f32 to vector<16xf32>
      %swap3A_109 = arith.index_cast %scan3A_73 : i32 to index
      %swap3A_110 = arith.constant 112 : index
      %swap3A_111 = tpu.vector_load %arg8[%swap3A_109, %swap3A_110] {strides = array<i32>} : memref<128x128xf32, #tpu.memory_space<vmem>>, vector<16xf32>,
      tpu.vector_store %arg8[%swap3A_109, %swap3A_110], %broadcast_in_dim3A_108 {strides = array<i32>} : memref<128x128xf32, #tpu.memory_space<vmem>>, vector<16xf32>,
    }
    %scan3A_4 = arith.constant 128 : i32
    %mul3A = arith.constant 640 : i32
    %mul3A_5 = arith.muli %arg1, %mul3A : i32
    %add3A = arith.constant 0 : i32
    %add3A_6 = arith.addi %mul3A_5, %add3A : i32
    "tpu.region"() ({
      %run_scoped3A = tpu.sem_alloc : memref<!tpu.dma_semaphore, #tpu.memory_space<semaphore_mem>>
      %dma_start3A_73 = arith.constant 0 : i32
      %dma_start3A_74 = tpu.memref_slice %arg10[%add3A_6, %dma_start3A_73] : memref<10240x128xf32, #tpu.memory_space<vmem_shared>> -> memref<128x128xf32, #tpu.memory_space<vmem_shared>>
      %dma_start3A_75 = arith.constant 0 : i32
      %dma_start3A_76 = tpu.memref_slice %arg10[%add3A_6, %dma_start3A_75] : memref<10240x128xf32, #tpu.memory_space<vmem_shared>> -> memref<128x128xf32, #tpu.memory_space<vmem_shared>>
      tpu.enqueue_dma source(%arg8 : memref<128x128xf32, #tpu.memory_space<vmem>>) target(%dma_start3A_76 : memref<128x128xf32, #tpu.memory_space<vmem_shared>>) target_semaphore(%run_scoped3A : memref<!tpu.dma_semaphore, #tpu.memory_space<semaphore_mem>>)
      %dma_wait3A = arith.constant 0 : i32
      %dma_wait3A_77 = tpu.memref_slice %arg10[%add3A_6, %dma_wait3A] : memref<10240x128xf32, #tpu.memory_space<vmem_shared>> -> memref<128x128xf32, #tpu.memory_space<vmem_shared>>
      %dma_wait3A_78 = arith.constant 0 : i32
      %dma_wait3A_79 = tpu.memref_slice %arg10[%add3A_6, %dma_wait3A_78] : memref<10240x128xf32, #tpu.memory_space<vmem_shared>> -> memref<128x128xf32, #tpu.memory_space<vmem_shared>>
      tpu.wait_dma2 semaphore(%run_scoped3A : memref<!tpu.dma_semaphore, #tpu.memory_space<semaphore_mem>>) src(%arg8 : memref<128x128xf32, #tpu.memory_space<vmem>>) dst(%dma_wait3A_79 : memref<128x128xf32, #tpu.memory_space<vmem_shared>>)
      tpu.yield
    }) : () -> ()
    %mul3A_7 = arith.constant 640 : i32
    %mul3A_8 = arith.muli %arg1, %mul3A_7 : i32
    %add3A_9 = arith.constant 128 : i32
    %add3A_10 = arith.addi %mul3A_8, %add3A_9 : i32
    "tpu.region"() ({
      %run_scoped3A = tpu.sem_alloc : memref<!tpu.dma_semaphore, #tpu.memory_space<semaphore_mem>>
      %dma_start3A_73 = arith.constant 0 : i32
      %dma_start3A_74 = tpu.memref_slice %arg10[%add3A_10, %dma_start3A_73] : memref<10240x128xf32, #tpu.memory_space<vmem_shared>> -> memref<128x128xf32, #tpu.memory_space<vmem_shared>>
      %dma_start3A_75 = arith.constant 0 : i32
      %dma_start3A_76 = tpu.memref_slice %arg10[%add3A_10, %dma_start3A_75] : memref<10240x128xf32, #tpu.memory_space<vmem_shared>> -> memref<128x128xf32, #tpu.memory_space<vmem_shared>>
      tpu.enqueue_dma source(%arg8 : memref<128x128xf32, #tpu.memory_space<vmem>>) target(%dma_start3A_76 : memref<128x128xf32, #tpu.memory_space<vmem_shared>>) target_semaphore(%run_scoped3A : memref<!tpu.dma_semaphore, #tpu.memory_space<semaphore_mem>>)
      %dma_wait3A = arith.constant 0 : i32
      %dma_wait3A_77 = tpu.memref_slice %arg10[%add3A_10, %dma_wait3A] : memref<10240x128xf32, #tpu.memory_space<vmem_shared>> -> memref<128x128xf32, #tpu.memory_space<vmem_shared>>
      %dma_wait3A_78 = arith.constant 0 : i32
      %dma_wait3A_79 = tpu.memref_slice %arg10[%add3A_10, %dma_wait3A_78] : memref<10240x128xf32, #tpu.memory_space<vmem_shared>> -> memref<128x128xf32, #tpu.memory_space<vmem_shared>>
      tpu.wait_dma2 semaphore(%run_scoped3A : memref<!tpu.dma_semaphore, #tpu.memory_space<semaphore_mem>>) src(%arg8 : memref<128x128xf32, #tpu.memory_space<vmem>>) dst(%dma_wait3A_79 : memref<128x128xf32, #tpu.memory_space<vmem_shared>>)
      tpu.yield
    }) : () -> ()
    %mul3A_11 = arith.constant 640 : i32
    %mul3A_12 = arith.muli %arg1, %mul3A_11 : i32
    %add3A_13 = arith.constant 256 : i32
    %add3A_14 = arith.addi %mul3A_12, %add3A_13 : i32
    "tpu.region"() ({
      %run_scoped3A = tpu.sem_alloc : memref<!tpu.dma_semaphore, #tpu.memory_space<semaphore_mem>>
      %dma_start3A_73 = arith.constant 0 : i32
      %dma_start3A_74 = tpu.memref_slice %arg10[%add3A_14, %dma_start3A_73] : memref<10240x128xf32, #tpu.memory_space<vmem_shared>> -> memref<128x128xf32, #tpu.memory_space<vmem_shared>>
      %dma_start3A_75 = arith.constant 0 : i32
      %dma_start3A_76 = tpu.memref_slice %arg10[%add3A_14, %dma_start3A_75] : memref<10240x128xf32, #tpu.memory_space<vmem_shared>> -> memref<128x128xf32, #tpu.memory_space<vmem_shared>>
      tpu.enqueue_dma source(%arg8 : memref<128x128xf32, #tpu.memory_space<vmem>>) target(%dma_start3A_76 : memref<128x128xf32, #tpu.memory_space<vmem_shared>>) target_semaphore(%run_scoped3A : memref<!tpu.dma_semaphore, #tpu.memory_space<semaphore_mem>>)
      %dma_wait3A = arith.constant 0 : i32
      %dma_wait3A_77 = tpu.memref_slice %arg10[%add3A_14, %dma_wait3A] : memref<10240x128xf32, #tpu.memory_space<vmem_shared>> -> memref<128x128xf32, #tpu.memory_space<vmem_shared>>
      %dma_wait3A_78 = arith.constant 0 : i32
      %dma_wait3A_79 = tpu.memref_slice %arg10[%add3A_14, %dma_wait3A_78] : memref<10240x128xf32, #tpu.memory_space<vmem_shared>> -> memref<128x128xf32, #tpu.memory_space<vmem_shared>>
      tpu.wait_dma2 semaphore(%run_scoped3A : memref<!tpu.dma_semaphore, #tpu.memory_space<semaphore_mem>>) src(%arg8 : memref<128x128xf32, #tpu.memory_space<vmem>>) dst(%dma_wait3A_79 : memref<128x128xf32, #tpu.memory_space<vmem_shared>>)
      tpu.yield
    }) : () -> ()
    %mul3A_15 = arith.constant 640 : i32
    %mul3A_16 = arith.muli %arg1, %mul3A_15 : i32
    %add3A_17 = arith.constant 384 : i32
    %add3A_18 = arith.addi %mul3A_16, %add3A_17 : i32
    "tpu.region"() ({
      %run_scoped3A = tpu.sem_alloc : memref<!tpu.dma_semaphore, #tpu.memory_space<semaphore_mem>>
      %dma_start3A_73 = arith.constant 0 : i32
      %dma_start3A_74 = tpu.memref_slice %arg10[%add3A_18, %dma_start3A_73] : memref<10240x128xf32, #tpu.memory_space<vmem_shared>> -> memref<128x128xf32, #tpu.memory_space<vmem_shared>>
      %dma_start3A_75 = arith.constant 0 : i32
      %dma_start3A_76 = tpu.memref_slice %arg10[%add3A_18, %dma_start3A_75] : memref<10240x128xf32, #tpu.memory_space<vmem_shared>> -> memref<128x128xf32, #tpu.memory_space<vmem_shared>>
      tpu.enqueue_dma source(%arg8 : memref<128x128xf32, #tpu.memory_space<vmem>>) target(%dma_start3A_76 : memref<128x128xf32, #tpu.memory_space<vmem_shared>>) target_semaphore(%run_scoped3A : memref<!tpu.dma_semaphore, #tpu.memory_space<semaphore_mem>>)
      %dma_wait3A = arith.constant 0 : i32
      %dma_wait3A_77 = tpu.memref_slice %arg10[%add3A_18, %dma_wait3A] : memref<10240x128xf32, #tpu.memory_space<vmem_shared>> -> memref<128x128xf32, #tpu.memory_space<vmem_shared>>
      %dma_wait3A_78 = arith.constant 0 : i32
      %dma_wait3A_79 = tpu.memref_slice %arg10[%add3A_18, %dma_wait3A_78] : memref<10240x128xf32, #tpu.memory_space<vmem_shared>> -> memref<128x128xf32, #tpu.memory_space<vmem_shared>>
      tpu.wait_dma2 semaphore(%run_scoped3A : memref<!tpu.dma_semaphore, #tpu.memory_space<semaphore_mem>>) src(%arg8 : memref<128x128xf32, #tpu.memory_space<vmem>>) dst(%dma_wait3A_79 : memref<128x128xf32, #tpu.memory_space<vmem_shared>>)
      tpu.yield
    }) : () -> ()
    %mul3A_19 = arith.constant 640 : i32
    %mul3A_20 = arith.muli %arg1, %mul3A_19 : i32
    %add3A_21 = arith.constant 512 : i32
    %add3A_22 = arith.addi %mul3A_20, %add3A_21 : i32
    "tpu.region"() ({
      %run_scoped3A = tpu.sem_alloc : memref<!tpu.dma_semaphore, #tpu.memory_space<semaphore_mem>>
      %dma_start3A_73 = arith.constant 0 : i32
      %dma_start3A_74 = tpu.memref_slice %arg10[%add3A_22, %dma_start3A_73] : memref<10240x128xf32, #tpu.memory_space<vmem_shared>> -> memref<128x128xf32, #tpu.memory_space<vmem_shared>>
      %dma_start3A_75 = arith.constant 0 : i32
      %dma_start3A_76 = tpu.memref_slice %arg10[%add3A_22, %dma_start3A_75] : memref<10240x128xf32, #tpu.memory_space<vmem_shared>> -> memref<128x128xf32, #tpu.memory_space<vmem_shared>>
      tpu.enqueue_dma source(%arg8 : memref<128x128xf32, #tpu.memory_space<vmem>>) target(%dma_start3A_76 : memref<128x128xf32, #tpu.memory_space<vmem_shared>>) target_semaphore(%run_scoped3A : memref<!tpu.dma_semaphore, #tpu.memory_space<semaphore_mem>>)
      %dma_wait3A = arith.constant 0 : i32
      %dma_wait3A_77 = tpu.memref_slice %arg10[%add3A_22, %dma_wait3A] : memref<10240x128xf32, #tpu.memory_space<vmem_shared>> -> memref<128x128xf32, #tpu.memory_space<vmem_shared>>
      %dma_wait3A_78 = arith.constant 0 : i32
      %dma_wait3A_79 = tpu.memref_slice %arg10[%add3A_22, %dma_wait3A_78] : memref<10240x128xf32, #tpu.memory_space<vmem_shared>> -> memref<128x128xf32, #tpu.memory_space<vmem_shared>>
      tpu.wait_dma2 semaphore(%run_scoped3A : memref<!tpu.dma_semaphore, #tpu.memory_space<semaphore_mem>>) src(%arg8 : memref<128x128xf32, #tpu.memory_space<vmem>>) dst(%dma_wait3A_79 : memref<128x128xf32, #tpu.memory_space<vmem_shared>>)
      tpu.yield
    }) : () -> ()
    %barrier3A = arith.constant 0 : index
    tpu.barrier barrier_id(%barrier3A)
    "tpu.region"() ({
      %run_scoped3A = tpu.sem_alloc : memref<!tpu.dma_semaphore, #tpu.memory_space<semaphore_mem>>
      %dma_start3A_73 = arith.constant 0 : i32
      %dma_start3A_74 = tpu.memref_slice %arg3[%arg1, %dma_start3A_73] : memref<16x10240xi32, #tpu.memory_space<hbm>> -> memref<1x5120xi32, #tpu.memory_space<hbm>>
      %dma_start3A_75 = tpu.memref_squeeze %dma_start3A_74 : memref<1x5120xi32, #tpu.memory_space<hbm>> -> memref<5120xi32, #tpu.memory_space<hbm>>
      %dma_start3A_76 = arith.constant 0 : i32
      %dma_start3A_77 = tpu.memref_slice %arg3[%arg1, %dma_start3A_76] : memref<16x10240xi32, #tpu.memory_space<hbm>> -> memref<1x5120xi32, #tpu.memory_space<hbm>>
      %dma_start3A_78 = tpu.memref_squeeze %dma_start3A_77 : memref<1x5120xi32, #tpu.memory_space<hbm>> -> memref<5120xi32, #tpu.memory_space<hbm>>
      tpu.enqueue_dma source(%dma_start3A_78 : memref<5120xi32, #tpu.memory_space<hbm>>) target(%arg6 : memref<5120xi32, #tpu.memory_space<vmem>>) target_semaphore(%run_scoped3A : memref<!tpu.dma_semaphore, #tpu.memory_space<semaphore_mem>>)
      %dma_wait3A = arith.constant 0 : i32
      %dma_wait3A_79 = tpu.memref_slice %arg3[%arg1, %dma_wait3A] : memref<16x10240xi32, #tpu.memory_space<hbm>> -> memref<1x5120xi32, #tpu.memory_space<hbm>>
      %dma_wait3A_80 = tpu.memref_squeeze %dma_wait3A_79 : memref<1x5120xi32, #tpu.memory_space<hbm>> -> memref<5120xi32, #tpu.memory_space<hbm>>
      %dma_wait3A_81 = arith.constant 0 : i32
      %dma_wait3A_82 = tpu.memref_slice %arg3[%arg1, %dma_wait3A_81] : memref<16x10240xi32, #tpu.memory_space<hbm>> -> memref<1x5120xi32, #tpu.memory_space<hbm>>
      %dma_wait3A_83 = tpu.memref_squeeze %dma_wait3A_82 : memref<1x5120xi32, #tpu.memory_space<hbm>> -> memref<5120xi32, #tpu.memory_space<hbm>>
      tpu.wait_dma2 semaphore(%run_scoped3A : memref<!tpu.dma_semaphore, #tpu.memory_space<semaphore_mem>>) src(%dma_wait3A_83 : memref<5120xi32, #tpu.memory_space<hbm>>) dst(%arg6 : memref<5120xi32, #tpu.memory_space<vmem>>)
      tpu.yield
    }) : () -> ()
    %dma_start3A = arith.constant 0 : i32
    %dma_start3A_23 = tpu.memref_slice %arg6[%dma_start3A] : memref<5120xi32, #tpu.memory_space<vmem>> -> memref<128xi32, #tpu.memory_space<vmem>>
    %dma_start3A_24 = arith.constant 0 : i32
    %dma_start3A_25 = arith.constant 0 : i32
    %dma_start3A_26 = tpu.memref_slice %arg2[%arg0, %dma_start3A_24, %dma_start3A_25] : memref<2x10240x128xf32, #tpu.memory_space<hbm>> -> memref<1x10240x128xf32, #tpu.memory_space<hbm>>
    %dma_start3A_27 = tpu.memref_squeeze %dma_start3A_26 : memref<1x10240x128xf32, #tpu.memory_space<hbm>> -> memref<10240x128xf32, #tpu.memory_space<hbm>>
    %dma_start3A_28 = arith.constant 0 : i32
    %dma_start3A_29 = arith.constant 0 : i32
    %dma_start3A_30 = tpu.memref_slice %dma_start3A_27[%dma_start3A_28, %dma_start3A_29] : memref<10240x128xf32, #tpu.memory_space<hbm>> -> memref<10240x128xf32, #tpu.memory_space<hbm>>
    tpu.enqueue_indirect_dma source(%dma_start3A_30 : memref<10240x128xf32, #tpu.memory_space<hbm>>) target(%arg8 : memref<128x128xf32, #tpu.memory_space<vmem>>) offsets(%dma_start3A_23 : memref<128xi32, #tpu.memory_space<vmem>>) semaphore(%arg11 : memref<!tpu.dma_semaphore, #tpu.memory_space<semaphore_mem>>)
    %dma_start3A_31 = arith.constant 128 : i32
    %dma_start3A_32 = tpu.memref_slice %arg6[%dma_start3A_31] : memref<5120xi32, #tpu.memory_space<vmem>> -> memref<128xi32, #tpu.memory_space<vmem>>
    %dma_start3A_33 = arith.constant 0 : i32
    %dma_start3A_34 = arith.constant 0 : i32
    %dma_start3A_35 = tpu.memref_slice %arg2[%arg0, %dma_start3A_33, %dma_start3A_34] : memref<2x10240x128xf32, #tpu.memory_space<hbm>> -> memref<1x10240x128xf32, #tpu.memory_space<hbm>>
    %dma_start3A_36 = tpu.memref_squeeze %dma_start3A_35 : memref<1x10240x128xf32, #tpu.memory_space<hbm>> -> memref<10240x128xf32, #tpu.memory_space<hbm>>
    %dma_start3A_37 = arith.constant 0 : i32
    %dma_start3A_38 = arith.constant 0 : i32
    %dma_start3A_39 = tpu.memref_slice %dma_start3A_36[%dma_start3A_37, %dma_start3A_38] : memref<10240x128xf32, #tpu.memory_space<hbm>> -> memref<10240x128xf32, #tpu.memory_space<hbm>>
    tpu.enqueue_indirect_dma source(%dma_start3A_39 : memref<10240x128xf32, #tpu.memory_space<hbm>>) target(%arg9 : memref<128x128xf32, #tpu.memory_space<vmem>>) offsets(%dma_start3A_32 : memref<128xi32, #tpu.memory_space<vmem>>) semaphore(%arg12 : memref<!tpu.dma_semaphore, #tpu.memory_space<semaphore_mem>>)
    %scan3A_40 = arith.constant 0 : i32
    %scan3A_41 = arith.constant 0 : i32
    %scan3A_42 = arith.constant 20 : i32
    %scan3A_43 = arith.addi %scan3A_41, %scan3A_42 : i32
    %scan3A_44 = arith.constant 1 : i32
    scf.for %scan3A_73 = %scan3A_41 to %scan3A_43 step %scan3A_44  : i32 {
      %mul3A_74 = arith.constant 2 : i32
      %mul3A_75 = arith.muli %mul3A_74, %scan3A_73 : i32
      %add3A_76 = arith.constant 0 : i32
      %add3A_77 = arith.addi %mul3A_75, %add3A_76 : i32
      %mul3A_78 = arith.constant 128 : i32
      %mul3A_79 = arith.muli %add3A_77, %mul3A_78 : i32
      %dma_wait3A = tpu.memref_slice %arg6[%mul3A_79] : memref<5120xi32, #tpu.memory_space<vmem>> -> memref<128xi32, #tpu.memory_space<vmem>>
      %dma_wait3A_80 = arith.constant 0 : i32
      %dma_wait3A_81 = arith.constant 0 : i32
      %dma_wait3A_82 = tpu.memref_slice %arg2[%arg0, %dma_wait3A_80, %dma_wait3A_81] : memref<2x10240x128xf32, #tpu.memory_space<hbm>> -> memref<1x10240x128xf32, #tpu.memory_space<hbm>>
      %dma_wait3A_83 = tpu.memref_squeeze %dma_wait3A_82 : memref<1x10240x128xf32, #tpu.memory_space<hbm>> -> memref<10240x128xf32, #tpu.memory_space<hbm>>
      %dma_wait3A_84 = arith.constant 0 : i32
      %dma_wait3A_85 = arith.constant 0 : i32
      %dma_wait3A_86 = tpu.memref_slice %dma_wait3A_83[%dma_wait3A_84, %dma_wait3A_85] : memref<10240x128xf32, #tpu.memory_space<hbm>> -> memref<10240x128xf32, #tpu.memory_space<hbm>>
      tpu.wait_indirect_dma semaphore(%arg11 : memref<!tpu.dma_semaphore, #tpu.memory_space<semaphore_mem>>) src(%dma_wait3A_86 : memref<10240x128xf32, #tpu.memory_space<hbm>>) dst(%arg8 : memref<128x128xf32, #tpu.memory_space<vmem>>)
      %add3A_87 = arith.constant 0 : i32
      %add3A_88 = arith.addi %add3A_87, %add3A_77 : i32
      "tpu.region"() ({
        %run_scoped3A = tpu.sem_alloc : memref<!tpu.dma_semaphore, #tpu.memory_space<semaphore_mem>>
        %dma_start3A_116 = arith.constant 0 : i32
        %dma_start3A_117 = tpu.memref_slice %arg7[%add3A_88, %dma_start3A_116] : memref<80x128xi32, #tpu.memory_space<vmem>> -> memref<1x128xi32, #tpu.memory_space<vmem>>
        %dma_start3A_118 = tpu.memref_squeeze %dma_start3A_117 : memref<1x128xi32, #tpu.memory_space<vmem>> -> memref<128xi32, #tpu.memory_space<vmem>>
        %dma_start3A_119 = arith.constant 0 : i32
        %dma_start3A_120 = arith.constant 0 : i32
        %dma_start3A_121 = tpu.memref_slice %arg10[%dma_start3A_119, %dma_start3A_120] : memref<10240x128xf32, #tpu.memory_space<vmem_shared>> -> memref<10240x128xf32, #tpu.memory_space<vmem_shared>>
        tpu.enqueue_indirect_dma source(%arg8 : memref<128x128xf32, #tpu.memory_space<vmem>>) target(%dma_start3A_121 : memref<10240x128xf32, #tpu.memory_space<vmem_shared>>) offsets(%dma_start3A_118 : memref<128xi32, #tpu.memory_space<vmem>>) semaphore(%run_scoped3A : memref<!tpu.dma_semaphore, #tpu.memory_space<semaphore_mem>>) {add = true}
        %dma_wait3A_122 = arith.constant 0 : i32
        %dma_wait3A_123 = tpu.memref_slice %arg7[%add3A_88, %dma_wait3A_122] : memref<80x128xi32, #tpu.memory_space<vmem>> -> memref<1x128xi32, #tpu.memory_space<vmem>>
        %dma_wait3A_124 = tpu.memref_squeeze %dma_wait3A_123 : memref<1x128xi32, #tpu.memory_space<vmem>> -> memref<128xi32, #tpu.memory_space<vmem>>
        %dma_wait3A_125 = arith.constant 0 : i32
        %dma_wait3A_126 = arith.constant 0 : i32
        %dma_wait3A_127 = tpu.memref_slice %arg10[%dma_wait3A_125, %dma_wait3A_126] : memref<10240x128xf32, #tpu.memory_space<vmem_shared>> -> memref<10240x128xf32, #tpu.memory_space<vmem_shared>>
        tpu.wait_indirect_dma semaphore(%run_scoped3A : memref<!tpu.dma_semaphore, #tpu.memory_space<semaphore_mem>>) src(%arg8 : memref<128x128xf32, #tpu.memory_space<vmem>>) dst(%dma_wait3A_127 : memref<10240x128xf32, #tpu.memory_space<vmem_shared>>)
        tpu.yield
      }) : () -> ()
      %add3A_89 = arith.constant 2 : i32
      %add3A_90 = arith.addi %add3A_77, %add3A_89 : i32
      %lt3A = arith.constant 40 : i32
      %lt3A_91 = arith.cmpi slt, %add3A_90, %lt3A : i32
      %convert_element_type3A = arith.extui %lt3A_91 : i1 to i32
      %cond3A = arith.constant 0 : i32
      %cond3A_92 = arith.cmpi ne, %convert_element_type3A, %cond3A : i32
      scf.if %cond3A_92 {
        %add3A_116 = arith.constant 2 : i32
        %add3A_117 = arith.addi %add3A_77, %add3A_116 : i32
        %mul3A_118 = arith.constant 128 : i32
        %mul3A_119 = arith.muli %add3A_117, %mul3A_118 : i32
        %dma_start3A_120 = tpu.memref_slice %arg6[%mul3A_119] : memref<5120xi32, #tpu.memory_space<vmem>> -> memref<128xi32, #tpu.memory_space<vmem>>
        %dma_start3A_121 = arith.constant 0 : i32
        %dma_start3A_122 = arith.constant 0 : i32
        %dma_start3A_123 = tpu.memref_slice %arg2[%arg0, %dma_start3A_121, %dma_start3A_122] : memref<2x10240x128xf32, #tpu.memory_space<hbm>> -> memref<1x10240x128xf32, #tpu.memory_space<hbm>>
        %dma_start3A_124 = tpu.memref_squeeze %dma_start3A_123 : memref<1x10240x128xf32, #tpu.memory_space<hbm>> -> memref<10240x128xf32, #tpu.memory_space<hbm>>
        %dma_start3A_125 = arith.constant 0 : i32
        %dma_start3A_126 = arith.constant 0 : i32
        %dma_start3A_127 = tpu.memref_slice %dma_start3A_124[%dma_start3A_125, %dma_start3A_126] : memref<10240x128xf32, #tpu.memory_space<hbm>> -> memref<10240x128xf32, #tpu.memory_space<hbm>>
        tpu.enqueue_indirect_dma source(%dma_start3A_127 : memref<10240x128xf32, #tpu.memory_space<hbm>>) target(%arg8 : memref<128x128xf32, #tpu.memory_space<vmem>>) offsets(%dma_start3A_120 : memref<128xi32, #tpu.memory_space<vmem>>) semaphore(%arg11 : memref<!tpu.dma_semaphore, #tpu.memory_space<semaphore_mem>>)
      } else {
      }
      %mul3A_93 = arith.constant 2 : i32
      %mul3A_94 = arith.muli %mul3A_93, %scan3A_73 : i32
      %add3A_95 = arith.constant 1 : i32
      %add3A_96 = arith.addi %mul3A_94, %add3A_95 : i32
      %mul3A_97 = arith.constant 128 : i32
      %mul3A_98 = arith.muli %add3A_96, %mul3A_97 : i32
      %dma_wait3A_99 = tpu.memref_slice %arg6[%mul3A_98] : memref<5120xi32, #tpu.memory_space<vmem>> -> memref<128xi32, #tpu.memory_space<vmem>>
      %dma_wait3A_100 = arith.constant 0 : i32
      %dma_wait3A_101 = arith.constant 0 : i32
      %dma_wait3A_102 = tpu.memref_slice %arg2[%arg0, %dma_wait3A_100, %dma_wait3A_101] : memref<2x10240x128xf32, #tpu.memory_space<hbm>> -> memref<1x10240x128xf32, #tpu.memory_space<hbm>>
      %dma_wait3A_103 = tpu.memref_squeeze %dma_wait3A_102 : memref<1x10240x128xf32, #tpu.memory_space<hbm>> -> memref<10240x128xf32, #tpu.memory_space<hbm>>
      %dma_wait3A_104 = arith.constant 0 : i32
      %dma_wait3A_105 = arith.constant 0 : i32
      %dma_wait3A_106 = tpu.memref_slice %dma_wait3A_103[%dma_wait3A_104, %dma_wait3A_105] : memref<10240x128xf32, #tpu.memory_space<hbm>> -> memref<10240x128xf32, #tpu.memory_space<hbm>>
      tpu.wait_indirect_dma semaphore(%arg12 : memref<!tpu.dma_semaphore, #tpu.memory_space<semaphore_mem>>) src(%dma_wait3A_106 : memref<10240x128xf32, #tpu.memory_space<hbm>>) dst(%arg9 : memref<128x128xf32, #tpu.memory_space<vmem>>)
      %add3A_107 = arith.constant 0 : i32
      %add3A_108 = arith.addi %add3A_107, %add3A_96 : i32
      "tpu.region"() ({
        %run_scoped3A = tpu.sem_alloc : memref<!tpu.dma_semaphore, #tpu.memory_space<semaphore_mem>>
        %dma_start3A_116 = arith.constant 0 : i32
        %dma_start3A_117 = tpu.memref_slice %arg7[%add3A_108, %dma_start3A_116] : memref<80x128xi32, #tpu.memory_space<vmem>> -> memref<1x128xi32, #tpu.memory_space<vmem>>
        %dma_start3A_118 = tpu.memref_squeeze %dma_start3A_117 : memref<1x128xi32, #tpu.memory_space<vmem>> -> memref<128xi32, #tpu.memory_space<vmem>>
        %dma_start3A_119 = arith.constant 0 : i32
        %dma_start3A_120 = arith.constant 0 : i32
        %dma_start3A_121 = tpu.memref_slice %arg10[%dma_start3A_119, %dma_start3A_120] : memref<10240x128xf32, #tpu.memory_space<vmem_shared>> -> memref<10240x128xf32, #tpu.memory_space<vmem_shared>>
        tpu.enqueue_indirect_dma source(%arg9 : memref<128x128xf32, #tpu.memory_space<vmem>>) target(%dma_start3A_121 : memref<10240x128xf32, #tpu.memory_space<vmem_shared>>) offsets(%dma_start3A_118 : memref<128xi32, #tpu.memory_space<vmem>>) semaphore(%run_scoped3A : memref<!tpu.dma_semaphore, #tpu.memory_space<semaphore_mem>>) {add = true}
        %dma_wait3A_122 = arith.constant 0 : i32
        %dma_wait3A_123 = tpu.memref_slice %arg7[%add3A_108, %dma_wait3A_122] : memref<80x128xi32, #tpu.memory_space<vmem>> -> memref<1x128xi32, #tpu.memory_space<vmem>>
        %dma_wait3A_124 = tpu.memref_squeeze %dma_wait3A_123 : memref<1x128xi32, #tpu.memory_space<vmem>> -> memref<128xi32, #tpu.memory_space<vmem>>
        %dma_wait3A_125 = arith.constant 0 : i32
        %dma_wait3A_126 = arith.constant 0 : i32
        %dma_wait3A_127 = tpu.memref_slice %arg10[%dma_wait3A_125, %dma_wait3A_126] : memref<10240x128xf32, #tpu.memory_space<vmem_shared>> -> memref<10240x128xf32, #tpu.memory_space<vmem_shared>>
        tpu.wait_indirect_dma semaphore(%run_scoped3A : memref<!tpu.dma_semaphore, #tpu.memory_space<semaphore_mem>>) src(%arg9 : memref<128x128xf32, #tpu.memory_space<vmem>>) dst(%dma_wait3A_127 : memref<10240x128xf32, #tpu.memory_space<vmem_shared>>)
        tpu.yield
      }) : () -> ()
      %add3A_109 = arith.constant 2 : i32
      %add3A_110 = arith.addi %add3A_96, %add3A_109 : i32
      %lt3A_111 = arith.constant 40 : i32
      %lt3A_112 = arith.cmpi slt, %add3A_110, %lt3A_111 : i32
      %convert_element_type3A_113 = arith.extui %lt3A_112 : i1 to i32
      %cond3A_114 = arith.constant 0 : i32
      %cond3A_115 = arith.cmpi ne, %convert_element_type3A_113, %cond3A_114 : i32
      scf.if %cond3A_115 {
        %add3A_116 = arith.constant 2 : i32
        %add3A_117 = arith.addi %add3A_96, %add3A_116 : i32
        %mul3A_118 = arith.constant 128 : i32
        %mul3A_119 = arith.muli %add3A_117, %mul3A_118 : i32
        %dma_start3A_120 = tpu.memref_slice %arg6[%mul3A_119] : memref<5120xi32, #tpu.memory_space<vmem>> -> memref<128xi32, #tpu.memory_space<vmem>>
        %dma_start3A_121 = arith.constant 0 : i32
        %dma_start3A_122 = arith.constant 0 : i32
        %dma_start3A_123 = tpu.memref_slice %arg2[%arg0, %dma_start3A_121, %dma_start3A_122] : memref<2x10240x128xf32, #tpu.memory_space<hbm>> -> memref<1x10240x128xf32, #tpu.memory_space<hbm>>
        %dma_start3A_124 = tpu.memref_squeeze %dma_start3A_123 : memref<1x10240x128xf32, #tpu.memory_space<hbm>> -> memref<10240x128xf32, #tpu.memory_space<hbm>>
        %dma_start3A_125 = arith.constant 0 : i32
        %dma_start3A_126 = arith.constant 0 : i32
        %dma_start3A_127 = tpu.memref_slice %dma_start3A_124[%dma_start3A_125, %dma_start3A_126] : memref<10240x128xf32, #tpu.memory_space<hbm>> -> memref<10240x128xf32, #tpu.memory_space<hbm>>
        tpu.enqueue_indirect_dma source(%dma_start3A_127 : memref<10240x128xf32, #tpu.memory_space<hbm>>) target(%arg9 : memref<128x128xf32, #tpu.memory_space<vmem>>) offsets(%dma_start3A_120 : memref<128xi32, #tpu.memory_space<vmem>>) semaphore(%arg12 : memref<!tpu.dma_semaphore, #tpu.memory_space<semaphore_mem>>)
      } else {
      }
    }
    %scan3A_45 = arith.constant 20 : i32
    "tpu.region"() ({
      %run_scoped3A = tpu.sem_alloc : memref<!tpu.dma_semaphore, #tpu.memory_space<semaphore_mem>>
      %dma_start3A_73 = arith.constant 5120 : i32
      %dma_start3A_74 = tpu.memref_slice %arg3[%arg1, %dma_start3A_73] : memref<16x10240xi32, #tpu.memory_space<hbm>> -> memref<1x5120xi32, #tpu.memory_space<hbm>>
      %dma_start3A_75 = tpu.memref_squeeze %dma_start3A_74 : memref<1x5120xi32, #tpu.memory_space<hbm>> -> memref<5120xi32, #tpu.memory_space<hbm>>
      %dma_start3A_76 = arith.constant 5120 : i32
      %dma_start3A_77 = tpu.memref_slice %arg3[%arg1, %dma_start3A_76] : memref<16x10240xi32, #tpu.memory_space<hbm>> -> memref<1x5120xi32, #tpu.memory_space<hbm>>
      %dma_start3A_78 = tpu.memref_squeeze %dma_start3A_77 : memref<1x5120xi32, #tpu.memory_space<hbm>> -> memref<5120xi32, #tpu.memory_space<hbm>>
      tpu.enqueue_dma source(%dma_start3A_78 : memref<5120xi32, #tpu.memory_space<hbm>>) target(%arg6 : memref<5120xi32, #tpu.memory_space<vmem>>) target_semaphore(%run_scoped3A : memref<!tpu.dma_semaphore, #tpu.memory_space<semaphore_mem>>)
      %dma_wait3A = arith.constant 5120 : i32
      %dma_wait3A_79 = tpu.memref_slice %arg3[%arg1, %dma_wait3A] : memref<16x10240xi32, #tpu.memory_space<hbm>> -> memref<1x5120xi32, #tpu.memory_space<hbm>>
      %dma_wait3A_80 = tpu.memref_squeeze %dma_wait3A_79 : memref<1x5120xi32, #tpu.memory_space<hbm>> -> memref<5120xi32, #tpu.memory_space<hbm>>
      %dma_wait3A_81 = arith.constant 5120 : i32
      %dma_wait3A_82 = tpu.memref_slice %arg3[%arg1, %dma_wait3A_81] : memref<16x10240xi32, #tpu.memory_space<hbm>> -> memref<1x5120xi32, #tpu.memory_space<hbm>>
      %dma_wait3A_83 = tpu.memref_squeeze %dma_wait3A_82 : memref<1x5120xi32, #tpu.memory_space<hbm>> -> memref<5120xi32, #tpu.memory_space<hbm>>
      tpu.wait_dma2 semaphore(%run_scoped3A : memref<!tpu.dma_semaphore, #tpu.memory_space<semaphore_mem>>) src(%dma_wait3A_83 : memref<5120xi32, #tpu.memory_space<hbm>>) dst(%arg6 : memref<5120xi32, #tpu.memory_space<vmem>>)
      tpu.yield
    }) : () -> ()
    %dma_start3A_46 = arith.constant 0 : i32
    %dma_start3A_47 = tpu.memref_slice %arg6[%dma_start3A_46] : memref<5120xi32, #tpu.memory_space<vmem>> -> memref<128xi32, #tpu.memory_space<vmem>>
    %dma_start3A_48 = arith.constant 0 : i32
    %dma_start3A_49 = arith.constant 0 : i32
    %dma_start3A_50 = tpu.memref_slice %arg2[%arg0, %dma_start3A_48, %dma_start3A_49] : memref<2x10240x128xf32, #tpu.memory_space<hbm>> -> memref<1x10240x128xf32, #tpu.memory_space<hbm>>
    %dma_start3A_51 = tpu.memref_squeeze %dma_start3A_50 : memref<1x10240x128xf32, #tpu.memory_space<hbm>> -> memref<10240x128xf32, #tpu.memory_space<hbm>>
    %dma_start3A_52 = arith.constant 0 : i32
    %dma_start3A_53 = arith.constant 0 : i32
    %dma_start3A_54 = tpu.memref_slice %dma_start3A_51[%dma_start3A_52, %dma_start3A_53] : memref<10240x128xf32, #tpu.memory_space<hbm>> -> memref<10240x128xf32, #tpu.memory_space<hbm>>
    tpu.enqueue_indirect_dma source(%dma_start3A_54 : memref<10240x128xf32, #tpu.memory_space<hbm>>) target(%arg8 : memref<128x128xf32, #tpu.memory_space<vmem>>) offsets(%dma_start3A_47 : memref<128xi32, #tpu.memory_space<vmem>>) semaphore(%arg11 : memref<!tpu.dma_semaphore, #tpu.memory_space<semaphore_mem>>)
    %dma_start3A_55 = arith.constant 128 : i32
    %dma_start3A_56 = tpu.memref_slice %arg6[%dma_start3A_55] : memref<5120xi32, #tpu.memory_space<vmem>> -> memref<128xi32, #tpu.memory_space<vmem>>
    %dma_start3A_57 = arith.constant 0 : i32
    %dma_start3A_58 = arith.constant 0 : i32
    %dma_start3A_59 = tpu.memref_slice %arg2[%arg0, %dma_start3A_57, %dma_start3A_58] : memref<2x10240x128xf32, #tpu.memory_space<hbm>> -> memref<1x10240x128xf32, #tpu.memory_space<hbm>>
    %dma_start3A_60 = tpu.memref_squeeze %dma_start3A_59 : memref<1x10240x128xf32, #tpu.memory_space<hbm>> -> memref<10240x128xf32, #tpu.memory_space<hbm>>
    %dma_start3A_61 = arith.constant 0 : i32
    %dma_start3A_62 = arith.constant 0 : i32
    %dma_start3A_63 = tpu.memref_slice %dma_start3A_60[%dma_start3A_61, %dma_start3A_62] : memref<10240x128xf32, #tpu.memory_space<hbm>> -> memref<10240x128xf32, #tpu.memory_space<hbm>>
    tpu.enqueue_indirect_dma source(%dma_start3A_63 : memref<10240x128xf32, #tpu.memory_space<hbm>>) target(%arg9 : memref<128x128xf32, #tpu.memory_space<vmem>>) offsets(%dma_start3A_56 : memref<128xi32, #tpu.memory_space<vmem>>) semaphore(%arg12 : memref<!tpu.dma_semaphore, #tpu.memory_space<semaphore_mem>>)
    %scan3A_64 = arith.constant 0 : i32
    %scan3A_65 = arith.constant 0 : i32
    %scan3A_66 = arith.constant 20 : i32
    %scan3A_67 = arith.addi %scan3A_65, %scan3A_66 : i32
    %scan3A_68 = arith.constant 1 : i32
    scf.for %scan3A_73 = %scan3A_65 to %scan3A_67 step %scan3A_68  : i32 {
      %mul3A_74 = arith.constant 2 : i32
      %mul3A_75 = arith.muli %mul3A_74, %scan3A_73 : i32
      %add3A_76 = arith.constant 0 : i32
      %add3A_77 = arith.addi %mul3A_75, %add3A_76 : i32
      %mul3A_78 = arith.constant 128 : i32
      %mul3A_79 = arith.muli %add3A_77, %mul3A_78 : i32
      %dma_wait3A = tpu.memref_slice %arg6[%mul3A_79] : memref<5120xi32, #tpu.memory_space<vmem>> -> memref<128xi32, #tpu.memory_space<vmem>>
      %dma_wait3A_80 = arith.constant 0 : i32
      %dma_wait3A_81 = arith.constant 0 : i32
      %dma_wait3A_82 = tpu.memref_slice %arg2[%arg0, %dma_wait3A_80, %dma_wait3A_81] : memref<2x10240x128xf32, #tpu.memory_space<hbm>> -> memref<1x10240x128xf32, #tpu.memory_space<hbm>>
      %dma_wait3A_83 = tpu.memref_squeeze %dma_wait3A_82 : memref<1x10240x128xf32, #tpu.memory_space<hbm>> -> memref<10240x128xf32, #tpu.memory_space<hbm>>
      %dma_wait3A_84 = arith.constant 0 : i32
      %dma_wait3A_85 = arith.constant 0 : i32
      %dma_wait3A_86 = tpu.memref_slice %dma_wait3A_83[%dma_wait3A_84, %dma_wait3A_85] : memref<10240x128xf32, #tpu.memory_space<hbm>> -> memref<10240x128xf32, #tpu.memory_space<hbm>>
      tpu.wait_indirect_dma semaphore(%arg11 : memref<!tpu.dma_semaphore, #tpu.memory_space<semaphore_mem>>) src(%dma_wait3A_86 : memref<10240x128xf32, #tpu.memory_space<hbm>>) dst(%arg8 : memref<128x128xf32, #tpu.memory_space<vmem>>)
      %add3A_87 = arith.constant 40 : i32
      %add3A_88 = arith.addi %add3A_87, %add3A_77 : i32
      "tpu.region"() ({
        %run_scoped3A = tpu.sem_alloc : memref<!tpu.dma_semaphore, #tpu.memory_space<semaphore_mem>>
        %dma_start3A_116 = arith.constant 0 : i32
        %dma_start3A_117 = tpu.memref_slice %arg7[%add3A_88, %dma_start3A_116] : memref<80x128xi32, #tpu.memory_space<vmem>> -> memref<1x128xi32, #tpu.memory_space<vmem>>
        %dma_start3A_118 = tpu.memref_squeeze %dma_start3A_117 : memref<1x128xi32, #tpu.memory_space<vmem>> -> memref<128xi32, #tpu.memory_space<vmem>>
        %dma_start3A_119 = arith.constant 0 : i32
        %dma_start3A_120 = arith.constant 0 : i32
        %dma_start3A_121 = tpu.memref_slice %arg10[%dma_start3A_119, %dma_start3A_120] : memref<10240x128xf32, #tpu.memory_space<vmem_shared>> -> memref<10240x128xf32, #tpu.memory_space<vmem_shared>>
        tpu.enqueue_indirect_dma source(%arg8 : memref<128x128xf32, #tpu.memory_space<vmem>>) target(%dma_start3A_121 : memref<10240x128xf32, #tpu.memory_space<vmem_shared>>) offsets(%dma_start3A_118 : memref<128xi32, #tpu.memory_space<vmem>>) semaphore(%run_scoped3A : memref<!tpu.dma_semaphore, #tpu.memory_space<semaphore_mem>>) {add = true}
        %dma_wait3A_122 = arith.constant 0 : i32
        %dma_wait3A_123 = tpu.memref_slice %arg7[%add3A_88, %dma_wait3A_122] : memref<80x128xi32, #tpu.memory_space<vmem>> -> memref<1x128xi32, #tpu.memory_space<vmem>>
        %dma_wait3A_124 = tpu.memref_squeeze %dma_wait3A_123 : memref<1x128xi32, #tpu.memory_space<vmem>> -> memref<128xi32, #tpu.memory_space<vmem>>
        %dma_wait3A_125 = arith.constant 0 : i32
        %dma_wait3A_126 = arith.constant 0 : i32
        %dma_wait3A_127 = tpu.memref_slice %arg10[%dma_wait3A_125, %dma_wait3A_126] : memref<10240x128xf32, #tpu.memory_space<vmem_shared>> -> memref<10240x128xf32, #tpu.memory_space<vmem_shared>>
        tpu.wait_indirect_dma semaphore(%run_scoped3A : memref<!tpu.dma_semaphore, #tpu.memory_space<semaphore_mem>>) src(%arg8 : memref<128x128xf32, #tpu.memory_space<vmem>>) dst(%dma_wait3A_127 : memref<10240x128xf32, #tpu.memory_space<vmem_shared>>)
        tpu.yield
      }) : () -> ()
      %add3A_89 = arith.constant 2 : i32
      %add3A_90 = arith.addi %add3A_77, %add3A_89 : i32
      %lt3A = arith.constant 40 : i32
      %lt3A_91 = arith.cmpi slt, %add3A_90, %lt3A : i32
      %convert_element_type3A = arith.extui %lt3A_91 : i1 to i32
      %cond3A = arith.constant 0 : i32
      %cond3A_92 = arith.cmpi ne, %convert_element_type3A, %cond3A : i32
      scf.if %cond3A_92 {
        %add3A_116 = arith.constant 2 : i32
        %add3A_117 = arith.addi %add3A_77, %add3A_116 : i32
        %mul3A_118 = arith.constant 128 : i32
        %mul3A_119 = arith.muli %add3A_117, %mul3A_118 : i32
        %dma_start3A_120 = tpu.memref_slice %arg6[%mul3A_119] : memref<5120xi32, #tpu.memory_space<vmem>> -> memref<128xi32, #tpu.memory_space<vmem>>
        %dma_start3A_121 = arith.constant 0 : i32
        %dma_start3A_122 = arith.constant 0 : i32
        %dma_start3A_123 = tpu.memref_slice %arg2[%arg0, %dma_start3A_121, %dma_start3A_122] : memref<2x10240x128xf32, #tpu.memory_space<hbm>> -> memref<1x10240x128xf32, #tpu.memory_space<hbm>>
        %dma_start3A_124 = tpu.memref_squeeze %dma_start3A_123 : memref<1x10240x128xf32, #tpu.memory_space<hbm>> -> memref<10240x128xf32, #tpu.memory_space<hbm>>
        %dma_start3A_125 = arith.constant 0 : i32
        %dma_start3A_126 = arith.constant 0 : i32
        %dma_start3A_127 = tpu.memref_slice %dma_start3A_124[%dma_start3A_125, %dma_start3A_126] : memref<10240x128xf32, #tpu.memory_space<hbm>> -> memref<10240x128xf32, #tpu.memory_space<hbm>>
        tpu.enqueue_indirect_dma source(%dma_start3A_127 : memref<10240x128xf32, #tpu.memory_space<hbm>>) target(%arg8 : memref<128x128xf32, #tpu.memory_space<vmem>>) offsets(%dma_start3A_120 : memref<128xi32, #tpu.memory_space<vmem>>) semaphore(%arg11 : memref<!tpu.dma_semaphore, #tpu.memory_space<semaphore_mem>>)
      } else {
      }
      %mul3A_93 = arith.constant 2 : i32
      %mul3A_94 = arith.muli %mul3A_93, %scan3A_73 : i32
      %add3A_95 = arith.constant 1 : i32
      %add3A_96 = arith.addi %mul3A_94, %add3A_95 : i32
      %mul3A_97 = arith.constant 128 : i32
      %mul3A_98 = arith.muli %add3A_96, %mul3A_97 : i32
      %dma_wait3A_99 = tpu.memref_slice %arg6[%mul3A_98] : memref<5120xi32, #tpu.memory_space<vmem>> -> memref<128xi32, #tpu.memory_space<vmem>>
      %dma_wait3A_100 = arith.constant 0 : i32
      %dma_wait3A_101 = arith.constant 0 : i32
      %dma_wait3A_102 = tpu.memref_slice %arg2[%arg0, %dma_wait3A_100, %dma_wait3A_101] : memref<2x10240x128xf32, #tpu.memory_space<hbm>> -> memref<1x10240x128xf32, #tpu.memory_space<hbm>>
      %dma_wait3A_103 = tpu.memref_squeeze %dma_wait3A_102 : memref<1x10240x128xf32, #tpu.memory_space<hbm>> -> memref<10240x128xf32, #tpu.memory_space<hbm>>
      %dma_wait3A_104 = arith.constant 0 : i32
      %dma_wait3A_105 = arith.constant 0 : i32
      %dma_wait3A_106 = tpu.memref_slice %dma_wait3A_103[%dma_wait3A_104, %dma_wait3A_105] : memref<10240x128xf32, #tpu.memory_space<hbm>> -> memref<10240x128xf32, #tpu.memory_space<hbm>>
      tpu.wait_indirect_dma semaphore(%arg12 : memref<!tpu.dma_semaphore, #tpu.memory_space<semaphore_mem>>) src(%dma_wait3A_106 : memref<10240x128xf32, #tpu.memory_space<hbm>>) dst(%arg9 : memref<128x128xf32, #tpu.memory_space<vmem>>)
      %add3A_107 = arith.constant 40 : i32
      %add3A_108 = arith.addi %add3A_107, %add3A_96 : i32
      "tpu.region"() ({
        %run_scoped3A = tpu.sem_alloc : memref<!tpu.dma_semaphore, #tpu.memory_space<semaphore_mem>>
        %dma_start3A_116 = arith.constant 0 : i32
        %dma_start3A_117 = tpu.memref_slice %arg7[%add3A_108, %dma_start3A_116] : memref<80x128xi32, #tpu.memory_space<vmem>> -> memref<1x128xi32, #tpu.memory_space<vmem>>
        %dma_start3A_118 = tpu.memref_squeeze %dma_start3A_117 : memref<1x128xi32, #tpu.memory_space<vmem>> -> memref<128xi32, #tpu.memory_space<vmem>>
        %dma_start3A_119 = arith.constant 0 : i32
        %dma_start3A_120 = arith.constant 0 : i32
        %dma_start3A_121 = tpu.memref_slice %arg10[%dma_start3A_119, %dma_start3A_120] : memref<10240x128xf32, #tpu.memory_space<vmem_shared>> -> memref<10240x128xf32, #tpu.memory_space<vmem_shared>>
        tpu.enqueue_indirect_dma source(%arg9 : memref<128x128xf32, #tpu.memory_space<vmem>>) target(%dma_start3A_121 : memref<10240x128xf32, #tpu.memory_space<vmem_shared>>) offsets(%dma_start3A_118 : memref<128xi32, #tpu.memory_space<vmem>>) semaphore(%run_scoped3A : memref<!tpu.dma_semaphore, #tpu.memory_space<semaphore_mem>>) {add = true}
        %dma_wait3A_122 = arith.constant 0 : i32
        %dma_wait3A_123 = tpu.memref_slice %arg7[%add3A_108, %dma_wait3A_122] : memref<80x128xi32, #tpu.memory_space<vmem>> -> memref<1x128xi32, #tpu.memory_space<vmem>>
        %dma_wait3A_124 = tpu.memref_squeeze %dma_wait3A_123 : memref<1x128xi32, #tpu.memory_space<vmem>> -> memref<128xi32, #tpu.memory_space<vmem>>
        %dma_wait3A_125 = arith.constant 0 : i32
        %dma_wait3A_126 = arith.constant 0 : i32
        %dma_wait3A_127 = tpu.memref_slice %arg10[%dma_wait3A_125, %dma_wait3A_126] : memref<10240x128xf32, #tpu.memory_space<vmem_shared>> -> memref<10240x128xf32, #tpu.memory_space<vmem_shared>>
        tpu.wait_indirect_dma semaphore(%run_scoped3A : memref<!tpu.dma_semaphore, #tpu.memory_space<semaphore_mem>>) src(%arg9 : memref<128x128xf32, #tpu.memory_space<vmem>>) dst(%dma_wait3A_127 : memref<10240x128xf32, #tpu.memory_space<vmem_shared>>)
        tpu.yield
      }) : () -> ()
      %add3A_109 = arith.constant 2 : i32
      %add3A_110 = arith.addi %add3A_96, %add3A_109 : i32
      %lt3A_111 = arith.constant 40 : i32
      %lt3A_112 = arith.cmpi slt, %add3A_110, %lt3A_111 : i32
      %convert_element_type3A_113 = arith.extui %lt3A_112 : i1 to i32
      %cond3A_114 = arith.constant 0 : i32
      %cond3A_115 = arith.cmpi ne, %convert_element_type3A_113, %cond3A_114 : i32
      scf.if %cond3A_115 {
        %add3A_116 = arith.constant 2 : i32
        %add3A_117 = arith.addi %add3A_96, %add3A_116 : i32
        %mul3A_118 = arith.constant 128 : i32
        %mul3A_119 = arith.muli %add3A_117, %mul3A_118 : i32
        %dma_start3A_120 = tpu.memref_slice %arg6[%mul3A_119] : memref<5120xi32, #tpu.memory_space<vmem>> -> memref<128xi32, #tpu.memory_space<vmem>>
        %dma_start3A_121 = arith.constant 0 : i32
        %dma_start3A_122 = arith.constant 0 : i32
        %dma_start3A_123 = tpu.memref_slice %arg2[%arg0, %dma_start3A_121, %dma_start3A_122] : memref<2x10240x128xf32, #tpu.memory_space<hbm>> -> memref<1x10240x128xf32, #tpu.memory_space<hbm>>
        %dma_start3A_124 = tpu.memref_squeeze %dma_start3A_123 : memref<1x10240x128xf32, #tpu.memory_space<hbm>> -> memref<10240x128xf32, #tpu.memory_space<hbm>>
        %dma_start3A_125 = arith.constant 0 : i32
        %dma_start3A_126 = arith.constant 0 : i32
        %dma_start3A_127 = tpu.memref_slice %dma_start3A_124[%dma_start3A_125, %dma_start3A_126] : memref<10240x128xf32, #tpu.memory_space<hbm>> -> memref<10240x128xf32, #tpu.memory_space<hbm>>
        tpu.enqueue_indirect_dma source(%dma_start3A_127 : memref<10240x128xf32, #tpu.memory_space<hbm>>) target(%arg9 : memref<128x128xf32, #tpu.memory_space<vmem>>) offsets(%dma_start3A_120 : memref<128xi32, #tpu.memory_space<vmem>>) semaphore(%arg12 : memref<!tpu.dma_semaphore, #tpu.memory_space<semaphore_mem>>)
      } else {
      }
    }
    %scan3A_69 = arith.constant 20 : i32
    %barrier3A_70 = arith.constant 0 : index
    tpu.barrier barrier_id(%barrier3A_70)
    %mul3A_71 = arith.constant 640 : i32
    %mul3A_72 = arith.muli %arg1, %mul3A_71 : i32
    "tpu.region"() ({
      %run_scoped3A = tpu.sem_alloc : memref<!tpu.dma_semaphore, #tpu.memory_space<semaphore_mem>>
      %dma_start3A_73 = arith.constant 0 : i32
      %dma_start3A_74 = arith.constant 0 : i32
      %dma_start3A_75 = tpu.memref_slice %arg5[%arg0, %dma_start3A_73, %dma_start3A_74] : memref<2x10240x128xf32, #tpu.memory_space<hbm>> -> memref<1x10240x128xf32, #tpu.memory_space<hbm>>
      %dma_start3A_76 = tpu.memref_squeeze %dma_start3A_75 : memref<1x10240x128xf32, #tpu.memory_space<hbm>> -> memref<10240x128xf32, #tpu.memory_space<hbm>>
      %dma_start3A_77 = arith.constant 0 : i32
      %dma_start3A_78 = tpu.memref_slice %dma_start3A_76[%mul3A_72, %dma_start3A_77] : memref<10240x128xf32, #tpu.memory_space<hbm>> -> memref<640x128xf32, #tpu.memory_space<hbm>>
      %dma_start3A_79 = arith.constant 0 : i32
      %dma_start3A_80 = tpu.memref_slice %arg10[%mul3A_72, %dma_start3A_79] : memref<10240x128xf32, #tpu.memory_space<vmem_shared>> -> memref<640x128xf32, #tpu.memory_space<vmem_shared>>
      tpu.enqueue_dma source(%dma_start3A_80 : memref<640x128xf32, #tpu.memory_space<vmem_shared>>) target(%dma_start3A_78 : memref<640x128xf32, #tpu.memory_space<hbm>>) target_semaphore(%run_scoped3A : memref<!tpu.dma_semaphore, #tpu.memory_space<semaphore_mem>>)
      %dma_wait3A = arith.constant 0 : i32
      %dma_wait3A_81 = arith.constant 0 : i32
      %dma_wait3A_82 = tpu.memref_slice %arg5[%arg0, %dma_wait3A, %dma_wait3A_81] : memref<2x10240x128xf32, #tpu.memory_space<hbm>> -> memref<1x10240x128xf32, #tpu.memory_space<hbm>>
      %dma_wait3A_83 = tpu.memref_squeeze %dma_wait3A_82 : memref<1x10240x128xf32, #tpu.memory_space<hbm>> -> memref<10240x128xf32, #tpu.memory_space<hbm>>
      %dma_wait3A_84 = arith.constant 0 : i32
      %dma_wait3A_85 = tpu.memref_slice %dma_wait3A_83[%mul3A_72, %dma_wait3A_84] : memref<10240x128xf32, #tpu.memory_space<hbm>> -> memref<640x128xf32, #tpu.memory_space<hbm>>
      %dma_wait3A_86 = arith.constant 0 : i32
      %dma_wait3A_87 = tpu.memref_slice %arg10[%mul3A_72, %dma_wait3A_86] : memref<10240x128xf32, #tpu.memory_space<vmem_shared>> -> memref<640x128xf32, #tpu.memory_space<vmem_shared>>
      tpu.wait_dma2 semaphore(%run_scoped3A : memref<!tpu.dma_semaphore, #tpu.memory_space<semaphore_mem>>) src(%dma_wait3A_87 : memref<640x128xf32, #tpu.memory_space<vmem_shared>>) dst(%dma_wait3A_85 : memref<640x128xf32, #tpu.memory_space<hbm>>)
      tpu.yield
    }) : () -> ()
    return
  }
}

module attributes {stable_mosaic.version = 14 : i64} {
  func.func @_prologue_body(%arg0: i32, %arg1: memref<1024x256xf32, #tpu.memory_space<vmem>>, %arg2: memref<1024x1xf32, #tpu.memory_space<vmem>>, %arg3: memref<1024x1xf32, #tpu.memory_space<vmem>>, %arg4: memref<2x1024x128xf32, #tpu.memory_space<vmem>>, %arg5: memref<1024x1xf32, #tpu.memory_space<vmem>>, %arg6: memref<1024x1xf32, #tpu.memory_space<vmem>>) attributes {dimension_semantics = [#tpu.dimension_semantics<arbitrary>], iteration_bounds = array<i64: 10>, scalar_prefetch = 0 : i64, scratch_operands = 0 : i64, tpu.core_type = #tpu.core_type<tc>, window_params = [{transform_indices = @transform_0, window_bounds = array<i64: 1024, 256>}, {transform_indices = @transform_1, window_bounds = array<i64: 1024, 1>}, {transform_indices = @transform_2, window_bounds = array<i64: 1024, 1>}, {transform_indices = @transform_3, window_bounds = array<i64: 2, 1024, 128>}, {transform_indices = @transform_4, window_bounds = array<i64: 1024, 1>}, {transform_indices = @transform_5, window_bounds = array<i64: 1024, 1>}]} {
    %get3A = arith.constant 0 : index
    %get3A_0 = arith.constant 0 : index
    %get3A_1 = vector.load %arg2[%get3A, %get3A_0] : memref<1024x1xf32, #tpu.memory_space<vmem>>, vector<1024x1xf32>
    %get3A_2 = arith.constant 0 : index
    %get3A_3 = arith.constant 0 : index
    %get3A_4 = vector.load %arg3[%get3A_2, %get3A_3] : memref<1024x1xf32, #tpu.memory_space<vmem>>, vector<1024x1xf32>
    %gt3A = arith.constant 0.000000e+00 : f32
    %gt3A_5 = vector.broadcast %gt3A : f32 to vector<1024x1xf32>
    %gt3A_6 = arith.cmpf ogt, %get3A_1, %gt3A_5 : vector<1024x1xf32>
    %max3A = arith.constant 1.000000e+00 : f32
    %max3A_7 = vector.broadcast %max3A : f32 to vector<1024x1xf32>
    %max3A_8 = arith.maximumf %get3A_1, %max3A_7 : vector<1024x1xf32>
    %rsqrt3A = math.rsqrt %max3A_8 : vector<1024x1xf32>
    %jit3A = arith.constant 0.000000e+00 : f32
    %broadcast_in_dim3A = vector.broadcast %jit3A : f32 to vector<1024x1xf32>
    %select_n3A = arith.select %gt3A_6, %rsqrt3A, %broadcast_in_dim3A : vector<1024x1xi1>, vector<1024x1xf32>
    %gt3A_9 = arith.constant 0.000000e+00 : f32
    %gt3A_10 = vector.broadcast %gt3A_9 : f32 to vector<1024x1xf32>
    %gt3A_11 = arith.cmpf ogt, %get3A_4, %gt3A_10 : vector<1024x1xf32>
    %max3A_12 = arith.constant 1.000000e+00 : f32
    %max3A_13 = vector.broadcast %max3A_12 : f32 to vector<1024x1xf32>
    %max3A_14 = arith.maximumf %get3A_4, %max3A_13 : vector<1024x1xf32>
    %rsqrt3A_15 = math.rsqrt %max3A_14 : vector<1024x1xf32>
    %jit3A_16 = arith.constant 0.000000e+00 : f32
    %broadcast_in_dim3A_17 = vector.broadcast %jit3A_16 : f32 to vector<1024x1xf32>
    %select_n3A_18 = arith.select %gt3A_11, %rsqrt3A_15, %broadcast_in_dim3A_17 : vector<1024x1xi1>, vector<1024x1xf32>
    %iota3A = tpu.iota {dimensions = array<i32: 0>} : vector<1024x1xi32>
    %mul3A = arith.constant 1024 : i32
    %mul3A_19 = arith.muli %arg0, %mul3A : i32
    %add3A = vector.broadcast %mul3A_19 : i32 to vector<1024x1xi32>
    %add3A_20 = arith.addi %iota3A, %add3A : vector<1024x1xi32>
    %lt3A = arith.constant 10000 : i32
    %lt3A_21 = vector.broadcast %lt3A : i32 to vector<1024x1xi32>
    %lt3A_22 = arith.cmpi slt, %add3A_20, %lt3A_21 : vector<1024x1xi32>
    %get3A_23 = arith.constant 0 : index
    %get3A_24 = arith.constant 0 : index
    %get3A_25 = vector.load %arg1[%get3A_23, %get3A_24] : memref<1024x256xf32, #tpu.memory_space<vmem>>, vector<1024x256xf32>
    %mul3A_26 = vector.broadcast %select_n3A : vector<1024x1xf32> to vector<1024x256xf32>
    %mul3A_27 = arith.mulf %get3A_25, %mul3A_26 : vector<1024x256xf32>
    %jit3A_28 = arith.constant 0.000000e+00 : f32
    %broadcast_in_dim3A_29 = vector.shape_cast %lt3A_22 : vector<1024x1xi1> to vector<1024x1xi1>
    %broadcast_in_dim3A_30 = vector.broadcast %broadcast_in_dim3A_29 : vector<1024x1xi1> to vector<1024x256xi1>
    %broadcast_in_dim3A_31 = vector.broadcast %jit3A_28 : f32 to vector<1024x256xf32>
    %select_n3A_32 = arith.select %broadcast_in_dim3A_30, %mul3A_27, %broadcast_in_dim3A_31 : vector<1024x256xi1>, vector<1024x256xf32>
    %slice3A = vector.extract_strided_slice %select_n3A_32 {offsets = [0, 0], sizes = [1024, 128], strides = [1, 1]} : vector<1024x256xf32> to vector<1024x128xf32>
    %swap3A = arith.constant 0 : index
    %swap3A_33 = arith.constant 0 : index
    %swap3A_34 = arith.constant 0 : index
    %swap3A_35 = vector.load %arg4[%swap3A, %swap3A_33, %swap3A_34] : memref<2x1024x128xf32, #tpu.memory_space<vmem>>, vector<1x1024x128xf32>
    %swap3A_36 = vector.shape_cast %swap3A_35 : vector<1x1024x128xf32> to vector<1024x128xf32>
    %swap3A_37 = vector.shape_cast %slice3A : vector<1024x128xf32> to vector<1x1024x128xf32>
    tpu.vector_store %arg4[%swap3A, %swap3A_33, %swap3A_34], %swap3A_37 {strides = array<i32>} : memref<2x1024x128xf32, #tpu.memory_space<vmem>>, vector<1x1024x128xf32>,
    %slice3A_38 = vector.extract_strided_slice %select_n3A_32 {offsets = [0, 128], sizes = [1024, 128], strides = [1, 1]} : vector<1024x256xf32> to vector<1024x128xf32>
    %swap3A_39 = arith.constant 1 : index
    %swap3A_40 = arith.constant 0 : index
    %swap3A_41 = arith.constant 0 : index
    %swap3A_42 = vector.load %arg4[%swap3A_39, %swap3A_40, %swap3A_41] : memref<2x1024x128xf32, #tpu.memory_space<vmem>>, vector<1x1024x128xf32>
    %swap3A_43 = vector.shape_cast %swap3A_42 : vector<1x1024x128xf32> to vector<1024x128xf32>
    %swap3A_44 = vector.shape_cast %slice3A_38 : vector<1024x128xf32> to vector<1x1024x128xf32>
    tpu.vector_store %arg4[%swap3A_39, %swap3A_40, %swap3A_41], %swap3A_44 {strides = array<i32>} : memref<2x1024x128xf32, #tpu.memory_space<vmem>>, vector<1x1024x128xf32>,
    %swap3A_45 = arith.constant 0 : index
    %swap3A_46 = arith.constant 0 : index
    %swap3A_47 = vector.load %arg5[%swap3A_45, %swap3A_46] : memref<1024x1xf32, #tpu.memory_space<vmem>>, vector<1024x1xf32>
    tpu.vector_store %arg5[%swap3A_45, %swap3A_46], %select_n3A {strides = array<i32>} : memref<1024x1xf32, #tpu.memory_space<vmem>>, vector<1024x1xf32>,
    %swap3A_48 = arith.constant 0 : index
    %swap3A_49 = arith.constant 0 : index
    %swap3A_50 = vector.load %arg6[%swap3A_48, %swap3A_49] : memref<1024x1xf32, #tpu.memory_space<vmem>>, vector<1024x1xf32>
    tpu.vector_store %arg6[%swap3A_48, %swap3A_49], %select_n3A_18 {strides = array<i32>} : memref<1024x1xf32, #tpu.memory_space<vmem>>, vector<1024x1xf32>,
    return
  }
  func.func @transform_0(%arg0: i32) -> (i32, i32) {
    %c0_i32 = arith.constant 0 : i32
    %c0_i32_0 = arith.constant 0 : i32
    return %arg0, %c0_i32 : i32, i32
  }
  func.func @transform_1(%arg0: i32) -> (i32, i32) {
    %c0_i32 = arith.constant 0 : i32
    %c0_i32_0 = arith.constant 0 : i32
    return %arg0, %c0_i32 : i32, i32
  }
  func.func @transform_2(%arg0: i32) -> (i32, i32) {
    %c0_i32 = arith.constant 0 : i32
    %c0_i32_0 = arith.constant 0 : i32
    return %arg0, %c0_i32 : i32, i32
  }
  func.func @transform_3(%arg0: i32) -> (i32, i32, i32) {
    %c0_i32 = arith.constant 0 : i32
    %c0_i32_0 = arith.constant 0 : i32
    %c0_i32_1 = arith.constant 0 : i32
    return %c0_i32, %arg0, %c0_i32_0 : i32, i32, i32
  }
  func.func @transform_4(%arg0: i32) -> (i32, i32) {
    %c0_i32 = arith.constant 0 : i32
    %c0_i32_0 = arith.constant 0 : i32
    return %arg0, %c0_i32 : i32, i32
  }
  func.func @transform_5(%arg0: i32) -> (i32, i32) {
    %c0_i32 = arith.constant 0 : i32
    %c0_i32_0 = arith.constant 0 : i32
    return %arg0, %c0_i32 : i32, i32
  }
}

module attributes {stable_mosaic.version = 14 : i64} {
  func.func @_layer_body(%arg0: i32, %arg1: memref<2x1024x128xf32, #tpu.memory_space<vmem>>, %arg2: memref<1024x1xf32, #tpu.memory_space<vmem>>, %arg3: memref<1024x1xf32, #tpu.memory_space<vmem>>, %arg4: memref<256x256xf32, #tpu.memory_space<vmem>>, %arg5: memref<1x256xf32, #tpu.memory_space<vmem>>, %arg6: memref<2x1024x128xf32, #tpu.memory_space<vmem>>) attributes {dimension_semantics = [#tpu.dimension_semantics<arbitrary>], iteration_bounds = array<i64: 10>, scalar_prefetch = 0 : i64, scratch_operands = 0 : i64, tpu.core_type = #tpu.core_type<tc>, window_params = [{transform_indices = @transform_0, window_bounds = array<i64: 2, 1024, 128>}, {transform_indices = @transform_1, window_bounds = array<i64: 1024, 1>}, {transform_indices = @transform_2, window_bounds = array<i64: 1024, 1>}, {pipeline_mode = #tpu.pipeline_mode<synchronous>, transform_indices = @transform_3, window_bounds = array<i64: 256, 256>}, {pipeline_mode = #tpu.pipeline_mode<synchronous>, transform_indices = @transform_4, window_bounds = array<i64: 1, 256>}, {transform_indices = @transform_5, window_bounds = array<i64: 2, 1024, 128>}]} {
    %get3A = arith.constant 0 : index
    %get3A_0 = arith.constant 0 : index
    %get3A_1 = arith.constant 0 : index
    %get3A_2 = vector.load %arg1[%get3A, %get3A_0, %get3A_1] : memref<2x1024x128xf32, #tpu.memory_space<vmem>>, vector<1x1024x128xf32>
    %get3A_3 = vector.shape_cast %get3A_2 : vector<1x1024x128xf32> to vector<1024x128xf32>
    %get3A_4 = arith.constant 0 : index
    %get3A_5 = arith.constant 0 : index
    %get3A_6 = vector.load %arg4[%get3A_4, %get3A_5] : memref<256x256xf32, #tpu.memory_space<vmem>>, vector<128x256xf32>
    %dot_general3A = arith.constant dense<0.000000e+00> : vector<1024x256xf32>
    %dot_general3A_7 = tpu.matmul %get3A_3, %get3A_6, %dot_general3A {dimension_numbers = #tpu.dot_dimension_numbers<[1], [0], [0], [1], [0, 0, 1, 1], [], []>, precision = #tpu.contract_precision<fp32>, transpose_lhs_hint = false} : vector<1024x128xf32>, vector<128x256xf32>, vector<1024x256xf32> -> vector<1024x256xf32>
    %get3A_8 = arith.constant 1 : index
    %get3A_9 = arith.constant 0 : index
    %get3A_10 = arith.constant 0 : index
    %get3A_11 = vector.load %arg1[%get3A_8, %get3A_9, %get3A_10] : memref<2x1024x128xf32, #tpu.memory_space<vmem>>, vector<1x1024x128xf32>
    %get3A_12 = vector.shape_cast %get3A_11 : vector<1x1024x128xf32> to vector<1024x128xf32>
    %get3A_13 = arith.constant 128 : index
    %get3A_14 = arith.constant 0 : index
    %get3A_15 = vector.load %arg4[%get3A_13, %get3A_14] : memref<256x256xf32, #tpu.memory_space<vmem>>, vector<128x256xf32>
    %dot_general3A_16 = arith.constant dense<0.000000e+00> : vector<1024x256xf32>
    %dot_general3A_17 = tpu.matmul %get3A_12, %get3A_15, %dot_general3A_16 {dimension_numbers = #tpu.dot_dimension_numbers<[1], [0], [0], [1], [0, 0, 1, 1], [], []>, precision = #tpu.contract_precision<fp32>, transpose_lhs_hint = false} : vector<1024x128xf32>, vector<128x256xf32>, vector<1024x256xf32> -> vector<1024x256xf32>
    %add3A = arith.addf %dot_general3A_7, %dot_general3A_17 : vector<1024x256xf32>
    %get3A_18 = arith.constant 0 : index
    %get3A_19 = arith.constant 0 : index
    %get3A_20 = vector.load %arg2[%get3A_18, %get3A_19] : memref<1024x1xf32, #tpu.memory_space<vmem>>, vector<1024x1xf32>
    %mul3A = vector.broadcast %get3A_20 : vector<1024x1xf32> to vector<1024x256xf32>
    %mul3A_21 = arith.mulf %add3A, %mul3A : vector<1024x256xf32>
    %get3A_22 = arith.constant 0 : index
    %get3A_23 = arith.constant 0 : index
    %get3A_24 = vector.load %arg5[%get3A_22, %get3A_23] : memref<1x256xf32, #tpu.memory_space<vmem>>, vector<1x256xf32>
    %add3A_25 = vector.broadcast %get3A_24 : vector<1x256xf32> to vector<1024x256xf32>
    %add3A_26 = arith.addf %mul3A_21, %add3A_25 : vector<1024x256xf32>
    %tanh3A = math.tanh %add3A_26 : vector<1024x256xf32>
    %get3A_27 = arith.constant 0 : index
    %get3A_28 = arith.constant 0 : index
    %get3A_29 = vector.load %arg3[%get3A_27, %get3A_28] : memref<1024x1xf32, #tpu.memory_space<vmem>>, vector<1024x1xf32>
    %mul3A_30 = vector.broadcast %get3A_29 : vector<1024x1xf32> to vector<1024x256xf32>
    %mul3A_31 = arith.mulf %tanh3A, %mul3A_30 : vector<1024x256xf32>
    %slice3A = vector.extract_strided_slice %mul3A_31 {offsets = [0, 0], sizes = [1024, 128], strides = [1, 1]} : vector<1024x256xf32> to vector<1024x128xf32>
    %swap3A = arith.constant 0 : index
    %swap3A_32 = arith.constant 0 : index
    %swap3A_33 = arith.constant 0 : index
    %swap3A_34 = vector.load %arg6[%swap3A, %swap3A_32, %swap3A_33] : memref<2x1024x128xf32, #tpu.memory_space<vmem>>, vector<1x1024x128xf32>
    %swap3A_35 = vector.shape_cast %swap3A_34 : vector<1x1024x128xf32> to vector<1024x128xf32>
    %swap3A_36 = vector.shape_cast %slice3A : vector<1024x128xf32> to vector<1x1024x128xf32>
    tpu.vector_store %arg6[%swap3A, %swap3A_32, %swap3A_33], %swap3A_36 {strides = array<i32>} : memref<2x1024x128xf32, #tpu.memory_space<vmem>>, vector<1x1024x128xf32>,
    %slice3A_37 = vector.extract_strided_slice %mul3A_31 {offsets = [0, 128], sizes = [1024, 128], strides = [1, 1]} : vector<1024x256xf32> to vector<1024x128xf32>
    %swap3A_38 = arith.constant 1 : index
    %swap3A_39 = arith.constant 0 : index
    %swap3A_40 = arith.constant 0 : index
    %swap3A_41 = vector.load %arg6[%swap3A_38, %swap3A_39, %swap3A_40] : memref<2x1024x128xf32, #tpu.memory_space<vmem>>, vector<1x1024x128xf32>
    %swap3A_42 = vector.shape_cast %swap3A_41 : vector<1x1024x128xf32> to vector<1024x128xf32>
    %swap3A_43 = vector.shape_cast %slice3A_37 : vector<1024x128xf32> to vector<1x1024x128xf32>
    tpu.vector_store %arg6[%swap3A_38, %swap3A_39, %swap3A_40], %swap3A_43 {strides = array<i32>} : memref<2x1024x128xf32, #tpu.memory_space<vmem>>, vector<1x1024x128xf32>,
    return
  }
  func.func @transform_0(%arg0: i32) -> (i32, i32, i32) {
    %c0_i32 = arith.constant 0 : i32
    %c0_i32_0 = arith.constant 0 : i32
    %c0_i32_1 = arith.constant 0 : i32
    return %c0_i32, %arg0, %c0_i32_0 : i32, i32, i32
  }
  func.func @transform_1(%arg0: i32) -> (i32, i32) {
    %c0_i32 = arith.constant 0 : i32
    %c0_i32_0 = arith.constant 0 : i32
    return %arg0, %c0_i32 : i32, i32
  }
  func.func @transform_2(%arg0: i32) -> (i32, i32) {
    %c0_i32 = arith.constant 0 : i32
    %c0_i32_0 = arith.constant 0 : i32
    return %arg0, %c0_i32 : i32, i32
  }
  func.func @transform_3(%arg0: i32) -> (i32, i32) {
    %c0_i32 = arith.constant 0 : i32
    %c0_i32_0 = arith.constant 0 : i32
    %c0_i32_1 = arith.constant 0 : i32
    return %c0_i32, %c0_i32_0 : i32, i32
  }
  func.func @transform_4(%arg0: i32) -> (i32, i32) {
    %c0_i32 = arith.constant 0 : i32
    %c0_i32_0 = arith.constant 0 : i32
    %c0_i32_1 = arith.constant 0 : i32
    return %c0_i32, %c0_i32_0 : i32, i32
  }
  func.func @transform_5(%arg0: i32) -> (i32, i32, i32) {
    %c0_i32 = arith.constant 0 : i32
    %c0_i32_0 = arith.constant 0 : i32
    %c0_i32_1 = arith.constant 0 : i32
    return %c0_i32, %arg0, %c0_i32_0 : i32, i32, i32
  }
}

module attributes {stable_mosaic.version = 14 : i64} {
  func.func @_final_body(%arg0: i32, %arg1: memref<2x1024x128xf32, #tpu.memory_space<vmem>>, %arg2: memref<1024x1xf32, #tpu.memory_space<vmem>>, %arg3: memref<256x256xf32, #tpu.memory_space<vmem>>, %arg4: memref<1x256xf32, #tpu.memory_space<vmem>>, %arg5: memref<1024x256xf32, #tpu.memory_space<vmem>>) attributes {dimension_semantics = [#tpu.dimension_semantics<arbitrary>], iteration_bounds = array<i64: 10>, scalar_prefetch = 0 : i64, scratch_operands = 0 : i64, tpu.core_type = #tpu.core_type<tc>, window_params = [{transform_indices = @transform_0, window_bounds = array<i64: 2, 1024, 128>}, {transform_indices = @transform_1, window_bounds = array<i64: 1024, 1>}, {pipeline_mode = #tpu.pipeline_mode<synchronous>, transform_indices = @transform_2, window_bounds = array<i64: 256, 256>}, {pipeline_mode = #tpu.pipeline_mode<synchronous>, transform_indices = @transform_3, window_bounds = array<i64: 1, 256>}, {transform_indices = @transform_4, window_bounds = array<i64: 1024, 256>}]} {
    %get3A = arith.constant 0 : index
    %get3A_0 = arith.constant 0 : index
    %get3A_1 = arith.constant 0 : index
    %get3A_2 = vector.load %arg1[%get3A, %get3A_0, %get3A_1] : memref<2x1024x128xf32, #tpu.memory_space<vmem>>, vector<1x1024x128xf32>
    %get3A_3 = vector.shape_cast %get3A_2 : vector<1x1024x128xf32> to vector<1024x128xf32>
    %get3A_4 = arith.constant 0 : index
    %get3A_5 = arith.constant 0 : index
    %get3A_6 = vector.load %arg3[%get3A_4, %get3A_5] : memref<256x256xf32, #tpu.memory_space<vmem>>, vector<128x256xf32>
    %dot_general3A = arith.constant dense<0.000000e+00> : vector<1024x256xf32>
    %dot_general3A_7 = tpu.matmul %get3A_3, %get3A_6, %dot_general3A {dimension_numbers = #tpu.dot_dimension_numbers<[1], [0], [0], [1], [0, 0, 1, 1], [], []>, precision = #tpu.contract_precision<fp32>, transpose_lhs_hint = false} : vector<1024x128xf32>, vector<128x256xf32>, vector<1024x256xf32> -> vector<1024x256xf32>
    %get3A_8 = arith.constant 1 : index
    %get3A_9 = arith.constant 0 : index
    %get3A_10 = arith.constant 0 : index
    %get3A_11 = vector.load %arg1[%get3A_8, %get3A_9, %get3A_10] : memref<2x1024x128xf32, #tpu.memory_space<vmem>>, vector<1x1024x128xf32>
    %get3A_12 = vector.shape_cast %get3A_11 : vector<1x1024x128xf32> to vector<1024x128xf32>
    %get3A_13 = arith.constant 128 : index
    %get3A_14 = arith.constant 0 : index
    %get3A_15 = vector.load %arg3[%get3A_13, %get3A_14] : memref<256x256xf32, #tpu.memory_space<vmem>>, vector<128x256xf32>
    %dot_general3A_16 = arith.constant dense<0.000000e+00> : vector<1024x256xf32>
    %dot_general3A_17 = tpu.matmul %get3A_12, %get3A_15, %dot_general3A_16 {dimension_numbers = #tpu.dot_dimension_numbers<[1], [0], [0], [1], [0, 0, 1, 1], [], []>, precision = #tpu.contract_precision<fp32>, transpose_lhs_hint = false} : vector<1024x128xf32>, vector<128x256xf32>, vector<1024x256xf32> -> vector<1024x256xf32>
    %add3A = arith.addf %dot_general3A_7, %dot_general3A_17 : vector<1024x256xf32>
    %get3A_18 = arith.constant 0 : index
    %get3A_19 = arith.constant 0 : index
    %get3A_20 = vector.load %arg2[%get3A_18, %get3A_19] : memref<1024x1xf32, #tpu.memory_space<vmem>>, vector<1024x1xf32>
    %mul3A = vector.broadcast %get3A_20 : vector<1024x1xf32> to vector<1024x256xf32>
    %mul3A_21 = arith.mulf %add3A, %mul3A : vector<1024x256xf32>
    %get3A_22 = arith.constant 0 : index
    %get3A_23 = arith.constant 0 : index
    %get3A_24 = vector.load %arg4[%get3A_22, %get3A_23] : memref<1x256xf32, #tpu.memory_space<vmem>>, vector<1x256xf32>
    %add3A_25 = vector.broadcast %get3A_24 : vector<1x256xf32> to vector<1024x256xf32>
    %add3A_26 = arith.addf %mul3A_21, %add3A_25 : vector<1024x256xf32>
    %reduce_max3A = arith.constant dense<0xFF800000> : vector<1024xf32>
    %reduce_max3A_27 = vector.multi_reduction <maximumf>, %add3A_26, %reduce_max3A [1] : vector<1024x256xf32> to vector<1024xf32>
    %broadcast_in_dim3A = vector.shape_cast %reduce_max3A_27 : vector<1024xf32> to vector<1024x1xf32>
    %sub3A = vector.broadcast %broadcast_in_dim3A : vector<1024x1xf32> to vector<1024x256xf32>
    %sub3A_28 = arith.subf %add3A_26, %sub3A : vector<1024x256xf32>
    %exp3A = math.exp %sub3A_28 : vector<1024x256xf32>
    %reduce_sum3A = arith.constant dense<0.000000e+00> : vector<1024xf32>
    %reduce_sum3A_29 = vector.multi_reduction <add>, %exp3A, %reduce_sum3A [1] : vector<1024x256xf32> to vector<1024xf32>
    %broadcast_in_dim3A_30 = vector.shape_cast %reduce_sum3A_29 : vector<1024xf32> to vector<1024x1xf32>
    %div3A = vector.broadcast %broadcast_in_dim3A_30 : vector<1024x1xf32> to vector<1024x256xf32>
    %div3A_31 = arith.divf %exp3A, %div3A : vector<1024x256xf32>
    %swap3A = arith.constant 0 : index
    %swap3A_32 = arith.constant 0 : index
    %swap3A_33 = vector.load %arg5[%swap3A, %swap3A_32] : memref<1024x256xf32, #tpu.memory_space<vmem>>, vector<1024x256xf32>
    tpu.vector_store %arg5[%swap3A, %swap3A_32], %div3A_31 {strides = array<i32>} : memref<1024x256xf32, #tpu.memory_space<vmem>>, vector<1024x256xf32>,
    return
  }
  func.func @transform_0(%arg0: i32) -> (i32, i32, i32) {
    %c0_i32 = arith.constant 0 : i32
    %c0_i32_0 = arith.constant 0 : i32
    %c0_i32_1 = arith.constant 0 : i32
    return %c0_i32, %arg0, %c0_i32_0 : i32, i32, i32
  }
  func.func @transform_1(%arg0: i32) -> (i32, i32) {
    %c0_i32 = arith.constant 0 : i32
    %c0_i32_0 = arith.constant 0 : i32
    return %arg0, %c0_i32 : i32, i32
  }
  func.func @transform_2(%arg0: i32) -> (i32, i32) {
    %c0_i32 = arith.constant 0 : i32
    %c0_i32_0 = arith.constant 0 : i32
    %c0_i32_1 = arith.constant 0 : i32
    return %c0_i32, %c0_i32_0 : i32, i32
  }
  func.func @transform_3(%arg0: i32) -> (i32, i32) {
    %c0_i32 = arith.constant 0 : i32
    %c0_i32_0 = arith.constant 0 : i32
    %c0_i32_1 = arith.constant 0 : i32
    return %c0_i32, %c0_i32_0 : i32, i32
  }
  func.func @transform_4(%arg0: i32) -> (i32, i32) {
    %c0_i32 = arith.constant 0 : i32
    %c0_i32_0 = arith.constant 0 : i32
    return %arg0, %c0_i32 : i32, i32
  }
}

</mosaic_0001>

<sc_bundles>
// kernel: kernel.10.cloned.1.call-start
scs
__scs_entry_jumppad:
0x0: {  	(pc) =	sbr.rel $0x88, $3  }
0x1: {  	(tag) =	ssettag $0x0;
	lr =	simm.s32 $0x1  }
0x2: {  	[smem:$0x3F99] =	sst lr;
	_ =	strace $0xD0000000  }
0x3: {  	_ = 	snop  }
0x4: {  	_ = 	snop  }
0x5: {  	_ = 	snop  }
0x6: {  	_ = 	snop  }
0x7: {  	_ = 	snop  }
__scs_overlays_trampoline_lowered:
0x8: {  	[smem:$0x3FA8] =	sst s0  }
0x9: {  	[smem:$0x3FA9] =	sst s1  }
0xa: {  	[smem:$0x3FAA] =	sst s2  }
0xb: {  	[smem:$0x3FAB] =	sst s3  }
0xc: {  	[smem:$0x3FAC] =	sst s4  }
0xd: {  	[smem:$0x3FAD] =	sst s5  }
0xe: {  	[smem:$0x3FAE] =	sst s6  }
0xf: {  	[smem:$0x3FAF] =	sst s7  }
0x10: {  	[smem:$0x3FB0] =	sst s8  }
0x11: {  	[smem:$0x3FB1] =	sst s9;
	s0 =	simm.s32 @!p0 $0x0  }
0x12: {  	s1 =	sld [smem:$0x3F97];
	s0 =	simm.s32 @p0 $0x1  }
0x13: {  	[smem:$0x3FB2] =	sst s0;
	s0 =	simm.s32 @!p1 $0x0  }
0x14: {  	s2 =	sld [smem:$0x3F96];
	s0 =	simm.s32 @p1 $0x1  }
0x15: {  	[smem:$0x3FB3] =	sst s0;
	s0 =	simm.s32 @!p2 $0x0  }
0x16: {  	s3 =	sld [smem:$0x3FDB];
	s0 =	simm.s32 @p2 $0x1  }
0x17: {  	s4 =	simm.s32 $0x1BF5;
	[smem:$0x3FB5] =	sst s0  }
0x18: {  	s0 =	sld [smem:$0x3F98];
	_ =	swait.ge [sflag:s4], $0x0  }
0x19: {  	s7 =	sld [smem:$0x3F99]  }
0x1a: {  	s8 =	sadd.s32 $0xFFFFE003, lr  }
0x1b: {  	s9 =	sadd.s32 $0xFFFFFEF7, lr;
	s5 =	simm.s32 $0xFFFFFFFF;
	p2 =	slt.u32 s8, $0xFFFFF086  }
0x1c: {  	p1 =	slt.u32 s9, $0xF7A;
	s5 =	simm.s32 @!p2 $0x0  }
0x1d: {  	s5 =	simm.s32 @p1 $0x1;
	p0 =	seq.s32 s7, s2  }
0x1e: {  	s7 =	smul.u32 @!p0 $0xF7A, s2;
	p2 =	seq.s32 @!p0 s5, $0x0  }
0x1f: {  	s9 =	smul.u32 $0xF7A, s1;
	s8 =	simm.s32 @!p0 $0x1BF5;
	p2 =	por !p2, p0  }
0x20: {  	[sflag:s8] =	ssyncset.s32 @!p0 $0xFFFFF086;
	s6 =	sadd.s32 @!p0 s3, s7;
	s7 =	simm.s32 @!p0 $0x108  }
0x21: {  	s3 =	sadd.s32 s3, s9;
	s6 =	sadd.s32 @!p0 $0x88, s6;
	s7 =	simm.s32 @p2 $0x1082  }
0x22: {  	[simem:s7], [sflag:s8] =	dma.local @!p0 [hbm:s6], $0xF7A  }
0x23: {  	s9 =	sor.u32 $0xD0000000, s2;
	s6 =	simm.s32 $0x108;
	_ =	swait.ge @!p0 [sflag:s8], $0x0  }
0x24: {  	s3 =	sadd.s32 $0x88, s3;
	s6 =	simm.s32 @!p1 $0x1082;
	[sflag:s4] =	ssyncset.s32 $0xFFFFF086  }
0x25: {  	[simem:s6], [sflag:s4] =	dma.local [hbm:s3], $0xF7A  }
0x26: {  	[smem:$0x3F99] =	sst s1;
	(tag) =	ssettag s2;
	_ =	strace s9  }
0x27: {  	s1 =	sld [smem:$0x3FA9]  }
0x28: {  	s2 =	sld [smem:$0x3FAA]  }
0x29: {  	s4 =	sld [smem:$0x3FAC]  }
0x2a: {  	p0 =	seq.s32 s5, $0x0;
	s5 =	sld [smem:$0x3FAD]  }
0x2b: {  	s6 =	sld [smem:$0x3FAE]  }
0x2c: {  	s7 =	sld [smem:$0x3FAF]  }
0x2d: {  	s3 =	simm.s32 $0x108;
	s8 =	sld [smem:$0x3FB0]  }
0x2e: {  	s3 =	simm.s32 @!p0 $0x1082;
	s9 =	sld [smem:$0x3FB1]  }
0x2f: {  	lr =	sadd.s32 s0, s3;
	s0 =	sld [smem:$0x3FA8]  }
0x30: {  	s3 =	sld [smem:$0x3FAB]  }
0x31: {  	[smem:$0x3FB4] =	sst s10  }
0x32: {  	s10 =	sld [smem:$0x3FB2];
	_ =	sdelay $0x3  }
0x33: {  	p0 =	seq.s32 s10, $0x1;
	s10 =	sld [smem:$0x3FB4];
	_ =	sdelay $0x3  }
0x34: {  	[smem:$0x3FB4] =	sst s10  }
0x35: {  	s10 =	sld [smem:$0x3FB3];
	_ =	sdelay $0x3  }
0x36: {  	p1 =	seq.s32 s10, $0x1;
	s10 =	sld [smem:$0x3FB4];
	_ =	sdelay $0x3  }
0x37: {  	[smem:$0x3FB4] =	sst s10  }
0x38: {  	s10 =	sld [smem:$0x3FB5]  }
0x39: {  	_ = 	snop;
	(pc) =	sbr.ind lr, $3  }
0x3a: {  	_ = 	snop  }
0x3b: {  	_ = 	snop  }
0x3c: {  	p2 =	seq.s32 s10, $0x1;
	s10 =	sld [smem:$0x3FB4]  }
0x3d: {  	_ =	shalt  }
0x3e: {  	_ =	shalt  }
0x3f: {  	_ =	shalt  }
0x40: {  	_ =	shalt  }
0x41: {  	_ =	shalt  }
0x42: {  	_ =	shalt  }
0x43: {  	_ =	shalt  }
0x44: {  	_ =	shalt  }
0x45: {  	_ =	shalt  }
0x46: {  	_ =	shalt  }
0x47: {  	_ =	shalt  }
0x48: {  	_ =	shalt  }
0x49: {  	_ =	shalt  }
0x4a: {  	_ =	shalt  }
0x4b: {  	_ =	shalt  }
0x4c: {  	_ =	shalt  }
0x4d: {  	_ =	shalt  }
0x4e: {  	_ =	shalt  }
0x4f: {  	_ =	shalt  }
0x50: {  	_ =	shalt  }
0x51: {  	_ =	shalt  }
0x52: {  	_ =	shalt  }
0x53: {  	_ =	shalt  }
0x54: {  	_ =	shalt  }
0x55: {  	_ =	shalt  }
0x56: {  	_ =	shalt  }
0x57: {  	_ =	shalt  }
0x58: {  	_ =	shalt  }
0x59: {  	_ =	shalt  }
0x5a: {  	_ =	shalt  }
0x5b: {  	_ =	shalt  }
0x5c: {  	_ =	shalt  }
0x5d: {  	_ =	shalt  }
0x5e: {  	_ =	shalt  }
0x5f: {  	_ =	shalt  }
0x60: {  	_ =	shalt  }
0x61: {  	_ =	shalt  }
0x62: {  	_ =	shalt  }
0x63: {  	_ =	shalt  }
0x64: {  	_ =	shalt  }
0x65: {  	_ =	shalt  }
0x66: {  	_ =	shalt  }
0x67: {  	_ =	shalt  }
0x68: {  	_ =	shalt  }
0x69: {  	_ =	shalt  }
0x6a: {  	_ =	shalt  }
0x6b: {  	_ =	shalt  }
0x6c: {  	_ =	shalt  }
0x6d: {  	_ =	shalt  }
0x6e: {  	_ =	shalt  }
0x6f: {  	_ =	shalt  }
0x70: {  	_ =	shalt  }
0x71: {  	_ =	shalt  }
0x72: {  	_ =	shalt  }
0x73: {  	_ =	shalt  }
0x74: {  	_ =	shalt  }
0x75: {  	_ =	shalt  }
0x76: {  	_ =	shalt  }
0x77: {  	_ =	shalt  }
0x78: {  	_ =	shalt  }
0x79: {  	_ =	shalt  }
0x7a: {  	_ =	shalt  }
0x7b: {  	_ =	shalt  }
0x7c: {  	_ =	shalt  }
0x7d: {  	_ =	shalt  }
0x7e: {  	_ =	shalt  }
0x7f: {  	_ =	shalt  }
0x80: {  	_ =	shalt  }
0x81: {  	_ =	shalt  }
0x82: {  	_ =	shalt  }
0x83: {  	_ =	shalt  }
0x84: {  	_ =	shalt  }
0x85: {  	_ =	shalt  }
0x86: {  	_ =	shalt  }
0x87: {  	_ =	shalt  }
.Lfunc_end0:
.L_simem_size_0:
called_computation_lowered:
.L_overlay_start_0:
0x88: {  	s2 =	sld [smem:$0x3FD9]  }
0x89: {  	s3 =	sld [smem:$0x3FFE];
	_ =	sdelay $0x1  }
0x8a: {  	s1 =	srdreg.scid  }
0x8b: {  	s0 =	sand.u32 $0x1, s1  }
0x8c: {  	s17 =	sshll.u32 s0, $0xA;
	s2 =	sadd.s32 s3, s2  }
0x8d: {  	s2 =	sadd.s32 s2, s17  }
0x8e: {  	[smem:$0x3FC0] =	sst s2  }
0x8f: {  	_ = 	snop  }
0x90: {  	s2 =	sld [smem:$0x3FD0];
	(tm) =	ssettm $0x1  }
0x91: {  	s18 =	sld [smem:$0x3FFB];
	_ =	sdelay $0x3  }
0x92: {  	_ =	strace s18  }
0x93: {  	s3 =	sld [smem:$0x3FFC];
	_ =	sdelay $0x3  }
0x94: {  	_ =	strace s3  }
0x95: {  	s3 =	sld [smem:$0x3FFD];
	_ =	sdelay $0x3  }
0x96: {  	_ =	strace s3  }
0x97: {  	_ =	strace $0x8FFFFFFF  }
0x98: {  	s19 =	sld [smem:$0x3FDB];
	_ =	sdelay $0x1  }
0x99: {  	s4 =	simm.s32 $_scs_section_size  }
0x9a: {  	s5 =	simm.s32 $_size__tile_overlayer_lowered;
	s6 =	simm.s32 $_tile_overlayer_lowered  }
0x9b: {  	s22 =	simm.s32 $0x1BFF;
	s21 =	sshll.u32 s6, $0x1;
	s3 =	sadd.s32 s4, s19  }
0x9c: {  	s7 =	simm.s32 $0x0;
	s20 =	sshll.u32 s5, $0x1;
	s5 =	sadd.s32 s21, s3  }
0x9d: {  	[timem:s7], [sflag:s22] =	dma.local [hbm:s5], s20  }
0x9e: {  	_ =	swait.ge [sflag:s22], s20  }
0x9f: {  	s4 =	ssub.s32 $0x0, s20;
	[sflag:s22] =	ssyncset.done $0x0  }
0xa0: {  	[sflag:s22] =	ssyncadd.s32 s4;
	_ =	sdelay $0x1  }
0xa1: {  	s23 =	simm.s32 $0x1B8B  }
0xa2: {  	_ =	swait.ge [sflag:s23], $0x1  }
0xa3: {  	[sflag:s23] =	ssyncset.done $0x0  }
0xa4: {  	s25 =	simm.s32 $0x1B8E;
	s24 =	sld [smem:$0x3FFE];
	[sflag:s23] =	ssyncadd.s32 $0xFFFFFFFF  }
0xa5: {  	s26 =	simm.s32 $execute0_lowered;
	[smem:$0x3FD2] =	sst s25  }
0xa6: {  	s5 =	sshll.u32 s26, $0x1;
	_ =	strace $0x80000046;
	[dreg:$0x1] =	wrdreg $0xFFFFFFFF  }
0xa7: {  	s28 =	simm.s32 $_size_execute0_lowered;
	s3 =	sadd.s32 s3, s5;
	[dreg:$0x0] =	wrdreg $0x0  }
0xa8: {  	s5 =	sshll.u32 s28, $0x1;
	[dreg:$0x2] =	wrdreg s3  }
0xa9: {  	[dreg:$0x3] =	wrdreg s5  }
0xaa: {  	[dreg:$0x4] =	wrdreg $0xC0  }
0xab: {  	_ =	task [dreg:s7], $0x5FFFF  }
0xac: {  	[dreg:$0x1] =	wrdreg $0xFFFFFFFF  }
0xad: {  	[dreg:$0x0] =	wrdreg $0x60  }
0xae: {  	[dreg:$0x2] =	wrdreg s2  }
0xaf: {  	[dreg:$0x3] =	wrdreg s24  }
0xb0: {  	[dreg:$0x4] =	wrdreg $0x55000  }
0xb1: {  	[dreg:$0x5] =	wrdreg $0x9  }
0xb2: {  	_ =	task.clear_ibuf [dreg:s7], $0x6FFFF;
	_ =	strace $0x90000046  }
0xb3: {  	s29 =	simm.s32 $0x9;
	_ =	strace $0x80000048  }
0xb4: {  	_ =	swait.ge [sflag:s29], $0x1  }
0xb5: {  	[sflag:s29] =	ssyncadd.s32 $0xFFFFFFFF  }
0xb6: {  	_ =	strace $0x90000048  }
0xb7: {  	_ =	sfence  }
0xb8: {  	s30 =	sld [smem:$0x0];
	_ =	sdelay $0x2  }
0xb9: {  	s31 =	sshll.u32 s1, $0xD;
	s1 =	sshrl.u32 s1, $0x2  }
0xba: {  	s3 =	sand.u32 $0x4000, s31;
	s1 =	sadd.s32 s1, s30  }
0xbb: {  	s0 =	sor.u32 s3, s0;
	s1 =	sshll.u32 s1, $0x11  }
0xbc: {  	s0 =	sor.u32 s1, s0  }
0xbd: {  	s0 =	sadd.s32 $0x8F2B, s0  }
0xbe: {  	[sflag:s0] =	ssyncadd.remote.s32 $0x1  }
0xbf: {  	_ =	sfence.sel $0xFFFF  }
0xc0: {  	[dreg:$0x0] =	wrdreg $0xFFFFFFFF;
	(pc) =	sbr.abs _section_cstart, $3  }
0xc1: {  	[dreg:$0x1] =	wrdreg $0xFFFFFFFF  }
0xc2: {  	_ =	task.clear_ibuf [dreg:s7], $0x2FFFF;
	_ =	strace $0x9FFFFFFF  }
0xc3: {  	(tm) =	ssettm $0x7FFFFFFF  }
tec
execute0_lowered:
.L_overlay_start_1:
0x0: {  	(tag) =	ssettag $0x1  }
0x1: {  	s0 =	rddreg [dreg:$0x0]  }
0x2: {  	s1 =	rddreg [dreg:$0x1]  }
0x3: {  	s2 =	rddreg [dreg:$0x2]  }
0x4: {  	s3 =	srdreg.scid;
	s8 =	stileid.u32;
	s5 =	simm.s32 $0x0  }
0x5: {  	s28 =	simm.s32 $0x2780;
	s29 =	simm.s32 $0x5000;
	s30 =	simm.s32 $0x100  }
0x6: {  	s31 =	simm.s32 $0x5280;
	s3 =	sand.u32 $0x1, s3;
	s4 =	smul.u32 $0x500, s8  }
0x7: {  	[smem:$0x7FF] =	sst s5;
	s6 =	sshrl.u32 s8, $0x3;
	s21 =	smul.u32 $0xA00, s8  }
0x8: {  	s20 =	sshll.u32 s8, $0x7;
	s23 =	smul.u32 $0xA000, s8;
	s18 =	sshll.u32 s3, $0x7  }
0x9: {  	s19 =	smul.u32 $0x27800, s3;
	_ =	strace $0x80000047;
	s3 =	ssub.s32 $0x2, s3  }
0xa: {  	s6 =	smul.u32 $0x13C00, s6;
	s4 =	sor.u32 s18, s4;
	s7 =	sshrl.u32 s3, $0x1  }
0xb: {  	s25 =	sshrl.u32 s21, $0x2;
	s26 =	sshrl.u32 s23, $0x2;
	s23 =	simm.s32 $0x80  }
0xc: {  	v0 =	vimm.s32 $0xFFEDCBA9;
	v1 =	vimm.s32 $0x87654321;
	s4 =	sshrl.u32 s4, $0x3;
	s5 =	sadd.s32 s19, s6;
	s22 =	ssub.s32 s3, s7  }
0xd: {  	v2 =	vimm.s32 $0xEDCBA987;
	v3 =	vimm.s32 $0x65432100;
	s1 =	sadd.s32 s4, s1;
	s4 =	sand.u32 $0x380, s20;
	s22 =	smax.u32 s22, $0x1  }
0xe: {  	v0 =	vunpack.c.l.s4.s8 v0;
	v1 =	vunpack.c.l.s4.s8 v1;
	v2 =	vunpack.c.l.s4.s8 v2;
	s4 =	sor.u32 s4, s5;
	s5 =	sadd.s32 s26, s2;
	s21 =	sadd.s32 $0x1E00, s1  }
0xf: {  	v3 =	vunpack.c.l.s4.s8 v3;
	s26 =	simm.s32 $0x4F80;
	s24 =	sshrl.u32 s4, $0x3;
	s4 =	sadd.s32 s25, s2  }
0x10: {  	v0 =	vunpack.c.0.s8.s32 v0;
	v1 =	vunpack.c.0.s8.s32 v1;
	v2 =	vunpack.c.0.s8.s32 v2;
	s25 =	simm.s32 $0x1;
	s3 =	sadd.s32 s0, s24;
	s6 =	sadd.s32 $0x2800, s4  }
0x11: {  	v3 =	vunpack.c.0.s8.s32 v3;
	s7 =	sadd.s32 $0x5000, s4;
	s8 =	sadd.s32 $0x7800, s4;
	s9 =	sadd.s32 $0xA000, s4  }
0x12: {  	vm0 =	vcmask $0x3F3C;
	v4 =	vcombine.low v1, v0;
	v1 =	vand.u32 $0xF, v2;
	s10 =	sadd.s32 $0xC800, s4;
	s11 =	sadd.s32 $0xF000, s4;
	s12 =	sadd.s32 $0x11800, s4  }
0x13: {  	vm1 =	vcmask $0x300;
	v1 =	vcombine.low v3, v1;
	v3 =	vimm.s32 $0x7FFFFFFF;
	s13 =	sadd.s32 $0x14000, s4;
	s14 =	sadd.s32 $0x16800, s4;
	s15 =	sadd.s32 $0x19000, s4  }
0x14: {  	v5 =	vlaneseq.u32;
	v0 =	vimm.f32 $0.0e+00;
	v2 =	vand.u32 $0xF, v4;
	s16 =	sadd.s32 $0x1B800, s4;
	s17 =	sadd.s32 $0x1E000, s4;
	s18 =	sadd.s32 $0x20800, s4  }
0x15: {  	v3 =	vsel vm1, $0x80000000, v3;
	v4 =	vor.u32 $0x80000000, v5;
	v5 =	vadd.s32 $0x1, v5;
	s19 =	sadd.s32 $0x23000, s4;
	s20 =	sadd.s32 $0x25800, s4;
	s0 =	simm.s32 $0x0  }
.LBB2_1:
0x16: {  	s1 =	simm.s32 $0x0;
	s2 =	simm.s32 $0x400  }
0x17: {  	[tilespmem:s1], [sflag:$0x1] =	stream.strided.gather [hbm4b:s3+s23], $0x2780, s2, s23, $0x38;
	[tilespmem:$0x7D00] =	vst v63  }
0x18: {  	_ =	swait.ge [sflag:s25], $0x2780  }
0x19: {  	[sflag:s25] =	ssyncset.done $0x0  }
0x1a: {  	s1 =	simm.s32 $0x0;
	[sflag:s25] =	ssyncadd.s32 $0xFFFFD880  }
.LBB2_2:
0x1b: {  	p0 =	sne.s32 s1, $0x9FC0  }
.Ltmp0:
0x1c: {  	_ = 	snop;
	(pc) =	sbr.rel @p0 .LBB2_2-.Ltmp0, $3  }
0x1d: {  	_ =	sdelay $0x1  }
0x1e: {  	s2 =	sshra.s32 s1, $0x2  }
0x1f: {  	s1 =	sadd.s32 $0x40, s1;
	[tilespmem:s2+$0x2780] =	vst v0  }
0x20: {  	s1 =	simm.s32 $0x0  }
0x21: {  	v6 =	vld [tilespmem:s1+$0x0];
	_ =	sdelay $0x4  }
0x22: {  	(xrf1) =	vsort.ascd.msk.u32 $0xffff, v6, v6;
	_ =	sdelay $0xd  }
0x23: {  	v6, _, _ =	vpop (xrf1)  }
0x24: {  	[tilespmem:$0x4F80] =	vst v6  }
0x25: {  	v7 =	vld.idx.msk [tilespmem:v1+s26+$0x0], $0xffff;
	_ =	sdelay $0x4  }
0x26: {  	vm1 =	veq.s32 v6, v7  }
0x27: {  	v7 =	vsel vm1, v3, v4  }
0x28: {  	(xrf0) =	vmax.scan.msk.u32 $0xffff, v7;
	v7 =	vld.idx.msk [tilespmem:v2+s26+$0x0], $0xffff;
	_ =	sdelay $0x4  }
0x29: {  	vm1 =	vne.s32 v6, v7  }
0x2a: {  	vm1 =	vmor vm1, vm0  }
0x2b: {  	v8, _, _ =	vpop (xrf0)  }
0x2c: {  	v8 =	vxor.u32 $0x80000000, v8  }
0x2d: {  	v7 =	vsub.s32 v5, v8  }
0x2e: {  	s2 =	simm.s32 $0x80;
	s1 =	simm.s32 $0x40;
	v7 =	vcvt.s32.f32 v7  }
.LBB2_4:
0x2f: {  	p0 =	sne.s32 s2, $0x9C00  }
0x30: {  	s24 =	sshra.s32 s1, $0x2;
	s1 =	smov.u32 s2;
	s2 =	sadd.s32 $0x40, s2;
	[tilespmem:v6+s28+$0x0] =	vst.idx.add.f32.msk vm1, v7  }
0x31: {  	v6 =	vld [tilespmem:s24+$0x0];
	_ =	sdelay $0x4  }
0x32: {  	(xrf1) =	vsort.ascd.msk.u32 $0xffff, v6, v6;
	_ =	sdelay $0xd  }
0x33: {  	v6, _, _ =	vpop (xrf1)  }
0x34: {  	[tilespmem:$0x4F80] =	vst v6  }
0x35: {  	v7 =	vld.idx.msk [tilespmem:v1+s26+$0x0], $0xffff;
	_ =	sdelay $0x5  }
0x36: {  	vm1 =	veq.s32 v6, v7;
	v8 =	vld.idx.msk [tilespmem:v2+s26+$0x0], $0xffff  }
0x37: {  	v7 =	vsel vm1, v3, v4  }
0x38: {  	(xrf0) =	vmax.scan.msk.u32 $0xffff, v7;
	_ =	sdelay $0x3  }
0x39: {  	vm1 =	vne.s32 v6, v8  }
.Ltmp1:
0x3a: {  	vm1 =	vmor vm1, vm0;
	(pc) =	sbr.rel @p0 .LBB2_4-.Ltmp1, $4  }
0x3b: {  	v7, _, _ =	vpop (xrf0)  }
0x3c: {  	v7 =	vxor.u32 $0x80000000, v7  }
0x3d: {  	v7 =	vsub.s32 v5, v7  }
0x3e: {  	v7 =	vcvt.s32.f32 v7  }
0x3f: {  	_ =	sdelay $0x4  }
0x40: {  	s1 =	sshra.s32 s1, $0x2;
	[tilespmem:v6+s28+$0x0] =	vst.idx.add.f32.msk vm1, v7  }
0x41: {  	v6 =	vld [tilespmem:s1+$0x0];
	_ =	sdelay $0x4  }
0x42: {  	(xrf1) =	vsort.ascd.msk.u32 $0xffff, v6, v6;
	_ =	sdelay $0xd  }
0x43: {  	v6, _, _ =	vpop (xrf1)  }
0x44: {  	[tilespmem:$0x4F80] =	vst v6  }
0x45: {  	v7 =	vld.idx.msk [tilespmem:v1+s26+$0x0], $0xffff;
	_ =	sdelay $0x4  }
0x46: {  	vm1 =	veq.s32 v6, v7  }
0x47: {  	v7 =	vld.idx.msk [tilespmem:v2+s26+$0x0], $0xffff;
	v8 =	vsel vm1, v3, v4  }
0x48: {  	(xrf0) =	vmax.scan.msk.u32 $0xffff, v8;
	_ =	sdelay $0x3  }
0x49: {  	vm1 =	vne.s32 v6, v7  }
0x4a: {  	vm1 =	vmor vm1, vm0  }
0x4b: {  	v7, _, _ =	vpop (xrf0)  }
0x4c: {  	v7 =	vxor.u32 $0x80000000, v7  }
0x4d: {  	v7 =	vsub.s32 v5, v7  }
0x4e: {  	v7 =	vcvt.s32.f32 v7;
	_ =	sdelay $0x1  }
0x4f: {  	[tilespmem:v6+s28+$0x0] =	vst.idx.add.f32.msk vm1, v7  }
0x50: {  	[spmem:s5] =	stream.linear.scatter [tilespmem:s28], [sflag:$0x1], $0x2800, $0x38;
	[tilespmem:$0x7D00] =	vst v63  }
0x51: {  	_ =	swait.ge [sflag:s25], $0x2800  }
0x52: {  	[sflag:s25] =	ssyncset.done $0x0  }
0x53: {  	[sflag:s25] =	ssyncadd.s32 $0xFFFFD800  }
0x54: {  	[bflag:$0x0] =	sbarrier.arrive $0xFFFF  }
0x55: {  	[tilespmem:$0x5280] =	vst v0  }
0x56: {  	[tilespmem:$0x5290] =	vst v0  }
0x57: {  	[tilespmem:$0x52A0] =	vst v0  }
0x58: {  	[tilespmem:$0x52B0] =	vst v0  }
0x59: {  	[tilespmem:$0x52C0] =	vst v0  }
0x5a: {  	[tilespmem:$0x52D0] =	vst v0  }
0x5b: {  	[tilespmem:$0x52E0] =	vst v0  }
0x5c: {  	[tilespmem:$0x52F0] =	vst v0  }
0x5d: {  	[tilespmem:$0x5300] =	vst v0  }
0x5e: {  	[tilespmem:$0x5310] =	vst v0  }
0x5f: {  	[tilespmem:$0x5320] =	vst v0  }
0x60: {  	[tilespmem:$0x5330] =	vst v0  }
0x61: {  	[tilespmem:$0x5340] =	vst v0  }
0x62: {  	[tilespmem:$0x5350] =	vst v0  }
0x63: {  	[tilespmem:$0x5360] =	vst v0  }
0x64: {  	[tilespmem:$0x5370] =	vst v0  }
0x65: {  	[tilespmem:$0x5380] =	vst v0  }
0x66: {  	[tilespmem:$0x5390] =	vst v0  }
0x67: {  	[tilespmem:$0x53A0] =	vst v0  }
0x68: {  	[tilespmem:$0x53B0] =	vst v0  }
0x69: {  	[tilespmem:$0x53C0] =	vst v0  }
0x6a: {  	[tilespmem:$0x53D0] =	vst v0  }
0x6b: {  	[tilespmem:$0x53E0] =	vst v0  }
0x6c: {  	[tilespmem:$0x53F0] =	vst v0  }
0x6d: {  	[tilespmem:$0x5400] =	vst v0  }
0x6e: {  	[tilespmem:$0x5410] =	vst v0  }
0x6f: {  	[tilespmem:$0x5420] =	vst v0  }
0x70: {  	[tilespmem:$0x5430] =	vst v0  }
0x71: {  	[tilespmem:$0x5440] =	vst v0  }
0x72: {  	[tilespmem:$0x5450] =	vst v0  }
0x73: {  	[tilespmem:$0x5460] =	vst v0  }
0x74: {  	[tilespmem:$0x5470] =	vst v0  }
0x75: {  	[tilespmem:$0x5480] =	vst v0  }
0x76: {  	[tilespmem:$0x5490] =	vst v0  }
0x77: {  	[tilespmem:$0x54A0] =	vst v0  }
0x78: {  	[tilespmem:$0x54B0] =	vst v0  }
0x79: {  	[tilespmem:$0x54C0] =	vst v0  }
0x7a: {  	[tilespmem:$0x54D0] =	vst v0  }
0x7b: {  	[tilespmem:$0x54E0] =	vst v0  }
0x7c: {  	[tilespmem:$0x54F0] =	vst v0  }
0x7d: {  	[tilespmem:s29], [sflag:$0x1] =	stream.linear.gather [spmem:s4], $0x280, $0x38;
	[tilespmem:$0x7D00] =	vst v63  }
0x7e: {  	_ =	swait.ge [sflag:s25], $0x280  }
0x7f: {  	[sflag:s25] =	ssyncset.done $0x0  }
0x80: {  	s1 =	simm.s32 $0x0;
	[sflag:s25] =	ssyncadd.s32 $0xFFFFFD80  }
0x81: {  	s2 =	simm.s32 $0x40;
	v6 =	vld [tilespmem:s1+$0x5000]  }
.LBB2_6:
0x82: {  	p0 =	sne.s32 s2, $0x9C0;
	v7 =	vld [tilespmem:s1+$0x5280];
	_ =	sdelay $0x2  }
.Ltmp2:
0x83: {  	(pc) =	sbr.rel @p0 .LBB2_6-.Ltmp2, $4  }
0x84: {  	_ = 	snop  }
0x85: {  	v7 =	vadd.f32 v6, v7  }
0x86: {  	s24 =	sshra.s32 s2, $0x2  }
0x87: {  	s2 =	sadd.s32 $0x40, s2;
	v6 =	vld [tilespmem:s24+$0x5000];
	[tilespmem:s1+$0x5280] =	vst v7;
	s1 =	smov.u32 s24  }
0x88: {  	v7 =	vld [tilespmem:s1+$0x5280];
	_ =	sdelay $0x4  }
0x89: {  	v6 =	vadd.f32 v6, v7;
	_ =	sdelay $0x1  }
0x8a: {  	[tilespmem:s1+$0x5280] =	vst v6  }
0x8b: {  	[tilespmem:s29], [sflag:$0x1] =	stream.linear.gather [spmem:s6], $0x280, $0x38;
	[tilespmem:$0x7D00] =	vst v63  }
0x8c: {  	_ =	swait.ge [sflag:s25], $0x280  }
0x8d: {  	[sflag:s25] =	ssyncset.done $0x0  }
0x8e: {  	s1 =	simm.s32 $0x0;
	[sflag:s25] =	ssyncadd.s32 $0xFFFFFD80  }
0x8f: {  	s2 =	simm.s32 $0x40;
	v6 =	vld [tilespmem:s1+$0x5000]  }
.LBB2_8:
0x90: {  	p0 =	sne.s32 s2, $0x9C0;
	v7 =	vld [tilespmem:s1+$0x5280];
	_ =	sdelay $0x2  }
.Ltmp3:
0x91: {  	(pc) =	sbr.rel @p0 .LBB2_8-.Ltmp3, $4  }
0x92: {  	_ = 	snop  }
0x93: {  	v7 =	vadd.f32 v6, v7  }
0x94: {  	s24 =	sshra.s32 s2, $0x2  }
0x95: {  	s2 =	sadd.s32 $0x40, s2;
	v6 =	vld [tilespmem:s24+$0x5000];
	[tilespmem:s1+$0x5280] =	vst v7;
	s1 =	smov.u32 s24  }
0x96: {  	v7 =	vld [tilespmem:s1+$0x5280];
	_ =	sdelay $0x4  }
0x97: {  	v6 =	vadd.f32 v6, v7;
	_ =	sdelay $0x1  }
0x98: {  	[tilespmem:s1+$0x5280] =	vst v6  }
0x99: {  	[tilespmem:s29], [sflag:$0x1] =	stream.linear.gather [spmem:s7], $0x280, $0x38;
	[tilespmem:$0x7D00] =	vst v63  }
0x9a: {  	_ =	swait.ge [sflag:s25], $0x280  }
0x9b: {  	[sflag:s25] =	ssyncset.done $0x0  }
0x9c: {  	s1 =	simm.s32 $0x0;
	[sflag:s25] =	ssyncadd.s32 $0xFFFFFD80  }
0x9d: {  	s2 =	simm.s32 $0x40;
	v6 =	vld [tilespmem:s1+$0x5000]  }
.LBB2_10:
0x9e: {  	p0 =	sne.s32 s2, $0x9C0;
	v7 =	vld [tilespmem:s1+$0x5280];
	_ =	sdelay $0x2  }
.Ltmp4:
0x9f: {  	(pc) =	sbr.rel @p0 .LBB2_10-.Ltmp4, $4  }
0xa0: {  	_ = 	snop  }
0xa1: {  	v7 =	vadd.f32 v6, v7  }
0xa2: {  	s24 =	sshra.s32 s2, $0x2  }
0xa3: {  	s2 =	sadd.s32 $0x40, s2;
	v6 =	vld [tilespmem:s24+$0x5000];
	[tilespmem:s1+$0x5280] =	vst v7;
	s1 =	smov.u32 s24  }
0xa4: {  	v7 =	vld [tilespmem:s1+$0x5280];
	_ =	sdelay $0x4  }
0xa5: {  	v6 =	vadd.f32 v6, v7;
	_ =	sdelay $0x1  }
0xa6: {  	[tilespmem:s1+$0x5280] =	vst v6  }
0xa7: {  	[tilespmem:s29], [sflag:$0x1] =	stream.linear.gather [spmem:s8], $0x280, $0x38;
	[tilespmem:$0x7D00] =	vst v63  }
0xa8: {  	_ =	swait.ge [sflag:s25], $0x280  }
0xa9: {  	[sflag:s25] =	ssyncset.done $0x0  }
0xaa: {  	s1 =	simm.s32 $0x0;
	[sflag:s25] =	ssyncadd.s32 $0xFFFFFD80  }
0xab: {  	s2 =	simm.s32 $0x40;
	v6 =	vld [tilespmem:s1+$0x5000]  }
.LBB2_12:
0xac: {  	p0 =	sne.s32 s2, $0x9C0;
	v7 =	vld [tilespmem:s1+$0x5280];
	_ =	sdelay $0x2  }
.Ltmp5:
0xad: {  	(pc) =	sbr.rel @p0 .LBB2_12-.Ltmp5, $4  }
0xae: {  	_ = 	snop  }
0xaf: {  	v7 =	vadd.f32 v6, v7  }
0xb0: {  	s24 =	sshra.s32 s2, $0x2  }
0xb1: {  	s2 =	sadd.s32 $0x40, s2;
	v6 =	vld [tilespmem:s24+$0x5000];
	[tilespmem:s1+$0x5280] =	vst v7;
	s1 =	smov.u32 s24  }
0xb2: {  	v7 =	vld [tilespmem:s1+$0x5280];
	_ =	sdelay $0x4  }
0xb3: {  	v6 =	vadd.f32 v6, v7;
	_ =	sdelay $0x1  }
0xb4: {  	[tilespmem:s1+$0x5280] =	vst v6  }
0xb5: {  	[tilespmem:s29], [sflag:$0x1] =	stream.linear.gather [spmem:s9], $0x280, $0x38;
	[tilespmem:$0x7D00] =	vst v63  }
0xb6: {  	_ =	swait.ge [sflag:s25], $0x280  }
0xb7: {  	[sflag:s25] =	ssyncset.done $0x0  }
0xb8: {  	s1 =	simm.s32 $0x0;
	[sflag:s25] =	ssyncadd.s32 $0xFFFFFD80  }
0xb9: {  	s2 =	simm.s32 $0x40;
	v6 =	vld [tilespmem:s1+$0x5000]  }
.LBB2_14:
0xba: {  	p0 =	sne.s32 s2, $0x9C0;
	v7 =	vld [tilespmem:s1+$0x5280];
	_ =	sdelay $0x2  }
.Ltmp6:
0xbb: {  	(pc) =	sbr.rel @p0 .LBB2_14-.Ltmp6, $4  }
0xbc: {  	_ = 	snop  }
0xbd: {  	v7 =	vadd.f32 v6, v7  }
0xbe: {  	s24 =	sshra.s32 s2, $0x2  }
0xbf: {  	s2 =	sadd.s32 $0x40, s2;
	v6 =	vld [tilespmem:s24+$0x5000];
	[tilespmem:s1+$0x5280] =	vst v7;
	s1 =	smov.u32 s24  }
0xc0: {  	v7 =	vld [tilespmem:s1+$0x5280];
	_ =	sdelay $0x4  }
0xc1: {  	v6 =	vadd.f32 v6, v7;
	_ =	sdelay $0x1  }
0xc2: {  	[tilespmem:s1+$0x5280] =	vst v6  }
0xc3: {  	[tilespmem:s29], [sflag:$0x1] =	stream.linear.gather [spmem:s10], $0x280, $0x38;
	[tilespmem:$0x7D00] =	vst v63  }
0xc4: {  	_ =	swait.ge [sflag:s25], $0x280  }
0xc5: {  	[sflag:s25] =	ssyncset.done $0x0  }
0xc6: {  	s1 =	simm.s32 $0x0;
	[sflag:s25] =	ssyncadd.s32 $0xFFFFFD80  }
0xc7: {  	s2 =	simm.s32 $0x40;
	v6 =	vld [tilespmem:s1+$0x5000]  }
.LBB2_16:
0xc8: {  	p0 =	sne.s32 s2, $0x9C0;
	v7 =	vld [tilespmem:s1+$0x5280];
	_ =	sdelay $0x2  }
.Ltmp7:
0xc9: {  	(pc) =	sbr.rel @p0 .LBB2_16-.Ltmp7, $4  }
0xca: {  	_ = 	snop  }
0xcb: {  	v7 =	vadd.f32 v6, v7  }
0xcc: {  	s24 =	sshra.s32 s2, $0x2  }
0xcd: {  	s2 =	sadd.s32 $0x40, s2;
	v6 =	vld [tilespmem:s24+$0x5000];
	[tilespmem:s1+$0x5280] =	vst v7;
	s1 =	smov.u32 s24  }
0xce: {  	v7 =	vld [tilespmem:s1+$0x5280];
	_ =	sdelay $0x4  }
0xcf: {  	v6 =	vadd.f32 v6, v7;
	_ =	sdelay $0x1  }
0xd0: {  	[tilespmem:s1+$0x5280] =	vst v6  }
0xd1: {  	[tilespmem:s29], [sflag:$0x1] =	stream.linear.gather [spmem:s11], $0x280, $0x38;
	[tilespmem:$0x7D00] =	vst v63  }
0xd2: {  	_ =	swait.ge [sflag:s25], $0x280  }
0xd3: {  	[sflag:s25] =	ssyncset.done $0x0  }
0xd4: {  	s1 =	simm.s32 $0x0;
	[sflag:s25] =	ssyncadd.s32 $0xFFFFFD80  }
0xd5: {  	s2 =	simm.s32 $0x40;
	v6 =	vld [tilespmem:s1+$0x5000]  }
.LBB2_18:
0xd6: {  	p0 =	sne.s32 s2, $0x9C0;
	v7 =	vld [tilespmem:s1+$0x5280];
	_ =	sdelay $0x2  }
.Ltmp8:
0xd7: {  	(pc) =	sbr.rel @p0 .LBB2_18-.Ltmp8, $4  }
0xd8: {  	_ = 	snop  }
0xd9: {  	v7 =	vadd.f32 v6, v7  }
0xda: {  	s24 =	sshra.s32 s2, $0x2  }
0xdb: {  	s2 =	sadd.s32 $0x40, s2;
	v6 =	vld [tilespmem:s24+$0x5000];
	[tilespmem:s1+$0x5280] =	vst v7;
	s1 =	smov.u32 s24  }
0xdc: {  	v7 =	vld [tilespmem:s1+$0x5280];
	_ =	sdelay $0x4  }
0xdd: {  	v6 =	vadd.f32 v6, v7;
	_ =	sdelay $0x1  }
0xde: {  	[tilespmem:s1+$0x5280] =	vst v6  }
0xdf: {  	[tilespmem:s29], [sflag:$0x1] =	stream.linear.gather [spmem:s12], $0x280, $0x38;
	[tilespmem:$0x7D00] =	vst v63  }
0xe0: {  	_ =	swait.ge [sflag:s25], $0x280  }
0xe1: {  	[sflag:s25] =	ssyncset.done $0x0  }
0xe2: {  	s1 =	simm.s32 $0x0;
	[sflag:s25] =	ssyncadd.s32 $0xFFFFFD80  }
0xe3: {  	s2 =	simm.s32 $0x40;
	v6 =	vld [tilespmem:s1+$0x5000]  }
.LBB2_20:
0xe4: {  	p0 =	sne.s32 s2, $0x9C0;
	v7 =	vld [tilespmem:s1+$0x5280];
	_ =	sdelay $0x2  }
.Ltmp9:
0xe5: {  	(pc) =	sbr.rel @p0 .LBB2_20-.Ltmp9, $4  }
0xe6: {  	_ = 	snop  }
0xe7: {  	v7 =	vadd.f32 v6, v7  }
0xe8: {  	s24 =	sshra.s32 s2, $0x2  }
0xe9: {  	s2 =	sadd.s32 $0x40, s2;
	v6 =	vld [tilespmem:s24+$0x5000];
	[tilespmem:s1+$0x5280] =	vst v7;
	s1 =	smov.u32 s24  }
0xea: {  	v7 =	vld [tilespmem:s1+$0x5280];
	_ =	sdelay $0x4  }
0xeb: {  	v6 =	vadd.f32 v6, v7;
	_ =	sdelay $0x1  }
0xec: {  	[tilespmem:s1+$0x5280] =	vst v6  }
0xed: {  	[tilespmem:s29], [sflag:$0x1] =	stream.linear.gather [spmem:s13], $0x280, $0x38;
	[tilespmem:$0x7D00] =	vst v63  }
0xee: {  	_ =	swait.ge [sflag:s25], $0x280  }
0xef: {  	[sflag:s25] =	ssyncset.done $0x0  }
0xf0: {  	s1 =	simm.s32 $0x0;
	[sflag:s25] =	ssyncadd.s32 $0xFFFFFD80  }
0xf1: {  	s2 =	simm.s32 $0x40;
	v6 =	vld [tilespmem:s1+$0x5000]  }
.LBB2_22:
0xf2: {  	p0 =	sne.s32 s2, $0x9C0;
	v7 =	vld [tilespmem:s1+$0x5280];
	_ =	sdelay $0x2  }
.Ltmp10:
0xf3: {  	(pc) =	sbr.rel @p0 .LBB2_22-.Ltmp10, $4  }
0xf4: {  	_ = 	snop  }
0xf5: {  	v7 =	vadd.f32 v6, v7  }
0xf6: {  	s24 =	sshra.s32 s2, $0x2  }
0xf7: {  	s2 =	sadd.s32 $0x40, s2;
	v6 =	vld [tilespmem:s24+$0x5000];
	[tilespmem:s1+$0x5280] =	vst v7;
	s1 =	smov.u32 s24  }
0xf8: {  	v7 =	vld [tilespmem:s1+$0x5280];
	_ =	sdelay $0x4  }
0xf9: {  	v6 =	vadd.f32 v6, v7;
	_ =	sdelay $0x1  }
0xfa: {  	[tilespmem:s1+$0x5280] =	vst v6  }
0xfb: {  	[tilespmem:s29], [sflag:$0x1] =	stream.linear.gather [spmem:s14], $0x280, $0x38;
	[tilespmem:$0x7D00] =	vst v63  }
0xfc: {  	_ =	swait.ge [sflag:s25], $0x280  }
0xfd: {  	[sflag:s25] =	ssyncset.done $0x0  }
0xfe: {  	s1 =	simm.s32 $0x0;
	[sflag:s25] =	ssyncadd.s32 $0xFFFFFD80  }
0xff: {  	s2 =	simm.s32 $0x40;
	v6 =	vld [tilespmem:s1+$0x5000]  }
.LBB2_24:
0x100: {  	p0 =	sne.s32 s2, $0x9C0;
	v7 =	vld [tilespmem:s1+$0x5280];
	_ =	sdelay $0x2  }
.Ltmp11:
0x101: {  	(pc) =	sbr.rel @p0 .LBB2_24-.Ltmp11, $4  }
0x102: {  	_ = 	snop  }
0x103: {  	v7 =	vadd.f32 v6, v7  }
0x104: {  	s24 =	sshra.s32 s2, $0x2  }
0x105: {  	s2 =	sadd.s32 $0x40, s2;
	v6 =	vld [tilespmem:s24+$0x5000];
	[tilespmem:s1+$0x5280] =	vst v7;
	s1 =	smov.u32 s24  }
0x106: {  	v7 =	vld [tilespmem:s1+$0x5280];
	_ =	sdelay $0x4  }
0x107: {  	v6 =	vadd.f32 v6, v7;
	_ =	sdelay $0x1  }
0x108: {  	[tilespmem:s1+$0x5280] =	vst v6  }
0x109: {  	[tilespmem:s29], [sflag:$0x1] =	stream.linear.gather [spmem:s15], $0x280, $0x38;
	[tilespmem:$0x7D00] =	vst v63  }
0x10a: {  	_ =	swait.ge [sflag:s25], $0x280  }
0x10b: {  	[sflag:s25] =	ssyncset.done $0x0  }
0x10c: {  	s1 =	simm.s32 $0x0;
	[sflag:s25] =	ssyncadd.s32 $0xFFFFFD80  }
0x10d: {  	s2 =	simm.s32 $0x40;
	v6 =	vld [tilespmem:s1+$0x5000]  }
.LBB2_26:
0x10e: {  	p0 =	sne.s32 s2, $0x9C0;
	v7 =	vld [tilespmem:s1+$0x5280];
	_ =	sdelay $0x2  }
.Ltmp12:
0x10f: {  	(pc) =	sbr.rel @p0 .LBB2_26-.Ltmp12, $4  }
0x110: {  	_ = 	snop  }
0x111: {  	v7 =	vadd.f32 v6, v7  }
0x112: {  	s24 =	sshra.s32 s2, $0x2  }
0x113: {  	s2 =	sadd.s32 $0x40, s2;
	v6 =	vld [tilespmem:s24+$0x5000];
	[tilespmem:s1+$0x5280] =	vst v7;
	s1 =	smov.u32 s24  }
0x114: {  	v7 =	vld [tilespmem:s1+$0x5280];
	_ =	sdelay $0x4  }
0x115: {  	v6 =	vadd.f32 v6, v7;
	_ =	sdelay $0x1  }
0x116: {  	[tilespmem:s1+$0x5280] =	vst v6  }
0x117: {  	[tilespmem:s29], [sflag:$0x1] =	stream.linear.gather [spmem:s16], $0x280, $0x38;
	[tilespmem:$0x7D00] =	vst v63  }
0x118: {  	_ =	swait.ge [sflag:s25], $0x280  }
0x119: {  	[sflag:s25] =	ssyncset.done $0x0  }
0x11a: {  	s1 =	simm.s32 $0x0;
	[sflag:s25] =	ssyncadd.s32 $0xFFFFFD80  }
0x11b: {  	s2 =	simm.s32 $0x40;
	v6 =	vld [tilespmem:s1+$0x5000]  }
.LBB2_28:
0x11c: {  	p0 =	sne.s32 s2, $0x9C0;
	v7 =	vld [tilespmem:s1+$0x5280];
	_ =	sdelay $0x2  }
.Ltmp13:
0x11d: {  	(pc) =	sbr.rel @p0 .LBB2_28-.Ltmp13, $4  }
0x11e: {  	_ = 	snop  }
0x11f: {  	v7 =	vadd.f32 v6, v7  }
0x120: {  	s24 =	sshra.s32 s2, $0x2  }
0x121: {  	s2 =	sadd.s32 $0x40, s2;
	v6 =	vld [tilespmem:s24+$0x5000];
	[tilespmem:s1+$0x5280] =	vst v7;
	s1 =	smov.u32 s24  }
0x122: {  	v7 =	vld [tilespmem:s1+$0x5280];
	_ =	sdelay $0x4  }
0x123: {  	v6 =	vadd.f32 v6, v7;
	_ =	sdelay $0x1  }
0x124: {  	[tilespmem:s1+$0x5280] =	vst v6  }
0x125: {  	[tilespmem:s29], [sflag:$0x1] =	stream.linear.gather [spmem:s17], $0x280, $0x38;
	[tilespmem:$0x7D00] =	vst v63  }
0x126: {  	_ =	swait.ge [sflag:s25], $0x280  }
0x127: {  	[sflag:s25] =	ssyncset.done $0x0  }
0x128: {  	s1 =	simm.s32 $0x0;
	[sflag:s25] =	ssyncadd.s32 $0xFFFFFD80  }
0x129: {  	s2 =	simm.s32 $0x40;
	v6 =	vld [tilespmem:s1+$0x5000]  }
.LBB2_30:
0x12a: {  	p0 =	sne.s32 s2, $0x9C0;
	v7 =	vld [tilespmem:s1+$0x5280];
	_ =	sdelay $0x2  }
.Ltmp14:
0x12b: {  	(pc) =	sbr.rel @p0 .LBB2_30-.Ltmp14, $4  }
0x12c: {  	_ = 	snop  }
0x12d: {  	v7 =	vadd.f32 v6, v7  }
0x12e: {  	s24 =	sshra.s32 s2, $0x2  }
0x12f: {  	s2 =	sadd.s32 $0x40, s2;
	v6 =	vld [tilespmem:s24+$0x5000];
	[tilespmem:s1+$0x5280] =	vst v7;
	s1 =	smov.u32 s24  }
0x130: {  	v7 =	vld [tilespmem:s1+$0x5280];
	_ =	sdelay $0x4  }
0x131: {  	v6 =	vadd.f32 v6, v7;
	_ =	sdelay $0x1  }
0x132: {  	[tilespmem:s1+$0x5280] =	vst v6  }
0x133: {  	[tilespmem:s29], [sflag:$0x1] =	stream.linear.gather [spmem:s18], $0x280, $0x38;
	[tilespmem:$0x7D00] =	vst v63  }
0x134: {  	_ =	swait.ge [sflag:s25], $0x280  }
0x135: {  	[sflag:s25] =	ssyncset.done $0x0  }
0x136: {  	s1 =	simm.s32 $0x0;
	[sflag:s25] =	ssyncadd.s32 $0xFFFFFD80  }
0x137: {  	s2 =	simm.s32 $0x40;
	v6 =	vld [tilespmem:s1+$0x5000]  }
.LBB2_32:
0x138: {  	p0 =	sne.s32 s2, $0x9C0;
	v7 =	vld [tilespmem:s1+$0x5280];
	_ =	sdelay $0x2  }
.Ltmp15:
0x139: {  	(pc) =	sbr.rel @p0 .LBB2_32-.Ltmp15, $4  }
0x13a: {  	_ = 	snop  }
0x13b: {  	v7 =	vadd.f32 v6, v7  }
0x13c: {  	s24 =	sshra.s32 s2, $0x2  }
0x13d: {  	s2 =	sadd.s32 $0x40, s2;
	v6 =	vld [tilespmem:s24+$0x5000];
	[tilespmem:s1+$0x5280] =	vst v7;
	s1 =	smov.u32 s24  }
0x13e: {  	v7 =	vld [tilespmem:s1+$0x5280];
	_ =	sdelay $0x4  }
0x13f: {  	v6 =	vadd.f32 v6, v7;
	_ =	sdelay $0x1  }
0x140: {  	[tilespmem:s1+$0x5280] =	vst v6  }
0x141: {  	[tilespmem:s29], [sflag:$0x1] =	stream.linear.gather [spmem:s19], $0x280, $0x38;
	[tilespmem:$0x7D00] =	vst v63  }
0x142: {  	_ =	swait.ge [sflag:s25], $0x280  }
0x143: {  	[sflag:s25] =	ssyncset.done $0x0  }
0x144: {  	s1 =	simm.s32 $0x0;
	[sflag:s25] =	ssyncadd.s32 $0xFFFFFD80  }
0x145: {  	s2 =	simm.s32 $0x40;
	v6 =	vld [tilespmem:s1+$0x5000]  }
.LBB2_34:
0x146: {  	p0 =	sne.s32 s2, $0x9C0;
	v7 =	vld [tilespmem:s1+$0x5280];
	_ =	sdelay $0x2  }
.Ltmp16:
0x147: {  	(pc) =	sbr.rel @p0 .LBB2_34-.Ltmp16, $4  }
0x148: {  	_ = 	snop  }
0x149: {  	v7 =	vadd.f32 v6, v7  }
0x14a: {  	s24 =	sshra.s32 s2, $0x2  }
0x14b: {  	s2 =	sadd.s32 $0x40, s2;
	v6 =	vld [tilespmem:s24+$0x5000];
	[tilespmem:s1+$0x5280] =	vst v7;
	s1 =	smov.u32 s24  }
0x14c: {  	v7 =	vld [tilespmem:s1+$0x5280];
	_ =	sdelay $0x4  }
0x14d: {  	v6 =	vadd.f32 v6, v7;
	_ =	sdelay $0x1  }
0x14e: {  	[tilespmem:s1+$0x5280] =	vst v6  }
0x14f: {  	[tilespmem:s29], [sflag:$0x1] =	stream.linear.gather [spmem:s20], $0x280, $0x38;
	[tilespmem:$0x7D00] =	vst v63  }
0x150: {  	_ =	swait.ge [sflag:s25], $0x280  }
0x151: {  	[sflag:s25] =	ssyncset.done $0x0  }
0x152: {  	s1 =	simm.s32 $0x0;
	[sflag:s25] =	ssyncadd.s32 $0xFFFFFD80  }
0x153: {  	s2 =	simm.s32 $0x40;
	v6 =	vld [tilespmem:s1+$0x5000]  }
.LBB2_36:
0x154: {  	p0 =	sne.s32 s2, $0x9C0;
	v7 =	vld [tilespmem:s1+$0x5280];
	_ =	sdelay $0x2  }
.Ltmp17:
0x155: {  	(pc) =	sbr.rel @p0 .LBB2_36-.Ltmp17, $4  }
0x156: {  	_ = 	snop  }
0x157: {  	v7 =	vadd.f32 v6, v7  }
0x158: {  	s24 =	sshra.s32 s2, $0x2  }
0x159: {  	s2 =	sadd.s32 $0x40, s2;
	v6 =	vld [tilespmem:s24+$0x5000];
	[tilespmem:s1+$0x5280] =	vst v7;
	s1 =	smov.u32 s24  }
0x15a: {  	v7 =	vld [tilespmem:s1+$0x5280];
	_ =	sdelay $0x4  }
0x15b: {  	s0 =	sadd.s32 $0x1, s0;
	v6 =	vadd.f32 v6, v7  }
0x15c: {  	p0 =	sne.s32 s0, s22  }
.Ltmp18:
0x15d: {  	[tilespmem:s1+$0x5280] =	vst v6;
	(pc) =	sbr.rel @p0 .LBB2_1-.Ltmp18, $4  }
0x15e: {  	[hbm4b:s21+s23] =	stream.strided.scatter [tilespmem:s31], [sflag:$0x1], $0x280, s30, s23, $0x38;
	[tilespmem:$0x7D00] =	vst v63  }
0x15f: {  	_ =	swait.ge [sflag:s25], $0x280  }
0x160: {  	[sflag:s25] =	ssyncset.done $0x0  }
0x161: {  	[sflag:s25] =	ssyncadd.s32 $0xFFFFFD80  }
0x162: {  	_ =	sfence.sel $0x180000  }
0x163: {  	[bflag:$0x0] =	sbarrier.arrive $0xFFFF  }
0x164: {  	_ =	strace $0x90000047  }
0x165: {  	s0 =	stileid.u32;
	[bflag:$0x2] =	sbarrier.arrive $0xFFFF  }
0x166: {  	p0 =	sne.s32 s0, $0x0;
	s0 =	rddreg [dreg:$0x3]  }
0x167: {  	s0 =	sadd.s32 @!p0 $0x100000, s0  }
0x168: {  	[sflag:s0] =	ssyncadd.tile.s32 @!p0 $0x1;
	_ =	shalt  }
.Lfunc_end2:
_tile_overlayer_lowered:
.L_overlay_start_2:
0x169: {  	(tag) =	ssettag $0x2  }
0x16a: {  	s0 =	rddreg [dreg:$0x0];
	s2 =	stileid.u32  }
0x16b: {  	s1 =	rddreg [dreg:$0x1];
	p0 =	sne.s32 s2, $0x0  }
0x16c: {  	s3 =	rddreg [dreg:$0x2];
	[bflag:$0x3] =	sbarrier.arrive $0xFFFF;
	s2 =	simm.s32 @!p0 $0x1C01  }
0x16d: {  	[timem:s3], [sflag:s2] =	dma.local @!p0 [hbm:s0], s1  }
0x16e: {  	s0 =	simm.s32 @!p0 $0x1  }
0x16f: {  	_ =	swait.ge @!p0 [sflag:s0], s1  }
0x170: {  	s1 =	ssub.s32 @!p0 $0x0, s1;
	[sflag:s0] =	ssyncset.done @!p0 $0x0  }
0x171: {  	[sflag:s0] =	ssyncadd.s32 @!p0 s1  }
0x172: {  	[bflag:$0x3] =	sbarrier.arrive $0xFFFF  }
0x173: {  	_ =	shalt  }

// kernel: kernel.13.cloned.1.call-start
scs
__scs_entry_jumppad:
0x0: {  	(pc) =	sbr.rel $0x88, $3  }
0x1: {  	(tag) =	ssettag $0x0;
	lr =	simm.s32 $0x1  }
0x2: {  	[smem:$0x3F99] =	sst lr;
	_ =	strace $0xD0000000  }
0x3: {  	_ = 	snop  }
0x4: {  	_ = 	snop  }
0x5: {  	_ = 	snop  }
0x6: {  	_ = 	snop  }
0x7: {  	_ = 	snop  }
__scs_overlays_trampoline_lowered:
0x8: {  	[smem:$0x3FA8] =	sst s0  }
0x9: {  	[smem:$0x3FA9] =	sst s1  }
0xa: {  	[smem:$0x3FAA] =	sst s2  }
0xb: {  	[smem:$0x3FAB] =	sst s3  }
0xc: {  	[smem:$0x3FAC] =	sst s4  }
0xd: {  	[smem:$0x3FAD] =	sst s5  }
0xe: {  	[smem:$0x3FAE] =	sst s6  }
0xf: {  	[smem:$0x3FAF] =	sst s7  }
0x10: {  	[smem:$0x3FB0] =	sst s8  }
0x11: {  	[smem:$0x3FB1] =	sst s9;
	s0 =	simm.s32 @!p0 $0x0  }
0x12: {  	s1 =	sld [smem:$0x3F97];
	s0 =	simm.s32 @p0 $0x1  }
0x13: {  	[smem:$0x3FB2] =	sst s0;
	s0 =	simm.s32 @!p1 $0x0  }
0x14: {  	s2 =	sld [smem:$0x3F96];
	s0 =	simm.s32 @p1 $0x1  }
0x15: {  	[smem:$0x3FB3] =	sst s0;
	s0 =	simm.s32 @!p2 $0x0  }
0x16: {  	s3 =	sld [smem:$0x3FDB];
	s0 =	simm.s32 @p2 $0x1  }
0x17: {  	s4 =	simm.s32 $0x1BF5;
	[smem:$0x3FB5] =	sst s0  }
0x18: {  	s0 =	sld [smem:$0x3F98];
	_ =	swait.ge [sflag:s4], $0x0  }
0x19: {  	s7 =	sld [smem:$0x3F99]  }
0x1a: {  	s8 =	sadd.s32 $0xFFFFE003, lr  }
0x1b: {  	s9 =	sadd.s32 $0xFFFFFEF7, lr;
	s5 =	simm.s32 $0xFFFFFFFF;
	p2 =	slt.u32 s8, $0xFFFFF086  }
0x1c: {  	p1 =	slt.u32 s9, $0xF7A;
	s5 =	simm.s32 @!p2 $0x0  }
0x1d: {  	s5 =	simm.s32 @p1 $0x1;
	p0 =	seq.s32 s7, s2  }
0x1e: {  	s7 =	smul.u32 @!p0 $0xF7A, s2;
	p2 =	seq.s32 @!p0 s5, $0x0  }
0x1f: {  	s9 =	smul.u32 $0xF7A, s1;
	s8 =	simm.s32 @!p0 $0x1BF5;
	p2 =	por !p2, p0  }
0x20: {  	[sflag:s8] =	ssyncset.s32 @!p0 $0xFFFFF086;
	s6 =	sadd.s32 @!p0 s3, s7;
	s7 =	simm.s32 @!p0 $0x108  }
0x21: {  	s3 =	sadd.s32 s3, s9;
	s6 =	sadd.s32 @!p0 $0x88, s6;
	s7 =	simm.s32 @p2 $0x1082  }
0x22: {  	[simem:s7], [sflag:s8] =	dma.local @!p0 [hbm:s6], $0xF7A  }
0x23: {  	s9 =	sor.u32 $0xD0000000, s2;
	s6 =	simm.s32 $0x108;
	_ =	swait.ge @!p0 [sflag:s8], $0x0  }
0x24: {  	s3 =	sadd.s32 $0x88, s3;
	s6 =	simm.s32 @!p1 $0x1082;
	[sflag:s4] =	ssyncset.s32 $0xFFFFF086  }
0x25: {  	[simem:s6], [sflag:s4] =	dma.local [hbm:s3], $0xF7A  }
0x26: {  	[smem:$0x3F99] =	sst s1;
	(tag) =	ssettag s2;
	_ =	strace s9  }
0x27: {  	s1 =	sld [smem:$0x3FA9]  }
0x28: {  	s2 =	sld [smem:$0x3FAA]  }
0x29: {  	s4 =	sld [smem:$0x3FAC]  }
0x2a: {  	p0 =	seq.s32 s5, $0x0;
	s5 =	sld [smem:$0x3FAD]  }
0x2b: {  	s6 =	sld [smem:$0x3FAE]  }
0x2c: {  	s7 =	sld [smem:$0x3FAF]  }
0x2d: {  	s3 =	simm.s32 $0x108;
	s8 =	sld [smem:$0x3FB0]  }
0x2e: {  	s3 =	simm.s32 @!p0 $0x1082;
	s9 =	sld [smem:$0x3FB1]  }
0x2f: {  	lr =	sadd.s32 s0, s3;
	s0 =	sld [smem:$0x3FA8]  }
0x30: {  	s3 =	sld [smem:$0x3FAB]  }
0x31: {  	[smem:$0x3FB4] =	sst s10  }
0x32: {  	s10 =	sld [smem:$0x3FB2];
	_ =	sdelay $0x3  }
0x33: {  	p0 =	seq.s32 s10, $0x1;
	s10 =	sld [smem:$0x3FB4];
	_ =	sdelay $0x3  }
0x34: {  	[smem:$0x3FB4] =	sst s10  }
0x35: {  	s10 =	sld [smem:$0x3FB3];
	_ =	sdelay $0x3  }
0x36: {  	p1 =	seq.s32 s10, $0x1;
	s10 =	sld [smem:$0x3FB4];
	_ =	sdelay $0x3  }
0x37: {  	[smem:$0x3FB4] =	sst s10  }
0x38: {  	s10 =	sld [smem:$0x3FB5]  }
0x39: {  	_ = 	snop;
	(pc) =	sbr.ind lr, $3  }
0x3a: {  	_ = 	snop  }
0x3b: {  	_ = 	snop  }
0x3c: {  	p2 =	seq.s32 s10, $0x1;
	s10 =	sld [smem:$0x3FB4]  }
0x3d: {  	_ =	shalt  }
0x3e: {  	_ =	shalt  }
0x3f: {  	_ =	shalt  }
0x40: {  	_ =	shalt  }
0x41: {  	_ =	shalt  }
0x42: {  	_ =	shalt  }
0x43: {  	_ =	shalt  }
0x44: {  	_ =	shalt  }
0x45: {  	_ =	shalt  }
0x46: {  	_ =	shalt  }
0x47: {  	_ =	shalt  }
0x48: {  	_ =	shalt  }
0x49: {  	_ =	shalt  }
0x4a: {  	_ =	shalt  }
0x4b: {  	_ =	shalt  }
0x4c: {  	_ =	shalt  }
0x4d: {  	_ =	shalt  }
0x4e: {  	_ =	shalt  }
0x4f: {  	_ =	shalt  }
0x50: {  	_ =	shalt  }
0x51: {  	_ =	shalt  }
0x52: {  	_ =	shalt  }
0x53: {  	_ =	shalt  }
0x54: {  	_ =	shalt  }
0x55: {  	_ =	shalt  }
0x56: {  	_ =	shalt  }
0x57: {  	_ =	shalt  }
0x58: {  	_ =	shalt  }
0x59: {  	_ =	shalt  }
0x5a: {  	_ =	shalt  }
0x5b: {  	_ =	shalt  }
0x5c: {  	_ =	shalt  }
0x5d: {  	_ =	shalt  }
0x5e: {  	_ =	shalt  }
0x5f: {  	_ =	shalt  }
0x60: {  	_ =	shalt  }
0x61: {  	_ =	shalt  }
0x62: {  	_ =	shalt  }
0x63: {  	_ =	shalt  }
0x64: {  	_ =	shalt  }
0x65: {  	_ =	shalt  }
0x66: {  	_ =	shalt  }
0x67: {  	_ =	shalt  }
0x68: {  	_ =	shalt  }
0x69: {  	_ =	shalt  }
0x6a: {  	_ =	shalt  }
0x6b: {  	_ =	shalt  }
0x6c: {  	_ =	shalt  }
0x6d: {  	_ =	shalt  }
0x6e: {  	_ =	shalt  }
0x6f: {  	_ =	shalt  }
0x70: {  	_ =	shalt  }
0x71: {  	_ =	shalt  }
0x72: {  	_ =	shalt  }
0x73: {  	_ =	shalt  }
0x74: {  	_ =	shalt  }
0x75: {  	_ =	shalt  }
0x76: {  	_ =	shalt  }
0x77: {  	_ =	shalt  }
0x78: {  	_ =	shalt  }
0x79: {  	_ =	shalt  }
0x7a: {  	_ =	shalt  }
0x7b: {  	_ =	shalt  }
0x7c: {  	_ =	shalt  }
0x7d: {  	_ =	shalt  }
0x7e: {  	_ =	shalt  }
0x7f: {  	_ =	shalt  }
0x80: {  	_ =	shalt  }
0x81: {  	_ =	shalt  }
0x82: {  	_ =	shalt  }
0x83: {  	_ =	shalt  }
0x84: {  	_ =	shalt  }
0x85: {  	_ =	shalt  }
0x86: {  	_ =	shalt  }
0x87: {  	_ =	shalt  }
.Lfunc_end0:
.L_simem_size_0:
called_computation.1_lowered:
.L_overlay_start_0:
0x88: {  	s2 =	sld [smem:$0x3FD9]  }
0x89: {  	s3 =	sld [smem:$0x3FFE];
	_ =	sdelay $0x1  }
0x8a: {  	s1 =	srdreg.scid  }
0x8b: {  	s0 =	sand.u32 $0x1, s1  }
0x8c: {  	s16 =	sshll.u32 s0, $0xA;
	s2 =	sadd.s32 s3, s2  }
0x8d: {  	s2 =	sadd.s32 s2, s16  }
0x8e: {  	[smem:$0x3FC0] =	sst s2  }
0x8f: {  	_ = 	snop  }
0x90: {  	(tm) =	ssettm $0x1  }
0x91: {  	s17 =	sld [smem:$0x3FFB];
	_ =	sdelay $0x3  }
0x92: {  	_ =	strace s17  }
0x93: {  	s2 =	sld [smem:$0x3FFC];
	_ =	sdelay $0x3  }
0x94: {  	_ =	strace s2  }
0x95: {  	s2 =	sld [smem:$0x3FFD];
	_ =	sdelay $0x3  }
0x96: {  	_ =	strace s2  }
0x97: {  	_ =	strace $0x8FFFFFFF  }
0x98: {  	s18 =	sld [smem:$0x3FDB];
	_ =	sdelay $0x1  }
0x99: {  	s19 =	simm.s32 $_scs_section_size  }
0x9a: {  	s4 =	simm.s32 $_size__tile_overlayer_lowered;
	s5 =	simm.s32 $_tile_overlayer_lowered  }
0x9b: {  	s22 =	simm.s32 $0x1BFF;
	s21 =	sshll.u32 s5, $0x1;
	s2 =	sadd.s32 s19, s18  }
0x9c: {  	s6 =	simm.s32 $0x0;
	s20 =	sshll.u32 s4, $0x1;
	s4 =	sadd.s32 s21, s2  }
0x9d: {  	[timem:s6], [sflag:s22] =	dma.local [hbm:s4], s20  }
0x9e: {  	_ =	swait.ge [sflag:s22], s20  }
0x9f: {  	s3 =	ssub.s32 $0x0, s20;
	[sflag:s22] =	ssyncset.done $0x0  }
0xa0: {  	[sflag:s22] =	ssyncadd.s32 s3;
	_ =	sdelay $0x1  }
0xa1: {  	s23 =	simm.s32 $0x1B8B  }
0xa2: {  	_ =	swait.ge [sflag:s23], $0x1  }
0xa3: {  	[sflag:s23] =	ssyncset.done $0x0  }
0xa4: {  	s25 =	simm.s32 $0x1B8E;
	s24 =	sld [smem:$0x3FFE];
	[sflag:s23] =	ssyncadd.s32 $0xFFFFFFFF  }
0xa5: {  	s26 =	simm.s32 $execute0_lowered;
	[smem:$0x3FD2] =	sst s25  }
0xa6: {  	s4 =	sshll.u32 s26, $0x1;
	_ =	strace $0x80000049;
	[dreg:$0x1] =	wrdreg $0xFFFFFFFF  }
0xa7: {  	s28 =	simm.s32 $_size_execute0_lowered;
	s2 =	sadd.s32 s2, s4;
	[dreg:$0x0] =	wrdreg $0x0  }
0xa8: {  	s4 =	sshll.u32 s28, $0x1;
	[dreg:$0x2] =	wrdreg s2  }
0xa9: {  	[dreg:$0x3] =	wrdreg s4  }
0xaa: {  	[dreg:$0x4] =	wrdreg $0xC0  }
0xab: {  	_ =	task [dreg:s6], $0x5FFFF  }
0xac: {  	[dreg:$0x1] =	wrdreg $0xFFFFFFFF  }
0xad: {  	[dreg:$0x0] =	wrdreg $0x60  }
0xae: {  	[dreg:$0x2] =	wrdreg s24  }
0xaf: {  	[dreg:$0x3] =	wrdreg $0xBC000  }
0xb0: {  	[dreg:$0x4] =	wrdreg $0x9  }
0xb1: {  	_ =	task.clear_ibuf [dreg:s6], $0x5FFFF;
	_ =	strace $0x90000049  }
0xb2: {  	s29 =	simm.s32 $0x9;
	_ =	strace $0x8000004B  }
0xb3: {  	_ =	swait.ge [sflag:s29], $0x1  }
0xb4: {  	[sflag:s29] =	ssyncadd.s32 $0xFFFFFFFF  }
0xb5: {  	_ =	strace $0x9000004B  }
0xb6: {  	_ =	sfence  }
0xb7: {  	s30 =	sld [smem:$0x0];
	_ =	sdelay $0x2  }
0xb8: {  	s31 =	sshll.u32 s1, $0xD;
	s1 =	sshrl.u32 s1, $0x2  }
0xb9: {  	s3 =	sand.u32 $0x4000, s31;
	s1 =	sadd.s32 s1, s30  }
0xba: {  	s0 =	sor.u32 s3, s0;
	s1 =	sshll.u32 s1, $0x11  }
0xbb: {  	s0 =	sor.u32 s1, s0  }
0xbc: {  	s0 =	sadd.s32 $0x8F2B, s0  }
0xbd: {  	[sflag:s0] =	ssyncadd.remote.s32 $0x1  }
0xbe: {  	_ =	sfence.sel $0xFFFF  }
0xbf: {  	[dreg:$0x0] =	wrdreg $0xFFFFFFFF;
	(pc) =	sbr.abs _section_cstart, $3  }
0xc0: {  	[dreg:$0x1] =	wrdreg $0xFFFFFFFF  }
0xc1: {  	_ =	task.clear_ibuf [dreg:s6], $0x2FFFF;
	_ =	strace $0x9FFFFFFF  }
0xc2: {  	(tm) =	ssettm $0x7FFFFFFF  }
0xc3: {  	_ =	shalt  }
tec
execute0_lowered:
.L_overlay_start_1:
0x0: {  	(tag) =	ssettag $0x1  }
0x1: {  	s4 =	rddreg [dreg:$0x0]  }
0x2: {  	s2 =	rddreg [dreg:$0x1]  }
0x3: {  	s0 =	rddreg [dreg:$0x2];
	s3 =	simm.s32 $0x0;
	s1 =	stileid.u32  }
0x4: {  	s5 =	srdreg.scid;
	s16 =	simm.s32 $0x3C00;
	s17 =	simm.s32 $0x80  }
0x5: {  	s18 =	simm.s32 $0x400;
	s19 =	simm.s32 $0x7C00;
	s20 =	simm.s32 $0x1  }
0x6: {  	s21 =	simm.s32 $0x2;
	s22 =	simm.s32 $0x2700;
	s23 =	simm.s32 $0x2780  }
0x7: {  	s28 =	simm.s32 $0x0;
	[smem:$0x7FF] =	sst s3;
	s6 =	smul.u32 $0x500, s1  }
0x8: {  	s5 =	sand.u32 $0x1, s5;
	s12 =	sadd.s32 $0x7800, s4;
	s8 =	smul.u32 $0x50000, s1  }
0x9: {  	s30 =	sshrl.u32 s1, $0x3;
	s31 =	sshll.u32 s1, $0x7;
	s25 =	smul.u32 $0x2800, s1  }
0xa: {  	_ =	strace $0x8000004A;
	s7 =	smul.u32 $0x28000, s5;
	s5 =	ssub.s32 $0x2, s5  }
0xb: {  	s9 =	smul.u32 $0x14000, s30;
	s10 =	sand.u32 $0x380, s31;
	s6 =	sadd.s32 s6, s4  }
0xc: {  	s26 =	sshrl.u32 s5, $0x1;
	s29 =	sshrl.u32 s8, $0x2;
	s13 =	sadd.s32 s7, s4  }
0xd: {  	s14 =	ssub.s32 s5, s26;
	s4 =	sadd.s32 s29, s2;
	s5 =	sadd.s32 $0x2800, s6  }
0xe: {  	s10 =	sor.u32 s10, s9;
	s26 =	simm.s32 $0x3B80;
	s6 =	sadd.s32 $0x4000, s4  }
0xf: {  	s7 =	sadd.s32 $0x8000, s4;
	s8 =	sadd.s32 $0xC000, s4;
	s9 =	sadd.s32 $0x10000, s4  }
0x10: {  	s11 =	sshrl.u32 s10, $0x3;
	s15 =	sadd.s32 $0xA000, s10;
	s24 =	sadd.s32 $0x5C800, s13  }
0x11: {  	s10 =	sadd.s32 s12, s11;
	s11 =	sadd.s32 $0xC800, s13;
	s15 =	sshrl.u32 s15, $0x3  }
0x12: {  	s13 =	smax.u32 s14, $0x1;
	s14 =	simm.s32 $0x1400;
	s24 =	sadd.s32 s25, s24  }
0x13: {  	v0 =	vimm.f32 $0.0e+00;
	s25 =	simm.s32 $0x3B00;
	s12 =	sadd.s32 s12, s15;
	s15 =	simm.s32 $0x3  }
.LBB2_1:
0x14: {  	[tilespmem:s14], [sflag:$0x3] =	stream.linear.gather [hbm4b:s5+s3], $0x2800, $0x38;
	[tilespmem:$0x1FC00] =	vst v63  }
0x15: {  	_ =	swait.ge [sflag:s15], $0x2800  }
0x16: {  	[sflag:s15] =	ssyncset.done $0x0  }
0x17: {  	s29 =	simm.s32 $0x0;
	s30 =	simm.s32 $0x200;
	[sflag:s15] =	ssyncadd.s32 $0xFFFFD800  }
.LBB2_2:
0x18: {  	p0 =	sne.s32 s30, $0xFE00;
	[tilespmem:s29+$0x3C70] =	vst v0  }
0x19: {  	[tilespmem:s29+$0x3C00] =	vst v0  }
0x1a: {  	[tilespmem:s29+$0x3C10] =	vst v0  }
.Ltmp0:
0x1b: {  	[tilespmem:s29+$0x3C20] =	vst v0;
	(pc) =	sbr.rel @p0 .LBB2_2-.Ltmp0, $4  }
0x1c: {  	[tilespmem:s29+$0x3C30] =	vst v0  }
0x1d: {  	[tilespmem:s29+$0x3C40] =	vst v0  }
0x1e: {  	[tilespmem:s29+$0x3C50] =	vst v0  }
0x1f: {  	[tilespmem:s29+$0x3C60] =	vst v0;
	s29 =	sshra.s32 s30, $0x2;
	s30 =	sadd.s32 $0x200, s30  }
0x20: {  	[tilespmem:s29+$0x3C70] =	vst v0  }
0x21: {  	[tilespmem:s29+$0x3C00] =	vst v0  }
0x22: {  	[tilespmem:s29+$0x3C10] =	vst v0  }
0x23: {  	[tilespmem:s29+$0x3C20] =	vst v0  }
0x24: {  	[tilespmem:s29+$0x3C30] =	vst v0  }
0x25: {  	[tilespmem:s29+$0x3C40] =	vst v0  }
0x26: {  	[tilespmem:s29+$0x3C50] =	vst v0  }
0x27: {  	[tilespmem:s29+$0x3C60] =	vst v0  }
0x28: {  	[spmem:s4] =	stream.linear.scatter [tilespmem:s16], [sflag:$0x3], $0x4000, $0x38;
	[tilespmem:$0x1FC00] =	vst v63  }
0x29: {  	_ =	swait.ge [sflag:s15], $0x4000  }
0x2a: {  	[sflag:s15] =	ssyncset.done $0x0  }
0x2b: {  	[sflag:s15] =	ssyncadd.s32 $0xFFFFC000  }
0x2c: {  	[spmem:s6] =	stream.linear.scatter [tilespmem:s16], [sflag:$0x3], $0x4000, $0x38;
	[tilespmem:$0x1FC00] =	vst v63  }
0x2d: {  	_ =	swait.ge [sflag:s15], $0x4000  }
0x2e: {  	[sflag:s15] =	ssyncset.done $0x0  }
0x2f: {  	[sflag:s15] =	ssyncadd.s32 $0xFFFFC000  }
0x30: {  	[spmem:s7] =	stream.linear.scatter [tilespmem:s16], [sflag:$0x3], $0x4000, $0x38;
	[tilespmem:$0x1FC00] =	vst v63  }
0x31: {  	_ =	swait.ge [sflag:s15], $0x4000  }
0x32: {  	[sflag:s15] =	ssyncset.done $0x0  }
0x33: {  	[sflag:s15] =	ssyncadd.s32 $0xFFFFC000  }
0x34: {  	[spmem:s8] =	stream.linear.scatter [tilespmem:s16], [sflag:$0x3], $0x4000, $0x38;
	[tilespmem:$0x1FC00] =	vst v63  }
0x35: {  	_ =	swait.ge [sflag:s15], $0x4000  }
0x36: {  	[sflag:s15] =	ssyncset.done $0x0  }
0x37: {  	[sflag:s15] =	ssyncadd.s32 $0xFFFFC000  }
0x38: {  	[spmem:s9] =	stream.linear.scatter [tilespmem:s16], [sflag:$0x3], $0x4000, $0x38;
	[tilespmem:$0x1FC00] =	vst v63  }
0x39: {  	_ =	swait.ge [sflag:s15], $0x4000  }
0x3a: {  	[sflag:s15] =	ssyncset.done $0x0  }
0x3b: {  	[sflag:s15] =	ssyncadd.s32 $0xFFFFC000  }
0x3c: {  	s29 =	simm.s32 $0x0;
	[bflag:$0x0] =	sbarrier.arrive $0xFFFF  }
0x3d: {  	[tilespmem:s29], [sflag:$0x3] =	stream.strided.gather [hbm4b:s10+s17], $0x1400, s18, s17, $0x38;
	[tilespmem:$0x1FC00] =	vst v63  }
0x3e: {  	_ =	swait.ge [sflag:s15], $0x1400  }
0x3f: {  	[sflag:s15] =	ssyncset.done $0x0  }
0x40: {  	[sflag:s15] =	ssyncadd.s32 $0xFFFFEC00  }
0x41: {  	[tilespmem:s16], [sflag:$0x1] =	stream.indirect.gather [hbm4b:s11+s17], $0x80, s29, s17, $0xb8;
	[tilespmem:$0x1FC00] =	vst v63  }
0x42: {  	_ = 	snop  }
0x43: {  	[tilespmem:s19], [sflag:$0x2] =	stream.indirect.gather [hbm4b:s11+s17], $0x80, s17, s17, $0xb8;
	[tilespmem:$0x1FC00] =	vst v63  }
0x44: {  	_ =	swait.ge [sflag:s20], $0x4000  }
0x45: {  	[sflag:s20] =	ssyncset.done $0x0  }
0x46: {  	s29 =	simm.s32 $0x1400;
	[sflag:s20] =	ssyncadd.s32 $0xFFFFC000  }
0x47: {  	[spmem:s2] =	stream.indirect.scatter.add.f32 [tilespmem:s16], [sflag:$0x3], $0x80, s29, s17, $0xb8;
	[tilespmem:$0x1FC00] =	vst v63  }
0x48: {  	_ =	swait.ge [sflag:s15], $0x4000  }
0x49: {  	[sflag:s15] =	ssyncset.done $0x0  }
0x4a: {  	s29 =	simm.s32 $0x100;
	[sflag:s15] =	ssyncadd.s32 $0xFFFFC000  }
0x4b: {  	[tilespmem:s16], [sflag:$0x1] =	stream.indirect.gather [hbm4b:s11+s17], $0x80, s29, s17, $0xb8;
	[tilespmem:$0x1FC00] =	vst v63  }
0x4c: {  	_ =	swait.ge [sflag:s21], $0x4000  }
0x4d: {  	[sflag:s21] =	ssyncset.done $0x0  }
0x4e: {  	s29 =	simm.s32 $0x1480;
	[sflag:s21] =	ssyncadd.s32 $0xFFFFC000  }
0x4f: {  	[spmem:s2] =	stream.indirect.scatter.add.f32 [tilespmem:s19], [sflag:$0x3], $0x80, s29, s17, $0xb8;
	[tilespmem:$0x1FC00] =	vst v63  }
0x50: {  	_ =	swait.ge [sflag:s15], $0x4000  }
0x51: {  	[sflag:s15] =	ssyncset.done $0x0  }
0x52: {  	s30 =	simm.s32 $0x180;
	s29 =	simm.s32 $0x400;
	[sflag:s15] =	ssyncadd.s32 $0xFFFFC000  }
.LBB2_4:
0x53: {  	[tilespmem:s19], [sflag:$0x2] =	stream.indirect.gather [hbm4b:s11+s17], $0x80, s30, s17, $0xb8;
	[tilespmem:$0x1FC00] =	vst v63  }
0x54: {  	s30 =	smov.u32 s29  }
0x55: {  	p0 =	sne.s32 s29, $0x4800;
	s29 =	sadd.s32 $0x400, s29;
	_ =	swait.ge [sflag:s20], $0x4000  }
0x56: {  	s30 =	sshra.s32 s30, $0x2;
	[sflag:s20] =	ssyncset.done $0x0  }
0x57: {  	s31 =	sadd.s32 $0x1400, s30;
	[sflag:s20] =	ssyncadd.s32 $0xFFFFC000  }
0x58: {  	[spmem:s2] =	stream.indirect.scatter.add.f32 [tilespmem:s16], [sflag:$0x3], $0x80, s31, s17, $0xb8;
	[tilespmem:$0x1FC00] =	vst v63  }
0x59: {  	_ =	swait.ge [sflag:s15], $0x4000  }
0x5a: {  	[sflag:s15] =	ssyncset.done $0x0  }
0x5b: {  	s31 =	sadd.s32 $0x100, s30;
	[sflag:s15] =	ssyncadd.s32 $0xFFFFC000  }
0x5c: {  	[tilespmem:s16], [sflag:$0x1] =	stream.indirect.gather [hbm4b:s11+s17], $0x80, s31, s17, $0xb8;
	[tilespmem:$0x1FC00] =	vst v63  }
0x5d: {  	_ =	swait.ge [sflag:s21], $0x4000  }
0x5e: {  	[sflag:s21] =	ssyncset.done $0x0  }
.Ltmp1:
0x5f: {  	s31 =	sadd.s32 $0x1480, s30;
	[sflag:s21] =	ssyncadd.s32 $0xFFFFC000;
	(pc) =	sbr.rel @p0 .LBB2_4-.Ltmp1, $4  }
0x60: {  	[spmem:s2] =	stream.indirect.scatter.add.f32 [tilespmem:s19], [sflag:$0x3], $0x80, s31, s17, $0xb8;
	[tilespmem:$0x1FC00] =	vst v63  }
0x61: {  	_ =	swait.ge [sflag:s15], $0x4000  }
0x62: {  	[sflag:s15] =	ssyncset.done $0x0  }
0x63: {  	s30 =	sadd.s32 $0x180, s30;
	[sflag:s15] =	ssyncadd.s32 $0xFFFFC000  }
0x64: {  	[tilespmem:s19], [sflag:$0x2] =	stream.indirect.gather [hbm4b:s11+s17], $0x80, s30, s17, $0xb8;
	[tilespmem:$0x1FC00] =	vst v63  }
0x65: {  	_ =	swait.ge [sflag:s20], $0x4000  }
0x66: {  	[sflag:s20] =	ssyncset.done $0x0  }
0x67: {  	[sflag:s20] =	ssyncadd.s32 $0xFFFFC000  }
0x68: {  	[spmem:s2] =	stream.indirect.scatter.add.f32 [tilespmem:s16], [sflag:$0x3], $0x80, s22, s17, $0xb8;
	[tilespmem:$0x1FC00] =	vst v63  }
0x69: {  	_ =	swait.ge [sflag:s15], $0x4000  }
0x6a: {  	[sflag:s15] =	ssyncset.done $0x0  }
0x6b: {  	[sflag:s15] =	ssyncadd.s32 $0xFFFFC000  }
0x6c: {  	_ =	swait.ge [sflag:s21], $0x4000  }
0x6d: {  	[sflag:s21] =	ssyncset.done $0x0  }
0x6e: {  	[sflag:s21] =	ssyncadd.s32 $0xFFFFC000  }
0x6f: {  	[spmem:s2] =	stream.indirect.scatter.add.f32 [tilespmem:s19], [sflag:$0x3], $0x80, s23, s17, $0xb8;
	[tilespmem:$0x1FC00] =	vst v63  }
0x70: {  	_ =	swait.ge [sflag:s15], $0x4000  }
0x71: {  	[sflag:s15] =	ssyncset.done $0x0  }
0x72: {  	[sflag:s15] =	ssyncadd.s32 $0xFFFFC000  }
0x73: {  	[tilespmem:s3], [sflag:$0x3] =	stream.strided.gather [hbm4b:s12+s17], $0x1400, s18, s17, $0x38;
	[tilespmem:$0x1FC00] =	vst v63  }
0x74: {  	_ =	swait.ge [sflag:s15], $0x1400  }
0x75: {  	[sflag:s15] =	ssyncset.done $0x0  }
0x76: {  	[sflag:s15] =	ssyncadd.s32 $0xFFFFEC00  }
0x77: {  	[tilespmem:s16], [sflag:$0x1] =	stream.indirect.gather [hbm4b:s11+s17], $0x80, s3, s17, $0xb8;
	[tilespmem:$0x1FC00] =	vst v63  }
0x78: {  	_ = 	snop  }
0x79: {  	[tilespmem:s19], [sflag:$0x2] =	stream.indirect.gather [hbm4b:s11+s17], $0x80, s17, s17, $0xb8;
	[tilespmem:$0x1FC00] =	vst v63  }
0x7a: {  	_ =	swait.ge [sflag:s20], $0x4000  }
0x7b: {  	[sflag:s20] =	ssyncset.done $0x0  }
0x7c: {  	s29 =	simm.s32 $0x2800;
	[sflag:s20] =	ssyncadd.s32 $0xFFFFC000  }
0x7d: {  	[spmem:s2] =	stream.indirect.scatter.add.f32 [tilespmem:s16], [sflag:$0x3], $0x80, s29, s17, $0xb8;
	[tilespmem:$0x1FC00] =	vst v63  }
0x7e: {  	_ =	swait.ge [sflag:s15], $0x4000  }
0x7f: {  	[sflag:s15] =	ssyncset.done $0x0  }
0x80: {  	s29 =	simm.s32 $0x100;
	[sflag:s15] =	ssyncadd.s32 $0xFFFFC000  }
0x81: {  	[tilespmem:s16], [sflag:$0x1] =	stream.indirect.gather [hbm4b:s11+s17], $0x80, s29, s17, $0xb8;
	[tilespmem:$0x1FC00] =	vst v63  }
0x82: {  	_ =	swait.ge [sflag:s21], $0x4000  }
0x83: {  	[sflag:s21] =	ssyncset.done $0x0  }
0x84: {  	s29 =	simm.s32 $0x2880;
	[sflag:s21] =	ssyncadd.s32 $0xFFFFC000  }
0x85: {  	[spmem:s2] =	stream.indirect.scatter.add.f32 [tilespmem:s19], [sflag:$0x3], $0x80, s29, s17, $0xb8;
	[tilespmem:$0x1FC00] =	vst v63  }
0x86: {  	_ =	swait.ge [sflag:s15], $0x4000  }
0x87: {  	[sflag:s15] =	ssyncset.done $0x0  }
0x88: {  	s30 =	simm.s32 $0x180;
	s29 =	simm.s32 $0xFFFFB800;
	[sflag:s15] =	ssyncadd.s32 $0xFFFFC000  }
.LBB2_6:
0x89: {  	[tilespmem:s19], [sflag:$0x2] =	stream.indirect.gather [hbm4b:s11+s17], $0x80, s30, s17, $0xb8;
	[tilespmem:$0x1FC00] =	vst v63  }
0x8a: {  	s30 =	smov.u32 s29  }
0x8b: {  	p0 =	sne.s32 s29, $0xFFFFFC00;
	s29 =	sadd.s32 $0x400, s29;
	_ =	swait.ge [sflag:s20], $0x4000  }
0x8c: {  	s30 =	sshra.s32 s30, $0x2;
	[sflag:s20] =	ssyncset.done $0x0  }
0x8d: {  	s31 =	sadd.s32 $0x3B00, s30;
	[sflag:s20] =	ssyncadd.s32 $0xFFFFC000  }
0x8e: {  	[spmem:s2] =	stream.indirect.scatter.add.f32 [tilespmem:s16], [sflag:$0x3], $0x80, s31, s17, $0xb8;
	[tilespmem:$0x1FC00] =	vst v63  }
0x8f: {  	_ =	swait.ge [sflag:s15], $0x4000  }
0x90: {  	[sflag:s15] =	ssyncset.done $0x0  }
0x91: {  	s31 =	sadd.s32 $0x1400, s30;
	[sflag:s15] =	ssyncadd.s32 $0xFFFFC000  }
0x92: {  	[tilespmem:s16], [sflag:$0x1] =	stream.indirect.gather [hbm4b:s11+s17], $0x80, s31, s17, $0xb8;
	[tilespmem:$0x1FC00] =	vst v63  }
0x93: {  	_ =	swait.ge [sflag:s21], $0x4000  }
0x94: {  	[sflag:s21] =	ssyncset.done $0x0  }
.Ltmp2:
0x95: {  	s31 =	sadd.s32 $0x3B80, s30;
	[sflag:s21] =	ssyncadd.s32 $0xFFFFC000;
	(pc) =	sbr.rel @p0 .LBB2_6-.Ltmp2, $4  }
0x96: {  	[spmem:s2] =	stream.indirect.scatter.add.f32 [tilespmem:s19], [sflag:$0x3], $0x80, s31, s17, $0xb8;
	[tilespmem:$0x1FC00] =	vst v63  }
0x97: {  	_ =	swait.ge [sflag:s15], $0x4000  }
0x98: {  	[sflag:s15] =	ssyncset.done $0x0  }
0x99: {  	s30 =	sadd.s32 $0x1480, s30;
	[sflag:s15] =	ssyncadd.s32 $0xFFFFC000  }
0x9a: {  	[tilespmem:s19], [sflag:$0x2] =	stream.indirect.gather [hbm4b:s11+s17], $0x80, s30, s17, $0xb8;
	[tilespmem:$0x1FC00] =	vst v63  }
0x9b: {  	_ =	swait.ge [sflag:s20], $0x4000  }
0x9c: {  	[sflag:s20] =	ssyncset.done $0x0  }
0x9d: {  	[sflag:s20] =	ssyncadd.s32 $0xFFFFC000  }
0x9e: {  	[spmem:s2] =	stream.indirect.scatter.add.f32 [tilespmem:s16], [sflag:$0x3], $0x80, s25, s17, $0xb8;
	[tilespmem:$0x1FC00] =	vst v63  }
0x9f: {  	_ =	swait.ge [sflag:s15], $0x4000  }
0xa0: {  	[sflag:s15] =	ssyncset.done $0x0  }
0xa1: {  	[sflag:s15] =	ssyncadd.s32 $0xFFFFC000  }
0xa2: {  	_ =	swait.ge [sflag:s21], $0x4000  }
0xa3: {  	[sflag:s21] =	ssyncset.done $0x0  }
0xa4: {  	[sflag:s21] =	ssyncadd.s32 $0xFFFFC000  }
0xa5: {  	[spmem:s2] =	stream.indirect.scatter.add.f32 [tilespmem:s19], [sflag:$0x3], $0x80, s26, s17, $0xb8;
	[tilespmem:$0x1FC00] =	vst v63  }
0xa6: {  	_ =	swait.ge [sflag:s15], $0x4000  }
0xa7: {  	s29 =	sshll.u32 s1, $0x6;
	s28 =	sadd.s32 $0x1, s28;
	[sflag:s15] =	ssyncset.done $0x0  }
0xa8: {  	s31 =	sshrl.u32 s4, $0x3;
	p0 =	sne.s32 s28, s13;
	[sflag:s15] =	ssyncadd.s32 $0xFFFFC000  }
.Ltmp3:
0xa9: {  	s29 =	sor.u32 $0x1C03, s29;
	[bflag:$0x0] =	sbarrier.arrive $0xFFFF;
	(pc) =	sbr.rel @p0 .LBB2_1-.Ltmp3, $4  }
0xaa: {  	[hbm:s24], [sflag:s29] =	dma.local [spmem:s31], $0x2800  }
0xab: {  	_ =	swait.ge [sflag:s15], $0x2800  }
0xac: {  	[sflag:s15] =	ssyncset.done $0x0  }
0xad: {  	[sflag:s15] =	ssyncadd.s32 $0xFFFFD800  }
0xae: {  	_ =	sfence.sel $0x180000  }
0xaf: {  	[bflag:$0x0] =	sbarrier.arrive $0xFFFF  }
0xb0: {  	p0 =	sne.s32 s1, $0x0;
	_ =	strace $0x9000004A  }
0xb1: {  	s0 =	sadd.s32 @!p0 $0x100000, s0;
	[bflag:$0x2] =	sbarrier.arrive $0xFFFF  }
0xb2: {  	[sflag:s0] =	ssyncadd.tile.s32 @!p0 $0x1;
	_ =	shalt  }
.Lfunc_end2:
_tile_overlayer_lowered:
.L_overlay_start_2:
0xb3: {  	(tag) =	ssettag $0x2  }
0xb4: {  	s0 =	rddreg [dreg:$0x0];
	s2 =	stileid.u32  }
0xb5: {  	s1 =	rddreg [dreg:$0x1];
	p0 =	sne.s32 s2, $0x0  }
0xb6: {  	s3 =	rddreg [dreg:$0x2];
	[bflag:$0x3] =	sbarrier.arrive $0xFFFF;
	s2 =	simm.s32 @!p0 $0x1C03  }
0xb7: {  	[timem:s3], [sflag:s2] =	dma.local @!p0 [hbm:s0], s1  }
0xb8: {  	s0 =	simm.s32 @!p0 $0x3  }
0xb9: {  	_ =	swait.ge @!p0 [sflag:s0], s1  }
0xba: {  	s1 =	ssub.s32 @!p0 $0x0, s1;
	[sflag:s0] =	ssyncset.done @!p0 $0x0  }
0xbb: {  	[sflag:s0] =	ssyncadd.s32 @!p0 s1  }
0xbc: {  	[bflag:$0x3] =	sbarrier.arrive $0xFFFF  }
0xbd: {  	_ =	shalt  }

// kernel: kernel.16.cloned.1.call-start
scs
__scs_entry_jumppad:
0x0: {  	(pc) =	sbr.rel $0x88, $3  }
0x1: {  	(tag) =	ssettag $0x0;
	lr =	simm.s32 $0x1  }
0x2: {  	[smem:$0x3F99] =	sst lr;
	_ =	strace $0xD0000000  }
0x3: {  	_ = 	snop  }
0x4: {  	_ = 	snop  }
0x5: {  	_ = 	snop  }
0x6: {  	_ = 	snop  }
0x7: {  	_ = 	snop  }
__scs_overlays_trampoline_lowered:
0x8: {  	[smem:$0x3FA8] =	sst s0  }
0x9: {  	[smem:$0x3FA9] =	sst s1  }
0xa: {  	[smem:$0x3FAA] =	sst s2  }
0xb: {  	[smem:$0x3FAB] =	sst s3  }
0xc: {  	[smem:$0x3FAC] =	sst s4  }
0xd: {  	[smem:$0x3FAD] =	sst s5  }
0xe: {  	[smem:$0x3FAE] =	sst s6  }
0xf: {  	[smem:$0x3FAF] =	sst s7  }
0x10: {  	[smem:$0x3FB0] =	sst s8  }
0x11: {  	[smem:$0x3FB1] =	sst s9;
	s0 =	simm.s32 @!p0 $0x0  }
0x12: {  	s1 =	sld [smem:$0x3F97];
	s0 =	simm.s32 @p0 $0x1  }
0x13: {  	[smem:$0x3FB2] =	sst s0;
	s0 =	simm.s32 @!p1 $0x0  }
0x14: {  	s2 =	sld [smem:$0x3F96];
	s0 =	simm.s32 @p1 $0x1  }
0x15: {  	[smem:$0x3FB3] =	sst s0;
	s0 =	simm.s32 @!p2 $0x0  }
0x16: {  	s3 =	sld [smem:$0x3FDB];
	s0 =	simm.s32 @p2 $0x1  }
0x17: {  	s4 =	simm.s32 $0x1BF5;
	[smem:$0x3FB5] =	sst s0  }
0x18: {  	s0 =	sld [smem:$0x3F98];
	_ =	swait.ge [sflag:s4], $0x0  }
0x19: {  	s7 =	sld [smem:$0x3F99]  }
0x1a: {  	s8 =	sadd.s32 $0xFFFFE003, lr  }
0x1b: {  	s9 =	sadd.s32 $0xFFFFFEF7, lr;
	s5 =	simm.s32 $0xFFFFFFFF;
	p2 =	slt.u32 s8, $0xFFFFF086  }
0x1c: {  	p1 =	slt.u32 s9, $0xF7A;
	s5 =	simm.s32 @!p2 $0x0  }
0x1d: {  	s5 =	simm.s32 @p1 $0x1;
	p0 =	seq.s32 s7, s2  }
0x1e: {  	s7 =	smul.u32 @!p0 $0xF7A, s2;
	p2 =	seq.s32 @!p0 s5, $0x0  }
0x1f: {  	s9 =	smul.u32 $0xF7A, s1;
	s8 =	simm.s32 @!p0 $0x1BF5;
	p2 =	por !p2, p0  }
0x20: {  	[sflag:s8] =	ssyncset.s32 @!p0 $0xFFFFF086;
	s6 =	sadd.s32 @!p0 s3, s7;
	s7 =	simm.s32 @!p0 $0x108  }
0x21: {  	s3 =	sadd.s32 s3, s9;
	s6 =	sadd.s32 @!p0 $0x88, s6;
	s7 =	simm.s32 @p2 $0x1082  }
0x22: {  	[simem:s7], [sflag:s8] =	dma.local @!p0 [hbm:s6], $0xF7A  }
0x23: {  	s9 =	sor.u32 $0xD0000000, s2;
	s6 =	simm.s32 $0x108;
	_ =	swait.ge @!p0 [sflag:s8], $0x0  }
0x24: {  	s3 =	sadd.s32 $0x88, s3;
	s6 =	simm.s32 @!p1 $0x1082;
	[sflag:s4] =	ssyncset.s32 $0xFFFFF086  }
0x25: {  	[simem:s6], [sflag:s4] =	dma.local [hbm:s3], $0xF7A  }
0x26: {  	[smem:$0x3F99] =	sst s1;
	(tag) =	ssettag s2;
	_ =	strace s9  }
0x27: {  	s1 =	sld [smem:$0x3FA9]  }
0x28: {  	s2 =	sld [smem:$0x3FAA]  }
0x29: {  	s4 =	sld [smem:$0x3FAC]  }
0x2a: {  	p0 =	seq.s32 s5, $0x0;
	s5 =	sld [smem:$0x3FAD]  }
0x2b: {  	s6 =	sld [smem:$0x3FAE]  }
0x2c: {  	s7 =	sld [smem:$0x3FAF]  }
0x2d: {  	s3 =	simm.s32 $0x108;
	s8 =	sld [smem:$0x3FB0]  }
0x2e: {  	s3 =	simm.s32 @!p0 $0x1082;
	s9 =	sld [smem:$0x3FB1]  }
0x2f: {  	lr =	sadd.s32 s0, s3;
	s0 =	sld [smem:$0x3FA8]  }
0x30: {  	s3 =	sld [smem:$0x3FAB]  }
0x31: {  	[smem:$0x3FB4] =	sst s10  }
0x32: {  	s10 =	sld [smem:$0x3FB2];
	_ =	sdelay $0x3  }
0x33: {  	p0 =	seq.s32 s10, $0x1;
	s10 =	sld [smem:$0x3FB4];
	_ =	sdelay $0x3  }
0x34: {  	[smem:$0x3FB4] =	sst s10  }
0x35: {  	s10 =	sld [smem:$0x3FB3];
	_ =	sdelay $0x3  }
0x36: {  	p1 =	seq.s32 s10, $0x1;
	s10 =	sld [smem:$0x3FB4];
	_ =	sdelay $0x3  }
0x37: {  	[smem:$0x3FB4] =	sst s10  }
0x38: {  	s10 =	sld [smem:$0x3FB5]  }
0x39: {  	_ = 	snop;
	(pc) =	sbr.ind lr, $3  }
0x3a: {  	_ = 	snop  }
0x3b: {  	_ = 	snop  }
0x3c: {  	p2 =	seq.s32 s10, $0x1;
	s10 =	sld [smem:$0x3FB4]  }
0x3d: {  	_ =	shalt  }
0x3e: {  	_ =	shalt  }
0x3f: {  	_ =	shalt  }
0x40: {  	_ =	shalt  }
0x41: {  	_ =	shalt  }
0x42: {  	_ =	shalt  }
0x43: {  	_ =	shalt  }
0x44: {  	_ =	shalt  }
0x45: {  	_ =	shalt  }
0x46: {  	_ =	shalt  }
0x47: {  	_ =	shalt  }
0x48: {  	_ =	shalt  }
0x49: {  	_ =	shalt  }
0x4a: {  	_ =	shalt  }
0x4b: {  	_ =	shalt  }
0x4c: {  	_ =	shalt  }
0x4d: {  	_ =	shalt  }
0x4e: {  	_ =	shalt  }
0x4f: {  	_ =	shalt  }
0x50: {  	_ =	shalt  }
0x51: {  	_ =	shalt  }
0x52: {  	_ =	shalt  }
0x53: {  	_ =	shalt  }
0x54: {  	_ =	shalt  }
0x55: {  	_ =	shalt  }
0x56: {  	_ =	shalt  }
0x57: {  	_ =	shalt  }
0x58: {  	_ =	shalt  }
0x59: {  	_ =	shalt  }
0x5a: {  	_ =	shalt  }
0x5b: {  	_ =	shalt  }
0x5c: {  	_ =	shalt  }
0x5d: {  	_ =	shalt  }
0x5e: {  	_ =	shalt  }
0x5f: {  	_ =	shalt  }
0x60: {  	_ =	shalt  }
0x61: {  	_ =	shalt  }
0x62: {  	_ =	shalt  }
0x63: {  	_ =	shalt  }
0x64: {  	_ =	shalt  }
0x65: {  	_ =	shalt  }
0x66: {  	_ =	shalt  }
0x67: {  	_ =	shalt  }
0x68: {  	_ =	shalt  }
0x69: {  	_ =	shalt  }
0x6a: {  	_ =	shalt  }
0x6b: {  	_ =	shalt  }
0x6c: {  	_ =	shalt  }
0x6d: {  	_ =	shalt  }
0x6e: {  	_ =	shalt  }
0x6f: {  	_ =	shalt  }
0x70: {  	_ =	shalt  }
0x71: {  	_ =	shalt  }
0x72: {  	_ =	shalt  }
0x73: {  	_ =	shalt  }
0x74: {  	_ =	shalt  }
0x75: {  	_ =	shalt  }
0x76: {  	_ =	shalt  }
0x77: {  	_ =	shalt  }
0x78: {  	_ =	shalt  }
0x79: {  	_ =	shalt  }
0x7a: {  	_ =	shalt  }
0x7b: {  	_ =	shalt  }
0x7c: {  	_ =	shalt  }
0x7d: {  	_ =	shalt  }
0x7e: {  	_ =	shalt  }
0x7f: {  	_ =	shalt  }
0x80: {  	_ =	shalt  }
0x81: {  	_ =	shalt  }
0x82: {  	_ =	shalt  }
0x83: {  	_ =	shalt  }
0x84: {  	_ =	shalt  }
0x85: {  	_ =	shalt  }
0x86: {  	_ =	shalt  }
0x87: {  	_ =	shalt  }
.Lfunc_end0:
.L_simem_size_0:
called_computation.2_lowered:
.L_overlay_start_0:
0x88: {  	s2 =	sld [smem:$0x3FD9]  }
0x89: {  	s3 =	sld [smem:$0x3FFE];
	_ =	sdelay $0x1  }
0x8a: {  	s1 =	srdreg.scid  }
0x8b: {  	s0 =	sand.u32 $0x1, s1  }
0x8c: {  	s16 =	sshll.u32 s0, $0xA;
	s2 =	sadd.s32 s3, s2  }
0x8d: {  	s2 =	sadd.s32 s2, s16  }
0x8e: {  	[smem:$0x3FC0] =	sst s2  }
0x8f: {  	_ = 	snop  }
0x90: {  	(tm) =	ssettm $0x1  }
0x91: {  	s17 =	sld [smem:$0x3FFB];
	_ =	sdelay $0x3  }
0x92: {  	_ =	strace s17  }
0x93: {  	s2 =	sld [smem:$0x3FFC];
	_ =	sdelay $0x3  }
0x94: {  	_ =	strace s2  }
0x95: {  	s2 =	sld [smem:$0x3FFD];
	_ =	sdelay $0x3  }
0x96: {  	_ =	strace s2  }
0x97: {  	_ =	strace $0x8FFFFFFF  }
0x98: {  	s18 =	sld [smem:$0x3FDB];
	_ =	sdelay $0x1  }
0x99: {  	s19 =	simm.s32 $_scs_section_size  }
0x9a: {  	s4 =	simm.s32 $_size__tile_overlayer_lowered;
	s5 =	simm.s32 $_tile_overlayer_lowered  }
0x9b: {  	s22 =	simm.s32 $0x1BFF;
	s21 =	sshll.u32 s5, $0x1;
	s2 =	sadd.s32 s19, s18  }
0x9c: {  	s6 =	simm.s32 $0x0;
	s20 =	sshll.u32 s4, $0x1;
	s4 =	sadd.s32 s21, s2  }
0x9d: {  	[timem:s6], [sflag:s22] =	dma.local [hbm:s4], s20  }
0x9e: {  	_ =	swait.ge [sflag:s22], s20  }
0x9f: {  	s3 =	ssub.s32 $0x0, s20;
	[sflag:s22] =	ssyncset.done $0x0  }
0xa0: {  	[sflag:s22] =	ssyncadd.s32 s3;
	_ =	sdelay $0x1  }
0xa1: {  	s23 =	simm.s32 $0x1B8B  }
0xa2: {  	_ =	swait.ge [sflag:s23], $0x1  }
0xa3: {  	[sflag:s23] =	ssyncset.done $0x0  }
0xa4: {  	s25 =	simm.s32 $0x1B8E;
	s24 =	sld [smem:$0x3FFE];
	[sflag:s23] =	ssyncadd.s32 $0xFFFFFFFF  }
0xa5: {  	s26 =	simm.s32 $execute0_lowered;
	[smem:$0x3FD2] =	sst s25  }
0xa6: {  	s4 =	sshll.u32 s26, $0x1;
	_ =	strace $0x8000004C;
	[dreg:$0x1] =	wrdreg $0xFFFFFFFF  }
0xa7: {  	s28 =	simm.s32 $_size_execute0_lowered;
	s2 =	sadd.s32 s2, s4;
	[dreg:$0x0] =	wrdreg $0x0  }
0xa8: {  	s4 =	sshll.u32 s28, $0x1;
	[dreg:$0x2] =	wrdreg s2  }
0xa9: {  	[dreg:$0x3] =	wrdreg s4  }
0xaa: {  	[dreg:$0x4] =	wrdreg $0xC0  }
0xab: {  	_ =	task [dreg:s6], $0x5FFFF  }
0xac: {  	[dreg:$0x1] =	wrdreg $0xFFFFFFFF  }
0xad: {  	[dreg:$0x0] =	wrdreg $0x60  }
0xae: {  	[dreg:$0x2] =	wrdreg s24  }
0xaf: {  	[dreg:$0x3] =	wrdreg $0xBC000  }
0xb0: {  	[dreg:$0x4] =	wrdreg $0x9  }
0xb1: {  	_ =	task.clear_ibuf [dreg:s6], $0x5FFFF;
	_ =	strace $0x9000004C  }
0xb2: {  	s29 =	simm.s32 $0x9;
	_ =	strace $0x8000004E  }
0xb3: {  	_ =	swait.ge [sflag:s29], $0x1  }
0xb4: {  	[sflag:s29] =	ssyncadd.s32 $0xFFFFFFFF  }
0xb5: {  	_ =	strace $0x9000004E  }
0xb6: {  	_ =	sfence  }
0xb7: {  	s30 =	sld [smem:$0x0];
	_ =	sdelay $0x2  }
0xb8: {  	s31 =	sshll.u32 s1, $0xD;
	s1 =	sshrl.u32 s1, $0x2  }
0xb9: {  	s3 =	sand.u32 $0x4000, s31;
	s1 =	sadd.s32 s1, s30  }
0xba: {  	s0 =	sor.u32 s3, s0;
	s1 =	sshll.u32 s1, $0x11  }
0xbb: {  	s0 =	sor.u32 s1, s0  }
0xbc: {  	s0 =	sadd.s32 $0x8F2B, s0  }
0xbd: {  	[sflag:s0] =	ssyncadd.remote.s32 $0x1  }
0xbe: {  	_ =	sfence.sel $0xFFFF  }
0xbf: {  	[dreg:$0x0] =	wrdreg $0xFFFFFFFF;
	(pc) =	sbr.abs _section_cstart, $3  }
0xc0: {  	[dreg:$0x1] =	wrdreg $0xFFFFFFFF  }
0xc1: {  	_ =	task.clear_ibuf [dreg:s6], $0x2FFFF;
	_ =	strace $0x9FFFFFFF  }
0xc2: {  	(tm) =	ssettm $0x7FFFFFFF  }
0xc3: {  	_ =	shalt  }
tec
execute0_lowered:
.L_overlay_start_1:
0x0: {  	(tag) =	ssettag $0x1  }
0x1: {  	s4 =	rddreg [dreg:$0x0]  }
0x2: {  	s2 =	rddreg [dreg:$0x1]  }
0x3: {  	s0 =	rddreg [dreg:$0x2];
	s3 =	simm.s32 $0x0;
	s1 =	stileid.u32  }
0x4: {  	s5 =	srdreg.scid;
	s16 =	simm.s32 $0x3C00;
	s17 =	simm.s32 $0x80  }
0x5: {  	s18 =	simm.s32 $0x400;
	s19 =	simm.s32 $0x7C00;
	s20 =	simm.s32 $0x1  }
0x6: {  	s21 =	simm.s32 $0x2;
	s22 =	simm.s32 $0x2700;
	s23 =	simm.s32 $0x2780  }
0x7: {  	s28 =	simm.s32 $0x0;
	[smem:$0x7FF] =	sst s3;
	s6 =	smul.u32 $0x500, s1  }
0x8: {  	s5 =	sand.u32 $0x1, s5;
	s12 =	sadd.s32 $0x7800, s4;
	s8 =	smul.u32 $0x50000, s1  }
0x9: {  	s30 =	sshrl.u32 s1, $0x3;
	s31 =	sshll.u32 s1, $0x7;
	s25 =	smul.u32 $0x2800, s1  }
0xa: {  	_ =	strace $0x8000004D;
	s7 =	smul.u32 $0x28000, s5;
	s5 =	ssub.s32 $0x2, s5  }
0xb: {  	s9 =	smul.u32 $0x14000, s30;
	s10 =	sand.u32 $0x380, s31;
	s6 =	sadd.s32 s6, s4  }
0xc: {  	s26 =	sshrl.u32 s5, $0x1;
	s29 =	sshrl.u32 s8, $0x2;
	s13 =	sadd.s32 s7, s4  }
0xd: {  	s14 =	ssub.s32 s5, s26;
	s4 =	sadd.s32 s29, s2;
	s5 =	sadd.s32 $0x2800, s6  }
0xe: {  	s10 =	sor.u32 s10, s9;
	s26 =	simm.s32 $0x3B80;
	s6 =	sadd.s32 $0x4000, s4  }
0xf: {  	s7 =	sadd.s32 $0x8000, s4;
	s8 =	sadd.s32 $0xC000, s4;
	s9 =	sadd.s32 $0x10000, s4  }
0x10: {  	s11 =	sshrl.u32 s10, $0x3;
	s15 =	sadd.s32 $0xA000, s10;
	s24 =	sadd.s32 $0x5C800, s13  }
0x11: {  	s10 =	sadd.s32 s12, s11;
	s11 =	sadd.s32 $0xC800, s13;
	s15 =	sshrl.u32 s15, $0x3  }
0x12: {  	s13 =	smax.u32 s14, $0x1;
	s14 =	simm.s32 $0x1400;
	s24 =	sadd.s32 s25, s24  }
0x13: {  	v0 =	vimm.f32 $0.0e+00;
	s25 =	simm.s32 $0x3B00;
	s12 =	sadd.s32 s12, s15;
	s15 =	simm.s32 $0x3  }
.LBB2_1:
0x14: {  	[tilespmem:s14], [sflag:$0x3] =	stream.linear.gather [hbm4b:s5+s3], $0x2800, $0x38;
	[tilespmem:$0x1FC00] =	vst v63  }
0x15: {  	_ =	swait.ge [sflag:s15], $0x2800  }
0x16: {  	[sflag:s15] =	ssyncset.done $0x0  }
0x17: {  	s29 =	simm.s32 $0x0;
	s30 =	simm.s32 $0x200;
	[sflag:s15] =	ssyncadd.s32 $0xFFFFD800  }
.LBB2_2:
0x18: {  	p0 =	sne.s32 s30, $0xFE00;
	[tilespmem:s29+$0x3C70] =	vst v0  }
0x19: {  	[tilespmem:s29+$0x3C00] =	vst v0  }
0x1a: {  	[tilespmem:s29+$0x3C10] =	vst v0  }
.Ltmp0:
0x1b: {  	[tilespmem:s29+$0x3C20] =	vst v0;
	(pc) =	sbr.rel @p0 .LBB2_2-.Ltmp0, $4  }
0x1c: {  	[tilespmem:s29+$0x3C30] =	vst v0  }
0x1d: {  	[tilespmem:s29+$0x3C40] =	vst v0  }
0x1e: {  	[tilespmem:s29+$0x3C50] =	vst v0  }
0x1f: {  	[tilespmem:s29+$0x3C60] =	vst v0;
	s29 =	sshra.s32 s30, $0x2;
	s30 =	sadd.s32 $0x200, s30  }
0x20: {  	[tilespmem:s29+$0x3C70] =	vst v0  }
0x21: {  	[tilespmem:s29+$0x3C00] =	vst v0  }
0x22: {  	[tilespmem:s29+$0x3C10] =	vst v0  }
0x23: {  	[tilespmem:s29+$0x3C20] =	vst v0  }
0x24: {  	[tilespmem:s29+$0x3C30] =	vst v0  }
0x25: {  	[tilespmem:s29+$0x3C40] =	vst v0  }
0x26: {  	[tilespmem:s29+$0x3C50] =	vst v0  }
0x27: {  	[tilespmem:s29+$0x3C60] =	vst v0  }
0x28: {  	[spmem:s4] =	stream.linear.scatter [tilespmem:s16], [sflag:$0x3], $0x4000, $0x38;
	[tilespmem:$0x1FC00] =	vst v63  }
0x29: {  	_ =	swait.ge [sflag:s15], $0x4000  }
0x2a: {  	[sflag:s15] =	ssyncset.done $0x0  }
0x2b: {  	[sflag:s15] =	ssyncadd.s32 $0xFFFFC000  }
0x2c: {  	[spmem:s6] =	stream.linear.scatter [tilespmem:s16], [sflag:$0x3], $0x4000, $0x38;
	[tilespmem:$0x1FC00] =	vst v63  }
0x2d: {  	_ =	swait.ge [sflag:s15], $0x4000  }
0x2e: {  	[sflag:s15] =	ssyncset.done $0x0  }
0x2f: {  	[sflag:s15] =	ssyncadd.s32 $0xFFFFC000  }
0x30: {  	[spmem:s7] =	stream.linear.scatter [tilespmem:s16], [sflag:$0x3], $0x4000, $0x38;
	[tilespmem:$0x1FC00] =	vst v63  }
0x31: {  	_ =	swait.ge [sflag:s15], $0x4000  }
0x32: {  	[sflag:s15] =	ssyncset.done $0x0  }
0x33: {  	[sflag:s15] =	ssyncadd.s32 $0xFFFFC000  }
0x34: {  	[spmem:s8] =	stream.linear.scatter [tilespmem:s16], [sflag:$0x3], $0x4000, $0x38;
	[tilespmem:$0x1FC00] =	vst v63  }
0x35: {  	_ =	swait.ge [sflag:s15], $0x4000  }
0x36: {  	[sflag:s15] =	ssyncset.done $0x0  }
0x37: {  	[sflag:s15] =	ssyncadd.s32 $0xFFFFC000  }
0x38: {  	[spmem:s9] =	stream.linear.scatter [tilespmem:s16], [sflag:$0x3], $0x4000, $0x38;
	[tilespmem:$0x1FC00] =	vst v63  }
0x39: {  	_ =	swait.ge [sflag:s15], $0x4000  }
0x3a: {  	[sflag:s15] =	ssyncset.done $0x0  }
0x3b: {  	[sflag:s15] =	ssyncadd.s32 $0xFFFFC000  }
0x3c: {  	s29 =	simm.s32 $0x0;
	[bflag:$0x0] =	sbarrier.arrive $0xFFFF  }
0x3d: {  	[tilespmem:s29], [sflag:$0x3] =	stream.strided.gather [hbm4b:s10+s17], $0x1400, s18, s17, $0x38;
	[tilespmem:$0x1FC00] =	vst v63  }
0x3e: {  	_ =	swait.ge [sflag:s15], $0x1400  }
0x3f: {  	[sflag:s15] =	ssyncset.done $0x0  }
0x40: {  	[sflag:s15] =	ssyncadd.s32 $0xFFFFEC00  }
0x41: {  	[tilespmem:s16], [sflag:$0x1] =	stream.indirect.gather [hbm4b:s11+s17], $0x80, s29, s17, $0xb8;
	[tilespmem:$0x1FC00] =	vst v63  }
0x42: {  	_ = 	snop  }
0x43: {  	[tilespmem:s19], [sflag:$0x2] =	stream.indirect.gather [hbm4b:s11+s17], $0x80, s17, s17, $0xb8;
	[tilespmem:$0x1FC00] =	vst v63  }
0x44: {  	_ =	swait.ge [sflag:s20], $0x4000  }
0x45: {  	[sflag:s20] =	ssyncset.done $0x0  }
0x46: {  	s29 =	simm.s32 $0x1400;
	[sflag:s20] =	ssyncadd.s32 $0xFFFFC000  }
0x47: {  	[spmem:s2] =	stream.indirect.scatter.add.f32 [tilespmem:s16], [sflag:$0x3], $0x80, s29, s17, $0xb8;
	[tilespmem:$0x1FC00] =	vst v63  }
0x48: {  	_ =	swait.ge [sflag:s15], $0x4000  }
0x49: {  	[sflag:s15] =	ssyncset.done $0x0  }
0x4a: {  	s29 =	simm.s32 $0x100;
	[sflag:s15] =	ssyncadd.s32 $0xFFFFC000  }
0x4b: {  	[tilespmem:s16], [sflag:$0x1] =	stream.indirect.gather [hbm4b:s11+s17], $0x80, s29, s17, $0xb8;
	[tilespmem:$0x1FC00] =	vst v63  }
0x4c: {  	_ =	swait.ge [sflag:s21], $0x4000  }
0x4d: {  	[sflag:s21] =	ssyncset.done $0x0  }
0x4e: {  	s29 =	simm.s32 $0x1480;
	[sflag:s21] =	ssyncadd.s32 $0xFFFFC000  }
0x4f: {  	[spmem:s2] =	stream.indirect.scatter.add.f32 [tilespmem:s19], [sflag:$0x3], $0x80, s29, s17, $0xb8;
	[tilespmem:$0x1FC00] =	vst v63  }
0x50: {  	_ =	swait.ge [sflag:s15], $0x4000  }
0x51: {  	[sflag:s15] =	ssyncset.done $0x0  }
0x52: {  	s30 =	simm.s32 $0x180;
	s29 =	simm.s32 $0x400;
	[sflag:s15] =	ssyncadd.s32 $0xFFFFC000  }
.LBB2_4:
0x53: {  	[tilespmem:s19], [sflag:$0x2] =	stream.indirect.gather [hbm4b:s11+s17], $0x80, s30, s17, $0xb8;
	[tilespmem:$0x1FC00] =	vst v63  }
0x54: {  	s30 =	smov.u32 s29  }
0x55: {  	p0 =	sne.s32 s29, $0x4800;
	s29 =	sadd.s32 $0x400, s29;
	_ =	swait.ge [sflag:s20], $0x4000  }
0x56: {  	s30 =	sshra.s32 s30, $0x2;
	[sflag:s20] =	ssyncset.done $0x0  }
0x57: {  	s31 =	sadd.s32 $0x1400, s30;
	[sflag:s20] =	ssyncadd.s32 $0xFFFFC000  }
0x58: {  	[spmem:s2] =	stream.indirect.scatter.add.f32 [tilespmem:s16], [sflag:$0x3], $0x80, s31, s17, $0xb8;
	[tilespmem:$0x1FC00] =	vst v63  }
0x59: {  	_ =	swait.ge [sflag:s15], $0x4000  }
0x5a: {  	[sflag:s15] =	ssyncset.done $0x0  }
0x5b: {  	s31 =	sadd.s32 $0x100, s30;
	[sflag:s15] =	ssyncadd.s32 $0xFFFFC000  }
0x5c: {  	[tilespmem:s16], [sflag:$0x1] =	stream.indirect.gather [hbm4b:s11+s17], $0x80, s31, s17, $0xb8;
	[tilespmem:$0x1FC00] =	vst v63  }
0x5d: {  	_ =	swait.ge [sflag:s21], $0x4000  }
0x5e: {  	[sflag:s21] =	ssyncset.done $0x0  }
.Ltmp1:
0x5f: {  	s31 =	sadd.s32 $0x1480, s30;
	[sflag:s21] =	ssyncadd.s32 $0xFFFFC000;
	(pc) =	sbr.rel @p0 .LBB2_4-.Ltmp1, $4  }
0x60: {  	[spmem:s2] =	stream.indirect.scatter.add.f32 [tilespmem:s19], [sflag:$0x3], $0x80, s31, s17, $0xb8;
	[tilespmem:$0x1FC00] =	vst v63  }
0x61: {  	_ =	swait.ge [sflag:s15], $0x4000  }
0x62: {  	[sflag:s15] =	ssyncset.done $0x0  }
0x63: {  	s30 =	sadd.s32 $0x180, s30;
	[sflag:s15] =	ssyncadd.s32 $0xFFFFC000  }
0x64: {  	[tilespmem:s19], [sflag:$0x2] =	stream.indirect.gather [hbm4b:s11+s17], $0x80, s30, s17, $0xb8;
	[tilespmem:$0x1FC00] =	vst v63  }
0x65: {  	_ =	swait.ge [sflag:s20], $0x4000  }
0x66: {  	[sflag:s20] =	ssyncset.done $0x0  }
0x67: {  	[sflag:s20] =	ssyncadd.s32 $0xFFFFC000  }
0x68: {  	[spmem:s2] =	stream.indirect.scatter.add.f32 [tilespmem:s16], [sflag:$0x3], $0x80, s22, s17, $0xb8;
	[tilespmem:$0x1FC00] =	vst v63  }
0x69: {  	_ =	swait.ge [sflag:s15], $0x4000  }
0x6a: {  	[sflag:s15] =	ssyncset.done $0x0  }
0x6b: {  	[sflag:s15] =	ssyncadd.s32 $0xFFFFC000  }
0x6c: {  	_ =	swait.ge [sflag:s21], $0x4000  }
0x6d: {  	[sflag:s21] =	ssyncset.done $0x0  }
0x6e: {  	[sflag:s21] =	ssyncadd.s32 $0xFFFFC000  }
0x6f: {  	[spmem:s2] =	stream.indirect.scatter.add.f32 [tilespmem:s19], [sflag:$0x3], $0x80, s23, s17, $0xb8;
	[tilespmem:$0x1FC00] =	vst v63  }
0x70: {  	_ =	swait.ge [sflag:s15], $0x4000  }
0x71: {  	[sflag:s15] =	ssyncset.done $0x0  }
0x72: {  	[sflag:s15] =	ssyncadd.s32 $0xFFFFC000  }
0x73: {  	[tilespmem:s3], [sflag:$0x3] =	stream.strided.gather [hbm4b:s12+s17], $0x1400, s18, s17, $0x38;
	[tilespmem:$0x1FC00] =	vst v63  }
0x74: {  	_ =	swait.ge [sflag:s15], $0x1400  }
0x75: {  	[sflag:s15] =	ssyncset.done $0x0  }
0x76: {  	[sflag:s15] =	ssyncadd.s32 $0xFFFFEC00  }
0x77: {  	[tilespmem:s16], [sflag:$0x1] =	stream.indirect.gather [hbm4b:s11+s17], $0x80, s3, s17, $0xb8;
	[tilespmem:$0x1FC00] =	vst v63  }
0x78: {  	_ = 	snop  }
0x79: {  	[tilespmem:s19], [sflag:$0x2] =	stream.indirect.gather [hbm4b:s11+s17], $0x80, s17, s17, $0xb8;
	[tilespmem:$0x1FC00] =	vst v63  }
0x7a: {  	_ =	swait.ge [sflag:s20], $0x4000  }
0x7b: {  	[sflag:s20] =	ssyncset.done $0x0  }
0x7c: {  	s29 =	simm.s32 $0x2800;
	[sflag:s20] =	ssyncadd.s32 $0xFFFFC000  }
0x7d: {  	[spmem:s2] =	stream.indirect.scatter.add.f32 [tilespmem:s16], [sflag:$0x3], $0x80, s29, s17, $0xb8;
	[tilespmem:$0x1FC00] =	vst v63  }
0x7e: {  	_ =	swait.ge [sflag:s15], $0x4000  }
0x7f: {  	[sflag:s15] =	ssyncset.done $0x0  }
0x80: {  	s29 =	simm.s32 $0x100;
	[sflag:s15] =	ssyncadd.s32 $0xFFFFC000  }
0x81: {  	[tilespmem:s16], [sflag:$0x1] =	stream.indirect.gather [hbm4b:s11+s17], $0x80, s29, s17, $0xb8;
	[tilespmem:$0x1FC00] =	vst v63  }
0x82: {  	_ =	swait.ge [sflag:s21], $0x4000  }
0x83: {  	[sflag:s21] =	ssyncset.done $0x0  }
0x84: {  	s29 =	simm.s32 $0x2880;
	[sflag:s21] =	ssyncadd.s32 $0xFFFFC000  }
0x85: {  	[spmem:s2] =	stream.indirect.scatter.add.f32 [tilespmem:s19], [sflag:$0x3], $0x80, s29, s17, $0xb8;
	[tilespmem:$0x1FC00] =	vst v63  }
0x86: {  	_ =	swait.ge [sflag:s15], $0x4000  }
0x87: {  	[sflag:s15] =	ssyncset.done $0x0  }
0x88: {  	s30 =	simm.s32 $0x180;
	s29 =	simm.s32 $0xFFFFB800;
	[sflag:s15] =	ssyncadd.s32 $0xFFFFC000  }
.LBB2_6:
0x89: {  	[tilespmem:s19], [sflag:$0x2] =	stream.indirect.gather [hbm4b:s11+s17], $0x80, s30, s17, $0xb8;
	[tilespmem:$0x1FC00] =	vst v63  }
0x8a: {  	s30 =	smov.u32 s29  }
0x8b: {  	p0 =	sne.s32 s29, $0xFFFFFC00;
	s29 =	sadd.s32 $0x400, s29;
	_ =	swait.ge [sflag:s20], $0x4000  }
0x8c: {  	s30 =	sshra.s32 s30, $0x2;
	[sflag:s20] =	ssyncset.done $0x0  }
0x8d: {  	s31 =	sadd.s32 $0x3B00, s30;
	[sflag:s20] =	ssyncadd.s32 $0xFFFFC000  }
0x8e: {  	[spmem:s2] =	stream.indirect.scatter.add.f32 [tilespmem:s16], [sflag:$0x3], $0x80, s31, s17, $0xb8;
	[tilespmem:$0x1FC00] =	vst v63  }
0x8f: {  	_ =	swait.ge [sflag:s15], $0x4000  }
0x90: {  	[sflag:s15] =	ssyncset.done $0x0  }
0x91: {  	s31 =	sadd.s32 $0x1400, s30;
	[sflag:s15] =	ssyncadd.s32 $0xFFFFC000  }
0x92: {  	[tilespmem:s16], [sflag:$0x1] =	stream.indirect.gather [hbm4b:s11+s17], $0x80, s31, s17, $0xb8;
	[tilespmem:$0x1FC00] =	vst v63  }
0x93: {  	_ =	swait.ge [sflag:s21], $0x4000  }
0x94: {  	[sflag:s21] =	ssyncset.done $0x0  }
.Ltmp2:
0x95: {  	s31 =	sadd.s32 $0x3B80, s30;
	[sflag:s21] =	ssyncadd.s32 $0xFFFFC000;
	(pc) =	sbr.rel @p0 .LBB2_6-.Ltmp2, $4  }
0x96: {  	[spmem:s2] =	stream.indirect.scatter.add.f32 [tilespmem:s19], [sflag:$0x3], $0x80, s31, s17, $0xb8;
	[tilespmem:$0x1FC00] =	vst v63  }
0x97: {  	_ =	swait.ge [sflag:s15], $0x4000  }
0x98: {  	[sflag:s15] =	ssyncset.done $0x0  }
0x99: {  	s30 =	sadd.s32 $0x1480, s30;
	[sflag:s15] =	ssyncadd.s32 $0xFFFFC000  }
0x9a: {  	[tilespmem:s19], [sflag:$0x2] =	stream.indirect.gather [hbm4b:s11+s17], $0x80, s30, s17, $0xb8;
	[tilespmem:$0x1FC00] =	vst v63  }
0x9b: {  	_ =	swait.ge [sflag:s20], $0x4000  }
0x9c: {  	[sflag:s20] =	ssyncset.done $0x0  }
0x9d: {  	[sflag:s20] =	ssyncadd.s32 $0xFFFFC000  }
0x9e: {  	[spmem:s2] =	stream.indirect.scatter.add.f32 [tilespmem:s16], [sflag:$0x3], $0x80, s25, s17, $0xb8;
	[tilespmem:$0x1FC00] =	vst v63  }
0x9f: {  	_ =	swait.ge [sflag:s15], $0x4000  }
0xa0: {  	[sflag:s15] =	ssyncset.done $0x0  }
0xa1: {  	[sflag:s15] =	ssyncadd.s32 $0xFFFFC000  }
0xa2: {  	_ =	swait.ge [sflag:s21], $0x4000  }
0xa3: {  	[sflag:s21] =	ssyncset.done $0x0  }
0xa4: {  	[sflag:s21] =	ssyncadd.s32 $0xFFFFC000  }
0xa5: {  	[spmem:s2] =	stream.indirect.scatter.add.f32 [tilespmem:s19], [sflag:$0x3], $0x80, s26, s17, $0xb8;
	[tilespmem:$0x1FC00] =	vst v63  }
0xa6: {  	_ =	swait.ge [sflag:s15], $0x4000  }
0xa7: {  	s29 =	sshll.u32 s1, $0x6;
	s28 =	sadd.s32 $0x1, s28;
	[sflag:s15] =	ssyncset.done $0x0  }
0xa8: {  	s31 =	sshrl.u32 s4, $0x3;
	p0 =	sne.s32 s28, s13;
	[sflag:s15] =	ssyncadd.s32 $0xFFFFC000  }
.Ltmp3:
0xa9: {  	s29 =	sor.u32 $0x1C03, s29;
	[bflag:$0x0] =	sbarrier.arrive $0xFFFF;
	(pc) =	sbr.rel @p0 .LBB2_1-.Ltmp3, $4  }
0xaa: {  	[hbm:s24], [sflag:s29] =	dma.local [spmem:s31], $0x2800  }
0xab: {  	_ =	swait.ge [sflag:s15], $0x2800  }
0xac: {  	[sflag:s15] =	ssyncset.done $0x0  }
0xad: {  	[sflag:s15] =	ssyncadd.s32 $0xFFFFD800  }
0xae: {  	_ =	sfence.sel $0x180000  }
0xaf: {  	[bflag:$0x0] =	sbarrier.arrive $0xFFFF  }
0xb0: {  	p0 =	sne.s32 s1, $0x0;
	_ =	strace $0x9000004D  }
0xb1: {  	s0 =	sadd.s32 @!p0 $0x100000, s0;
	[bflag:$0x2] =	sbarrier.arrive $0xFFFF  }
0xb2: {  	[sflag:s0] =	ssyncadd.tile.s32 @!p0 $0x1;
	_ =	shalt  }
.Lfunc_end2:
_tile_overlayer_lowered:
.L_overlay_start_2:
0xb3: {  	(tag) =	ssettag $0x2  }
0xb4: {  	s0 =	rddreg [dreg:$0x0];
	s2 =	stileid.u32  }
0xb5: {  	s1 =	rddreg [dreg:$0x1];
	p0 =	sne.s32 s2, $0x0  }
0xb6: {  	s3 =	rddreg [dreg:$0x2];
	[bflag:$0x3] =	sbarrier.arrive $0xFFFF;
	s2 =	simm.s32 @!p0 $0x1C03  }
0xb7: {  	[timem:s3], [sflag:s2] =	dma.local @!p0 [hbm:s0], s1  }
0xb8: {  	s0 =	simm.s32 @!p0 $0x3  }
0xb9: {  	_ =	swait.ge @!p0 [sflag:s0], s1  }
0xba: {  	s1 =	ssub.s32 @!p0 $0x0, s1;
	[sflag:s0] =	ssyncset.done @!p0 $0x0  }
0xbb: {  	[sflag:s0] =	ssyncadd.s32 @!p0 s1  }
0xbc: {  	[bflag:$0x3] =	sbarrier.arrive $0xFFFF  }
0xbd: {  	_ =	shalt  }

// kernel: kernel.19.cloned.1.call-start
scs
__scs_entry_jumppad:
0x0: {  	(pc) =	sbr.rel $0x88, $3  }
0x1: {  	(tag) =	ssettag $0x0;
	lr =	simm.s32 $0x1  }
0x2: {  	[smem:$0x3F99] =	sst lr;
	_ =	strace $0xD0000000  }
0x3: {  	_ = 	snop  }
0x4: {  	_ = 	snop  }
0x5: {  	_ = 	snop  }
0x6: {  	_ = 	snop  }
0x7: {  	_ = 	snop  }
__scs_overlays_trampoline_lowered:
0x8: {  	[smem:$0x3FA8] =	sst s0  }
0x9: {  	[smem:$0x3FA9] =	sst s1  }
0xa: {  	[smem:$0x3FAA] =	sst s2  }
0xb: {  	[smem:$0x3FAB] =	sst s3  }
0xc: {  	[smem:$0x3FAC] =	sst s4  }
0xd: {  	[smem:$0x3FAD] =	sst s5  }
0xe: {  	[smem:$0x3FAE] =	sst s6  }
0xf: {  	[smem:$0x3FAF] =	sst s7  }
0x10: {  	[smem:$0x3FB0] =	sst s8  }
0x11: {  	[smem:$0x3FB1] =	sst s9;
	s0 =	simm.s32 @!p0 $0x0  }
0x12: {  	s1 =	sld [smem:$0x3F97];
	s0 =	simm.s32 @p0 $0x1  }
0x13: {  	[smem:$0x3FB2] =	sst s0;
	s0 =	simm.s32 @!p1 $0x0  }
0x14: {  	s2 =	sld [smem:$0x3F96];
	s0 =	simm.s32 @p1 $0x1  }
0x15: {  	[smem:$0x3FB3] =	sst s0;
	s0 =	simm.s32 @!p2 $0x0  }
0x16: {  	s3 =	sld [smem:$0x3FDB];
	s0 =	simm.s32 @p2 $0x1  }
0x17: {  	s4 =	simm.s32 $0x1BF5;
	[smem:$0x3FB5] =	sst s0  }
0x18: {  	s0 =	sld [smem:$0x3F98];
	_ =	swait.ge [sflag:s4], $0x0  }
0x19: {  	s7 =	sld [smem:$0x3F99]  }
0x1a: {  	s8 =	sadd.s32 $0xFFFFE003, lr  }
0x1b: {  	s9 =	sadd.s32 $0xFFFFFEF7, lr;
	s5 =	simm.s32 $0xFFFFFFFF;
	p2 =	slt.u32 s8, $0xFFFFF086  }
0x1c: {  	p1 =	slt.u32 s9, $0xF7A;
	s5 =	simm.s32 @!p2 $0x0  }
0x1d: {  	s5 =	simm.s32 @p1 $0x1;
	p0 =	seq.s32 s7, s2  }
0x1e: {  	s7 =	smul.u32 @!p0 $0xF7A, s2;
	p2 =	seq.s32 @!p0 s5, $0x0  }
0x1f: {  	s9 =	smul.u32 $0xF7A, s1;
	s8 =	simm.s32 @!p0 $0x1BF5;
	p2 =	por !p2, p0  }
0x20: {  	[sflag:s8] =	ssyncset.s32 @!p0 $0xFFFFF086;
	s6 =	sadd.s32 @!p0 s3, s7;
	s7 =	simm.s32 @!p0 $0x108  }
0x21: {  	s3 =	sadd.s32 s3, s9;
	s6 =	sadd.s32 @!p0 $0x88, s6;
	s7 =	simm.s32 @p2 $0x1082  }
0x22: {  	[simem:s7], [sflag:s8] =	dma.local @!p0 [hbm:s6], $0xF7A  }
0x23: {  	s9 =	sor.u32 $0xD0000000, s2;
	s6 =	simm.s32 $0x108;
	_ =	swait.ge @!p0 [sflag:s8], $0x0  }
0x24: {  	s3 =	sadd.s32 $0x88, s3;
	s6 =	simm.s32 @!p1 $0x1082;
	[sflag:s4] =	ssyncset.s32 $0xFFFFF086  }
0x25: {  	[simem:s6], [sflag:s4] =	dma.local [hbm:s3], $0xF7A  }
0x26: {  	[smem:$0x3F99] =	sst s1;
	(tag) =	ssettag s2;
	_ =	strace s9  }
0x27: {  	s1 =	sld [smem:$0x3FA9]  }
0x28: {  	s2 =	sld [smem:$0x3FAA]  }
0x29: {  	s4 =	sld [smem:$0x3FAC]  }
0x2a: {  	p0 =	seq.s32 s5, $0x0;
	s5 =	sld [smem:$0x3FAD]  }
0x2b: {  	s6 =	sld [smem:$0x3FAE]  }
0x2c: {  	s7 =	sld [smem:$0x3FAF]  }
0x2d: {  	s3 =	simm.s32 $0x108;
	s8 =	sld [smem:$0x3FB0]  }
0x2e: {  	s3 =	simm.s32 @!p0 $0x1082;
	s9 =	sld [smem:$0x3FB1]  }
0x2f: {  	lr =	sadd.s32 s0, s3;
	s0 =	sld [smem:$0x3FA8]  }
0x30: {  	s3 =	sld [smem:$0x3FAB]  }
0x31: {  	[smem:$0x3FB4] =	sst s10  }
0x32: {  	s10 =	sld [smem:$0x3FB2];
	_ =	sdelay $0x3  }
0x33: {  	p0 =	seq.s32 s10, $0x1;
	s10 =	sld [smem:$0x3FB4];
	_ =	sdelay $0x3  }
0x34: {  	[smem:$0x3FB4] =	sst s10  }
0x35: {  	s10 =	sld [smem:$0x3FB3];
	_ =	sdelay $0x3  }
0x36: {  	p1 =	seq.s32 s10, $0x1;
	s10 =	sld [smem:$0x3FB4];
	_ =	sdelay $0x3  }
0x37: {  	[smem:$0x3FB4] =	sst s10  }
0x38: {  	s10 =	sld [smem:$0x3FB5]  }
0x39: {  	_ = 	snop;
	(pc) =	sbr.ind lr, $3  }
0x3a: {  	_ = 	snop  }
0x3b: {  	_ = 	snop  }
0x3c: {  	p2 =	seq.s32 s10, $0x1;
	s10 =	sld [smem:$0x3FB4]  }
0x3d: {  	_ =	shalt  }
0x3e: {  	_ =	shalt  }
0x3f: {  	_ =	shalt  }
0x40: {  	_ =	shalt  }
0x41: {  	_ =	shalt  }
0x42: {  	_ =	shalt  }
0x43: {  	_ =	shalt  }
0x44: {  	_ =	shalt  }
0x45: {  	_ =	shalt  }
0x46: {  	_ =	shalt  }
0x47: {  	_ =	shalt  }
0x48: {  	_ =	shalt  }
0x49: {  	_ =	shalt  }
0x4a: {  	_ =	shalt  }
0x4b: {  	_ =	shalt  }
0x4c: {  	_ =	shalt  }
0x4d: {  	_ =	shalt  }
0x4e: {  	_ =	shalt  }
0x4f: {  	_ =	shalt  }
0x50: {  	_ =	shalt  }
0x51: {  	_ =	shalt  }
0x52: {  	_ =	shalt  }
0x53: {  	_ =	shalt  }
0x54: {  	_ =	shalt  }
0x55: {  	_ =	shalt  }
0x56: {  	_ =	shalt  }
0x57: {  	_ =	shalt  }
0x58: {  	_ =	shalt  }
0x59: {  	_ =	shalt  }
0x5a: {  	_ =	shalt  }
0x5b: {  	_ =	shalt  }
0x5c: {  	_ =	shalt  }
0x5d: {  	_ =	shalt  }
0x5e: {  	_ =	shalt  }
0x5f: {  	_ =	shalt  }
0x60: {  	_ =	shalt  }
0x61: {  	_ =	shalt  }
0x62: {  	_ =	shalt  }
0x63: {  	_ =	shalt  }
0x64: {  	_ =	shalt  }
0x65: {  	_ =	shalt  }
0x66: {  	_ =	shalt  }
0x67: {  	_ =	shalt  }
0x68: {  	_ =	shalt  }
0x69: {  	_ =	shalt  }
0x6a: {  	_ =	shalt  }
0x6b: {  	_ =	shalt  }
0x6c: {  	_ =	shalt  }
0x6d: {  	_ =	shalt  }
0x6e: {  	_ =	shalt  }
0x6f: {  	_ =	shalt  }
0x70: {  	_ =	shalt  }
0x71: {  	_ =	shalt  }
0x72: {  	_ =	shalt  }
0x73: {  	_ =	shalt  }
0x74: {  	_ =	shalt  }
0x75: {  	_ =	shalt  }
0x76: {  	_ =	shalt  }
0x77: {  	_ =	shalt  }
0x78: {  	_ =	shalt  }
0x79: {  	_ =	shalt  }
0x7a: {  	_ =	shalt  }
0x7b: {  	_ =	shalt  }
0x7c: {  	_ =	shalt  }
0x7d: {  	_ =	shalt  }
0x7e: {  	_ =	shalt  }
0x7f: {  	_ =	shalt  }
0x80: {  	_ =	shalt  }
0x81: {  	_ =	shalt  }
0x82: {  	_ =	shalt  }
0x83: {  	_ =	shalt  }
0x84: {  	_ =	shalt  }
0x85: {  	_ =	shalt  }
0x86: {  	_ =	shalt  }
0x87: {  	_ =	shalt  }
.Lfunc_end0:
.L_simem_size_0:
called_computation.3_lowered:
.L_overlay_start_0:
0x88: {  	s2 =	sld [smem:$0x3FD9]  }
0x89: {  	s3 =	sld [smem:$0x3FFE];
	_ =	sdelay $0x1  }
0x8a: {  	s1 =	srdreg.scid  }
0x8b: {  	s0 =	sand.u32 $0x1, s1  }
0x8c: {  	s16 =	sshll.u32 s0, $0xA;
	s2 =	sadd.s32 s3, s2  }
0x8d: {  	s2 =	sadd.s32 s2, s16  }
0x8e: {  	[smem:$0x3FC0] =	sst s2  }
0x8f: {  	_ = 	snop  }
0x90: {  	(tm) =	ssettm $0x1  }
0x91: {  	s17 =	sld [smem:$0x3FFB];
	_ =	sdelay $0x3  }
0x92: {  	_ =	strace s17  }
0x93: {  	s2 =	sld [smem:$0x3FFC];
	_ =	sdelay $0x3  }
0x94: {  	_ =	strace s2  }
0x95: {  	s2 =	sld [smem:$0x3FFD];
	_ =	sdelay $0x3  }
0x96: {  	_ =	strace s2  }
0x97: {  	_ =	strace $0x8FFFFFFF  }
0x98: {  	s18 =	sld [smem:$0x3FDB];
	_ =	sdelay $0x1  }
0x99: {  	s19 =	simm.s32 $_scs_section_size  }
0x9a: {  	s4 =	simm.s32 $_size__tile_overlayer_lowered;
	s5 =	simm.s32 $_tile_overlayer_lowered  }
0x9b: {  	s22 =	simm.s32 $0x1BFF;
	s21 =	sshll.u32 s5, $0x1;
	s2 =	sadd.s32 s19, s18  }
0x9c: {  	s6 =	simm.s32 $0x0;
	s20 =	sshll.u32 s4, $0x1;
	s4 =	sadd.s32 s21, s2  }
0x9d: {  	[timem:s6], [sflag:s22] =	dma.local [hbm:s4], s20  }
0x9e: {  	_ =	swait.ge [sflag:s22], s20  }
0x9f: {  	s3 =	ssub.s32 $0x0, s20;
	[sflag:s22] =	ssyncset.done $0x0  }
0xa0: {  	[sflag:s22] =	ssyncadd.s32 s3;
	_ =	sdelay $0x1  }
0xa1: {  	s23 =	simm.s32 $0x1B8B  }
0xa2: {  	_ =	swait.ge [sflag:s23], $0x1  }
0xa3: {  	[sflag:s23] =	ssyncset.done $0x0  }
0xa4: {  	s25 =	simm.s32 $0x1B8E;
	s24 =	sld [smem:$0x3FFE];
	[sflag:s23] =	ssyncadd.s32 $0xFFFFFFFF  }
0xa5: {  	s26 =	simm.s32 $execute0_lowered;
	[smem:$0x3FD2] =	sst s25  }
0xa6: {  	s4 =	sshll.u32 s26, $0x1;
	_ =	strace $0x8000004F;
	[dreg:$0x1] =	wrdreg $0xFFFFFFFF  }
0xa7: {  	s28 =	simm.s32 $_size_execute0_lowered;
	s2 =	sadd.s32 s2, s4;
	[dreg:$0x0] =	wrdreg $0x0  }
0xa8: {  	s4 =	sshll.u32 s28, $0x1;
	[dreg:$0x2] =	wrdreg s2  }
0xa9: {  	[dreg:$0x3] =	wrdreg s4  }
0xaa: {  	[dreg:$0x4] =	wrdreg $0xC0  }
0xab: {  	_ =	task [dreg:s6], $0x5FFFF  }
0xac: {  	[dreg:$0x1] =	wrdreg $0xFFFFFFFF  }
0xad: {  	[dreg:$0x0] =	wrdreg $0x60  }
0xae: {  	[dreg:$0x2] =	wrdreg s24  }
0xaf: {  	[dreg:$0x3] =	wrdreg $0xBC000  }
0xb0: {  	[dreg:$0x4] =	wrdreg $0x9  }
0xb1: {  	_ =	task.clear_ibuf [dreg:s6], $0x5FFFF;
	_ =	strace $0x9000004F  }
0xb2: {  	s29 =	simm.s32 $0x9;
	_ =	strace $0x80000051  }
0xb3: {  	_ =	swait.ge [sflag:s29], $0x1  }
0xb4: {  	[sflag:s29] =	ssyncadd.s32 $0xFFFFFFFF  }
0xb5: {  	_ =	strace $0x90000051  }
0xb6: {  	_ =	sfence  }
0xb7: {  	s30 =	sld [smem:$0x0];
	_ =	sdelay $0x2  }
0xb8: {  	s31 =	sshll.u32 s1, $0xD;
	s1 =	sshrl.u32 s1, $0x2  }
0xb9: {  	s3 =	sand.u32 $0x4000, s31;
	s1 =	sadd.s32 s1, s30  }
0xba: {  	s0 =	sor.u32 s3, s0;
	s1 =	sshll.u32 s1, $0x11  }
0xbb: {  	s0 =	sor.u32 s1, s0  }
0xbc: {  	s0 =	sadd.s32 $0x8F2B, s0  }
0xbd: {  	[sflag:s0] =	ssyncadd.remote.s32 $0x1  }
0xbe: {  	_ =	sfence.sel $0xFFFF  }
0xbf: {  	[dreg:$0x0] =	wrdreg $0xFFFFFFFF;
	(pc) =	sbr.abs _section_cstart, $3  }
0xc0: {  	[dreg:$0x1] =	wrdreg $0xFFFFFFFF  }
0xc1: {  	_ =	task.clear_ibuf [dreg:s6], $0x2FFFF;
	_ =	strace $0x9FFFFFFF  }
0xc2: {  	(tm) =	ssettm $0x7FFFFFFF  }
0xc3: {  	_ =	shalt  }
tec
execute0_lowered:
.L_overlay_start_1:
0x0: {  	(tag) =	ssettag $0x1  }
0x1: {  	s4 =	rddreg [dreg:$0x0]  }
0x2: {  	s2 =	rddreg [dreg:$0x1]  }
0x3: {  	s0 =	rddreg [dreg:$0x2];
	s3 =	simm.s32 $0x0;
	s1 =	stileid.u32  }
0x4: {  	s5 =	srdreg.scid;
	s16 =	simm.s32 $0x3C00;
	s17 =	simm.s32 $0x80  }
0x5: {  	s18 =	simm.s32 $0x400;
	s19 =	simm.s32 $0x7C00;
	s20 =	simm.s32 $0x1  }
0x6: {  	s21 =	simm.s32 $0x2;
	s22 =	simm.s32 $0x2700;
	s23 =	simm.s32 $0x2780  }
0x7: {  	s28 =	simm.s32 $0x0;
	[smem:$0x7FF] =	sst s3;
	s6 =	smul.u32 $0x500, s1  }
0x8: {  	s5 =	sand.u32 $0x1, s5;
	s12 =	sadd.s32 $0x7800, s4;
	s8 =	smul.u32 $0x50000, s1  }
0x9: {  	s30 =	sshrl.u32 s1, $0x3;
	s31 =	sshll.u32 s1, $0x7;
	s25 =	smul.u32 $0x2800, s1  }
0xa: {  	_ =	strace $0x80000050;
	s7 =	smul.u32 $0x28000, s5;
	s5 =	ssub.s32 $0x2, s5  }
0xb: {  	s9 =	smul.u32 $0x14000, s30;
	s10 =	sand.u32 $0x380, s31;
	s6 =	sadd.s32 s6, s4  }
0xc: {  	s26 =	sshrl.u32 s5, $0x1;
	s29 =	sshrl.u32 s8, $0x2;
	s13 =	sadd.s32 s7, s4  }
0xd: {  	s14 =	ssub.s32 s5, s26;
	s4 =	sadd.s32 s29, s2;
	s5 =	sadd.s32 $0x2800, s6  }
0xe: {  	s10 =	sor.u32 s10, s9;
	s26 =	simm.s32 $0x3B80;
	s6 =	sadd.s32 $0x4000, s4  }
0xf: {  	s7 =	sadd.s32 $0x8000, s4;
	s8 =	sadd.s32 $0xC000, s4;
	s9 =	sadd.s32 $0x10000, s4  }
0x10: {  	s11 =	sshrl.u32 s10, $0x3;
	s15 =	sadd.s32 $0xA000, s10;
	s24 =	sadd.s32 $0x5C800, s13  }
0x11: {  	s10 =	sadd.s32 s12, s11;
	s11 =	sadd.s32 $0xC800, s13;
	s15 =	sshrl.u32 s15, $0x3  }
0x12: {  	s13 =	smax.u32 s14, $0x1;
	s14 =	simm.s32 $0x1400;
	s24 =	sadd.s32 s25, s24  }
0x13: {  	v0 =	vimm.f32 $0.0e+00;
	s25 =	simm.s32 $0x3B00;
	s12 =	sadd.s32 s12, s15;
	s15 =	simm.s32 $0x3  }
.LBB2_1:
0x14: {  	[tilespmem:s14], [sflag:$0x3] =	stream.linear.gather [hbm4b:s5+s3], $0x2800, $0x38;
	[tilespmem:$0x1FC00] =	vst v63  }
0x15: {  	_ =	swait.ge [sflag:s15], $0x2800  }
0x16: {  	[sflag:s15] =	ssyncset.done $0x0  }
0x17: {  	s29 =	simm.s32 $0x0;
	s30 =	simm.s32 $0x200;
	[sflag:s15] =	ssyncadd.s32 $0xFFFFD800  }
.LBB2_2:
0x18: {  	p0 =	sne.s32 s30, $0xFE00;
	[tilespmem:s29+$0x3C70] =	vst v0  }
0x19: {  	[tilespmem:s29+$0x3C00] =	vst v0  }
0x1a: {  	[tilespmem:s29+$0x3C10] =	vst v0  }
.Ltmp0:
0x1b: {  	[tilespmem:s29+$0x3C20] =	vst v0;
	(pc) =	sbr.rel @p0 .LBB2_2-.Ltmp0, $4  }
0x1c: {  	[tilespmem:s29+$0x3C30] =	vst v0  }
0x1d: {  	[tilespmem:s29+$0x3C40] =	vst v0  }
0x1e: {  	[tilespmem:s29+$0x3C50] =	vst v0  }
0x1f: {  	[tilespmem:s29+$0x3C60] =	vst v0;
	s29 =	sshra.s32 s30, $0x2;
	s30 =	sadd.s32 $0x200, s30  }
0x20: {  	[tilespmem:s29+$0x3C70] =	vst v0  }
0x21: {  	[tilespmem:s29+$0x3C00] =	vst v0  }
0x22: {  	[tilespmem:s29+$0x3C10] =	vst v0  }
0x23: {  	[tilespmem:s29+$0x3C20] =	vst v0  }
0x24: {  	[tilespmem:s29+$0x3C30] =	vst v0  }
0x25: {  	[tilespmem:s29+$0x3C40] =	vst v0  }
0x26: {  	[tilespmem:s29+$0x3C50] =	vst v0  }
0x27: {  	[tilespmem:s29+$0x3C60] =	vst v0  }
0x28: {  	[spmem:s4] =	stream.linear.scatter [tilespmem:s16], [sflag:$0x3], $0x4000, $0x38;
	[tilespmem:$0x1FC00] =	vst v63  }
0x29: {  	_ =	swait.ge [sflag:s15], $0x4000  }
0x2a: {  	[sflag:s15] =	ssyncset.done $0x0  }
0x2b: {  	[sflag:s15] =	ssyncadd.s32 $0xFFFFC000  }
0x2c: {  	[spmem:s6] =	stream.linear.scatter [tilespmem:s16], [sflag:$0x3], $0x4000, $0x38;
	[tilespmem:$0x1FC00] =	vst v63  }
0x2d: {  	_ =	swait.ge [sflag:s15], $0x4000  }
0x2e: {  	[sflag:s15] =	ssyncset.done $0x0  }
0x2f: {  	[sflag:s15] =	ssyncadd.s32 $0xFFFFC000  }
0x30: {  	[spmem:s7] =	stream.linear.scatter [tilespmem:s16], [sflag:$0x3], $0x4000, $0x38;
	[tilespmem:$0x1FC00] =	vst v63  }
0x31: {  	_ =	swait.ge [sflag:s15], $0x4000  }
0x32: {  	[sflag:s15] =	ssyncset.done $0x0  }
0x33: {  	[sflag:s15] =	ssyncadd.s32 $0xFFFFC000  }
0x34: {  	[spmem:s8] =	stream.linear.scatter [tilespmem:s16], [sflag:$0x3], $0x4000, $0x38;
	[tilespmem:$0x1FC00] =	vst v63  }
0x35: {  	_ =	swait.ge [sflag:s15], $0x4000  }
0x36: {  	[sflag:s15] =	ssyncset.done $0x0  }
0x37: {  	[sflag:s15] =	ssyncadd.s32 $0xFFFFC000  }
0x38: {  	[spmem:s9] =	stream.linear.scatter [tilespmem:s16], [sflag:$0x3], $0x4000, $0x38;
	[tilespmem:$0x1FC00] =	vst v63  }
0x39: {  	_ =	swait.ge [sflag:s15], $0x4000  }
0x3a: {  	[sflag:s15] =	ssyncset.done $0x0  }
0x3b: {  	[sflag:s15] =	ssyncadd.s32 $0xFFFFC000  }
0x3c: {  	s29 =	simm.s32 $0x0;
	[bflag:$0x0] =	sbarrier.arrive $0xFFFF  }
0x3d: {  	[tilespmem:s29], [sflag:$0x3] =	stream.strided.gather [hbm4b:s10+s17], $0x1400, s18, s17, $0x38;
	[tilespmem:$0x1FC00] =	vst v63  }
0x3e: {  	_ =	swait.ge [sflag:s15], $0x1400  }
0x3f: {  	[sflag:s15] =	ssyncset.done $0x0  }
0x40: {  	[sflag:s15] =	ssyncadd.s32 $0xFFFFEC00  }
0x41: {  	[tilespmem:s16], [sflag:$0x1] =	stream.indirect.gather [hbm4b:s11+s17], $0x80, s29, s17, $0xb8;
	[tilespmem:$0x1FC00] =	vst v63  }
0x42: {  	_ = 	snop  }
0x43: {  	[tilespmem:s19], [sflag:$0x2] =	stream.indirect.gather [hbm4b:s11+s17], $0x80, s17, s17, $0xb8;
	[tilespmem:$0x1FC00] =	vst v63  }
0x44: {  	_ =	swait.ge [sflag:s20], $0x4000  }
0x45: {  	[sflag:s20] =	ssyncset.done $0x0  }
0x46: {  	s29 =	simm.s32 $0x1400;
	[sflag:s20] =	ssyncadd.s32 $0xFFFFC000  }
0x47: {  	[spmem:s2] =	stream.indirect.scatter.add.f32 [tilespmem:s16], [sflag:$0x3], $0x80, s29, s17, $0xb8;
	[tilespmem:$0x1FC00] =	vst v63  }
0x48: {  	_ =	swait.ge [sflag:s15], $0x4000  }
0x49: {  	[sflag:s15] =	ssyncset.done $0x0  }
0x4a: {  	s29 =	simm.s32 $0x100;
	[sflag:s15] =	ssyncadd.s32 $0xFFFFC000  }
0x4b: {  	[tilespmem:s16], [sflag:$0x1] =	stream.indirect.gather [hbm4b:s11+s17], $0x80, s29, s17, $0xb8;
	[tilespmem:$0x1FC00] =	vst v63  }
0x4c: {  	_ =	swait.ge [sflag:s21], $0x4000  }
0x4d: {  	[sflag:s21] =	ssyncset.done $0x0  }
0x4e: {  	s29 =	simm.s32 $0x1480;
	[sflag:s21] =	ssyncadd.s32 $0xFFFFC000  }
0x4f: {  	[spmem:s2] =	stream.indirect.scatter.add.f32 [tilespmem:s19], [sflag:$0x3], $0x80, s29, s17, $0xb8;
	[tilespmem:$0x1FC00] =	vst v63  }
0x50: {  	_ =	swait.ge [sflag:s15], $0x4000  }
0x51: {  	[sflag:s15] =	ssyncset.done $0x0  }
0x52: {  	s30 =	simm.s32 $0x180;
	s29 =	simm.s32 $0x400;
	[sflag:s15] =	ssyncadd.s32 $0xFFFFC000  }
.LBB2_4:
0x53: {  	[tilespmem:s19], [sflag:$0x2] =	stream.indirect.gather [hbm4b:s11+s17], $0x80, s30, s17, $0xb8;
	[tilespmem:$0x1FC00] =	vst v63  }
0x54: {  	s30 =	smov.u32 s29  }
0x55: {  	p0 =	sne.s32 s29, $0x4800;
	s29 =	sadd.s32 $0x400, s29;
	_ =	swait.ge [sflag:s20], $0x4000  }
0x56: {  	s30 =	sshra.s32 s30, $0x2;
	[sflag:s20] =	ssyncset.done $0x0  }
0x57: {  	s31 =	sadd.s32 $0x1400, s30;
	[sflag:s20] =	ssyncadd.s32 $0xFFFFC000  }
0x58: {  	[spmem:s2] =	stream.indirect.scatter.add.f32 [tilespmem:s16], [sflag:$0x3], $0x80, s31, s17, $0xb8;
	[tilespmem:$0x1FC00] =	vst v63  }
0x59: {  	_ =	swait.ge [sflag:s15], $0x4000  }
0x5a: {  	[sflag:s15] =	ssyncset.done $0x0  }
0x5b: {  	s31 =	sadd.s32 $0x100, s30;
	[sflag:s15] =	ssyncadd.s32 $0xFFFFC000  }
0x5c: {  	[tilespmem:s16], [sflag:$0x1] =	stream.indirect.gather [hbm4b:s11+s17], $0x80, s31, s17, $0xb8;
	[tilespmem:$0x1FC00] =	vst v63  }
0x5d: {  	_ =	swait.ge [sflag:s21], $0x4000  }
0x5e: {  	[sflag:s21] =	ssyncset.done $0x0  }
.Ltmp1:
0x5f: {  	s31 =	sadd.s32 $0x1480, s30;
	[sflag:s21] =	ssyncadd.s32 $0xFFFFC000;
	(pc) =	sbr.rel @p0 .LBB2_4-.Ltmp1, $4  }
0x60: {  	[spmem:s2] =	stream.indirect.scatter.add.f32 [tilespmem:s19], [sflag:$0x3], $0x80, s31, s17, $0xb8;
	[tilespmem:$0x1FC00] =	vst v63  }
0x61: {  	_ =	swait.ge [sflag:s15], $0x4000  }
0x62: {  	[sflag:s15] =	ssyncset.done $0x0  }
0x63: {  	s30 =	sadd.s32 $0x180, s30;
	[sflag:s15] =	ssyncadd.s32 $0xFFFFC000  }
0x64: {  	[tilespmem:s19], [sflag:$0x2] =	stream.indirect.gather [hbm4b:s11+s17], $0x80, s30, s17, $0xb8;
	[tilespmem:$0x1FC00] =	vst v63  }
0x65: {  	_ =	swait.ge [sflag:s20], $0x4000  }
0x66: {  	[sflag:s20] =	ssyncset.done $0x0  }
0x67: {  	[sflag:s20] =	ssyncadd.s32 $0xFFFFC000  }
0x68: {  	[spmem:s2] =	stream.indirect.scatter.add.f32 [tilespmem:s16], [sflag:$0x3], $0x80, s22, s17, $0xb8;
	[tilespmem:$0x1FC00] =	vst v63  }
0x69: {  	_ =	swait.ge [sflag:s15], $0x4000  }
0x6a: {  	[sflag:s15] =	ssyncset.done $0x0  }
0x6b: {  	[sflag:s15] =	ssyncadd.s32 $0xFFFFC000  }
0x6c: {  	_ =	swait.ge [sflag:s21], $0x4000  }
0x6d: {  	[sflag:s21] =	ssyncset.done $0x0  }
0x6e: {  	[sflag:s21] =	ssyncadd.s32 $0xFFFFC000  }
0x6f: {  	[spmem:s2] =	stream.indirect.scatter.add.f32 [tilespmem:s19], [sflag:$0x3], $0x80, s23, s17, $0xb8;
	[tilespmem:$0x1FC00] =	vst v63  }
0x70: {  	_ =	swait.ge [sflag:s15], $0x4000  }
0x71: {  	[sflag:s15] =	ssyncset.done $0x0  }
0x72: {  	[sflag:s15] =	ssyncadd.s32 $0xFFFFC000  }
0x73: {  	[tilespmem:s3], [sflag:$0x3] =	stream.strided.gather [hbm4b:s12+s17], $0x1400, s18, s17, $0x38;
	[tilespmem:$0x1FC00] =	vst v63  }
0x74: {  	_ =	swait.ge [sflag:s15], $0x1400  }
0x75: {  	[sflag:s15] =	ssyncset.done $0x0  }
0x76: {  	[sflag:s15] =	ssyncadd.s32 $0xFFFFEC00  }
0x77: {  	[tilespmem:s16], [sflag:$0x1] =	stream.indirect.gather [hbm4b:s11+s17], $0x80, s3, s17, $0xb8;
	[tilespmem:$0x1FC00] =	vst v63  }
0x78: {  	_ = 	snop  }
0x79: {  	[tilespmem:s19], [sflag:$0x2] =	stream.indirect.gather [hbm4b:s11+s17], $0x80, s17, s17, $0xb8;
	[tilespmem:$0x1FC00] =	vst v63  }
0x7a: {  	_ =	swait.ge [sflag:s20], $0x4000  }
0x7b: {  	[sflag:s20] =	ssyncset.done $0x0  }
0x7c: {  	s29 =	simm.s32 $0x2800;
	[sflag:s20] =	ssyncadd.s32 $0xFFFFC000  }
0x7d: {  	[spmem:s2] =	stream.indirect.scatter.add.f32 [tilespmem:s16], [sflag:$0x3], $0x80, s29, s17, $0xb8;
	[tilespmem:$0x1FC00] =	vst v63  }
0x7e: {  	_ =	swait.ge [sflag:s15], $0x4000  }
0x7f: {  	[sflag:s15] =	ssyncset.done $0x0  }
0x80: {  	s29 =	simm.s32 $0x100;
	[sflag:s15] =	ssyncadd.s32 $0xFFFFC000  }
0x81: {  	[tilespmem:s16], [sflag:$0x1] =	stream.indirect.gather [hbm4b:s11+s17], $0x80, s29, s17, $0xb8;
	[tilespmem:$0x1FC00] =	vst v63  }
0x82: {  	_ =	swait.ge [sflag:s21], $0x4000  }
0x83: {  	[sflag:s21] =	ssyncset.done $0x0  }
0x84: {  	s29 =	simm.s32 $0x2880;
	[sflag:s21] =	ssyncadd.s32 $0xFFFFC000  }
0x85: {  	[spmem:s2] =	stream.indirect.scatter.add.f32 [tilespmem:s19], [sflag:$0x3], $0x80, s29, s17, $0xb8;
	[tilespmem:$0x1FC00] =	vst v63  }
0x86: {  	_ =	swait.ge [sflag:s15], $0x4000  }
0x87: {  	[sflag:s15] =	ssyncset.done $0x0  }
0x88: {  	s30 =	simm.s32 $0x180;
	s29 =	simm.s32 $0xFFFFB800;
	[sflag:s15] =	ssyncadd.s32 $0xFFFFC000  }
.LBB2_6:
0x89: {  	[tilespmem:s19], [sflag:$0x2] =	stream.indirect.gather [hbm4b:s11+s17], $0x80, s30, s17, $0xb8;
	[tilespmem:$0x1FC00] =	vst v63  }
0x8a: {  	s30 =	smov.u32 s29  }
0x8b: {  	p0 =	sne.s32 s29, $0xFFFFFC00;
	s29 =	sadd.s32 $0x400, s29;
	_ =	swait.ge [sflag:s20], $0x4000  }
0x8c: {  	s30 =	sshra.s32 s30, $0x2;
	[sflag:s20] =	ssyncset.done $0x0  }
0x8d: {  	s31 =	sadd.s32 $0x3B00, s30;
	[sflag:s20] =	ssyncadd.s32 $0xFFFFC000  }
0x8e: {  	[spmem:s2] =	stream.indirect.scatter.add.f32 [tilespmem:s16], [sflag:$0x3], $0x80, s31, s17, $0xb8;
	[tilespmem:$0x1FC00] =	vst v63  }
0x8f: {  	_ =	swait.ge [sflag:s15], $0x4000  }
0x90: {  	[sflag:s15] =	ssyncset.done $0x0  }
0x91: {  	s31 =	sadd.s32 $0x1400, s30;
	[sflag:s15] =	ssyncadd.s32 $0xFFFFC000  }
0x92: {  	[tilespmem:s16], [sflag:$0x1] =	stream.indirect.gather [hbm4b:s11+s17], $0x80, s31, s17, $0xb8;
	[tilespmem:$0x1FC00] =	vst v63  }
0x93: {  	_ =	swait.ge [sflag:s21], $0x4000  }
0x94: {  	[sflag:s21] =	ssyncset.done $0x0  }
.Ltmp2:
0x95: {  	s31 =	sadd.s32 $0x3B80, s30;
	[sflag:s21] =	ssyncadd.s32 $0xFFFFC000;
	(pc) =	sbr.rel @p0 .LBB2_6-.Ltmp2, $4  }
0x96: {  	[spmem:s2] =	stream.indirect.scatter.add.f32 [tilespmem:s19], [sflag:$0x3], $0x80, s31, s17, $0xb8;
	[tilespmem:$0x1FC00] =	vst v63  }
0x97: {  	_ =	swait.ge [sflag:s15], $0x4000  }
0x98: {  	[sflag:s15] =	ssyncset.done $0x0  }
0x99: {  	s30 =	sadd.s32 $0x1480, s30;
	[sflag:s15] =	ssyncadd.s32 $0xFFFFC000  }
0x9a: {  	[tilespmem:s19], [sflag:$0x2] =	stream.indirect.gather [hbm4b:s11+s17], $0x80, s30, s17, $0xb8;
	[tilespmem:$0x1FC00] =	vst v63  }
0x9b: {  	_ =	swait.ge [sflag:s20], $0x4000  }
0x9c: {  	[sflag:s20] =	ssyncset.done $0x0  }
0x9d: {  	[sflag:s20] =	ssyncadd.s32 $0xFFFFC000  }
0x9e: {  	[spmem:s2] =	stream.indirect.scatter.add.f32 [tilespmem:s16], [sflag:$0x3], $0x80, s25, s17, $0xb8;
	[tilespmem:$0x1FC00] =	vst v63  }
0x9f: {  	_ =	swait.ge [sflag:s15], $0x4000  }
0xa0: {  	[sflag:s15] =	ssyncset.done $0x0  }
0xa1: {  	[sflag:s15] =	ssyncadd.s32 $0xFFFFC000  }
0xa2: {  	_ =	swait.ge [sflag:s21], $0x4000  }
0xa3: {  	[sflag:s21] =	ssyncset.done $0x0  }
0xa4: {  	[sflag:s21] =	ssyncadd.s32 $0xFFFFC000  }
0xa5: {  	[spmem:s2] =	stream.indirect.scatter.add.f32 [tilespmem:s19], [sflag:$0x3], $0x80, s26, s17, $0xb8;
	[tilespmem:$0x1FC00] =	vst v63  }
0xa6: {  	_ =	swait.ge [sflag:s15], $0x4000  }
0xa7: {  	s29 =	sshll.u32 s1, $0x6;
	s28 =	sadd.s32 $0x1, s28;
	[sflag:s15] =	ssyncset.done $0x0  }
0xa8: {  	s31 =	sshrl.u32 s4, $0x3;
	p0 =	sne.s32 s28, s13;
	[sflag:s15] =	ssyncadd.s32 $0xFFFFC000  }
.Ltmp3:
0xa9: {  	s29 =	sor.u32 $0x1C03, s29;
	[bflag:$0x0] =	sbarrier.arrive $0xFFFF;
	(pc) =	sbr.rel @p0 .LBB2_1-.Ltmp3, $4  }
0xaa: {  	[hbm:s24], [sflag:s29] =	dma.local [spmem:s31], $0x2800  }
0xab: {  	_ =	swait.ge [sflag:s15], $0x2800  }
0xac: {  	[sflag:s15] =	ssyncset.done $0x0  }
0xad: {  	[sflag:s15] =	ssyncadd.s32 $0xFFFFD800  }
0xae: {  	_ =	sfence.sel $0x180000  }
0xaf: {  	[bflag:$0x0] =	sbarrier.arrive $0xFFFF  }
0xb0: {  	p0 =	sne.s32 s1, $0x0;
	_ =	strace $0x90000050  }
0xb1: {  	s0 =	sadd.s32 @!p0 $0x100000, s0;
	[bflag:$0x2] =	sbarrier.arrive $0xFFFF  }
0xb2: {  	[sflag:s0] =	ssyncadd.tile.s32 @!p0 $0x1;
	_ =	shalt  }
.Lfunc_end2:
_tile_overlayer_lowered:
.L_overlay_start_2:
0xb3: {  	(tag) =	ssettag $0x2  }
0xb4: {  	s0 =	rddreg [dreg:$0x0];
	s2 =	stileid.u32  }
0xb5: {  	s1 =	rddreg [dreg:$0x1];
	p0 =	sne.s32 s2, $0x0  }
0xb6: {  	s3 =	rddreg [dreg:$0x2];
	[bflag:$0x3] =	sbarrier.arrive $0xFFFF;
	s2 =	simm.s32 @!p0 $0x1C03  }
0xb7: {  	[timem:s3], [sflag:s2] =	dma.local @!p0 [hbm:s0], s1  }
0xb8: {  	s0 =	simm.s32 @!p0 $0x3  }
0xb9: {  	_ =	swait.ge @!p0 [sflag:s0], s1  }
0xba: {  	s1 =	ssub.s32 @!p0 $0x0, s1;
	[sflag:s0] =	ssyncset.done @!p0 $0x0  }
0xbb: {  	[sflag:s0] =	ssyncadd.s32 @!p0 s1  }
0xbc: {  	[bflag:$0x3] =	sbarrier.arrive $0xFFFF  }
0xbd: {  	_ =	shalt  }

</sc_bundles>
